<compile_context>
chip_gen: v7x
topology: tpu7x:2x2x1
jax: 0.10.2.dev20260603
libtpu: 0.0.44.dev20260713+nightly
codegen_flags: <defaults>
</compile_context>

<pallas_src>
import functools

import jax
import jax.numpy as jnp
from jax import lax
from jax.experimental import pallas as pl
from jax.experimental.pallas import tpu as pltpu
from jax.experimental.pallas import tpu_sc as plsc

N_NODES = 10000
D_FEAT = 128
D_DEG = 16

NC = 2
NS = 16
NW = NC * NS

EDGE_BLK = 128
BLKS_PER_TILE = 80
E_PER_TILE = EDGE_BLK * BLKS_PER_TILE
E_PAD = NW * E_PER_TILE

N_ACC = 10240
N_PER_TILE = N_ACC // NS
ROW_CHUNK = 128
N_CHUNKS = N_PER_TILE // ROW_CHUNK


NBLK = BLKS_PER_TILE
DSEM = 4

FB = 64
FBLK_TOT = E_PAD // (NS * FB)
NBLK_F = 240
NBLK_S = FBLK_TOT - NBLK_F
FNBUF = 4
FLOOK = 2
F_CHUNK = 64
F_NCH = N_PER_TILE // F_CHUNK


def _make_sc_agg(gather: bool):
    d = D_FEAT
    words = d // 16
    mesh = plsc.VectorSubcoreMesh(
        core_axis_name="c", subcore_axis_name="s",
        num_cores=NC, num_subcores=NS)

    if gather:
        scratch = (
            [pltpu.VMEM((FB, d), jnp.float32)] * FNBUF
            + [pltpu.VMEM((FB,), jnp.int32)] * FNBUF
            + [pltpu.VMEM((FB,), jnp.int32)] * FNBUF
            + [pltpu.VMEM_SHARED((N_ACC, d), jnp.float32)]
            + [pltpu.SemaphoreType.DMA] * (4 * FNBUF))
    else:
        scratch = [
            pltpu.VMEM((NBLK, EDGE_BLK), jnp.int32),
            pltpu.VMEM((EDGE_BLK, d), jnp.float32),
            pltpu.VMEM((ROW_CHUNK, d), jnp.float32),
            pltpu.VMEM_SHARED((N_ACC, d), jnp.float32),
        ] + [pltpu.SemaphoreType.DMA] * DSEM

    @functools.partial(
        pl.kernel,
        out_type=jax.ShapeDtypeStruct((NC, N_ACC, d), jnp.float32),
        mesh=mesh,
        scratch_types=scratch,
    )
    def agg(*refs):
        if gather:
            g_hbm, src3_hbm, dst3_hbm, out_hbm = refs[:4]
            rows = list(refs[4:4 + FNBUF])
            dstb = list(refs[4 + FNBUF:4 + 2 * FNBUF])
            srcb = list(refs[4 + 2 * FNBUF:4 + 3 * FNBUF])
            acc_sh = refs[4 + 3 * FNBUF]
            sems = list(refs[5 + 3 * FNBUF:])
            gsem = sems[:FNBUF]
            dsem = sems[FNBUF:2 * FNBUF]
            rsem = sems[2 * FNBUF:3 * FNBUF]
            ssem = sems[3 * FNBUF:4 * FNBUF]
        else:
            dst3_hbm, out_hbm, dst2d, ones_v, zbuf, acc_sh = refs[:6]
            ssem = list(refs[6:6 + DSEM])
        c = lax.axis_index("c")
        s = lax.axis_index("s")
        wid = c * NS + s
        row0 = s * N_PER_TILE

        if gather:
            nblk = jnp.where(c == 0, NBLK_F, NBLK_S)
            off = c * NBLK_F
            chunk, nch = F_CHUNK, F_NCH
            zbuf = rows[0]
        else:
            chunk, nch = ROW_CHUNK, N_CHUNKS
            pltpu.sync_copy(dst3_hbm.at[wid], dst2d)

            def _ofill(k, _):
                ones_v[k // words, pl.ds((k % words) * 16, 16)] = jnp.ones(
                    (16,), jnp.float32)
                return _
            lax.fori_loop(0, EDGE_BLK * words, _ofill, None)

        def _zfill(k, _):
            zbuf[k // words, pl.ds((k % words) * 16, 16)] = jnp.zeros(
                (16,), jnp.float32)
            return _
        lax.fori_loop(0, chunk * words, _zfill, None)

        def _initz(k, _):
            pltpu.sync_copy(zbuf, acc_sh.at[pl.ds(row0 + k * chunk, chunk)])
            return _
        lax.fori_loop(0, nch, _initz, None)

        if gather:
            for b in range(FNBUF):
                pltpu.async_copy(src3_hbm.at[s, off + b], srcb[b], rsem[b])
            for b in range(FLOOK):
                pltpu.make_async_copy(
                    src3_hbm.at[s, off + b], srcb[b], rsem[b]).wait()
                pltpu.async_copy(g_hbm.at[srcb[b]], rows[b], gsem[b])
                pltpu.async_copy(dst3_hbm.at[s, off + b], dstb[b], dsem[b])

        plsc.subcore_barrier()

        if gather:
            def _body(outer, _):
                for b in range(FNBUF):
                    i = outer * FNBUF + b
                    bj = (b + FLOOK) % FNBUF
                    j = i + FLOOK
                    pltpu.make_async_copy(
                        g_hbm.at[srcb[b]], rows[b], gsem[b]).wait()
                    pltpu.make_async_copy(
                        dst3_hbm.at[s, off + i], dstb[b], dsem[b]).wait()
                    pltpu.async_copy(
                        rows[b], acc_sh.at[dstb[b]], ssem[b], add=True)

                    @pl.when(i + FNBUF < nblk)
                    def _():
                        pltpu.async_copy(
                            src3_hbm.at[s, off + i + FNBUF], srcb[b],
                            rsem[b])

                    @pl.when(jnp.logical_and(j >= FNBUF, j < nblk))
                    def _():
                        pltpu.make_async_copy(
                            rows[bj], acc_sh.at[dstb[bj]], ssem[bj]).wait()

                    @pl.when(j < nblk)
                    def _():
                        pltpu.make_async_copy(
                            src3_hbm.at[s, off + j], srcb[bj],
                            rsem[bj]).wait()
                        pltpu.async_copy(
                            g_hbm.at[srcb[bj]], rows[bj], gsem[bj])
                        pltpu.async_copy(
                            dst3_hbm.at[s, off + j], dstb[bj], dsem[bj])
                return _
            lax.fori_loop(0, nblk // FNBUF, _body, None)
            for b in range(FNBUF):
                pltpu.make_async_copy(
                    rows[b], acc_sh.at[dstb[b]], ssem[b]).wait()
        else:
            def _dbody(outer, _):
                for b in range(DSEM):
                    i = outer * DSEM + b

                    @pl.when(i >= DSEM)
                    def _():
                        pltpu.make_async_copy(
                            ones_v, acc_sh.at[dst2d.at[0]], ssem[b]).wait()

                    pltpu.async_copy(
                        ones_v, acc_sh.at[dst2d.at[i]], ssem[b], add=True)
                return _
            lax.fori_loop(0, NBLK // DSEM, _dbody, None)
            for b in range(DSEM):
                pltpu.make_async_copy(
                    ones_v, acc_sh.at[dst2d.at[0]], ssem[b]).wait()

        plsc.subcore_barrier()

        bounce = rows[0] if gather else zbuf

        def _out(k, _):
            r = row0 + k * chunk
            pltpu.sync_copy(acc_sh.at[pl.ds(r, chunk)], bounce)
            pltpu.sync_copy(bounce, out_hbm.at[c, pl.ds(r, chunk)])
            return _
        lax.fori_loop(0, nch, _out, None)

    return agg


_sc_agg_feat = _make_sc_agg(True)
_sc_agg_deg = _make_sc_agg(False)



ROW_BLK = 1000
GRID = N_NODES // ROW_BLK


def _dinv(d_ref):
    deg = d_ref[0, :, 0:1] + d_ref[1, :, 0:1] + 1.0
    return lax.rsqrt(deg)


def _tc_g1_body(x_ref, w_ref, d_ref, o_ref):
    di = _dinv(d_ref)
    o_ref[...] = jnp.dot(x_ref[...], w_ref[...],
                         preferred_element_type=jnp.float32) * di


def _tc_mid_body(p_ref, g_ref, d_ref, b_ref, w_ref, o_ref):
    di = _dinv(d_ref)
    h = jnp.maximum(
        (p_ref[0] + p_ref[1] + g_ref[...]) * di + b_ref[...], 0.0)
    o_ref[...] = jnp.dot(h, w_ref[...],
                         preferred_element_type=jnp.float32) * di


def _tc_out_body(p_ref, g_ref, d_ref, b_ref, o_ref):
    di = _dinv(d_ref)
    o_ref[...] = (p_ref[0] + p_ref[1] + g_ref[...]) * di + b_ref[...]


_deg_spec = pl.BlockSpec((NC, ROW_BLK, D_FEAT), lambda i: (0, i, 0))
_in_spec = pl.BlockSpec((ROW_BLK, D_FEAT), lambda i: (i, 0))
_row_spec = pl.BlockSpec((ROW_BLK, D_FEAT), lambda i: (i, 0))
_par_spec = pl.BlockSpec((NC, ROW_BLK, D_FEAT), lambda i: (0, i, 0))
_w_spec = pl.BlockSpec((D_FEAT, D_FEAT), lambda i: (0, 0))
_b_spec = pl.BlockSpec((1, D_FEAT), lambda i: (0, 0))

_pad_out = jax.ShapeDtypeStruct((N_ACC, D_FEAT), jnp.float32)

_tc_g1 = pl.pallas_call(
    _tc_g1_body, grid=(GRID,),
    in_specs=[_in_spec, _w_spec, _deg_spec],
    out_specs=_row_spec, out_shape=_pad_out)

_tc_mid = pl.pallas_call(
    _tc_mid_body, grid=(GRID,),
    in_specs=[_par_spec, _row_spec, _deg_spec, _b_spec, _w_spec],
    out_specs=_row_spec, out_shape=_pad_out)

_tc_out = pl.pallas_call(
    _tc_out_body, grid=(GRID,),
    in_specs=[_par_spec, _row_spec, _deg_spec, _b_spec],
    out_specs=_row_spec,
    out_shape=jax.ShapeDtypeStruct((N_NODES, D_FEAT), jnp.float32))


def kernel(x, edge_index, W1, b1, W2, b2):
    src = edge_index[0]
    dst = edge_index[1]
    n_pad = E_PAD - src.shape[0]
    src_p = jnp.concatenate([src, jnp.zeros((n_pad,), jnp.int32)])
    dst_p = jnp.concatenate([dst, jnp.full((n_pad,), N_NODES, jnp.int32)])
    dst_deg = dst_p.reshape(NW, NBLK, EDGE_BLK)
    src_f = src_p.reshape(NS, FBLK_TOT, FB)
    dst_f = dst_p.reshape(NS, FBLK_TOT, FB)

    dp = _sc_agg_deg(dst_deg)

    g1 = _tc_g1(x, W1, dp)
    p1 = _sc_agg_feat(g1, src_f, dst_f)
    g2 = _tc_mid(p1, g1, dp, b1.reshape(1, D_FEAT), W2)
    p2 = _sc_agg_feat(g2, src_f, dst_f)
    return _tc_out(p2, g2, dp, b2.reshape(1, D_FEAT))

# --- scband reference (transcript-rebuilt; emitter-appended) ---
"""Pipeline reference for scband-gcn-55018531062479 (READ-ONLY COPY).

The authoritative reference and input builder live on the scoring server;
editing this copy changes nothing except your own understanding.
"""

import jax, jax.numpy as jnp
import numpy as np

N_NODES = 10000
N_EDGES = 320000
D_IN = 128
D_HID = 128
D_OUT = 128


def setup_inputs(seed: int = 0) -> dict:
    key = jax.random.key(seed)
    k_x, k_e, k_w1, k_w2 = jax.random.split(key, 4)
    x = jax.random.normal(k_x, (N_NODES, D_IN), dtype=jnp.float32)
    edge_index = jax.random.randint(k_e, (2, N_EDGES), 0, N_NODES, dtype=jnp.int32)
    # Glorot-initialized linear weights for the two GCNConv layers (PyG convention: x @ W + b)
    s1 = (6.0 / (D_IN + D_HID)) ** 0.5
    W1 = jax.random.uniform(k_w1, (D_IN, D_HID), dtype=jnp.float32, minval=-s1, maxval=s1)
    b1 = jnp.zeros((D_HID,), dtype=jnp.float32)
    s2 = (6.0 / (D_HID + D_OUT)) ** 0.5
    W2 = jax.random.uniform(k_w2, (D_HID, D_OUT), dtype=jnp.float32, minval=-s2, maxval=s2)
    b2 = jnp.zeros((D_OUT,), dtype=jnp.float32)
    return {"x": x, "edge_index": edge_index, "W1": W1, "b1": b1, "W2": W2, "b2": b2}


def _gcn_conv(x, edge_index, W, b, num_nodes):
    # PyG GCNConv with add_self_loops=True, normalize=True (symmetric norm)
    src = edge_index[0]
    dst = edge_index[1]
    loop = jnp.arange(num_nodes, dtype=src.dtype)
    src = jnp.concatenate([src, loop])
    dst = jnp.concatenate([dst, loop])
    ones = jnp.ones(src.shape[0], dtype=x.dtype)
    deg = jnp.zeros((num_nodes,), dtype=x.dtype).at[dst].add(ones)
    deg_inv_sqrt = jnp.where(deg > 0, deg ** -0.5, 0.0)
    norm = deg_inv_sqrt[src] * deg_inv_sqrt[dst]
    h = x @ W
    msg = h[src] * norm[:, None]
    out = jnp.zeros((num_nodes, W.shape[1]), dtype=x.dtype).at[dst].add(msg)
    return out + b


def reference(x, edge_index, W1, b1, W2, b2):
    h = _gcn_conv(x, edge_index, W1, b1, N_NODES)
    h = jax.nn.relu(h)
    out = _gcn_conv(h, edge_index, W2, b2, N_NODES)
    return out

if __name__ == "__main__":
    import jax
    _d = setup_inputs()
    print(jax.jit(kernel)(*tuple(_d.values())))

</pallas_src>

<mosaic_0001>
#map = affine_map<(d0, d1) -> (0, 0)>
#map1 = affine_map<(d0, d1) -> (0, 0, 0)>
module attributes {stable_mosaic.version = 14 : i64} {
  func.func @agg(%arg0: i32, %arg1: i32, %arg2: memref<10240x128xf32, #tpu.memory_space<hbm>>, %arg3: memref<16x320x64xi32, #tpu.memory_space<hbm>>, %arg4: memref<16x320x64xi32, #tpu.memory_space<hbm>>, %arg5: memref<2x10240x128xf32, #tpu.memory_space<hbm>>, %arg6: memref<64x128xf32, #tpu.memory_space<vmem>>, %arg7: memref<64x128xf32, #tpu.memory_space<vmem>>, %arg8: memref<64x128xf32, #tpu.memory_space<vmem>>, %arg9: memref<64x128xf32, #tpu.memory_space<vmem>>, %arg10: memref<64xi32, #tpu.memory_space<vmem>>, %arg11: memref<64xi32, #tpu.memory_space<vmem>>, %arg12: memref<64xi32, #tpu.memory_space<vmem>>, %arg13: memref<64xi32, #tpu.memory_space<vmem>>, %arg14: memref<64xi32, #tpu.memory_space<vmem>>, %arg15: memref<64xi32, #tpu.memory_space<vmem>>, %arg16: memref<64xi32, #tpu.memory_space<vmem>>, %arg17: memref<64xi32, #tpu.memory_space<vmem>>, %arg18: memref<10240x128xf32, #tpu.memory_space<vmem_shared>>, %arg19: memref<!tpu.dma_semaphore, #tpu.memory_space<semaphore_mem>>, %arg20: memref<!tpu.dma_semaphore, #tpu.memory_space<semaphore_mem>>, %arg21: memref<!tpu.dma_semaphore, #tpu.memory_space<semaphore_mem>>, %arg22: memref<!tpu.dma_semaphore, #tpu.memory_space<semaphore_mem>>, %arg23: memref<!tpu.dma_semaphore, #tpu.memory_space<semaphore_mem>>, %arg24: memref<!tpu.dma_semaphore, #tpu.memory_space<semaphore_mem>>, %arg25: memref<!tpu.dma_semaphore, #tpu.memory_space<semaphore_mem>>, %arg26: memref<!tpu.dma_semaphore, #tpu.memory_space<semaphore_mem>>, %arg27: memref<!tpu.dma_semaphore, #tpu.memory_space<semaphore_mem>>, %arg28: memref<!tpu.dma_semaphore, #tpu.memory_space<semaphore_mem>>, %arg29: memref<!tpu.dma_semaphore, #tpu.memory_space<semaphore_mem>>, %arg30: memref<!tpu.dma_semaphore, #tpu.memory_space<semaphore_mem>>, %arg31: memref<!tpu.dma_semaphore, #tpu.memory_space<semaphore_mem>>, %arg32: memref<!tpu.dma_semaphore, #tpu.memory_space<semaphore_mem>>, %arg33: memref<!tpu.dma_semaphore, #tpu.memory_space<semaphore_mem>>, %arg34: memref<!tpu.dma_semaphore, #tpu.memory_space<semaphore_mem>>) attributes {dimension_semantics = [#tpu.dimension_semantics<core_parallel>, #tpu.dimension_semantics<subcore_parallel>], iteration_bounds = array<i64: 2, 16>, scalar_prefetch = 0 : i64, scratch_operands = 29 : i64, tpu.core_type = #tpu.core_type<sc_vector_subcore>, window_params = [{transform_indices = #map}, {transform_indices = #map1}, {transform_indices = #map1}, {transform_indices = #map1}]} {
    %mul3A = arith.constant 16 : i32
    %mul3A_0 = arith.muli %arg0, %mul3A : i32
    %add3A = arith.addi %mul3A_0, %arg1 : i32
    %mul3A_1 = arith.constant 640 : i32
    %mul3A_2 = arith.muli %arg1, %mul3A_1 : i32
    %eq3A = arith.constant 0 : i32
    %eq3A_3 = arith.cmpi eq, %arg0, %eq3A : i32
    %jit3A = arith.constant 240 : i32
    %jit3A_4 = arith.constant 80 : i32
    %select_n3A = arith.select %eq3A_3, %jit3A, %jit3A_4 : i32
    %mul3A_5 = arith.constant 240 : i32
    %mul3A_6 = arith.muli %arg0, %mul3A_5 : i32
    %scan3A = arith.constant 0 : i32
    %scan3A_7 = arith.constant 512 : i32
    %scan3A_8 = arith.addi %scan3A, %scan3A_7 : i32
    %scan3A_9 = arith.constant 1 : i32
    scf.for %scan3A_128 = %scan3A to %scan3A_8 step %scan3A_9  : i32 {
      %broadcast_in_dim3A = arith.constant 0.000000e+00 : f32
      %broadcast_in_dim3A_129 = vector.broadcast %broadcast_in_dim3A : f32 to vector<16xf32>
      %jit3A_130 = arith.constant 8 : i32
      %div3A_131 = arith.divsi %scan3A_128, %jit3A_130 : i32
      %sign3A_132 = arith.constant 0 : i32
      %sign3A_133 = arith.cmpi sgt, %scan3A_128, %sign3A_132 : i32
      %sign3A_134 = arith.extui %sign3A_133 : i1 to i32
      %sign3A_135 = arith.constant 0 : i32
      %sign3A_136 = arith.cmpi slt, %scan3A_128, %sign3A_135 : i32
      %sign3A_137 = arith.extui %sign3A_136 : i1 to i32
      %sign3A_138 = arith.subi %sign3A_134, %sign3A_137 : i32
      %sign3A_139 = arith.constant 0 : i32
      %sign3A_140 = arith.cmpi sgt, %jit3A_130, %sign3A_139 : i32
      %sign3A_141 = arith.extui %sign3A_140 : i1 to i32
      %sign3A_142 = arith.constant 0 : i32
      %sign3A_143 = arith.cmpi slt, %jit3A_130, %sign3A_142 : i32
      %sign3A_144 = arith.extui %sign3A_143 : i1 to i32
      %sign3A_145 = arith.subi %sign3A_141, %sign3A_144 : i32
      %ne3A_146 = arith.cmpi ne, %sign3A_138, %sign3A_145 : i32
      %rem3A_147 = arith.remsi %scan3A_128, %jit3A_130 : i32
      %ne3A_148 = arith.constant 0 : i32
      %ne3A_149 = arith.cmpi ne, %rem3A_147, %ne3A_148 : i32
      %and3A_150 = arith.andi %ne3A_146, %ne3A_149 : i1
      %sub3A_151 = arith.constant 1 : i32
      %sub3A_152 = arith.subi %div3A_131, %sub3A_151 : i32
      %select_n3A_153 = arith.select %and3A_150, %sub3A_152, %div3A_131 : i32
      %jit3A_154 = arith.constant 8 : i32
      %eq3A_155 = arith.constant 0 : i32
      %eq3A_156 = arith.cmpi eq, %jit3A_154, %eq3A_155 : i32
      %jit3A_157 = arith.constant 1 : i32
      %select_n3A_158 = arith.select %eq3A_156, %jit3A_157, %jit3A_154 : i32
      %rem3A_159 = arith.remsi %scan3A_128, %select_n3A_158 : i32
      %ne3A_160 = arith.constant 0 : i32
      %ne3A_161 = arith.cmpi ne, %rem3A_159, %ne3A_160 : i32
      %lt3A = arith.constant 0 : i32
      %lt3A_162 = arith.cmpi slt, %rem3A_159, %lt3A : i32
      %lt3A_163 = arith.constant 0 : i32
      %lt3A_164 = arith.cmpi slt, %select_n3A_158, %lt3A_163 : i32
      %ne3A_165 = arith.xori %lt3A_162, %lt3A_164 : i1
      %and3A_166 = arith.andi %ne3A_165, %ne3A_161 : i1
      %add3A_167 = arith.addi %rem3A_159, %select_n3A_158 : i32
      %select_n3A_168 = arith.select %and3A_166, %add3A_167, %rem3A_159 : i32
      %mul3A_169 = arith.constant 16 : i32
      %mul3A_170 = arith.muli %select_n3A_168, %mul3A_169 : i32
      %swap3A = arith.index_cast %select_n3A_153 : i32 to index
      %swap3A_171 = arith.index_cast %mul3A_170 : i32 to index
      %swap3A_172 = tpu.vector_load %arg6[%swap3A, %swap3A_171] {strides = array<i32>} : memref<64x128xf32, #tpu.memory_space<vmem>>, vector<1x16xf32>,
      %swap3A_173 = vector.shape_cast %swap3A_172 : vector<1x16xf32> to vector<16xf32>
      %swap3A_174 = vector.shape_cast %broadcast_in_dim3A_129 : vector<16xf32> to vector<1x16xf32>
      tpu.vector_store %arg6[%swap3A, %swap3A_171], %swap3A_174 {strides = array<i32>} : memref<64x128xf32, #tpu.memory_space<vmem>>, vector<1x16xf32>,
    }
    %scan3A_10 = arith.constant 512 : i32
    %scan3A_11 = arith.constant 0 : i32
    %scan3A_12 = arith.constant 10 : i32
    %scan3A_13 = arith.addi %scan3A_11, %scan3A_12 : i32
    %scan3A_14 = arith.constant 1 : i32
    scf.for %scan3A_128 = %scan3A_11 to %scan3A_13 step %scan3A_14  : i32 {
      %mul3A_129 = arith.constant 64 : i32
      %mul3A_130 = arith.muli %scan3A_128, %mul3A_129 : i32
      %add3A_131 = arith.addi %mul3A_2, %mul3A_130 : i32
      "tpu.region"() ({
        %run_scoped3A = tpu.sem_alloc : memref<!tpu.dma_semaphore, #tpu.memory_space<semaphore_mem>>
        %dma_start3A_132 = arith.constant 0 : i32
        %dma_start3A_133 = tpu.memref_slice %arg18[%add3A_131, %dma_start3A_132] : memref<10240x128xf32, #tpu.memory_space<vmem_shared>> -> memref<64x128xf32, #tpu.memory_space<vmem_shared>>
        %dma_start3A_134 = arith.constant 0 : i32
        %dma_start3A_135 = tpu.memref_slice %arg18[%add3A_131, %dma_start3A_134] : memref<10240x128xf32, #tpu.memory_space<vmem_shared>> -> memref<64x128xf32, #tpu.memory_space<vmem_shared>>
        tpu.enqueue_dma source(%arg6 : memref<64x128xf32, #tpu.memory_space<vmem>>) target(%dma_start3A_135 : memref<64x128xf32, #tpu.memory_space<vmem_shared>>) target_semaphore(%run_scoped3A : memref<!tpu.dma_semaphore, #tpu.memory_space<semaphore_mem>>)
        %dma_wait3A_136 = arith.constant 0 : i32
        %dma_wait3A_137 = tpu.memref_slice %arg18[%add3A_131, %dma_wait3A_136] : memref<10240x128xf32, #tpu.memory_space<vmem_shared>> -> memref<64x128xf32, #tpu.memory_space<vmem_shared>>
        %dma_wait3A_138 = arith.constant 0 : i32
        %dma_wait3A_139 = tpu.memref_slice %arg18[%add3A_131, %dma_wait3A_138] : memref<10240x128xf32, #tpu.memory_space<vmem_shared>> -> memref<64x128xf32, #tpu.memory_space<vmem_shared>>
        tpu.wait_dma2 semaphore(%run_scoped3A : memref<!tpu.dma_semaphore, #tpu.memory_space<semaphore_mem>>) src(%arg6 : memref<64x128xf32, #tpu.memory_space<vmem>>) dst(%dma_wait3A_139 : memref<64x128xf32, #tpu.memory_space<vmem_shared>>)
        tpu.yield
      }) : () -> ()
    }
    %scan3A_15 = arith.constant 10 : i32
    %add3A_16 = arith.constant 0 : i32
    %add3A_17 = arith.addi %mul3A_6, %add3A_16 : i32
    %dma_start3A = arith.constant 0 : i32
    %dma_start3A_18 = tpu.memref_slice %arg3[%arg1, %add3A_17, %dma_start3A] : memref<16x320x64xi32, #tpu.memory_space<hbm>> -> memref<1x1x64xi32, #tpu.memory_space<hbm>>
    %dma_start3A_19 = tpu.memref_squeeze %dma_start3A_18 : memref<1x1x64xi32, #tpu.memory_space<hbm>> -> memref<64xi32, #tpu.memory_space<hbm>>
    %dma_start3A_20 = arith.constant 0 : i32
    %dma_start3A_21 = tpu.memref_slice %arg3[%arg1, %add3A_17, %dma_start3A_20] : memref<16x320x64xi32, #tpu.memory_space<hbm>> -> memref<1x1x64xi32, #tpu.memory_space<hbm>>
    %dma_start3A_22 = tpu.memref_squeeze %dma_start3A_21 : memref<1x1x64xi32, #tpu.memory_space<hbm>> -> memref<64xi32, #tpu.memory_space<hbm>>
    tpu.enqueue_dma source(%dma_start3A_22 : memref<64xi32, #tpu.memory_space<hbm>>) target(%arg14 : memref<64xi32, #tpu.memory_space<vmem>>) target_semaphore(%arg27 : memref<!tpu.dma_semaphore, #tpu.memory_space<semaphore_mem>>)
    %add3A_23 = arith.constant 1 : i32
    %add3A_24 = arith.addi %mul3A_6, %add3A_23 : i32
    %dma_start3A_25 = arith.constant 0 : i32
    %dma_start3A_26 = tpu.memref_slice %arg3[%arg1, %add3A_24, %dma_start3A_25] : memref<16x320x64xi32, #tpu.memory_space<hbm>> -> memref<1x1x64xi32, #tpu.memory_space<hbm>>
    %dma_start3A_27 = tpu.memref_squeeze %dma_start3A_26 : memref<1x1x64xi32, #tpu.memory_space<hbm>> -> memref<64xi32, #tpu.memory_space<hbm>>
    %dma_start3A_28 = arith.constant 0 : i32
    %dma_start3A_29 = tpu.memref_slice %arg3[%arg1, %add3A_24, %dma_start3A_28] : memref<16x320x64xi32, #tpu.memory_space<hbm>> -> memref<1x1x64xi32, #tpu.memory_space<hbm>>
    %dma_start3A_30 = tpu.memref_squeeze %dma_start3A_29 : memref<1x1x64xi32, #tpu.memory_space<hbm>> -> memref<64xi32, #tpu.memory_space<hbm>>
    tpu.enqueue_dma source(%dma_start3A_30 : memref<64xi32, #tpu.memory_space<hbm>>) target(%arg15 : memref<64xi32, #tpu.memory_space<vmem>>) target_semaphore(%arg28 : memref<!tpu.dma_semaphore, #tpu.memory_space<semaphore_mem>>)
    %add3A_31 = arith.constant 2 : i32
    %add3A_32 = arith.addi %mul3A_6, %add3A_31 : i32
    %dma_start3A_33 = arith.constant 0 : i32
    %dma_start3A_34 = tpu.memref_slice %arg3[%arg1, %add3A_32, %dma_start3A_33] : memref<16x320x64xi32, #tpu.memory_space<hbm>> -> memref<1x1x64xi32, #tpu.memory_space<hbm>>
    %dma_start3A_35 = tpu.memref_squeeze %dma_start3A_34 : memref<1x1x64xi32, #tpu.memory_space<hbm>> -> memref<64xi32, #tpu.memory_space<hbm>>
    %dma_start3A_36 = arith.constant 0 : i32
    %dma_start3A_37 = tpu.memref_slice %arg3[%arg1, %add3A_32, %dma_start3A_36] : memref<16x320x64xi32, #tpu.memory_space<hbm>> -> memref<1x1x64xi32, #tpu.memory_space<hbm>>
    %dma_start3A_38 = tpu.memref_squeeze %dma_start3A_37 : memref<1x1x64xi32, #tpu.memory_space<hbm>> -> memref<64xi32, #tpu.memory_space<hbm>>
    tpu.enqueue_dma source(%dma_start3A_38 : memref<64xi32, #tpu.memory_space<hbm>>) target(%arg16 : memref<64xi32, #tpu.memory_space<vmem>>) target_semaphore(%arg29 : memref<!tpu.dma_semaphore, #tpu.memory_space<semaphore_mem>>)
    %add3A_39 = arith.constant 3 : i32
    %add3A_40 = arith.addi %mul3A_6, %add3A_39 : i32
    %dma_start3A_41 = arith.constant 0 : i32
    %dma_start3A_42 = tpu.memref_slice %arg3[%arg1, %add3A_40, %dma_start3A_41] : memref<16x320x64xi32, #tpu.memory_space<hbm>> -> memref<1x1x64xi32, #tpu.memory_space<hbm>>
    %dma_start3A_43 = tpu.memref_squeeze %dma_start3A_42 : memref<1x1x64xi32, #tpu.memory_space<hbm>> -> memref<64xi32, #tpu.memory_space<hbm>>
    %dma_start3A_44 = arith.constant 0 : i32
    %dma_start3A_45 = tpu.memref_slice %arg3[%arg1, %add3A_40, %dma_start3A_44] : memref<16x320x64xi32, #tpu.memory_space<hbm>> -> memref<1x1x64xi32, #tpu.memory_space<hbm>>
    %dma_start3A_46 = tpu.memref_squeeze %dma_start3A_45 : memref<1x1x64xi32, #tpu.memory_space<hbm>> -> memref<64xi32, #tpu.memory_space<hbm>>
    tpu.enqueue_dma source(%dma_start3A_46 : memref<64xi32, #tpu.memory_space<hbm>>) target(%arg17 : memref<64xi32, #tpu.memory_space<vmem>>) target_semaphore(%arg30 : memref<!tpu.dma_semaphore, #tpu.memory_space<semaphore_mem>>)
    %add3A_47 = arith.constant 0 : i32
    %add3A_48 = arith.addi %mul3A_6, %add3A_47 : i32
    %dma_wait3A = arith.constant 0 : i32
    %dma_wait3A_49 = tpu.memref_slice %arg3[%arg1, %add3A_48, %dma_wait3A] : memref<16x320x64xi32, #tpu.memory_space<hbm>> -> memref<1x1x64xi32, #tpu.memory_space<hbm>>
    %dma_wait3A_50 = tpu.memref_squeeze %dma_wait3A_49 : memref<1x1x64xi32, #tpu.memory_space<hbm>> -> memref<64xi32, #tpu.memory_space<hbm>>
    %dma_wait3A_51 = arith.constant 0 : i32
    %dma_wait3A_52 = tpu.memref_slice %arg3[%arg1, %add3A_48, %dma_wait3A_51] : memref<16x320x64xi32, #tpu.memory_space<hbm>> -> memref<1x1x64xi32, #tpu.memory_space<hbm>>
    %dma_wait3A_53 = tpu.memref_squeeze %dma_wait3A_52 : memref<1x1x64xi32, #tpu.memory_space<hbm>> -> memref<64xi32, #tpu.memory_space<hbm>>
    tpu.wait_dma2 semaphore(%arg27 : memref<!tpu.dma_semaphore, #tpu.memory_space<semaphore_mem>>) src(%dma_wait3A_53 : memref<64xi32, #tpu.memory_space<hbm>>) dst(%arg14 : memref<64xi32, #tpu.memory_space<vmem>>)
    %dma_start3A_54 = arith.constant 0 : i32
    %dma_start3A_55 = arith.constant 0 : i32
    %dma_start3A_56 = tpu.memref_slice %arg2[%dma_start3A_54, %dma_start3A_55] : memref<10240x128xf32, #tpu.memory_space<hbm>> -> memref<10240x128xf32, #tpu.memory_space<hbm>>
    tpu.enqueue_indirect_dma source(%dma_start3A_56 : memref<10240x128xf32, #tpu.memory_space<hbm>>) target(%arg6 : memref<64x128xf32, #tpu.memory_space<vmem>>) offsets(%arg14 : memref<64xi32, #tpu.memory_space<vmem>>) semaphore(%arg19 : memref<!tpu.dma_semaphore, #tpu.memory_space<semaphore_mem>>)
    %add3A_57 = arith.constant 0 : i32
    %add3A_58 = arith.addi %mul3A_6, %add3A_57 : i32
    %dma_start3A_59 = arith.constant 0 : i32
    %dma_start3A_60 = tpu.memref_slice %arg4[%arg1, %add3A_58, %dma_start3A_59] : memref<16x320x64xi32, #tpu.memory_space<hbm>> -> memref<1x1x64xi32, #tpu.memory_space<hbm>>
    %dma_start3A_61 = tpu.memref_squeeze %dma_start3A_60 : memref<1x1x64xi32, #tpu.memory_space<hbm>> -> memref<64xi32, #tpu.memory_space<hbm>>
    %dma_start3A_62 = arith.constant 0 : i32
    %dma_start3A_63 = tpu.memref_slice %arg4[%arg1, %add3A_58, %dma_start3A_62] : memref<16x320x64xi32, #tpu.memory_space<hbm>> -> memref<1x1x64xi32, #tpu.memory_space<hbm>>
    %dma_start3A_64 = tpu.memref_squeeze %dma_start3A_63 : memref<1x1x64xi32, #tpu.memory_space<hbm>> -> memref<64xi32, #tpu.memory_space<hbm>>
    tpu.enqueue_dma source(%dma_start3A_64 : memref<64xi32, #tpu.memory_space<hbm>>) target(%arg10 : memref<64xi32, #tpu.memory_space<vmem>>) target_semaphore(%arg23 : memref<!tpu.dma_semaphore, #tpu.memory_space<semaphore_mem>>)
    %add3A_65 = arith.constant 1 : i32
    %add3A_66 = arith.addi %mul3A_6, %add3A_65 : i32
    %dma_wait3A_67 = arith.constant 0 : i32
    %dma_wait3A_68 = tpu.memref_slice %arg3[%arg1, %add3A_66, %dma_wait3A_67] : memref<16x320x64xi32, #tpu.memory_space<hbm>> -> memref<1x1x64xi32, #tpu.memory_space<hbm>>
    %dma_wait3A_69 = tpu.memref_squeeze %dma_wait3A_68 : memref<1x1x64xi32, #tpu.memory_space<hbm>> -> memref<64xi32, #tpu.memory_space<hbm>>
    %dma_wait3A_70 = arith.constant 0 : i32
    %dma_wait3A_71 = tpu.memref_slice %arg3[%arg1, %add3A_66, %dma_wait3A_70] : memref<16x320x64xi32, #tpu.memory_space<hbm>> -> memref<1x1x64xi32, #tpu.memory_space<hbm>>
    %dma_wait3A_72 = tpu.memref_squeeze %dma_wait3A_71 : memref<1x1x64xi32, #tpu.memory_space<hbm>> -> memref<64xi32, #tpu.memory_space<hbm>>
    tpu.wait_dma2 semaphore(%arg28 : memref<!tpu.dma_semaphore, #tpu.memory_space<semaphore_mem>>) src(%dma_wait3A_72 : memref<64xi32, #tpu.memory_space<hbm>>) dst(%arg15 : memref<64xi32, #tpu.memory_space<vmem>>)
    %dma_start3A_73 = arith.constant 0 : i32
    %dma_start3A_74 = arith.constant 0 : i32
    %dma_start3A_75 = tpu.memref_slice %arg2[%dma_start3A_73, %dma_start3A_74] : memref<10240x128xf32, #tpu.memory_space<hbm>> -> memref<10240x128xf32, #tpu.memory_space<hbm>>
    tpu.enqueue_indirect_dma source(%dma_start3A_75 : memref<10240x128xf32, #tpu.memory_space<hbm>>) target(%arg7 : memref<64x128xf32, #tpu.memory_space<vmem>>) offsets(%arg15 : memref<64xi32, #tpu.memory_space<vmem>>) semaphore(%arg20 : memref<!tpu.dma_semaphore, #tpu.memory_space<semaphore_mem>>)
    %add3A_76 = arith.constant 1 : i32
    %add3A_77 = arith.addi %mul3A_6, %add3A_76 : i32
    %dma_start3A_78 = arith.constant 0 : i32
    %dma_start3A_79 = tpu.memref_slice %arg4[%arg1, %add3A_77, %dma_start3A_78] : memref<16x320x64xi32, #tpu.memory_space<hbm>> -> memref<1x1x64xi32, #tpu.memory_space<hbm>>
    %dma_start3A_80 = tpu.memref_squeeze %dma_start3A_79 : memref<1x1x64xi32, #tpu.memory_space<hbm>> -> memref<64xi32, #tpu.memory_space<hbm>>
    %dma_start3A_81 = arith.constant 0 : i32
    %dma_start3A_82 = tpu.memref_slice %arg4[%arg1, %add3A_77, %dma_start3A_81] : memref<16x320x64xi32, #tpu.memory_space<hbm>> -> memref<1x1x64xi32, #tpu.memory_space<hbm>>
    %dma_start3A_83 = tpu.memref_squeeze %dma_start3A_82 : memref<1x1x64xi32, #tpu.memory_space<hbm>> -> memref<64xi32, #tpu.memory_space<hbm>>
    tpu.enqueue_dma source(%dma_start3A_83 : memref<64xi32, #tpu.memory_space<hbm>>) target(%arg11 : memref<64xi32, #tpu.memory_space<vmem>>) target_semaphore(%arg24 : memref<!tpu.dma_semaphore, #tpu.memory_space<semaphore_mem>>)
    %barrier3A = arith.constant 0 : index
    tpu.barrier barrier_id(%barrier3A)
    %jit3A_84 = arith.constant 4 : i32
    %div3A = arith.divsi %select_n3A, %jit3A_84 : i32
    %sign3A = arith.constant 0 : i32
    %sign3A_85 = arith.cmpi sgt, %select_n3A, %sign3A : i32
    %sign3A_86 = arith.extui %sign3A_85 : i1 to i32
    %sign3A_87 = arith.constant 0 : i32
    %sign3A_88 = arith.cmpi slt, %select_n3A, %sign3A_87 : i32
    %sign3A_89 = arith.extui %sign3A_88 : i1 to i32
    %sign3A_90 = arith.subi %sign3A_86, %sign3A_89 : i32
    %sign3A_91 = arith.constant 0 : i32
    %sign3A_92 = arith.cmpi sgt, %jit3A_84, %sign3A_91 : i32
    %sign3A_93 = arith.extui %sign3A_92 : i1 to i32
    %sign3A_94 = arith.constant 0 : i32
    %sign3A_95 = arith.cmpi slt, %jit3A_84, %sign3A_94 : i32
    %sign3A_96 = arith.extui %sign3A_95 : i1 to i32
    %sign3A_97 = arith.subi %sign3A_93, %sign3A_96 : i32
    %ne3A = arith.cmpi ne, %sign3A_90, %sign3A_97 : i32
    %rem3A = arith.remsi %select_n3A, %jit3A_84 : i32
    %ne3A_98 = arith.constant 0 : i32
    %ne3A_99 = arith.cmpi ne, %rem3A, %ne3A_98 : i32
    %and3A = arith.andi %ne3A, %ne3A_99 : i1
    %sub3A = arith.constant 1 : i32
    %sub3A_100 = arith.subi %div3A, %sub3A : i32
    %select_n3A_101 = arith.select %and3A, %sub3A_100, %div3A : i32
    %while3A = arith.constant 0 : i32
    %while3A_102 = arith.subi %select_n3A_101, %while3A : i32
    %while3A_103 = arith.addi %while3A, %while3A_102 : i32
    %while3A_104 = arith.constant 1 : i32
    %while3A_105 = arith.divsi %while3A_102, %while3A_104 : i32
    %while3A_106 = arith.muli %while3A_105, %while3A_104 : i32
    %while3A_107 = arith.addi %while3A, %while3A_106 : i32
    %while3A_108 = arith.constant 1 : i32
    scf.for %while3A_128 = %while3A to %while3A_107 step %while3A_108  : i32 {
      %mul3A_129 = arith.constant 4 : i32
      %mul3A_130 = arith.muli %while3A_128, %mul3A_129 : i32
      %add3A_131 = arith.constant 0 : i32
      %add3A_132 = arith.addi %mul3A_130, %add3A_131 : i32
      %add3A_133 = arith.constant 2 : i32
      %add3A_134 = arith.addi %add3A_132, %add3A_133 : i32
      %dma_wait3A_135 = arith.constant 0 : i32
      %dma_wait3A_136 = arith.constant 0 : i32
      %dma_wait3A_137 = tpu.memref_slice %arg2[%dma_wait3A_135, %dma_wait3A_136] : memref<10240x128xf32, #tpu.memory_space<hbm>> -> memref<10240x128xf32, #tpu.memory_space<hbm>>
      tpu.wait_indirect_dma semaphore(%arg19 : memref<!tpu.dma_semaphore, #tpu.memory_space<semaphore_mem>>) src(%dma_wait3A_137 : memref<10240x128xf32, #tpu.memory_space<hbm>>) dst(%arg6 : memref<64x128xf32, #tpu.memory_space<vmem>>)
      %add3A_138 = arith.addi %mul3A_6, %add3A_132 : i32
      %dma_wait3A_139 = arith.constant 0 : i32
      %dma_wait3A_140 = tpu.memref_slice %arg4[%arg1, %add3A_138, %dma_wait3A_139] : memref<16x320x64xi32, #tpu.memory_space<hbm>> -> memref<1x1x64xi32, #tpu.memory_space<hbm>>
      %dma_wait3A_141 = tpu.memref_squeeze %dma_wait3A_140 : memref<1x1x64xi32, #tpu.memory_space<hbm>> -> memref<64xi32, #tpu.memory_space<hbm>>
      %dma_wait3A_142 = arith.constant 0 : i32
      %dma_wait3A_143 = tpu.memref_slice %arg4[%arg1, %add3A_138, %dma_wait3A_142] : memref<16x320x64xi32, #tpu.memory_space<hbm>> -> memref<1x1x64xi32, #tpu.memory_space<hbm>>
      %dma_wait3A_144 = tpu.memref_squeeze %dma_wait3A_143 : memref<1x1x64xi32, #tpu.memory_space<hbm>> -> memref<64xi32, #tpu.memory_space<hbm>>
      tpu.wait_dma2 semaphore(%arg23 : memref<!tpu.dma_semaphore, #tpu.memory_space<semaphore_mem>>) src(%dma_wait3A_144 : memref<64xi32, #tpu.memory_space<hbm>>) dst(%arg10 : memref<64xi32, #tpu.memory_space<vmem>>)
      %dma_start3A_145 = arith.constant 0 : i32
      %dma_start3A_146 = arith.constant 0 : i32
      %dma_start3A_147 = tpu.memref_slice %arg18[%dma_start3A_145, %dma_start3A_146] : memref<10240x128xf32, #tpu.memory_space<vmem_shared>> -> memref<10240x128xf32, #tpu.memory_space<vmem_shared>>
      tpu.enqueue_indirect_dma source(%arg6 : memref<64x128xf32, #tpu.memory_space<vmem>>) target(%dma_start3A_147 : memref<10240x128xf32, #tpu.memory_space<vmem_shared>>) offsets(%arg10 : memref<64xi32, #tpu.memory_space<vmem>>) semaphore(%arg31 : memref<!tpu.dma_semaphore, #tpu.memory_space<semaphore_mem>>) {add = true}
      %add3A_148 = arith.constant 4 : i32
      %add3A_149 = arith.addi %add3A_132, %add3A_148 : i32
      %lt3A = arith.cmpi slt, %add3A_149, %select_n3A : i32
      %convert_element_type3A = arith.extui %lt3A : i1 to i32
      %cond3A = arith.constant 0 : i32
      %cond3A_150 = arith.cmpi ne, %convert_element_type3A, %cond3A : i32
      scf.if %cond3A_150 {
        %add3A_269 = arith.addi %mul3A_6, %add3A_132 : i32
        %add3A_270 = arith.constant 4 : i32
        %add3A_271 = arith.addi %add3A_269, %add3A_270 : i32
        %dma_start3A_272 = arith.constant 0 : i32
        %dma_start3A_273 = tpu.memref_slice %arg3[%arg1, %add3A_271, %dma_start3A_272] : memref<16x320x64xi32, #tpu.memory_space<hbm>> -> memref<1x1x64xi32, #tpu.memory_space<hbm>>
        %dma_start3A_274 = tpu.memref_squeeze %dma_start3A_273 : memref<1x1x64xi32, #tpu.memory_space<hbm>> -> memref<64xi32, #tpu.memory_space<hbm>>
        %dma_start3A_275 = arith.constant 0 : i32
        %dma_start3A_276 = tpu.memref_slice %arg3[%arg1, %add3A_271, %dma_start3A_275] : memref<16x320x64xi32, #tpu.memory_space<hbm>> -> memref<1x1x64xi32, #tpu.memory_space<hbm>>
        %dma_start3A_277 = tpu.memref_squeeze %dma_start3A_276 : memref<1x1x64xi32, #tpu.memory_space<hbm>> -> memref<64xi32, #tpu.memory_space<hbm>>
        tpu.enqueue_dma source(%dma_start3A_277 : memref<64xi32, #tpu.memory_space<hbm>>) target(%arg14 : memref<64xi32, #tpu.memory_space<vmem>>) target_semaphore(%arg27 : memref<!tpu.dma_semaphore, #tpu.memory_space<semaphore_mem>>)
      } else {
      }
      %ge3A = arith.constant 4 : i32
      %ge3A_151 = arith.cmpi sge, %add3A_134, %ge3A : i32
      %lt3A_152 = arith.cmpi slt, %add3A_134, %select_n3A : i32
      %and3A_153 = arith.andi %ge3A_151, %lt3A_152 : i1
      %convert_element_type3A_154 = arith.extui %and3A_153 : i1 to i32
      %cond3A_155 = arith.constant 0 : i32
      %cond3A_156 = arith.cmpi ne, %convert_element_type3A_154, %cond3A_155 : i32
      scf.if %cond3A_156 {
        %dma_wait3A_269 = arith.constant 0 : i32
        %dma_wait3A_270 = arith.constant 0 : i32
        %dma_wait3A_271 = tpu.memref_slice %arg18[%dma_wait3A_269, %dma_wait3A_270] : memref<10240x128xf32, #tpu.memory_space<vmem_shared>> -> memref<10240x128xf32, #tpu.memory_space<vmem_shared>>
        tpu.wait_indirect_dma semaphore(%arg33 : memref<!tpu.dma_semaphore, #tpu.memory_space<semaphore_mem>>) src(%arg8 : memref<64x128xf32, #tpu.memory_space<vmem>>) dst(%dma_wait3A_271 : memref<10240x128xf32, #tpu.memory_space<vmem_shared>>)
      } else {
      }
      %lt3A_157 = arith.cmpi slt, %add3A_134, %select_n3A : i32
      %convert_element_type3A_158 = arith.extui %lt3A_157 : i1 to i32
      %cond3A_159 = arith.constant 0 : i32
      %cond3A_160 = arith.cmpi ne, %convert_element_type3A_158, %cond3A_159 : i32
      scf.if %cond3A_160 {
        %add3A_269 = arith.addi %mul3A_6, %add3A_134 : i32
        %dma_wait3A_270 = arith.constant 0 : i32
        %dma_wait3A_271 = tpu.memref_slice %arg3[%arg1, %add3A_269, %dma_wait3A_270] : memref<16x320x64xi32, #tpu.memory_space<hbm>> -> memref<1x1x64xi32, #tpu.memory_space<hbm>>
        %dma_wait3A_272 = tpu.memref_squeeze %dma_wait3A_271 : memref<1x1x64xi32, #tpu.memory_space<hbm>> -> memref<64xi32, #tpu.memory_space<hbm>>
        %dma_wait3A_273 = arith.constant 0 : i32
        %dma_wait3A_274 = tpu.memref_slice %arg3[%arg1, %add3A_269, %dma_wait3A_273] : memref<16x320x64xi32, #tpu.memory_space<hbm>> -> memref<1x1x64xi32, #tpu.memory_space<hbm>>
        %dma_wait3A_275 = tpu.memref_squeeze %dma_wait3A_274 : memref<1x1x64xi32, #tpu.memory_space<hbm>> -> memref<64xi32, #tpu.memory_space<hbm>>
        tpu.wait_dma2 semaphore(%arg29 : memref<!tpu.dma_semaphore, #tpu.memory_space<semaphore_mem>>) src(%dma_wait3A_275 : memref<64xi32, #tpu.memory_space<hbm>>) dst(%arg16 : memref<64xi32, #tpu.memory_space<vmem>>)
        %dma_start3A_276 = arith.constant 0 : i32
        %dma_start3A_277 = arith.constant 0 : i32
        %dma_start3A_278 = tpu.memref_slice %arg2[%dma_start3A_276, %dma_start3A_277] : memref<10240x128xf32, #tpu.memory_space<hbm>> -> memref<10240x128xf32, #tpu.memory_space<hbm>>
        tpu.enqueue_indirect_dma source(%dma_start3A_278 : memref<10240x128xf32, #tpu.memory_space<hbm>>) target(%arg8 : memref<64x128xf32, #tpu.memory_space<vmem>>) offsets(%arg16 : memref<64xi32, #tpu.memory_space<vmem>>) semaphore(%arg21 : memref<!tpu.dma_semaphore, #tpu.memory_space<semaphore_mem>>)
        %add3A_279 = arith.addi %mul3A_6, %add3A_134 : i32
        %dma_start3A_280 = arith.constant 0 : i32
        %dma_start3A_281 = tpu.memref_slice %arg4[%arg1, %add3A_279, %dma_start3A_280] : memref<16x320x64xi32, #tpu.memory_space<hbm>> -> memref<1x1x64xi32, #tpu.memory_space<hbm>>
        %dma_start3A_282 = tpu.memref_squeeze %dma_start3A_281 : memref<1x1x64xi32, #tpu.memory_space<hbm>> -> memref<64xi32, #tpu.memory_space<hbm>>
        %dma_start3A_283 = arith.constant 0 : i32
        %dma_start3A_284 = tpu.memref_slice %arg4[%arg1, %add3A_279, %dma_start3A_283] : memref<16x320x64xi32, #tpu.memory_space<hbm>> -> memref<1x1x64xi32, #tpu.memory_space<hbm>>
        %dma_start3A_285 = tpu.memref_squeeze %dma_start3A_284 : memref<1x1x64xi32, #tpu.memory_space<hbm>> -> memref<64xi32, #tpu.memory_space<hbm>>
        tpu.enqueue_dma source(%dma_start3A_285 : memref<64xi32, #tpu.memory_space<hbm>>) target(%arg12 : memref<64xi32, #tpu.memory_space<vmem>>) target_semaphore(%arg25 : memref<!tpu.dma_semaphore, #tpu.memory_space<semaphore_mem>>)
      } else {
      }
      %mul3A_161 = arith.constant 4 : i32
      %mul3A_162 = arith.muli %while3A_128, %mul3A_161 : i32
      %add3A_163 = arith.constant 1 : i32
      %add3A_164 = arith.addi %mul3A_162, %add3A_163 : i32
      %add3A_165 = arith.constant 2 : i32
      %add3A_166 = arith.addi %add3A_164, %add3A_165 : i32
      %dma_wait3A_167 = arith.constant 0 : i32
      %dma_wait3A_168 = arith.constant 0 : i32
      %dma_wait3A_169 = tpu.memref_slice %arg2[%dma_wait3A_167, %dma_wait3A_168] : memref<10240x128xf32, #tpu.memory_space<hbm>> -> memref<10240x128xf32, #tpu.memory_space<hbm>>
      tpu.wait_indirect_dma semaphore(%arg20 : memref<!tpu.dma_semaphore, #tpu.memory_space<semaphore_mem>>) src(%dma_wait3A_169 : memref<10240x128xf32, #tpu.memory_space<hbm>>) dst(%arg7 : memref<64x128xf32, #tpu.memory_space<vmem>>)
      %add3A_170 = arith.addi %mul3A_6, %add3A_164 : i32
      %dma_wait3A_171 = arith.constant 0 : i32
      %dma_wait3A_172 = tpu.memref_slice %arg4[%arg1, %add3A_170, %dma_wait3A_171] : memref<16x320x64xi32, #tpu.memory_space<hbm>> -> memref<1x1x64xi32, #tpu.memory_space<hbm>>
      %dma_wait3A_173 = tpu.memref_squeeze %dma_wait3A_172 : memref<1x1x64xi32, #tpu.memory_space<hbm>> -> memref<64xi32, #tpu.memory_space<hbm>>
      %dma_wait3A_174 = arith.constant 0 : i32
      %dma_wait3A_175 = tpu.memref_slice %arg4[%arg1, %add3A_170, %dma_wait3A_174] : memref<16x320x64xi32, #tpu.memory_space<hbm>> -> memref<1x1x64xi32, #tpu.memory_space<hbm>>
      %dma_wait3A_176 = tpu.memref_squeeze %dma_wait3A_175 : memref<1x1x64xi32, #tpu.memory_space<hbm>> -> memref<64xi32, #tpu.memory_space<hbm>>
      tpu.wait_dma2 semaphore(%arg24 : memref<!tpu.dma_semaphore, #tpu.memory_space<semaphore_mem>>) src(%dma_wait3A_176 : memref<64xi32, #tpu.memory_space<hbm>>) dst(%arg11 : memref<64xi32, #tpu.memory_space<vmem>>)
      %dma_start3A_177 = arith.constant 0 : i32
      %dma_start3A_178 = arith.constant 0 : i32
      %dma_start3A_179 = tpu.memref_slice %arg18[%dma_start3A_177, %dma_start3A_178] : memref<10240x128xf32, #tpu.memory_space<vmem_shared>> -> memref<10240x128xf32, #tpu.memory_space<vmem_shared>>
      tpu.enqueue_indirect_dma source(%arg7 : memref<64x128xf32, #tpu.memory_space<vmem>>) target(%dma_start3A_179 : memref<10240x128xf32, #tpu.memory_space<vmem_shared>>) offsets(%arg11 : memref<64xi32, #tpu.memory_space<vmem>>) semaphore(%arg32 : memref<!tpu.dma_semaphore, #tpu.memory_space<semaphore_mem>>) {add = true}
      %add3A_180 = arith.constant 4 : i32
      %add3A_181 = arith.addi %add3A_164, %add3A_180 : i32
      %lt3A_182 = arith.cmpi slt, %add3A_181, %select_n3A : i32
      %convert_element_type3A_183 = arith.extui %lt3A_182 : i1 to i32
      %cond3A_184 = arith.constant 0 : i32
      %cond3A_185 = arith.cmpi ne, %convert_element_type3A_183, %cond3A_184 : i32
      scf.if %cond3A_185 {
        %add3A_269 = arith.addi %mul3A_6, %add3A_164 : i32
        %add3A_270 = arith.constant 4 : i32
        %add3A_271 = arith.addi %add3A_269, %add3A_270 : i32
        %dma_start3A_272 = arith.constant 0 : i32
        %dma_start3A_273 = tpu.memref_slice %arg3[%arg1, %add3A_271, %dma_start3A_272] : memref<16x320x64xi32, #tpu.memory_space<hbm>> -> memref<1x1x64xi32, #tpu.memory_space<hbm>>
        %dma_start3A_274 = tpu.memref_squeeze %dma_start3A_273 : memref<1x1x64xi32, #tpu.memory_space<hbm>> -> memref<64xi32, #tpu.memory_space<hbm>>
        %dma_start3A_275 = arith.constant 0 : i32
        %dma_start3A_276 = tpu.memref_slice %arg3[%arg1, %add3A_271, %dma_start3A_275] : memref<16x320x64xi32, #tpu.memory_space<hbm>> -> memref<1x1x64xi32, #tpu.memory_space<hbm>>
        %dma_start3A_277 = tpu.memref_squeeze %dma_start3A_276 : memref<1x1x64xi32, #tpu.memory_space<hbm>> -> memref<64xi32, #tpu.memory_space<hbm>>
        tpu.enqueue_dma source(%dma_start3A_277 : memref<64xi32, #tpu.memory_space<hbm>>) target(%arg15 : memref<64xi32, #tpu.memory_space<vmem>>) target_semaphore(%arg28 : memref<!tpu.dma_semaphore, #tpu.memory_space<semaphore_mem>>)
      } else {
      }
      %ge3A_186 = arith.constant 4 : i32
      %ge3A_187 = arith.cmpi sge, %add3A_166, %ge3A_186 : i32
      %lt3A_188 = arith.cmpi slt, %add3A_166, %select_n3A : i32
      %and3A_189 = arith.andi %ge3A_187, %lt3A_188 : i1
      %convert_element_type3A_190 = arith.extui %and3A_189 : i1 to i32
      %cond3A_191 = arith.constant 0 : i32
      %cond3A_192 = arith.cmpi ne, %convert_element_type3A_190, %cond3A_191 : i32
      scf.if %cond3A_192 {
        %dma_wait3A_269 = arith.constant 0 : i32
        %dma_wait3A_270 = arith.constant 0 : i32
        %dma_wait3A_271 = tpu.memref_slice %arg18[%dma_wait3A_269, %dma_wait3A_270] : memref<10240x128xf32, #tpu.memory_space<vmem_shared>> -> memref<10240x128xf32, #tpu.memory_space<vmem_shared>>
        tpu.wait_indirect_dma semaphore(%arg34 : memref<!tpu.dma_semaphore, #tpu.memory_space<semaphore_mem>>) src(%arg9 : memref<64x128xf32, #tpu.memory_space<vmem>>) dst(%dma_wait3A_271 : memref<10240x128xf32, #tpu.memory_space<vmem_shared>>)
      } else {
      }
      %lt3A_193 = arith.cmpi slt, %add3A_166, %select_n3A : i32
      %convert_element_type3A_194 = arith.extui %lt3A_193 : i1 to i32
      %cond3A_195 = arith.constant 0 : i32
      %cond3A_196 = arith.cmpi ne, %convert_element_type3A_194, %cond3A_195 : i32
      scf.if %cond3A_196 {
        %add3A_269 = arith.addi %mul3A_6, %add3A_166 : i32
        %dma_wait3A_270 = arith.constant 0 : i32
        %dma_wait3A_271 = tpu.memref_slice %arg3[%arg1, %add3A_269, %dma_wait3A_270] : memref<16x320x64xi32, #tpu.memory_space<hbm>> -> memref<1x1x64xi32, #tpu.memory_space<hbm>>
        %dma_wait3A_272 = tpu.memref_squeeze %dma_wait3A_271 : memref<1x1x64xi32, #tpu.memory_space<hbm>> -> memref<64xi32, #tpu.memory_space<hbm>>
        %dma_wait3A_273 = arith.constant 0 : i32
        %dma_wait3A_274 = tpu.memref_slice %arg3[%arg1, %add3A_269, %dma_wait3A_273] : memref<16x320x64xi32, #tpu.memory_space<hbm>> -> memref<1x1x64xi32, #tpu.memory_space<hbm>>
        %dma_wait3A_275 = tpu.memref_squeeze %dma_wait3A_274 : memref<1x1x64xi32, #tpu.memory_space<hbm>> -> memref<64xi32, #tpu.memory_space<hbm>>
        tpu.wait_dma2 semaphore(%arg30 : memref<!tpu.dma_semaphore, #tpu.memory_space<semaphore_mem>>) src(%dma_wait3A_275 : memref<64xi32, #tpu.memory_space<hbm>>) dst(%arg17 : memref<64xi32, #tpu.memory_space<vmem>>)
        %dma_start3A_276 = arith.constant 0 : i32
        %dma_start3A_277 = arith.constant 0 : i32
        %dma_start3A_278 = tpu.memref_slice %arg2[%dma_start3A_276, %dma_start3A_277] : memref<10240x128xf32, #tpu.memory_space<hbm>> -> memref<10240x128xf32, #tpu.memory_space<hbm>>
        tpu.enqueue_indirect_dma source(%dma_start3A_278 : memref<10240x128xf32, #tpu.memory_space<hbm>>) target(%arg9 : memref<64x128xf32, #tpu.memory_space<vmem>>) offsets(%arg17 : memref<64xi32, #tpu.memory_space<vmem>>) semaphore(%arg22 : memref<!tpu.dma_semaphore, #tpu.memory_space<semaphore_mem>>)
        %add3A_279 = arith.addi %mul3A_6, %add3A_166 : i32
        %dma_start3A_280 = arith.constant 0 : i32
        %dma_start3A_281 = tpu.memref_slice %arg4[%arg1, %add3A_279, %dma_start3A_280] : memref<16x320x64xi32, #tpu.memory_space<hbm>> -> memref<1x1x64xi32, #tpu.memory_space<hbm>>
        %dma_start3A_282 = tpu.memref_squeeze %dma_start3A_281 : memref<1x1x64xi32, #tpu.memory_space<hbm>> -> memref<64xi32, #tpu.memory_space<hbm>>
        %dma_start3A_283 = arith.constant 0 : i32
        %dma_start3A_284 = tpu.memref_slice %arg4[%arg1, %add3A_279, %dma_start3A_283] : memref<16x320x64xi32, #tpu.memory_space<hbm>> -> memref<1x1x64xi32, #tpu.memory_space<hbm>>
        %dma_start3A_285 = tpu.memref_squeeze %dma_start3A_284 : memref<1x1x64xi32, #tpu.memory_space<hbm>> -> memref<64xi32, #tpu.memory_space<hbm>>
        tpu.enqueue_dma source(%dma_start3A_285 : memref<64xi32, #tpu.memory_space<hbm>>) target(%arg13 : memref<64xi32, #tpu.memory_space<vmem>>) target_semaphore(%arg26 : memref<!tpu.dma_semaphore, #tpu.memory_space<semaphore_mem>>)
      } else {
      }
      %mul3A_197 = arith.constant 4 : i32
      %mul3A_198 = arith.muli %while3A_128, %mul3A_197 : i32
      %add3A_199 = arith.constant 2 : i32
      %add3A_200 = arith.addi %mul3A_198, %add3A_199 : i32
      %add3A_201 = arith.constant 2 : i32
      %add3A_202 = arith.addi %add3A_200, %add3A_201 : i32
      %dma_wait3A_203 = arith.constant 0 : i32
      %dma_wait3A_204 = arith.constant 0 : i32
      %dma_wait3A_205 = tpu.memref_slice %arg2[%dma_wait3A_203, %dma_wait3A_204] : memref<10240x128xf32, #tpu.memory_space<hbm>> -> memref<10240x128xf32, #tpu.memory_space<hbm>>
      tpu.wait_indirect_dma semaphore(%arg21 : memref<!tpu.dma_semaphore, #tpu.memory_space<semaphore_mem>>) src(%dma_wait3A_205 : memref<10240x128xf32, #tpu.memory_space<hbm>>) dst(%arg8 : memref<64x128xf32, #tpu.memory_space<vmem>>)
      %add3A_206 = arith.addi %mul3A_6, %add3A_200 : i32
      %dma_wait3A_207 = arith.constant 0 : i32
      %dma_wait3A_208 = tpu.memref_slice %arg4[%arg1, %add3A_206, %dma_wait3A_207] : memref<16x320x64xi32, #tpu.memory_space<hbm>> -> memref<1x1x64xi32, #tpu.memory_space<hbm>>
      %dma_wait3A_209 = tpu.memref_squeeze %dma_wait3A_208 : memref<1x1x64xi32, #tpu.memory_space<hbm>> -> memref<64xi32, #tpu.memory_space<hbm>>
      %dma_wait3A_210 = arith.constant 0 : i32
      %dma_wait3A_211 = tpu.memref_slice %arg4[%arg1, %add3A_206, %dma_wait3A_210] : memref<16x320x64xi32, #tpu.memory_space<hbm>> -> memref<1x1x64xi32, #tpu.memory_space<hbm>>
      %dma_wait3A_212 = tpu.memref_squeeze %dma_wait3A_211 : memref<1x1x64xi32, #tpu.memory_space<hbm>> -> memref<64xi32, #tpu.memory_space<hbm>>
      tpu.wait_dma2 semaphore(%arg25 : memref<!tpu.dma_semaphore, #tpu.memory_space<semaphore_mem>>) src(%dma_wait3A_212 : memref<64xi32, #tpu.memory_space<hbm>>) dst(%arg12 : memref<64xi32, #tpu.memory_space<vmem>>)
      %dma_start3A_213 = arith.constant 0 : i32
      %dma_start3A_214 = arith.constant 0 : i32
      %dma_start3A_215 = tpu.memref_slice %arg18[%dma_start3A_213, %dma_start3A_214] : memref<10240x128xf32, #tpu.memory_space<vmem_shared>> -> memref<10240x128xf32, #tpu.memory_space<vmem_shared>>
      tpu.enqueue_indirect_dma source(%arg8 : memref<64x128xf32, #tpu.memory_space<vmem>>) target(%dma_start3A_215 : memref<10240x128xf32, #tpu.memory_space<vmem_shared>>) offsets(%arg12 : memref<64xi32, #tpu.memory_space<vmem>>) semaphore(%arg33 : memref<!tpu.dma_semaphore, #tpu.memory_space<semaphore_mem>>) {add = true}
      %add3A_216 = arith.constant 4 : i32
      %add3A_217 = arith.addi %add3A_200, %add3A_216 : i32
      %lt3A_218 = arith.cmpi slt, %add3A_217, %select_n3A : i32
      %convert_element_type3A_219 = arith.extui %lt3A_218 : i1 to i32
      %cond3A_220 = arith.constant 0 : i32
      %cond3A_221 = arith.cmpi ne, %convert_element_type3A_219, %cond3A_220 : i32
      scf.if %cond3A_221 {
        %add3A_269 = arith.addi %mul3A_6, %add3A_200 : i32
        %add3A_270 = arith.constant 4 : i32
        %add3A_271 = arith.addi %add3A_269, %add3A_270 : i32
        %dma_start3A_272 = arith.constant 0 : i32
        %dma_start3A_273 = tpu.memref_slice %arg3[%arg1, %add3A_271, %dma_start3A_272] : memref<16x320x64xi32, #tpu.memory_space<hbm>> -> memref<1x1x64xi32, #tpu.memory_space<hbm>>
        %dma_start3A_274 = tpu.memref_squeeze %dma_start3A_273 : memref<1x1x64xi32, #tpu.memory_space<hbm>> -> memref<64xi32, #tpu.memory_space<hbm>>
        %dma_start3A_275 = arith.constant 0 : i32
        %dma_start3A_276 = tpu.memref_slice %arg3[%arg1, %add3A_271, %dma_start3A_275] : memref<16x320x64xi32, #tpu.memory_space<hbm>> -> memref<1x1x64xi32, #tpu.memory_space<hbm>>
        %dma_start3A_277 = tpu.memref_squeeze %dma_start3A_276 : memref<1x1x64xi32, #tpu.memory_space<hbm>> -> memref<64xi32, #tpu.memory_space<hbm>>
        tpu.enqueue_dma source(%dma_start3A_277 : memref<64xi32, #tpu.memory_space<hbm>>) target(%arg16 : memref<64xi32, #tpu.memory_space<vmem>>) target_semaphore(%arg29 : memref<!tpu.dma_semaphore, #tpu.memory_space<semaphore_mem>>)
      } else {
      }
      %ge3A_222 = arith.constant 4 : i32
      %ge3A_223 = arith.cmpi sge, %add3A_202, %ge3A_222 : i32
      %lt3A_224 = arith.cmpi slt, %add3A_202, %select_n3A : i32
      %and3A_225 = arith.andi %ge3A_223, %lt3A_224 : i1
      %convert_element_type3A_226 = arith.extui %and3A_225 : i1 to i32
      %cond3A_227 = arith.constant 0 : i32
      %cond3A_228 = arith.cmpi ne, %convert_element_type3A_226, %cond3A_227 : i32
      scf.if %cond3A_228 {
        %dma_wait3A_269 = arith.constant 0 : i32
        %dma_wait3A_270 = arith.constant 0 : i32
        %dma_wait3A_271 = tpu.memref_slice %arg18[%dma_wait3A_269, %dma_wait3A_270] : memref<10240x128xf32, #tpu.memory_space<vmem_shared>> -> memref<10240x128xf32, #tpu.memory_space<vmem_shared>>
        tpu.wait_indirect_dma semaphore(%arg31 : memref<!tpu.dma_semaphore, #tpu.memory_space<semaphore_mem>>) src(%arg6 : memref<64x128xf32, #tpu.memory_space<vmem>>) dst(%dma_wait3A_271 : memref<10240x128xf32, #tpu.memory_space<vmem_shared>>)
      } else {
      }
      %lt3A_229 = arith.cmpi slt, %add3A_202, %select_n3A : i32
      %convert_element_type3A_230 = arith.extui %lt3A_229 : i1 to i32
      %cond3A_231 = arith.constant 0 : i32
      %cond3A_232 = arith.cmpi ne, %convert_element_type3A_230, %cond3A_231 : i32
      scf.if %cond3A_232 {
        %add3A_269 = arith.addi %mul3A_6, %add3A_202 : i32
        %dma_wait3A_270 = arith.constant 0 : i32
        %dma_wait3A_271 = tpu.memref_slice %arg3[%arg1, %add3A_269, %dma_wait3A_270] : memref<16x320x64xi32, #tpu.memory_space<hbm>> -> memref<1x1x64xi32, #tpu.memory_space<hbm>>
        %dma_wait3A_272 = tpu.memref_squeeze %dma_wait3A_271 : memref<1x1x64xi32, #tpu.memory_space<hbm>> -> memref<64xi32, #tpu.memory_space<hbm>>
        %dma_wait3A_273 = arith.constant 0 : i32
        %dma_wait3A_274 = tpu.memref_slice %arg3[%arg1, %add3A_269, %dma_wait3A_273] : memref<16x320x64xi32, #tpu.memory_space<hbm>> -> memref<1x1x64xi32, #tpu.memory_space<hbm>>
        %dma_wait3A_275 = tpu.memref_squeeze %dma_wait3A_274 : memref<1x1x64xi32, #tpu.memory_space<hbm>> -> memref<64xi32, #tpu.memory_space<hbm>>
        tpu.wait_dma2 semaphore(%arg27 : memref<!tpu.dma_semaphore, #tpu.memory_space<semaphore_mem>>) src(%dma_wait3A_275 : memref<64xi32, #tpu.memory_space<hbm>>) dst(%arg14 : memref<64xi32, #tpu.memory_space<vmem>>)
        %dma_start3A_276 = arith.constant 0 : i32
        %dma_start3A_277 = arith.constant 0 : i32
        %dma_start3A_278 = tpu.memref_slice %arg2[%dma_start3A_276, %dma_start3A_277] : memref<10240x128xf32, #tpu.memory_space<hbm>> -> memref<10240x128xf32, #tpu.memory_space<hbm>>
        tpu.enqueue_indirect_dma source(%dma_start3A_278 : memref<10240x128xf32, #tpu.memory_space<hbm>>) target(%arg6 : memref<64x128xf32, #tpu.memory_space<vmem>>) offsets(%arg14 : memref<64xi32, #tpu.memory_space<vmem>>) semaphore(%arg19 : memref<!tpu.dma_semaphore, #tpu.memory_space<semaphore_mem>>)
        %add3A_279 = arith.addi %mul3A_6, %add3A_202 : i32
        %dma_start3A_280 = arith.constant 0 : i32
        %dma_start3A_281 = tpu.memref_slice %arg4[%arg1, %add3A_279, %dma_start3A_280] : memref<16x320x64xi32, #tpu.memory_space<hbm>> -> memref<1x1x64xi32, #tpu.memory_space<hbm>>
        %dma_start3A_282 = tpu.memref_squeeze %dma_start3A_281 : memref<1x1x64xi32, #tpu.memory_space<hbm>> -> memref<64xi32, #tpu.memory_space<hbm>>
        %dma_start3A_283 = arith.constant 0 : i32
        %dma_start3A_284 = tpu.memref_slice %arg4[%arg1, %add3A_279, %dma_start3A_283] : memref<16x320x64xi32, #tpu.memory_space<hbm>> -> memref<1x1x64xi32, #tpu.memory_space<hbm>>
        %dma_start3A_285 = tpu.memref_squeeze %dma_start3A_284 : memref<1x1x64xi32, #tpu.memory_space<hbm>> -> memref<64xi32, #tpu.memory_space<hbm>>
        tpu.enqueue_dma source(%dma_start3A_285 : memref<64xi32, #tpu.memory_space<hbm>>) target(%arg10 : memref<64xi32, #tpu.memory_space<vmem>>) target_semaphore(%arg23 : memref<!tpu.dma_semaphore, #tpu.memory_space<semaphore_mem>>)
      } else {
      }
      %mul3A_233 = arith.constant 4 : i32
      %mul3A_234 = arith.muli %while3A_128, %mul3A_233 : i32
      %add3A_235 = arith.constant 3 : i32
      %add3A_236 = arith.addi %mul3A_234, %add3A_235 : i32
      %add3A_237 = arith.constant 2 : i32
      %add3A_238 = arith.addi %add3A_236, %add3A_237 : i32
      %dma_wait3A_239 = arith.constant 0 : i32
      %dma_wait3A_240 = arith.constant 0 : i32
      %dma_wait3A_241 = tpu.memref_slice %arg2[%dma_wait3A_239, %dma_wait3A_240] : memref<10240x128xf32, #tpu.memory_space<hbm>> -> memref<10240x128xf32, #tpu.memory_space<hbm>>
      tpu.wait_indirect_dma semaphore(%arg22 : memref<!tpu.dma_semaphore, #tpu.memory_space<semaphore_mem>>) src(%dma_wait3A_241 : memref<10240x128xf32, #tpu.memory_space<hbm>>) dst(%arg9 : memref<64x128xf32, #tpu.memory_space<vmem>>)
      %add3A_242 = arith.addi %mul3A_6, %add3A_236 : i32
      %dma_wait3A_243 = arith.constant 0 : i32
      %dma_wait3A_244 = tpu.memref_slice %arg4[%arg1, %add3A_242, %dma_wait3A_243] : memref<16x320x64xi32, #tpu.memory_space<hbm>> -> memref<1x1x64xi32, #tpu.memory_space<hbm>>
      %dma_wait3A_245 = tpu.memref_squeeze %dma_wait3A_244 : memref<1x1x64xi32, #tpu.memory_space<hbm>> -> memref<64xi32, #tpu.memory_space<hbm>>
      %dma_wait3A_246 = arith.constant 0 : i32
      %dma_wait3A_247 = tpu.memref_slice %arg4[%arg1, %add3A_242, %dma_wait3A_246] : memref<16x320x64xi32, #tpu.memory_space<hbm>> -> memref<1x1x64xi32, #tpu.memory_space<hbm>>
      %dma_wait3A_248 = tpu.memref_squeeze %dma_wait3A_247 : memref<1x1x64xi32, #tpu.memory_space<hbm>> -> memref<64xi32, #tpu.memory_space<hbm>>
      tpu.wait_dma2 semaphore(%arg26 : memref<!tpu.dma_semaphore, #tpu.memory_space<semaphore_mem>>) src(%dma_wait3A_248 : memref<64xi32, #tpu.memory_space<hbm>>) dst(%arg13 : memref<64xi32, #tpu.memory_space<vmem>>)
      %dma_start3A_249 = arith.constant 0 : i32
      %dma_start3A_250 = arith.constant 0 : i32
      %dma_start3A_251 = tpu.memref_slice %arg18[%dma_start3A_249, %dma_start3A_250] : memref<10240x128xf32, #tpu.memory_space<vmem_shared>> -> memref<10240x128xf32, #tpu.memory_space<vmem_shared>>
      tpu.enqueue_indirect_dma source(%arg9 : memref<64x128xf32, #tpu.memory_space<vmem>>) target(%dma_start3A_251 : memref<10240x128xf32, #tpu.memory_space<vmem_shared>>) offsets(%arg13 : memref<64xi32, #tpu.memory_space<vmem>>) semaphore(%arg34 : memref<!tpu.dma_semaphore, #tpu.memory_space<semaphore_mem>>) {add = true}
      %add3A_252 = arith.constant 4 : i32
      %add3A_253 = arith.addi %add3A_236, %add3A_252 : i32
      %lt3A_254 = arith.cmpi slt, %add3A_253, %select_n3A : i32
      %convert_element_type3A_255 = arith.extui %lt3A_254 : i1 to i32
      %cond3A_256 = arith.constant 0 : i32
      %cond3A_257 = arith.cmpi ne, %convert_element_type3A_255, %cond3A_256 : i32
      scf.if %cond3A_257 {
        %add3A_269 = arith.addi %mul3A_6, %add3A_236 : i32
        %add3A_270 = arith.constant 4 : i32
        %add3A_271 = arith.addi %add3A_269, %add3A_270 : i32
        %dma_start3A_272 = arith.constant 0 : i32
        %dma_start3A_273 = tpu.memref_slice %arg3[%arg1, %add3A_271, %dma_start3A_272] : memref<16x320x64xi32, #tpu.memory_space<hbm>> -> memref<1x1x64xi32, #tpu.memory_space<hbm>>
        %dma_start3A_274 = tpu.memref_squeeze %dma_start3A_273 : memref<1x1x64xi32, #tpu.memory_space<hbm>> -> memref<64xi32, #tpu.memory_space<hbm>>
        %dma_start3A_275 = arith.constant 0 : i32
        %dma_start3A_276 = tpu.memref_slice %arg3[%arg1, %add3A_271, %dma_start3A_275] : memref<16x320x64xi32, #tpu.memory_space<hbm>> -> memref<1x1x64xi32, #tpu.memory_space<hbm>>
        %dma_start3A_277 = tpu.memref_squeeze %dma_start3A_276 : memref<1x1x64xi32, #tpu.memory_space<hbm>> -> memref<64xi32, #tpu.memory_space<hbm>>
        tpu.enqueue_dma source(%dma_start3A_277 : memref<64xi32, #tpu.memory_space<hbm>>) target(%arg17 : memref<64xi32, #tpu.memory_space<vmem>>) target_semaphore(%arg30 : memref<!tpu.dma_semaphore, #tpu.memory_space<semaphore_mem>>)
      } else {
      }
      %ge3A_258 = arith.constant 4 : i32
      %ge3A_259 = arith.cmpi sge, %add3A_238, %ge3A_258 : i32
      %lt3A_260 = arith.cmpi slt, %add3A_238, %select_n3A : i32
      %and3A_261 = arith.andi %ge3A_259, %lt3A_260 : i1
      %convert_element_type3A_262 = arith.extui %and3A_261 : i1 to i32
      %cond3A_263 = arith.constant 0 : i32
      %cond3A_264 = arith.cmpi ne, %convert_element_type3A_262, %cond3A_263 : i32
      scf.if %cond3A_264 {
        %dma_wait3A_269 = arith.constant 0 : i32
        %dma_wait3A_270 = arith.constant 0 : i32
        %dma_wait3A_271 = tpu.memref_slice %arg18[%dma_wait3A_269, %dma_wait3A_270] : memref<10240x128xf32, #tpu.memory_space<vmem_shared>> -> memref<10240x128xf32, #tpu.memory_space<vmem_shared>>
        tpu.wait_indirect_dma semaphore(%arg32 : memref<!tpu.dma_semaphore, #tpu.memory_space<semaphore_mem>>) src(%arg7 : memref<64x128xf32, #tpu.memory_space<vmem>>) dst(%dma_wait3A_271 : memref<10240x128xf32, #tpu.memory_space<vmem_shared>>)
      } else {
      }
      %lt3A_265 = arith.cmpi slt, %add3A_238, %select_n3A : i32
      %convert_element_type3A_266 = arith.extui %lt3A_265 : i1 to i32
      %cond3A_267 = arith.constant 0 : i32
      %cond3A_268 = arith.cmpi ne, %convert_element_type3A_266, %cond3A_267 : i32
      scf.if %cond3A_268 {
        %add3A_269 = arith.addi %mul3A_6, %add3A_238 : i32
        %dma_wait3A_270 = arith.constant 0 : i32
        %dma_wait3A_271 = tpu.memref_slice %arg3[%arg1, %add3A_269, %dma_wait3A_270] : memref<16x320x64xi32, #tpu.memory_space<hbm>> -> memref<1x1x64xi32, #tpu.memory_space<hbm>>
        %dma_wait3A_272 = tpu.memref_squeeze %dma_wait3A_271 : memref<1x1x64xi32, #tpu.memory_space<hbm>> -> memref<64xi32, #tpu.memory_space<hbm>>
        %dma_wait3A_273 = arith.constant 0 : i32
        %dma_wait3A_274 = tpu.memref_slice %arg3[%arg1, %add3A_269, %dma_wait3A_273] : memref<16x320x64xi32, #tpu.memory_space<hbm>> -> memref<1x1x64xi32, #tpu.memory_space<hbm>>
        %dma_wait3A_275 = tpu.memref_squeeze %dma_wait3A_274 : memref<1x1x64xi32, #tpu.memory_space<hbm>> -> memref<64xi32, #tpu.memory_space<hbm>>
        tpu.wait_dma2 semaphore(%arg28 : memref<!tpu.dma_semaphore, #tpu.memory_space<semaphore_mem>>) src(%dma_wait3A_275 : memref<64xi32, #tpu.memory_space<hbm>>) dst(%arg15 : memref<64xi32, #tpu.memory_space<vmem>>)
        %dma_start3A_276 = arith.constant 0 : i32
        %dma_start3A_277 = arith.constant 0 : i32
        %dma_start3A_278 = tpu.memref_slice %arg2[%dma_start3A_276, %dma_start3A_277] : memref<10240x128xf32, #tpu.memory_space<hbm>> -> memref<10240x128xf32, #tpu.memory_space<hbm>>
        tpu.enqueue_indirect_dma source(%dma_start3A_278 : memref<10240x128xf32, #tpu.memory_space<hbm>>) target(%arg7 : memref<64x128xf32, #tpu.memory_space<vmem>>) offsets(%arg15 : memref<64xi32, #tpu.memory_space<vmem>>) semaphore(%arg20 : memref<!tpu.dma_semaphore, #tpu.memory_space<semaphore_mem>>)
        %add3A_279 = arith.addi %mul3A_6, %add3A_238 : i32
        %dma_start3A_280 = arith.constant 0 : i32
        %dma_start3A_281 = tpu.memref_slice %arg4[%arg1, %add3A_279, %dma_start3A_280] : memref<16x320x64xi32, #tpu.memory_space<hbm>> -> memref<1x1x64xi32, #tpu.memory_space<hbm>>
        %dma_start3A_282 = tpu.memref_squeeze %dma_start3A_281 : memref<1x1x64xi32, #tpu.memory_space<hbm>> -> memref<64xi32, #tpu.memory_space<hbm>>
        %dma_start3A_283 = arith.constant 0 : i32
        %dma_start3A_284 = tpu.memref_slice %arg4[%arg1, %add3A_279, %dma_start3A_283] : memref<16x320x64xi32, #tpu.memory_space<hbm>> -> memref<1x1x64xi32, #tpu.memory_space<hbm>>
        %dma_start3A_285 = tpu.memref_squeeze %dma_start3A_284 : memref<1x1x64xi32, #tpu.memory_space<hbm>> -> memref<64xi32, #tpu.memory_space<hbm>>
        tpu.enqueue_dma source(%dma_start3A_285 : memref<64xi32, #tpu.memory_space<hbm>>) target(%arg11 : memref<64xi32, #tpu.memory_space<vmem>>) target_semaphore(%arg24 : memref<!tpu.dma_semaphore, #tpu.memory_space<semaphore_mem>>)
      } else {
      }
    }
    %while3A_109 = arith.constant 1 : i32
    scf.for %while3A_128 = %while3A_107 to %while3A_103 step %while3A_109  : i32 {
      %mul3A_129 = arith.constant 4 : i32
      %mul3A_130 = arith.muli %while3A_128, %mul3A_129 : i32
      %add3A_131 = arith.constant 0 : i32
      %add3A_132 = arith.addi %mul3A_130, %add3A_131 : i32
      %add3A_133 = arith.constant 2 : i32
      %add3A_134 = arith.addi %add3A_132, %add3A_133 : i32
      %dma_wait3A_135 = arith.constant 0 : i32
      %dma_wait3A_136 = arith.constant 0 : i32
      %dma_wait3A_137 = tpu.memref_slice %arg2[%dma_wait3A_135, %dma_wait3A_136] : memref<10240x128xf32, #tpu.memory_space<hbm>> -> memref<10240x128xf32, #tpu.memory_space<hbm>>
      tpu.wait_indirect_dma semaphore(%arg19 : memref<!tpu.dma_semaphore, #tpu.memory_space<semaphore_mem>>) src(%dma_wait3A_137 : memref<10240x128xf32, #tpu.memory_space<hbm>>) dst(%arg6 : memref<64x128xf32, #tpu.memory_space<vmem>>)
      %add3A_138 = arith.addi %mul3A_6, %add3A_132 : i32
      %dma_wait3A_139 = arith.constant 0 : i32
      %dma_wait3A_140 = tpu.memref_slice %arg4[%arg1, %add3A_138, %dma_wait3A_139] : memref<16x320x64xi32, #tpu.memory_space<hbm>> -> memref<1x1x64xi32, #tpu.memory_space<hbm>>
      %dma_wait3A_141 = tpu.memref_squeeze %dma_wait3A_140 : memref<1x1x64xi32, #tpu.memory_space<hbm>> -> memref<64xi32, #tpu.memory_space<hbm>>
      %dma_wait3A_142 = arith.constant 0 : i32
      %dma_wait3A_143 = tpu.memref_slice %arg4[%arg1, %add3A_138, %dma_wait3A_142] : memref<16x320x64xi32, #tpu.memory_space<hbm>> -> memref<1x1x64xi32, #tpu.memory_space<hbm>>
      %dma_wait3A_144 = tpu.memref_squeeze %dma_wait3A_143 : memref<1x1x64xi32, #tpu.memory_space<hbm>> -> memref<64xi32, #tpu.memory_space<hbm>>
      tpu.wait_dma2 semaphore(%arg23 : memref<!tpu.dma_semaphore, #tpu.memory_space<semaphore_mem>>) src(%dma_wait3A_144 : memref<64xi32, #tpu.memory_space<hbm>>) dst(%arg10 : memref<64xi32, #tpu.memory_space<vmem>>)
      %dma_start3A_145 = arith.constant 0 : i32
      %dma_start3A_146 = arith.constant 0 : i32
      %dma_start3A_147 = tpu.memref_slice %arg18[%dma_start3A_145, %dma_start3A_146] : memref<10240x128xf32, #tpu.memory_space<vmem_shared>> -> memref<10240x128xf32, #tpu.memory_space<vmem_shared>>
      tpu.enqueue_indirect_dma source(%arg6 : memref<64x128xf32, #tpu.memory_space<vmem>>) target(%dma_start3A_147 : memref<10240x128xf32, #tpu.memory_space<vmem_shared>>) offsets(%arg10 : memref<64xi32, #tpu.memory_space<vmem>>) semaphore(%arg31 : memref<!tpu.dma_semaphore, #tpu.memory_space<semaphore_mem>>) {add = true}
      %add3A_148 = arith.constant 4 : i32
      %add3A_149 = arith.addi %add3A_132, %add3A_148 : i32
      %lt3A = arith.cmpi slt, %add3A_149, %select_n3A : i32
      %convert_element_type3A = arith.extui %lt3A : i1 to i32
      %cond3A = arith.constant 0 : i32
      %cond3A_150 = arith.cmpi ne, %convert_element_type3A, %cond3A : i32
      scf.if %cond3A_150 {
        %add3A_269 = arith.addi %mul3A_6, %add3A_132 : i32
        %add3A_270 = arith.constant 4 : i32
        %add3A_271 = arith.addi %add3A_269, %add3A_270 : i32
        %dma_start3A_272 = arith.constant 0 : i32
        %dma_start3A_273 = tpu.memref_slice %arg3[%arg1, %add3A_271, %dma_start3A_272] : memref<16x320x64xi32, #tpu.memory_space<hbm>> -> memref<1x1x64xi32, #tpu.memory_space<hbm>>
        %dma_start3A_274 = tpu.memref_squeeze %dma_start3A_273 : memref<1x1x64xi32, #tpu.memory_space<hbm>> -> memref<64xi32, #tpu.memory_space<hbm>>
        %dma_start3A_275 = arith.constant 0 : i32
        %dma_start3A_276 = tpu.memref_slice %arg3[%arg1, %add3A_271, %dma_start3A_275] : memref<16x320x64xi32, #tpu.memory_space<hbm>> -> memref<1x1x64xi32, #tpu.memory_space<hbm>>
        %dma_start3A_277 = tpu.memref_squeeze %dma_start3A_276 : memref<1x1x64xi32, #tpu.memory_space<hbm>> -> memref<64xi32, #tpu.memory_space<hbm>>
        tpu.enqueue_dma source(%dma_start3A_277 : memref<64xi32, #tpu.memory_space<hbm>>) target(%arg14 : memref<64xi32, #tpu.memory_space<vmem>>) target_semaphore(%arg27 : memref<!tpu.dma_semaphore, #tpu.memory_space<semaphore_mem>>)
      } else {
      }
      %ge3A = arith.constant 4 : i32
      %ge3A_151 = arith.cmpi sge, %add3A_134, %ge3A : i32
      %lt3A_152 = arith.cmpi slt, %add3A_134, %select_n3A : i32
      %and3A_153 = arith.andi %ge3A_151, %lt3A_152 : i1
      %convert_element_type3A_154 = arith.extui %and3A_153 : i1 to i32
      %cond3A_155 = arith.constant 0 : i32
      %cond3A_156 = arith.cmpi ne, %convert_element_type3A_154, %cond3A_155 : i32
      scf.if %cond3A_156 {
        %dma_wait3A_269 = arith.constant 0 : i32
        %dma_wait3A_270 = arith.constant 0 : i32
        %dma_wait3A_271 = tpu.memref_slice %arg18[%dma_wait3A_269, %dma_wait3A_270] : memref<10240x128xf32, #tpu.memory_space<vmem_shared>> -> memref<10240x128xf32, #tpu.memory_space<vmem_shared>>
        tpu.wait_indirect_dma semaphore(%arg33 : memref<!tpu.dma_semaphore, #tpu.memory_space<semaphore_mem>>) src(%arg8 : memref<64x128xf32, #tpu.memory_space<vmem>>) dst(%dma_wait3A_271 : memref<10240x128xf32, #tpu.memory_space<vmem_shared>>)
      } else {
      }
      %lt3A_157 = arith.cmpi slt, %add3A_134, %select_n3A : i32
      %convert_element_type3A_158 = arith.extui %lt3A_157 : i1 to i32
      %cond3A_159 = arith.constant 0 : i32
      %cond3A_160 = arith.cmpi ne, %convert_element_type3A_158, %cond3A_159 : i32
      scf.if %cond3A_160 {
        %add3A_269 = arith.addi %mul3A_6, %add3A_134 : i32
        %dma_wait3A_270 = arith.constant 0 : i32
        %dma_wait3A_271 = tpu.memref_slice %arg3[%arg1, %add3A_269, %dma_wait3A_270] : memref<16x320x64xi32, #tpu.memory_space<hbm>> -> memref<1x1x64xi32, #tpu.memory_space<hbm>>
        %dma_wait3A_272 = tpu.memref_squeeze %dma_wait3A_271 : memref<1x1x64xi32, #tpu.memory_space<hbm>> -> memref<64xi32, #tpu.memory_space<hbm>>
        %dma_wait3A_273 = arith.constant 0 : i32
        %dma_wait3A_274 = tpu.memref_slice %arg3[%arg1, %add3A_269, %dma_wait3A_273] : memref<16x320x64xi32, #tpu.memory_space<hbm>> -> memref<1x1x64xi32, #tpu.memory_space<hbm>>
        %dma_wait3A_275 = tpu.memref_squeeze %dma_wait3A_274 : memref<1x1x64xi32, #tpu.memory_space<hbm>> -> memref<64xi32, #tpu.memory_space<hbm>>
        tpu.wait_dma2 semaphore(%arg29 : memref<!tpu.dma_semaphore, #tpu.memory_space<semaphore_mem>>) src(%dma_wait3A_275 : memref<64xi32, #tpu.memory_space<hbm>>) dst(%arg16 : memref<64xi32, #tpu.memory_space<vmem>>)
        %dma_start3A_276 = arith.constant 0 : i32
        %dma_start3A_277 = arith.constant 0 : i32
        %dma_start3A_278 = tpu.memref_slice %arg2[%dma_start3A_276, %dma_start3A_277] : memref<10240x128xf32, #tpu.memory_space<hbm>> -> memref<10240x128xf32, #tpu.memory_space<hbm>>
        tpu.enqueue_indirect_dma source(%dma_start3A_278 : memref<10240x128xf32, #tpu.memory_space<hbm>>) target(%arg8 : memref<64x128xf32, #tpu.memory_space<vmem>>) offsets(%arg16 : memref<64xi32, #tpu.memory_space<vmem>>) semaphore(%arg21 : memref<!tpu.dma_semaphore, #tpu.memory_space<semaphore_mem>>)
        %add3A_279 = arith.addi %mul3A_6, %add3A_134 : i32
        %dma_start3A_280 = arith.constant 0 : i32
        %dma_start3A_281 = tpu.memref_slice %arg4[%arg1, %add3A_279, %dma_start3A_280] : memref<16x320x64xi32, #tpu.memory_space<hbm>> -> memref<1x1x64xi32, #tpu.memory_space<hbm>>
        %dma_start3A_282 = tpu.memref_squeeze %dma_start3A_281 : memref<1x1x64xi32, #tpu.memory_space<hbm>> -> memref<64xi32, #tpu.memory_space<hbm>>
        %dma_start3A_283 = arith.constant 0 : i32
        %dma_start3A_284 = tpu.memref_slice %arg4[%arg1, %add3A_279, %dma_start3A_283] : memref<16x320x64xi32, #tpu.memory_space<hbm>> -> memref<1x1x64xi32, #tpu.memory_space<hbm>>
        %dma_start3A_285 = tpu.memref_squeeze %dma_start3A_284 : memref<1x1x64xi32, #tpu.memory_space<hbm>> -> memref<64xi32, #tpu.memory_space<hbm>>
        tpu.enqueue_dma source(%dma_start3A_285 : memref<64xi32, #tpu.memory_space<hbm>>) target(%arg12 : memref<64xi32, #tpu.memory_space<vmem>>) target_semaphore(%arg25 : memref<!tpu.dma_semaphore, #tpu.memory_space<semaphore_mem>>)
      } else {
      }
      %mul3A_161 = arith.constant 4 : i32
      %mul3A_162 = arith.muli %while3A_128, %mul3A_161 : i32
      %add3A_163 = arith.constant 1 : i32
      %add3A_164 = arith.addi %mul3A_162, %add3A_163 : i32
      %add3A_165 = arith.constant 2 : i32
      %add3A_166 = arith.addi %add3A_164, %add3A_165 : i32
      %dma_wait3A_167 = arith.constant 0 : i32
      %dma_wait3A_168 = arith.constant 0 : i32
      %dma_wait3A_169 = tpu.memref_slice %arg2[%dma_wait3A_167, %dma_wait3A_168] : memref<10240x128xf32, #tpu.memory_space<hbm>> -> memref<10240x128xf32, #tpu.memory_space<hbm>>
      tpu.wait_indirect_dma semaphore(%arg20 : memref<!tpu.dma_semaphore, #tpu.memory_space<semaphore_mem>>) src(%dma_wait3A_169 : memref<10240x128xf32, #tpu.memory_space<hbm>>) dst(%arg7 : memref<64x128xf32, #tpu.memory_space<vmem>>)
      %add3A_170 = arith.addi %mul3A_6, %add3A_164 : i32
      %dma_wait3A_171 = arith.constant 0 : i32
      %dma_wait3A_172 = tpu.memref_slice %arg4[%arg1, %add3A_170, %dma_wait3A_171] : memref<16x320x64xi32, #tpu.memory_space<hbm>> -> memref<1x1x64xi32, #tpu.memory_space<hbm>>
      %dma_wait3A_173 = tpu.memref_squeeze %dma_wait3A_172 : memref<1x1x64xi32, #tpu.memory_space<hbm>> -> memref<64xi32, #tpu.memory_space<hbm>>
      %dma_wait3A_174 = arith.constant 0 : i32
      %dma_wait3A_175 = tpu.memref_slice %arg4[%arg1, %add3A_170, %dma_wait3A_174] : memref<16x320x64xi32, #tpu.memory_space<hbm>> -> memref<1x1x64xi32, #tpu.memory_space<hbm>>
      %dma_wait3A_176 = tpu.memref_squeeze %dma_wait3A_175 : memref<1x1x64xi32, #tpu.memory_space<hbm>> -> memref<64xi32, #tpu.memory_space<hbm>>
      tpu.wait_dma2 semaphore(%arg24 : memref<!tpu.dma_semaphore, #tpu.memory_space<semaphore_mem>>) src(%dma_wait3A_176 : memref<64xi32, #tpu.memory_space<hbm>>) dst(%arg11 : memref<64xi32, #tpu.memory_space<vmem>>)
      %dma_start3A_177 = arith.constant 0 : i32
      %dma_start3A_178 = arith.constant 0 : i32
      %dma_start3A_179 = tpu.memref_slice %arg18[%dma_start3A_177, %dma_start3A_178] : memref<10240x128xf32, #tpu.memory_space<vmem_shared>> -> memref<10240x128xf32, #tpu.memory_space<vmem_shared>>
      tpu.enqueue_indirect_dma source(%arg7 : memref<64x128xf32, #tpu.memory_space<vmem>>) target(%dma_start3A_179 : memref<10240x128xf32, #tpu.memory_space<vmem_shared>>) offsets(%arg11 : memref<64xi32, #tpu.memory_space<vmem>>) semaphore(%arg32 : memref<!tpu.dma_semaphore, #tpu.memory_space<semaphore_mem>>) {add = true}
      %add3A_180 = arith.constant 4 : i32
      %add3A_181 = arith.addi %add3A_164, %add3A_180 : i32
      %lt3A_182 = arith.cmpi slt, %add3A_181, %select_n3A : i32
      %convert_element_type3A_183 = arith.extui %lt3A_182 : i1 to i32
      %cond3A_184 = arith.constant 0 : i32
      %cond3A_185 = arith.cmpi ne, %convert_element_type3A_183, %cond3A_184 : i32
      scf.if %cond3A_185 {
        %add3A_269 = arith.addi %mul3A_6, %add3A_164 : i32
        %add3A_270 = arith.constant 4 : i32
        %add3A_271 = arith.addi %add3A_269, %add3A_270 : i32
        %dma_start3A_272 = arith.constant 0 : i32
        %dma_start3A_273 = tpu.memref_slice %arg3[%arg1, %add3A_271, %dma_start3A_272] : memref<16x320x64xi32, #tpu.memory_space<hbm>> -> memref<1x1x64xi32, #tpu.memory_space<hbm>>
        %dma_start3A_274 = tpu.memref_squeeze %dma_start3A_273 : memref<1x1x64xi32, #tpu.memory_space<hbm>> -> memref<64xi32, #tpu.memory_space<hbm>>
        %dma_start3A_275 = arith.constant 0 : i32
        %dma_start3A_276 = tpu.memref_slice %arg3[%arg1, %add3A_271, %dma_start3A_275] : memref<16x320x64xi32, #tpu.memory_space<hbm>> -> memref<1x1x64xi32, #tpu.memory_space<hbm>>
        %dma_start3A_277 = tpu.memref_squeeze %dma_start3A_276 : memref<1x1x64xi32, #tpu.memory_space<hbm>> -> memref<64xi32, #tpu.memory_space<hbm>>
        tpu.enqueue_dma source(%dma_start3A_277 : memref<64xi32, #tpu.memory_space<hbm>>) target(%arg15 : memref<64xi32, #tpu.memory_space<vmem>>) target_semaphore(%arg28 : memref<!tpu.dma_semaphore, #tpu.memory_space<semaphore_mem>>)
      } else {
      }
      %ge3A_186 = arith.constant 4 : i32
      %ge3A_187 = arith.cmpi sge, %add3A_166, %ge3A_186 : i32
      %lt3A_188 = arith.cmpi slt, %add3A_166, %select_n3A : i32
      %and3A_189 = arith.andi %ge3A_187, %lt3A_188 : i1
      %convert_element_type3A_190 = arith.extui %and3A_189 : i1 to i32
      %cond3A_191 = arith.constant 0 : i32
      %cond3A_192 = arith.cmpi ne, %convert_element_type3A_190, %cond3A_191 : i32
      scf.if %cond3A_192 {
        %dma_wait3A_269 = arith.constant 0 : i32
        %dma_wait3A_270 = arith.constant 0 : i32
        %dma_wait3A_271 = tpu.memref_slice %arg18[%dma_wait3A_269, %dma_wait3A_270] : memref<10240x128xf32, #tpu.memory_space<vmem_shared>> -> memref<10240x128xf32, #tpu.memory_space<vmem_shared>>
        tpu.wait_indirect_dma semaphore(%arg34 : memref<!tpu.dma_semaphore, #tpu.memory_space<semaphore_mem>>) src(%arg9 : memref<64x128xf32, #tpu.memory_space<vmem>>) dst(%dma_wait3A_271 : memref<10240x128xf32, #tpu.memory_space<vmem_shared>>)
      } else {
      }
      %lt3A_193 = arith.cmpi slt, %add3A_166, %select_n3A : i32
      %convert_element_type3A_194 = arith.extui %lt3A_193 : i1 to i32
      %cond3A_195 = arith.constant 0 : i32
      %cond3A_196 = arith.cmpi ne, %convert_element_type3A_194, %cond3A_195 : i32
      scf.if %cond3A_196 {
        %add3A_269 = arith.addi %mul3A_6, %add3A_166 : i32
        %dma_wait3A_270 = arith.constant 0 : i32
        %dma_wait3A_271 = tpu.memref_slice %arg3[%arg1, %add3A_269, %dma_wait3A_270] : memref<16x320x64xi32, #tpu.memory_space<hbm>> -> memref<1x1x64xi32, #tpu.memory_space<hbm>>
        %dma_wait3A_272 = tpu.memref_squeeze %dma_wait3A_271 : memref<1x1x64xi32, #tpu.memory_space<hbm>> -> memref<64xi32, #tpu.memory_space<hbm>>
        %dma_wait3A_273 = arith.constant 0 : i32
        %dma_wait3A_274 = tpu.memref_slice %arg3[%arg1, %add3A_269, %dma_wait3A_273] : memref<16x320x64xi32, #tpu.memory_space<hbm>> -> memref<1x1x64xi32, #tpu.memory_space<hbm>>
        %dma_wait3A_275 = tpu.memref_squeeze %dma_wait3A_274 : memref<1x1x64xi32, #tpu.memory_space<hbm>> -> memref<64xi32, #tpu.memory_space<hbm>>
        tpu.wait_dma2 semaphore(%arg30 : memref<!tpu.dma_semaphore, #tpu.memory_space<semaphore_mem>>) src(%dma_wait3A_275 : memref<64xi32, #tpu.memory_space<hbm>>) dst(%arg17 : memref<64xi32, #tpu.memory_space<vmem>>)
        %dma_start3A_276 = arith.constant 0 : i32
        %dma_start3A_277 = arith.constant 0 : i32
        %dma_start3A_278 = tpu.memref_slice %arg2[%dma_start3A_276, %dma_start3A_277] : memref<10240x128xf32, #tpu.memory_space<hbm>> -> memref<10240x128xf32, #tpu.memory_space<hbm>>
        tpu.enqueue_indirect_dma source(%dma_start3A_278 : memref<10240x128xf32, #tpu.memory_space<hbm>>) target(%arg9 : memref<64x128xf32, #tpu.memory_space<vmem>>) offsets(%arg17 : memref<64xi32, #tpu.memory_space<vmem>>) semaphore(%arg22 : memref<!tpu.dma_semaphore, #tpu.memory_space<semaphore_mem>>)
        %add3A_279 = arith.addi %mul3A_6, %add3A_166 : i32
        %dma_start3A_280 = arith.constant 0 : i32
        %dma_start3A_281 = tpu.memref_slice %arg4[%arg1, %add3A_279, %dma_start3A_280] : memref<16x320x64xi32, #tpu.memory_space<hbm>> -> memref<1x1x64xi32, #tpu.memory_space<hbm>>
        %dma_start3A_282 = tpu.memref_squeeze %dma_start3A_281 : memref<1x1x64xi32, #tpu.memory_space<hbm>> -> memref<64xi32, #tpu.memory_space<hbm>>
        %dma_start3A_283 = arith.constant 0 : i32
        %dma_start3A_284 = tpu.memref_slice %arg4[%arg1, %add3A_279, %dma_start3A_283] : memref<16x320x64xi32, #tpu.memory_space<hbm>> -> memref<1x1x64xi32, #tpu.memory_space<hbm>>
        %dma_start3A_285 = tpu.memref_squeeze %dma_start3A_284 : memref<1x1x64xi32, #tpu.memory_space<hbm>> -> memref<64xi32, #tpu.memory_space<hbm>>
        tpu.enqueue_dma source(%dma_start3A_285 : memref<64xi32, #tpu.memory_space<hbm>>) target(%arg13 : memref<64xi32, #tpu.memory_space<vmem>>) target_semaphore(%arg26 : memref<!tpu.dma_semaphore, #tpu.memory_space<semaphore_mem>>)
      } else {
      }
      %mul3A_197 = arith.constant 4 : i32
      %mul3A_198 = arith.muli %while3A_128, %mul3A_197 : i32
      %add3A_199 = arith.constant 2 : i32
      %add3A_200 = arith.addi %mul3A_198, %add3A_199 : i32
      %add3A_201 = arith.constant 2 : i32
      %add3A_202 = arith.addi %add3A_200, %add3A_201 : i32
      %dma_wait3A_203 = arith.constant 0 : i32
      %dma_wait3A_204 = arith.constant 0 : i32
      %dma_wait3A_205 = tpu.memref_slice %arg2[%dma_wait3A_203, %dma_wait3A_204] : memref<10240x128xf32, #tpu.memory_space<hbm>> -> memref<10240x128xf32, #tpu.memory_space<hbm>>
      tpu.wait_indirect_dma semaphore(%arg21 : memref<!tpu.dma_semaphore, #tpu.memory_space<semaphore_mem>>) src(%dma_wait3A_205 : memref<10240x128xf32, #tpu.memory_space<hbm>>) dst(%arg8 : memref<64x128xf32, #tpu.memory_space<vmem>>)
      %add3A_206 = arith.addi %mul3A_6, %add3A_200 : i32
      %dma_wait3A_207 = arith.constant 0 : i32
      %dma_wait3A_208 = tpu.memref_slice %arg4[%arg1, %add3A_206, %dma_wait3A_207] : memref<16x320x64xi32, #tpu.memory_space<hbm>> -> memref<1x1x64xi32, #tpu.memory_space<hbm>>
      %dma_wait3A_209 = tpu.memref_squeeze %dma_wait3A_208 : memref<1x1x64xi32, #tpu.memory_space<hbm>> -> memref<64xi32, #tpu.memory_space<hbm>>
      %dma_wait3A_210 = arith.constant 0 : i32
      %dma_wait3A_211 = tpu.memref_slice %arg4[%arg1, %add3A_206, %dma_wait3A_210] : memref<16x320x64xi32, #tpu.memory_space<hbm>> -> memref<1x1x64xi32, #tpu.memory_space<hbm>>
      %dma_wait3A_212 = tpu.memref_squeeze %dma_wait3A_211 : memref<1x1x64xi32, #tpu.memory_space<hbm>> -> memref<64xi32, #tpu.memory_space<hbm>>
      tpu.wait_dma2 semaphore(%arg25 : memref<!tpu.dma_semaphore, #tpu.memory_space<semaphore_mem>>) src(%dma_wait3A_212 : memref<64xi32, #tpu.memory_space<hbm>>) dst(%arg12 : memref<64xi32, #tpu.memory_space<vmem>>)
      %dma_start3A_213 = arith.constant 0 : i32
      %dma_start3A_214 = arith.constant 0 : i32
      %dma_start3A_215 = tpu.memref_slice %arg18[%dma_start3A_213, %dma_start3A_214] : memref<10240x128xf32, #tpu.memory_space<vmem_shared>> -> memref<10240x128xf32, #tpu.memory_space<vmem_shared>>
      tpu.enqueue_indirect_dma source(%arg8 : memref<64x128xf32, #tpu.memory_space<vmem>>) target(%dma_start3A_215 : memref<10240x128xf32, #tpu.memory_space<vmem_shared>>) offsets(%arg12 : memref<64xi32, #tpu.memory_space<vmem>>) semaphore(%arg33 : memref<!tpu.dma_semaphore, #tpu.memory_space<semaphore_mem>>) {add = true}
      %add3A_216 = arith.constant 4 : i32
      %add3A_217 = arith.addi %add3A_200, %add3A_216 : i32
      %lt3A_218 = arith.cmpi slt, %add3A_217, %select_n3A : i32
      %convert_element_type3A_219 = arith.extui %lt3A_218 : i1 to i32
      %cond3A_220 = arith.constant 0 : i32
      %cond3A_221 = arith.cmpi ne, %convert_element_type3A_219, %cond3A_220 : i32
      scf.if %cond3A_221 {
        %add3A_269 = arith.addi %mul3A_6, %add3A_200 : i32
        %add3A_270 = arith.constant 4 : i32
        %add3A_271 = arith.addi %add3A_269, %add3A_270 : i32
        %dma_start3A_272 = arith.constant 0 : i32
        %dma_start3A_273 = tpu.memref_slice %arg3[%arg1, %add3A_271, %dma_start3A_272] : memref<16x320x64xi32, #tpu.memory_space<hbm>> -> memref<1x1x64xi32, #tpu.memory_space<hbm>>
        %dma_start3A_274 = tpu.memref_squeeze %dma_start3A_273 : memref<1x1x64xi32, #tpu.memory_space<hbm>> -> memref<64xi32, #tpu.memory_space<hbm>>
        %dma_start3A_275 = arith.constant 0 : i32
        %dma_start3A_276 = tpu.memref_slice %arg3[%arg1, %add3A_271, %dma_start3A_275] : memref<16x320x64xi32, #tpu.memory_space<hbm>> -> memref<1x1x64xi32, #tpu.memory_space<hbm>>
        %dma_start3A_277 = tpu.memref_squeeze %dma_start3A_276 : memref<1x1x64xi32, #tpu.memory_space<hbm>> -> memref<64xi32, #tpu.memory_space<hbm>>
        tpu.enqueue_dma source(%dma_start3A_277 : memref<64xi32, #tpu.memory_space<hbm>>) target(%arg16 : memref<64xi32, #tpu.memory_space<vmem>>) target_semaphore(%arg29 : memref<!tpu.dma_semaphore, #tpu.memory_space<semaphore_mem>>)
      } else {
      }
      %ge3A_222 = arith.constant 4 : i32
      %ge3A_223 = arith.cmpi sge, %add3A_202, %ge3A_222 : i32
      %lt3A_224 = arith.cmpi slt, %add3A_202, %select_n3A : i32
      %and3A_225 = arith.andi %ge3A_223, %lt3A_224 : i1
      %convert_element_type3A_226 = arith.extui %and3A_225 : i1 to i32
      %cond3A_227 = arith.constant 0 : i32
      %cond3A_228 = arith.cmpi ne, %convert_element_type3A_226, %cond3A_227 : i32
      scf.if %cond3A_228 {
        %dma_wait3A_269 = arith.constant 0 : i32
        %dma_wait3A_270 = arith.constant 0 : i32
        %dma_wait3A_271 = tpu.memref_slice %arg18[%dma_wait3A_269, %dma_wait3A_270] : memref<10240x128xf32, #tpu.memory_space<vmem_shared>> -> memref<10240x128xf32, #tpu.memory_space<vmem_shared>>
        tpu.wait_indirect_dma semaphore(%arg31 : memref<!tpu.dma_semaphore, #tpu.memory_space<semaphore_mem>>) src(%arg6 : memref<64x128xf32, #tpu.memory_space<vmem>>) dst(%dma_wait3A_271 : memref<10240x128xf32, #tpu.memory_space<vmem_shared>>)
      } else {
      }
      %lt3A_229 = arith.cmpi slt, %add3A_202, %select_n3A : i32
      %convert_element_type3A_230 = arith.extui %lt3A_229 : i1 to i32
      %cond3A_231 = arith.constant 0 : i32
      %cond3A_232 = arith.cmpi ne, %convert_element_type3A_230, %cond3A_231 : i32
      scf.if %cond3A_232 {
        %add3A_269 = arith.addi %mul3A_6, %add3A_202 : i32
        %dma_wait3A_270 = arith.constant 0 : i32
        %dma_wait3A_271 = tpu.memref_slice %arg3[%arg1, %add3A_269, %dma_wait3A_270] : memref<16x320x64xi32, #tpu.memory_space<hbm>> -> memref<1x1x64xi32, #tpu.memory_space<hbm>>
        %dma_wait3A_272 = tpu.memref_squeeze %dma_wait3A_271 : memref<1x1x64xi32, #tpu.memory_space<hbm>> -> memref<64xi32, #tpu.memory_space<hbm>>
        %dma_wait3A_273 = arith.constant 0 : i32
        %dma_wait3A_274 = tpu.memref_slice %arg3[%arg1, %add3A_269, %dma_wait3A_273] : memref<16x320x64xi32, #tpu.memory_space<hbm>> -> memref<1x1x64xi32, #tpu.memory_space<hbm>>
        %dma_wait3A_275 = tpu.memref_squeeze %dma_wait3A_274 : memref<1x1x64xi32, #tpu.memory_space<hbm>> -> memref<64xi32, #tpu.memory_space<hbm>>
        tpu.wait_dma2 semaphore(%arg27 : memref<!tpu.dma_semaphore, #tpu.memory_space<semaphore_mem>>) src(%dma_wait3A_275 : memref<64xi32, #tpu.memory_space<hbm>>) dst(%arg14 : memref<64xi32, #tpu.memory_space<vmem>>)
        %dma_start3A_276 = arith.constant 0 : i32
        %dma_start3A_277 = arith.constant 0 : i32
        %dma_start3A_278 = tpu.memref_slice %arg2[%dma_start3A_276, %dma_start3A_277] : memref<10240x128xf32, #tpu.memory_space<hbm>> -> memref<10240x128xf32, #tpu.memory_space<hbm>>
        tpu.enqueue_indirect_dma source(%dma_start3A_278 : memref<10240x128xf32, #tpu.memory_space<hbm>>) target(%arg6 : memref<64x128xf32, #tpu.memory_space<vmem>>) offsets(%arg14 : memref<64xi32, #tpu.memory_space<vmem>>) semaphore(%arg19 : memref<!tpu.dma_semaphore, #tpu.memory_space<semaphore_mem>>)
        %add3A_279 = arith.addi %mul3A_6, %add3A_202 : i32
        %dma_start3A_280 = arith.constant 0 : i32
        %dma_start3A_281 = tpu.memref_slice %arg4[%arg1, %add3A_279, %dma_start3A_280] : memref<16x320x64xi32, #tpu.memory_space<hbm>> -> memref<1x1x64xi32, #tpu.memory_space<hbm>>
        %dma_start3A_282 = tpu.memref_squeeze %dma_start3A_281 : memref<1x1x64xi32, #tpu.memory_space<hbm>> -> memref<64xi32, #tpu.memory_space<hbm>>
        %dma_start3A_283 = arith.constant 0 : i32
        %dma_start3A_284 = tpu.memref_slice %arg4[%arg1, %add3A_279, %dma_start3A_283] : memref<16x320x64xi32, #tpu.memory_space<hbm>> -> memref<1x1x64xi32, #tpu.memory_space<hbm>>
        %dma_start3A_285 = tpu.memref_squeeze %dma_start3A_284 : memref<1x1x64xi32, #tpu.memory_space<hbm>> -> memref<64xi32, #tpu.memory_space<hbm>>
        tpu.enqueue_dma source(%dma_start3A_285 : memref<64xi32, #tpu.memory_space<hbm>>) target(%arg10 : memref<64xi32, #tpu.memory_space<vmem>>) target_semaphore(%arg23 : memref<!tpu.dma_semaphore, #tpu.memory_space<semaphore_mem>>)
      } else {
      }
      %mul3A_233 = arith.constant 4 : i32
      %mul3A_234 = arith.muli %while3A_128, %mul3A_233 : i32
      %add3A_235 = arith.constant 3 : i32
      %add3A_236 = arith.addi %mul3A_234, %add3A_235 : i32
      %add3A_237 = arith.constant 2 : i32
      %add3A_238 = arith.addi %add3A_236, %add3A_237 : i32
      %dma_wait3A_239 = arith.constant 0 : i32
      %dma_wait3A_240 = arith.constant 0 : i32
      %dma_wait3A_241 = tpu.memref_slice %arg2[%dma_wait3A_239, %dma_wait3A_240] : memref<10240x128xf32, #tpu.memory_space<hbm>> -> memref<10240x128xf32, #tpu.memory_space<hbm>>
      tpu.wait_indirect_dma semaphore(%arg22 : memref<!tpu.dma_semaphore, #tpu.memory_space<semaphore_mem>>) src(%dma_wait3A_241 : memref<10240x128xf32, #tpu.memory_space<hbm>>) dst(%arg9 : memref<64x128xf32, #tpu.memory_space<vmem>>)
      %add3A_242 = arith.addi %mul3A_6, %add3A_236 : i32
      %dma_wait3A_243 = arith.constant 0 : i32
      %dma_wait3A_244 = tpu.memref_slice %arg4[%arg1, %add3A_242, %dma_wait3A_243] : memref<16x320x64xi32, #tpu.memory_space<hbm>> -> memref<1x1x64xi32, #tpu.memory_space<hbm>>
      %dma_wait3A_245 = tpu.memref_squeeze %dma_wait3A_244 : memref<1x1x64xi32, #tpu.memory_space<hbm>> -> memref<64xi32, #tpu.memory_space<hbm>>
      %dma_wait3A_246 = arith.constant 0 : i32
      %dma_wait3A_247 = tpu.memref_slice %arg4[%arg1, %add3A_242, %dma_wait3A_246] : memref<16x320x64xi32, #tpu.memory_space<hbm>> -> memref<1x1x64xi32, #tpu.memory_space<hbm>>
      %dma_wait3A_248 = tpu.memref_squeeze %dma_wait3A_247 : memref<1x1x64xi32, #tpu.memory_space<hbm>> -> memref<64xi32, #tpu.memory_space<hbm>>
      tpu.wait_dma2 semaphore(%arg26 : memref<!tpu.dma_semaphore, #tpu.memory_space<semaphore_mem>>) src(%dma_wait3A_248 : memref<64xi32, #tpu.memory_space<hbm>>) dst(%arg13 : memref<64xi32, #tpu.memory_space<vmem>>)
      %dma_start3A_249 = arith.constant 0 : i32
      %dma_start3A_250 = arith.constant 0 : i32
      %dma_start3A_251 = tpu.memref_slice %arg18[%dma_start3A_249, %dma_start3A_250] : memref<10240x128xf32, #tpu.memory_space<vmem_shared>> -> memref<10240x128xf32, #tpu.memory_space<vmem_shared>>
      tpu.enqueue_indirect_dma source(%arg9 : memref<64x128xf32, #tpu.memory_space<vmem>>) target(%dma_start3A_251 : memref<10240x128xf32, #tpu.memory_space<vmem_shared>>) offsets(%arg13 : memref<64xi32, #tpu.memory_space<vmem>>) semaphore(%arg34 : memref<!tpu.dma_semaphore, #tpu.memory_space<semaphore_mem>>) {add = true}
      %add3A_252 = arith.constant 4 : i32
      %add3A_253 = arith.addi %add3A_236, %add3A_252 : i32
      %lt3A_254 = arith.cmpi slt, %add3A_253, %select_n3A : i32
      %convert_element_type3A_255 = arith.extui %lt3A_254 : i1 to i32
      %cond3A_256 = arith.constant 0 : i32
      %cond3A_257 = arith.cmpi ne, %convert_element_type3A_255, %cond3A_256 : i32
      scf.if %cond3A_257 {
        %add3A_269 = arith.addi %mul3A_6, %add3A_236 : i32
        %add3A_270 = arith.constant 4 : i32
        %add3A_271 = arith.addi %add3A_269, %add3A_270 : i32
        %dma_start3A_272 = arith.constant 0 : i32
        %dma_start3A_273 = tpu.memref_slice %arg3[%arg1, %add3A_271, %dma_start3A_272] : memref<16x320x64xi32, #tpu.memory_space<hbm>> -> memref<1x1x64xi32, #tpu.memory_space<hbm>>
        %dma_start3A_274 = tpu.memref_squeeze %dma_start3A_273 : memref<1x1x64xi32, #tpu.memory_space<hbm>> -> memref<64xi32, #tpu.memory_space<hbm>>
        %dma_start3A_275 = arith.constant 0 : i32
        %dma_start3A_276 = tpu.memref_slice %arg3[%arg1, %add3A_271, %dma_start3A_275] : memref<16x320x64xi32, #tpu.memory_space<hbm>> -> memref<1x1x64xi32, #tpu.memory_space<hbm>>
        %dma_start3A_277 = tpu.memref_squeeze %dma_start3A_276 : memref<1x1x64xi32, #tpu.memory_space<hbm>> -> memref<64xi32, #tpu.memory_space<hbm>>
        tpu.enqueue_dma source(%dma_start3A_277 : memref<64xi32, #tpu.memory_space<hbm>>) target(%arg17 : memref<64xi32, #tpu.memory_space<vmem>>) target_semaphore(%arg30 : memref<!tpu.dma_semaphore, #tpu.memory_space<semaphore_mem>>)
      } else {
      }
      %ge3A_258 = arith.constant 4 : i32
      %ge3A_259 = arith.cmpi sge, %add3A_238, %ge3A_258 : i32
      %lt3A_260 = arith.cmpi slt, %add3A_238, %select_n3A : i32
      %and3A_261 = arith.andi %ge3A_259, %lt3A_260 : i1
      %convert_element_type3A_262 = arith.extui %and3A_261 : i1 to i32
      %cond3A_263 = arith.constant 0 : i32
      %cond3A_264 = arith.cmpi ne, %convert_element_type3A_262, %cond3A_263 : i32
      scf.if %cond3A_264 {
        %dma_wait3A_269 = arith.constant 0 : i32
        %dma_wait3A_270 = arith.constant 0 : i32
        %dma_wait3A_271 = tpu.memref_slice %arg18[%dma_wait3A_269, %dma_wait3A_270] : memref<10240x128xf32, #tpu.memory_space<vmem_shared>> -> memref<10240x128xf32, #tpu.memory_space<vmem_shared>>
        tpu.wait_indirect_dma semaphore(%arg32 : memref<!tpu.dma_semaphore, #tpu.memory_space<semaphore_mem>>) src(%arg7 : memref<64x128xf32, #tpu.memory_space<vmem>>) dst(%dma_wait3A_271 : memref<10240x128xf32, #tpu.memory_space<vmem_shared>>)
      } else {
      }
      %lt3A_265 = arith.cmpi slt, %add3A_238, %select_n3A : i32
      %convert_element_type3A_266 = arith.extui %lt3A_265 : i1 to i32
      %cond3A_267 = arith.constant 0 : i32
      %cond3A_268 = arith.cmpi ne, %convert_element_type3A_266, %cond3A_267 : i32
      scf.if %cond3A_268 {
        %add3A_269 = arith.addi %mul3A_6, %add3A_238 : i32
        %dma_wait3A_270 = arith.constant 0 : i32
        %dma_wait3A_271 = tpu.memref_slice %arg3[%arg1, %add3A_269, %dma_wait3A_270] : memref<16x320x64xi32, #tpu.memory_space<hbm>> -> memref<1x1x64xi32, #tpu.memory_space<hbm>>
        %dma_wait3A_272 = tpu.memref_squeeze %dma_wait3A_271 : memref<1x1x64xi32, #tpu.memory_space<hbm>> -> memref<64xi32, #tpu.memory_space<hbm>>
        %dma_wait3A_273 = arith.constant 0 : i32
        %dma_wait3A_274 = tpu.memref_slice %arg3[%arg1, %add3A_269, %dma_wait3A_273] : memref<16x320x64xi32, #tpu.memory_space<hbm>> -> memref<1x1x64xi32, #tpu.memory_space<hbm>>
        %dma_wait3A_275 = tpu.memref_squeeze %dma_wait3A_274 : memref<1x1x64xi32, #tpu.memory_space<hbm>> -> memref<64xi32, #tpu.memory_space<hbm>>
        tpu.wait_dma2 semaphore(%arg28 : memref<!tpu.dma_semaphore, #tpu.memory_space<semaphore_mem>>) src(%dma_wait3A_275 : memref<64xi32, #tpu.memory_space<hbm>>) dst(%arg15 : memref<64xi32, #tpu.memory_space<vmem>>)
        %dma_start3A_276 = arith.constant 0 : i32
        %dma_start3A_277 = arith.constant 0 : i32
        %dma_start3A_278 = tpu.memref_slice %arg2[%dma_start3A_276, %dma_start3A_277] : memref<10240x128xf32, #tpu.memory_space<hbm>> -> memref<10240x128xf32, #tpu.memory_space<hbm>>
        tpu.enqueue_indirect_dma source(%dma_start3A_278 : memref<10240x128xf32, #tpu.memory_space<hbm>>) target(%arg7 : memref<64x128xf32, #tpu.memory_space<vmem>>) offsets(%arg15 : memref<64xi32, #tpu.memory_space<vmem>>) semaphore(%arg20 : memref<!tpu.dma_semaphore, #tpu.memory_space<semaphore_mem>>)
        %add3A_279 = arith.addi %mul3A_6, %add3A_238 : i32
        %dma_start3A_280 = arith.constant 0 : i32
        %dma_start3A_281 = tpu.memref_slice %arg4[%arg1, %add3A_279, %dma_start3A_280] : memref<16x320x64xi32, #tpu.memory_space<hbm>> -> memref<1x1x64xi32, #tpu.memory_space<hbm>>
        %dma_start3A_282 = tpu.memref_squeeze %dma_start3A_281 : memref<1x1x64xi32, #tpu.memory_space<hbm>> -> memref<64xi32, #tpu.memory_space<hbm>>
        %dma_start3A_283 = arith.constant 0 : i32
        %dma_start3A_284 = tpu.memref_slice %arg4[%arg1, %add3A_279, %dma_start3A_283] : memref<16x320x64xi32, #tpu.memory_space<hbm>> -> memref<1x1x64xi32, #tpu.memory_space<hbm>>
        %dma_start3A_285 = tpu.memref_squeeze %dma_start3A_284 : memref<1x1x64xi32, #tpu.memory_space<hbm>> -> memref<64xi32, #tpu.memory_space<hbm>>
        tpu.enqueue_dma source(%dma_start3A_285 : memref<64xi32, #tpu.memory_space<hbm>>) target(%arg11 : memref<64xi32, #tpu.memory_space<vmem>>) target_semaphore(%arg24 : memref<!tpu.dma_semaphore, #tpu.memory_space<semaphore_mem>>)
      } else {
      }
    }
    %dma_wait3A_110 = arith.constant 0 : i32
    %dma_wait3A_111 = arith.constant 0 : i32
    %dma_wait3A_112 = tpu.memref_slice %arg18[%dma_wait3A_110, %dma_wait3A_111] : memref<10240x128xf32, #tpu.memory_space<vmem_shared>> -> memref<10240x128xf32, #tpu.memory_space<vmem_shared>>
    tpu.wait_indirect_dma semaphore(%arg31 : memref<!tpu.dma_semaphore, #tpu.memory_space<semaphore_mem>>) src(%arg6 : memref<64x128xf32, #tpu.memory_space<vmem>>) dst(%dma_wait3A_112 : memref<10240x128xf32, #tpu.memory_space<vmem_shared>>)
    %dma_wait3A_113 = arith.constant 0 : i32
    %dma_wait3A_114 = arith.constant 0 : i32
    %dma_wait3A_115 = tpu.memref_slice %arg18[%dma_wait3A_113, %dma_wait3A_114] : memref<10240x128xf32, #tpu.memory_space<vmem_shared>> -> memref<10240x128xf32, #tpu.memory_space<vmem_shared>>
    tpu.wait_indirect_dma semaphore(%arg32 : memref<!tpu.dma_semaphore, #tpu.memory_space<semaphore_mem>>) src(%arg7 : memref<64x128xf32, #tpu.memory_space<vmem>>) dst(%dma_wait3A_115 : memref<10240x128xf32, #tpu.memory_space<vmem_shared>>)
    %dma_wait3A_116 = arith.constant 0 : i32
    %dma_wait3A_117 = arith.constant 0 : i32
    %dma_wait3A_118 = tpu.memref_slice %arg18[%dma_wait3A_116, %dma_wait3A_117] : memref<10240x128xf32, #tpu.memory_space<vmem_shared>> -> memref<10240x128xf32, #tpu.memory_space<vmem_shared>>
    tpu.wait_indirect_dma semaphore(%arg33 : memref<!tpu.dma_semaphore, #tpu.memory_space<semaphore_mem>>) src(%arg8 : memref<64x128xf32, #tpu.memory_space<vmem>>) dst(%dma_wait3A_118 : memref<10240x128xf32, #tpu.memory_space<vmem_shared>>)
    %dma_wait3A_119 = arith.constant 0 : i32
    %dma_wait3A_120 = arith.constant 0 : i32
    %dma_wait3A_121 = tpu.memref_slice %arg18[%dma_wait3A_119, %dma_wait3A_120] : memref<10240x128xf32, #tpu.memory_space<vmem_shared>> -> memref<10240x128xf32, #tpu.memory_space<vmem_shared>>
    tpu.wait_indirect_dma semaphore(%arg34 : memref<!tpu.dma_semaphore, #tpu.memory_space<semaphore_mem>>) src(%arg9 : memref<64x128xf32, #tpu.memory_space<vmem>>) dst(%dma_wait3A_121 : memref<10240x128xf32, #tpu.memory_space<vmem_shared>>)
    %barrier3A_122 = arith.constant 0 : index
    tpu.barrier barrier_id(%barrier3A_122)
    %scan3A_123 = arith.constant 0 : i32
    %scan3A_124 = arith.constant 10 : i32
    %scan3A_125 = arith.addi %scan3A_123, %scan3A_124 : i32
    %scan3A_126 = arith.constant 1 : i32
    scf.for %scan3A_128 = %scan3A_123 to %scan3A_125 step %scan3A_126  : i32 {
      %mul3A_129 = arith.constant 64 : i32
      %mul3A_130 = arith.muli %scan3A_128, %mul3A_129 : i32
      %add3A_131 = arith.addi %mul3A_2, %mul3A_130 : i32
      "tpu.region"() ({
        %run_scoped3A = tpu.sem_alloc : memref<!tpu.dma_semaphore, #tpu.memory_space<semaphore_mem>>
        %dma_start3A_132 = arith.constant 0 : i32
        %dma_start3A_133 = tpu.memref_slice %arg18[%add3A_131, %dma_start3A_132] : memref<10240x128xf32, #tpu.memory_space<vmem_shared>> -> memref<64x128xf32, #tpu.memory_space<vmem_shared>>
        %dma_start3A_134 = arith.constant 0 : i32
        %dma_start3A_135 = tpu.memref_slice %arg18[%add3A_131, %dma_start3A_134] : memref<10240x128xf32, #tpu.memory_space<vmem_shared>> -> memref<64x128xf32, #tpu.memory_space<vmem_shared>>
        tpu.enqueue_dma source(%dma_start3A_135 : memref<64x128xf32, #tpu.memory_space<vmem_shared>>) target(%arg6 : memref<64x128xf32, #tpu.memory_space<vmem>>) target_semaphore(%run_scoped3A : memref<!tpu.dma_semaphore, #tpu.memory_space<semaphore_mem>>)
        %dma_wait3A_136 = arith.constant 0 : i32
        %dma_wait3A_137 = tpu.memref_slice %arg18[%add3A_131, %dma_wait3A_136] : memref<10240x128xf32, #tpu.memory_space<vmem_shared>> -> memref<64x128xf32, #tpu.memory_space<vmem_shared>>
        %dma_wait3A_138 = arith.constant 0 : i32
        %dma_wait3A_139 = tpu.memref_slice %arg18[%add3A_131, %dma_wait3A_138] : memref<10240x128xf32, #tpu.memory_space<vmem_shared>> -> memref<64x128xf32, #tpu.memory_space<vmem_shared>>
        tpu.wait_dma2 semaphore(%run_scoped3A : memref<!tpu.dma_semaphore, #tpu.memory_space<semaphore_mem>>) src(%dma_wait3A_139 : memref<64x128xf32, #tpu.memory_space<vmem_shared>>) dst(%arg6 : memref<64x128xf32, #tpu.memory_space<vmem>>)
        tpu.yield
      }) : () -> ()
      "tpu.region"() ({
        %run_scoped3A = tpu.sem_alloc : memref<!tpu.dma_semaphore, #tpu.memory_space<semaphore_mem>>
        %dma_start3A_132 = arith.constant 0 : i32
        %dma_start3A_133 = tpu.memref_slice %arg5[%arg0, %add3A_131, %dma_start3A_132] : memref<2x10240x128xf32, #tpu.memory_space<hbm>> -> memref<1x64x128xf32, #tpu.memory_space<hbm>>
        %dma_start3A_134 = tpu.memref_squeeze %dma_start3A_133 : memref<1x64x128xf32, #tpu.memory_space<hbm>> -> memref<64x128xf32, #tpu.memory_space<hbm>>
        %dma_start3A_135 = arith.constant 0 : i32
        %dma_start3A_136 = tpu.memref_slice %arg5[%arg0, %add3A_131, %dma_start3A_135] : memref<2x10240x128xf32, #tpu.memory_space<hbm>> -> memref<1x64x128xf32, #tpu.memory_space<hbm>>
        %dma_start3A_137 = tpu.memref_squeeze %dma_start3A_136 : memref<1x64x128xf32, #tpu.memory_space<hbm>> -> memref<64x128xf32, #tpu.memory_space<hbm>>
        tpu.enqueue_dma source(%arg6 : memref<64x128xf32, #tpu.memory_space<vmem>>) target(%dma_start3A_137 : memref<64x128xf32, #tpu.memory_space<hbm>>) target_semaphore(%run_scoped3A : memref<!tpu.dma_semaphore, #tpu.memory_space<semaphore_mem>>)
        %dma_wait3A_138 = arith.constant 0 : i32
        %dma_wait3A_139 = tpu.memref_slice %arg5[%arg0, %add3A_131, %dma_wait3A_138] : memref<2x10240x128xf32, #tpu.memory_space<hbm>> -> memref<1x64x128xf32, #tpu.memory_space<hbm>>
        %dma_wait3A_140 = tpu.memref_squeeze %dma_wait3A_139 : memref<1x64x128xf32, #tpu.memory_space<hbm>> -> memref<64x128xf32, #tpu.memory_space<hbm>>
        %dma_wait3A_141 = arith.constant 0 : i32
        %dma_wait3A_142 = tpu.memref_slice %arg5[%arg0, %add3A_131, %dma_wait3A_141] : memref<2x10240x128xf32, #tpu.memory_space<hbm>> -> memref<1x64x128xf32, #tpu.memory_space<hbm>>
        %dma_wait3A_143 = tpu.memref_squeeze %dma_wait3A_142 : memref<1x64x128xf32, #tpu.memory_space<hbm>> -> memref<64x128xf32, #tpu.memory_space<hbm>>
        tpu.wait_dma2 semaphore(%run_scoped3A : memref<!tpu.dma_semaphore, #tpu.memory_space<semaphore_mem>>) src(%arg6 : memref<64x128xf32, #tpu.memory_space<vmem>>) dst(%dma_wait3A_143 : memref<64x128xf32, #tpu.memory_space<hbm>>)
        tpu.yield
      }) : () -> ()
    }
    %scan3A_127 = arith.constant 10 : i32
    return
  }
}

#map = affine_map<(d0, d1) -> (0, 0)>
#map1 = affine_map<(d0, d1) -> (0, 0, 0)>
module attributes {stable_mosaic.version = 14 : i64} {
  func.func @agg(%arg0: i32, %arg1: i32, %arg2: memref<10240x128xf32, #tpu.memory_space<hbm>>, %arg3: memref<16x320x64xi32, #tpu.memory_space<hbm>>, %arg4: memref<16x320x64xi32, #tpu.memory_space<hbm>>, %arg5: memref<2x10240x128xf32, #tpu.memory_space<hbm>>, %arg6: memref<64x128xf32, #tpu.memory_space<vmem>>, %arg7: memref<64x128xf32, #tpu.memory_space<vmem>>, %arg8: memref<64x128xf32, #tpu.memory_space<vmem>>, %arg9: memref<64x128xf32, #tpu.memory_space<vmem>>, %arg10: memref<64xi32, #tpu.memory_space<vmem>>, %arg11: memref<64xi32, #tpu.memory_space<vmem>>, %arg12: memref<64xi32, #tpu.memory_space<vmem>>, %arg13: memref<64xi32, #tpu.memory_space<vmem>>, %arg14: memref<64xi32, #tpu.memory_space<vmem>>, %arg15: memref<64xi32, #tpu.memory_space<vmem>>, %arg16: memref<64xi32, #tpu.memory_space<vmem>>, %arg17: memref<64xi32, #tpu.memory_space<vmem>>, %arg18: memref<10240x128xf32, #tpu.memory_space<vmem_shared>>, %arg19: memref<!tpu.dma_semaphore, #tpu.memory_space<semaphore_mem>>, %arg20: memref<!tpu.dma_semaphore, #tpu.memory_space<semaphore_mem>>, %arg21: memref<!tpu.dma_semaphore, #tpu.memory_space<semaphore_mem>>, %arg22: memref<!tpu.dma_semaphore, #tpu.memory_space<semaphore_mem>>, %arg23: memref<!tpu.dma_semaphore, #tpu.memory_space<semaphore_mem>>, %arg24: memref<!tpu.dma_semaphore, #tpu.memory_space<semaphore_mem>>, %arg25: memref<!tpu.dma_semaphore, #tpu.memory_space<semaphore_mem>>, %arg26: memref<!tpu.dma_semaphore, #tpu.memory_space<semaphore_mem>>, %arg27: memref<!tpu.dma_semaphore, #tpu.memory_space<semaphore_mem>>, %arg28: memref<!tpu.dma_semaphore, #tpu.memory_space<semaphore_mem>>, %arg29: memref<!tpu.dma_semaphore, #tpu.memory_space<semaphore_mem>>, %arg30: memref<!tpu.dma_semaphore, #tpu.memory_space<semaphore_mem>>, %arg31: memref<!tpu.dma_semaphore, #tpu.memory_space<semaphore_mem>>, %arg32: memref<!tpu.dma_semaphore, #tpu.memory_space<semaphore_mem>>, %arg33: memref<!tpu.dma_semaphore, #tpu.memory_space<semaphore_mem>>, %arg34: memref<!tpu.dma_semaphore, #tpu.memory_space<semaphore_mem>>) attributes {dimension_semantics = [#tpu.dimension_semantics<core_parallel>, #tpu.dimension_semantics<subcore_parallel>], iteration_bounds = array<i64: 2, 16>, scalar_prefetch = 0 : i64, scratch_operands = 29 : i64, tpu.core_type = #tpu.core_type<sc_vector_subcore>, window_params = [{transform_indices = #map}, {transform_indices = #map1}, {transform_indices = #map1}, {transform_indices = #map1}]} {
    %mul3A = arith.constant 16 : i32
    %mul3A_0 = arith.muli %arg0, %mul3A : i32
    %add3A = arith.addi %mul3A_0, %arg1 : i32
    %mul3A_1 = arith.constant 640 : i32
    %mul3A_2 = arith.muli %arg1, %mul3A_1 : i32
    %eq3A = arith.constant 0 : i32
    %eq3A_3 = arith.cmpi eq, %arg0, %eq3A : i32
    %jit3A = arith.constant 240 : i32
    %jit3A_4 = arith.constant 80 : i32
    %select_n3A = arith.select %eq3A_3, %jit3A, %jit3A_4 : i32
    %mul3A_5 = arith.constant 240 : i32
    %mul3A_6 = arith.muli %arg0, %mul3A_5 : i32
    %scan3A = arith.constant 0 : i32
    %scan3A_7 = arith.constant 512 : i32
    %scan3A_8 = arith.addi %scan3A, %scan3A_7 : i32
    %scan3A_9 = arith.constant 1 : i32
    scf.for %scan3A_128 = %scan3A to %scan3A_8 step %scan3A_9  : i32 {
      %broadcast_in_dim3A = arith.constant 0.000000e+00 : f32
      %broadcast_in_dim3A_129 = vector.broadcast %broadcast_in_dim3A : f32 to vector<16xf32>
      %jit3A_130 = arith.constant 8 : i32
      %div3A_131 = arith.divsi %scan3A_128, %jit3A_130 : i32
      %sign3A_132 = arith.constant 0 : i32
      %sign3A_133 = arith.cmpi sgt, %scan3A_128, %sign3A_132 : i32
      %sign3A_134 = arith.extui %sign3A_133 : i1 to i32
      %sign3A_135 = arith.constant 0 : i32
      %sign3A_136 = arith.cmpi slt, %scan3A_128, %sign3A_135 : i32
      %sign3A_137 = arith.extui %sign3A_136 : i1 to i32
      %sign3A_138 = arith.subi %sign3A_134, %sign3A_137 : i32
      %sign3A_139 = arith.constant 0 : i32
      %sign3A_140 = arith.cmpi sgt, %jit3A_130, %sign3A_139 : i32
      %sign3A_141 = arith.extui %sign3A_140 : i1 to i32
      %sign3A_142 = arith.constant 0 : i32
      %sign3A_143 = arith.cmpi slt, %jit3A_130, %sign3A_142 : i32
      %sign3A_144 = arith.extui %sign3A_143 : i1 to i32
      %sign3A_145 = arith.subi %sign3A_141, %sign3A_144 : i32
      %ne3A_146 = arith.cmpi ne, %sign3A_138, %sign3A_145 : i32
      %rem3A_147 = arith.remsi %scan3A_128, %jit3A_130 : i32
      %ne3A_148 = arith.constant 0 : i32
      %ne3A_149 = arith.cmpi ne, %rem3A_147, %ne3A_148 : i32
      %and3A_150 = arith.andi %ne3A_146, %ne3A_149 : i1
      %sub3A_151 = arith.constant 1 : i32
      %sub3A_152 = arith.subi %div3A_131, %sub3A_151 : i32
      %select_n3A_153 = arith.select %and3A_150, %sub3A_152, %div3A_131 : i32
      %jit3A_154 = arith.constant 8 : i32
      %eq3A_155 = arith.constant 0 : i32
      %eq3A_156 = arith.cmpi eq, %jit3A_154, %eq3A_155 : i32
      %jit3A_157 = arith.constant 1 : i32
      %select_n3A_158 = arith.select %eq3A_156, %jit3A_157, %jit3A_154 : i32
      %rem3A_159 = arith.remsi %scan3A_128, %select_n3A_158 : i32
      %ne3A_160 = arith.constant 0 : i32
      %ne3A_161 = arith.cmpi ne, %rem3A_159, %ne3A_160 : i32
      %lt3A = arith.constant 0 : i32
      %lt3A_162 = arith.cmpi slt, %rem3A_159, %lt3A : i32
      %lt3A_163 = arith.constant 0 : i32
      %lt3A_164 = arith.cmpi slt, %select_n3A_158, %lt3A_163 : i32
      %ne3A_165 = arith.xori %lt3A_162, %lt3A_164 : i1
      %and3A_166 = arith.andi %ne3A_165, %ne3A_161 : i1
      %add3A_167 = arith.addi %rem3A_159, %select_n3A_158 : i32
      %select_n3A_168 = arith.select %and3A_166, %add3A_167, %rem3A_159 : i32
      %mul3A_169 = arith.constant 16 : i32
      %mul3A_170 = arith.muli %select_n3A_168, %mul3A_169 : i32
      %swap3A = arith.index_cast %select_n3A_153 : i32 to index
      %swap3A_171 = arith.index_cast %mul3A_170 : i32 to index
      %swap3A_172 = tpu.vector_load %arg6[%swap3A, %swap3A_171] {strides = array<i32>} : memref<64x128xf32, #tpu.memory_space<vmem>>, vector<1x16xf32>,
      %swap3A_173 = vector.shape_cast %swap3A_172 : vector<1x16xf32> to vector<16xf32>
      %swap3A_174 = vector.shape_cast %broadcast_in_dim3A_129 : vector<16xf32> to vector<1x16xf32>
      tpu.vector_store %arg6[%swap3A, %swap3A_171], %swap3A_174 {strides = array<i32>} : memref<64x128xf32, #tpu.memory_space<vmem>>, vector<1x16xf32>,
    }
    %scan3A_10 = arith.constant 512 : i32
    %scan3A_11 = arith.constant 0 : i32
    %scan3A_12 = arith.constant 10 : i32
    %scan3A_13 = arith.addi %scan3A_11, %scan3A_12 : i32
    %scan3A_14 = arith.constant 1 : i32
    scf.for %scan3A_128 = %scan3A_11 to %scan3A_13 step %scan3A_14  : i32 {
      %mul3A_129 = arith.constant 64 : i32
      %mul3A_130 = arith.muli %scan3A_128, %mul3A_129 : i32
      %add3A_131 = arith.addi %mul3A_2, %mul3A_130 : i32
      "tpu.region"() ({
        %run_scoped3A = tpu.sem_alloc : memref<!tpu.dma_semaphore, #tpu.memory_space<semaphore_mem>>
        %dma_start3A_132 = arith.constant 0 : i32
        %dma_start3A_133 = tpu.memref_slice %arg18[%add3A_131, %dma_start3A_132] : memref<10240x128xf32, #tpu.memory_space<vmem_shared>> -> memref<64x128xf32, #tpu.memory_space<vmem_shared>>
        %dma_start3A_134 = arith.constant 0 : i32
        %dma_start3A_135 = tpu.memref_slice %arg18[%add3A_131, %dma_start3A_134] : memref<10240x128xf32, #tpu.memory_space<vmem_shared>> -> memref<64x128xf32, #tpu.memory_space<vmem_shared>>
        tpu.enqueue_dma source(%arg6 : memref<64x128xf32, #tpu.memory_space<vmem>>) target(%dma_start3A_135 : memref<64x128xf32, #tpu.memory_space<vmem_shared>>) target_semaphore(%run_scoped3A : memref<!tpu.dma_semaphore, #tpu.memory_space<semaphore_mem>>)
        %dma_wait3A_136 = arith.constant 0 : i32
        %dma_wait3A_137 = tpu.memref_slice %arg18[%add3A_131, %dma_wait3A_136] : memref<10240x128xf32, #tpu.memory_space<vmem_shared>> -> memref<64x128xf32, #tpu.memory_space<vmem_shared>>
        %dma_wait3A_138 = arith.constant 0 : i32
        %dma_wait3A_139 = tpu.memref_slice %arg18[%add3A_131, %dma_wait3A_138] : memref<10240x128xf32, #tpu.memory_space<vmem_shared>> -> memref<64x128xf32, #tpu.memory_space<vmem_shared>>
        tpu.wait_dma2 semaphore(%run_scoped3A : memref<!tpu.dma_semaphore, #tpu.memory_space<semaphore_mem>>) src(%arg6 : memref<64x128xf32, #tpu.memory_space<vmem>>) dst(%dma_wait3A_139 : memref<64x128xf32, #tpu.memory_space<vmem_shared>>)
        tpu.yield
      }) : () -> ()
    }
    %scan3A_15 = arith.constant 10 : i32
    %add3A_16 = arith.constant 0 : i32
    %add3A_17 = arith.addi %mul3A_6, %add3A_16 : i32
    %dma_start3A = arith.constant 0 : i32
    %dma_start3A_18 = tpu.memref_slice %arg3[%arg1, %add3A_17, %dma_start3A] : memref<16x320x64xi32, #tpu.memory_space<hbm>> -> memref<1x1x64xi32, #tpu.memory_space<hbm>>
    %dma_start3A_19 = tpu.memref_squeeze %dma_start3A_18 : memref<1x1x64xi32, #tpu.memory_space<hbm>> -> memref<64xi32, #tpu.memory_space<hbm>>
    %dma_start3A_20 = arith.constant 0 : i32
    %dma_start3A_21 = tpu.memref_slice %arg3[%arg1, %add3A_17, %dma_start3A_20] : memref<16x320x64xi32, #tpu.memory_space<hbm>> -> memref<1x1x64xi32, #tpu.memory_space<hbm>>
    %dma_start3A_22 = tpu.memref_squeeze %dma_start3A_21 : memref<1x1x64xi32, #tpu.memory_space<hbm>> -> memref<64xi32, #tpu.memory_space<hbm>>
    tpu.enqueue_dma source(%dma_start3A_22 : memref<64xi32, #tpu.memory_space<hbm>>) target(%arg14 : memref<64xi32, #tpu.memory_space<vmem>>) target_semaphore(%arg27 : memref<!tpu.dma_semaphore, #tpu.memory_space<semaphore_mem>>)
    %add3A_23 = arith.constant 1 : i32
    %add3A_24 = arith.addi %mul3A_6, %add3A_23 : i32
    %dma_start3A_25 = arith.constant 0 : i32
    %dma_start3A_26 = tpu.memref_slice %arg3[%arg1, %add3A_24, %dma_start3A_25] : memref<16x320x64xi32, #tpu.memory_space<hbm>> -> memref<1x1x64xi32, #tpu.memory_space<hbm>>
    %dma_start3A_27 = tpu.memref_squeeze %dma_start3A_26 : memref<1x1x64xi32, #tpu.memory_space<hbm>> -> memref<64xi32, #tpu.memory_space<hbm>>
    %dma_start3A_28 = arith.constant 0 : i32
    %dma_start3A_29 = tpu.memref_slice %arg3[%arg1, %add3A_24, %dma_start3A_28] : memref<16x320x64xi32, #tpu.memory_space<hbm>> -> memref<1x1x64xi32, #tpu.memory_space<hbm>>
    %dma_start3A_30 = tpu.memref_squeeze %dma_start3A_29 : memref<1x1x64xi32, #tpu.memory_space<hbm>> -> memref<64xi32, #tpu.memory_space<hbm>>
    tpu.enqueue_dma source(%dma_start3A_30 : memref<64xi32, #tpu.memory_space<hbm>>) target(%arg15 : memref<64xi32, #tpu.memory_space<vmem>>) target_semaphore(%arg28 : memref<!tpu.dma_semaphore, #tpu.memory_space<semaphore_mem>>)
    %add3A_31 = arith.constant 2 : i32
    %add3A_32 = arith.addi %mul3A_6, %add3A_31 : i32
    %dma_start3A_33 = arith.constant 0 : i32
    %dma_start3A_34 = tpu.memref_slice %arg3[%arg1, %add3A_32, %dma_start3A_33] : memref<16x320x64xi32, #tpu.memory_space<hbm>> -> memref<1x1x64xi32, #tpu.memory_space<hbm>>
    %dma_start3A_35 = tpu.memref_squeeze %dma_start3A_34 : memref<1x1x64xi32, #tpu.memory_space<hbm>> -> memref<64xi32, #tpu.memory_space<hbm>>
    %dma_start3A_36 = arith.constant 0 : i32
    %dma_start3A_37 = tpu.memref_slice %arg3[%arg1, %add3A_32, %dma_start3A_36] : memref<16x320x64xi32, #tpu.memory_space<hbm>> -> memref<1x1x64xi32, #tpu.memory_space<hbm>>
    %dma_start3A_38 = tpu.memref_squeeze %dma_start3A_37 : memref<1x1x64xi32, #tpu.memory_space<hbm>> -> memref<64xi32, #tpu.memory_space<hbm>>
    tpu.enqueue_dma source(%dma_start3A_38 : memref<64xi32, #tpu.memory_space<hbm>>) target(%arg16 : memref<64xi32, #tpu.memory_space<vmem>>) target_semaphore(%arg29 : memref<!tpu.dma_semaphore, #tpu.memory_space<semaphore_mem>>)
    %add3A_39 = arith.constant 3 : i32
    %add3A_40 = arith.addi %mul3A_6, %add3A_39 : i32
    %dma_start3A_41 = arith.constant 0 : i32
    %dma_start3A_42 = tpu.memref_slice %arg3[%arg1, %add3A_40, %dma_start3A_41] : memref<16x320x64xi32, #tpu.memory_space<hbm>> -> memref<1x1x64xi32, #tpu.memory_space<hbm>>
    %dma_start3A_43 = tpu.memref_squeeze %dma_start3A_42 : memref<1x1x64xi32, #tpu.memory_space<hbm>> -> memref<64xi32, #tpu.memory_space<hbm>>
    %dma_start3A_44 = arith.constant 0 : i32
    %dma_start3A_45 = tpu.memref_slice %arg3[%arg1, %add3A_40, %dma_start3A_44] : memref<16x320x64xi32, #tpu.memory_space<hbm>> -> memref<1x1x64xi32, #tpu.memory_space<hbm>>
    %dma_start3A_46 = tpu.memref_squeeze %dma_start3A_45 : memref<1x1x64xi32, #tpu.memory_space<hbm>> -> memref<64xi32, #tpu.memory_space<hbm>>
    tpu.enqueue_dma source(%dma_start3A_46 : memref<64xi32, #tpu.memory_space<hbm>>) target(%arg17 : memref<64xi32, #tpu.memory_space<vmem>>) target_semaphore(%arg30 : memref<!tpu.dma_semaphore, #tpu.memory_space<semaphore_mem>>)
    %add3A_47 = arith.constant 0 : i32
    %add3A_48 = arith.addi %mul3A_6, %add3A_47 : i32
    %dma_wait3A = arith.constant 0 : i32
    %dma_wait3A_49 = tpu.memref_slice %arg3[%arg1, %add3A_48, %dma_wait3A] : memref<16x320x64xi32, #tpu.memory_space<hbm>> -> memref<1x1x64xi32, #tpu.memory_space<hbm>>
    %dma_wait3A_50 = tpu.memref_squeeze %dma_wait3A_49 : memref<1x1x64xi32, #tpu.memory_space<hbm>> -> memref<64xi32, #tpu.memory_space<hbm>>
    %dma_wait3A_51 = arith.constant 0 : i32
    %dma_wait3A_52 = tpu.memref_slice %arg3[%arg1, %add3A_48, %dma_wait3A_51] : memref<16x320x64xi32, #tpu.memory_space<hbm>> -> memref<1x1x64xi32, #tpu.memory_space<hbm>>
    %dma_wait3A_53 = tpu.memref_squeeze %dma_wait3A_52 : memref<1x1x64xi32, #tpu.memory_space<hbm>> -> memref<64xi32, #tpu.memory_space<hbm>>
    tpu.wait_dma2 semaphore(%arg27 : memref<!tpu.dma_semaphore, #tpu.memory_space<semaphore_mem>>) src(%dma_wait3A_53 : memref<64xi32, #tpu.memory_space<hbm>>) dst(%arg14 : memref<64xi32, #tpu.memory_space<vmem>>)
    %dma_start3A_54 = arith.constant 0 : i32
    %dma_start3A_55 = arith.constant 0 : i32
    %dma_start3A_56 = tpu.memref_slice %arg2[%dma_start3A_54, %dma_start3A_55] : memref<10240x128xf32, #tpu.memory_space<hbm>> -> memref<10240x128xf32, #tpu.memory_space<hbm>>
    tpu.enqueue_indirect_dma source(%dma_start3A_56 : memref<10240x128xf32, #tpu.memory_space<hbm>>) target(%arg6 : memref<64x128xf32, #tpu.memory_space<vmem>>) offsets(%arg14 : memref<64xi32, #tpu.memory_space<vmem>>) semaphore(%arg19 : memref<!tpu.dma_semaphore, #tpu.memory_space<semaphore_mem>>)
    %add3A_57 = arith.constant 0 : i32
    %add3A_58 = arith.addi %mul3A_6, %add3A_57 : i32
    %dma_start3A_59 = arith.constant 0 : i32
    %dma_start3A_60 = tpu.memref_slice %arg4[%arg1, %add3A_58, %dma_start3A_59] : memref<16x320x64xi32, #tpu.memory_space<hbm>> -> memref<1x1x64xi32, #tpu.memory_space<hbm>>
    %dma_start3A_61 = tpu.memref_squeeze %dma_start3A_60 : memref<1x1x64xi32, #tpu.memory_space<hbm>> -> memref<64xi32, #tpu.memory_space<hbm>>
    %dma_start3A_62 = arith.constant 0 : i32
    %dma_start3A_63 = tpu.memref_slice %arg4[%arg1, %add3A_58, %dma_start3A_62] : memref<16x320x64xi32, #tpu.memory_space<hbm>> -> memref<1x1x64xi32, #tpu.memory_space<hbm>>
    %dma_start3A_64 = tpu.memref_squeeze %dma_start3A_63 : memref<1x1x64xi32, #tpu.memory_space<hbm>> -> memref<64xi32, #tpu.memory_space<hbm>>
    tpu.enqueue_dma source(%dma_start3A_64 : memref<64xi32, #tpu.memory_space<hbm>>) target(%arg10 : memref<64xi32, #tpu.memory_space<vmem>>) target_semaphore(%arg23 : memref<!tpu.dma_semaphore, #tpu.memory_space<semaphore_mem>>)
    %add3A_65 = arith.constant 1 : i32
    %add3A_66 = arith.addi %mul3A_6, %add3A_65 : i32
    %dma_wait3A_67 = arith.constant 0 : i32
    %dma_wait3A_68 = tpu.memref_slice %arg3[%arg1, %add3A_66, %dma_wait3A_67] : memref<16x320x64xi32, #tpu.memory_space<hbm>> -> memref<1x1x64xi32, #tpu.memory_space<hbm>>
    %dma_wait3A_69 = tpu.memref_squeeze %dma_wait3A_68 : memref<1x1x64xi32, #tpu.memory_space<hbm>> -> memref<64xi32, #tpu.memory_space<hbm>>
    %dma_wait3A_70 = arith.constant 0 : i32
    %dma_wait3A_71 = tpu.memref_slice %arg3[%arg1, %add3A_66, %dma_wait3A_70] : memref<16x320x64xi32, #tpu.memory_space<hbm>> -> memref<1x1x64xi32, #tpu.memory_space<hbm>>
    %dma_wait3A_72 = tpu.memref_squeeze %dma_wait3A_71 : memref<1x1x64xi32, #tpu.memory_space<hbm>> -> memref<64xi32, #tpu.memory_space<hbm>>
    tpu.wait_dma2 semaphore(%arg28 : memref<!tpu.dma_semaphore, #tpu.memory_space<semaphore_mem>>) src(%dma_wait3A_72 : memref<64xi32, #tpu.memory_space<hbm>>) dst(%arg15 : memref<64xi32, #tpu.memory_space<vmem>>)
    %dma_start3A_73 = arith.constant 0 : i32
    %dma_start3A_74 = arith.constant 0 : i32
    %dma_start3A_75 = tpu.memref_slice %arg2[%dma_start3A_73, %dma_start3A_74] : memref<10240x128xf32, #tpu.memory_space<hbm>> -> memref<10240x128xf32, #tpu.memory_space<hbm>>
    tpu.enqueue_indirect_dma source(%dma_start3A_75 : memref<10240x128xf32, #tpu.memory_space<hbm>>) target(%arg7 : memref<64x128xf32, #tpu.memory_space<vmem>>) offsets(%arg15 : memref<64xi32, #tpu.memory_space<vmem>>) semaphore(%arg20 : memref<!tpu.dma_semaphore, #tpu.memory_space<semaphore_mem>>)
    %add3A_76 = arith.constant 1 : i32
    %add3A_77 = arith.addi %mul3A_6, %add3A_76 : i32
    %dma_start3A_78 = arith.constant 0 : i32
    %dma_start3A_79 = tpu.memref_slice %arg4[%arg1, %add3A_77, %dma_start3A_78] : memref<16x320x64xi32, #tpu.memory_space<hbm>> -> memref<1x1x64xi32, #tpu.memory_space<hbm>>
    %dma_start3A_80 = tpu.memref_squeeze %dma_start3A_79 : memref<1x1x64xi32, #tpu.memory_space<hbm>> -> memref<64xi32, #tpu.memory_space<hbm>>
    %dma_start3A_81 = arith.constant 0 : i32
    %dma_start3A_82 = tpu.memref_slice %arg4[%arg1, %add3A_77, %dma_start3A_81] : memref<16x320x64xi32, #tpu.memory_space<hbm>> -> memref<1x1x64xi32, #tpu.memory_space<hbm>>
    %dma_start3A_83 = tpu.memref_squeeze %dma_start3A_82 : memref<1x1x64xi32, #tpu.memory_space<hbm>> -> memref<64xi32, #tpu.memory_space<hbm>>
    tpu.enqueue_dma source(%dma_start3A_83 : memref<64xi32, #tpu.memory_space<hbm>>) target(%arg11 : memref<64xi32, #tpu.memory_space<vmem>>) target_semaphore(%arg24 : memref<!tpu.dma_semaphore, #tpu.memory_space<semaphore_mem>>)
    %barrier3A = arith.constant 0 : index
    tpu.barrier barrier_id(%barrier3A)
    %jit3A_84 = arith.constant 4 : i32
    %div3A = arith.divsi %select_n3A, %jit3A_84 : i32
    %sign3A = arith.constant 0 : i32
    %sign3A_85 = arith.cmpi sgt, %select_n3A, %sign3A : i32
    %sign3A_86 = arith.extui %sign3A_85 : i1 to i32
    %sign3A_87 = arith.constant 0 : i32
    %sign3A_88 = arith.cmpi slt, %select_n3A, %sign3A_87 : i32
    %sign3A_89 = arith.extui %sign3A_88 : i1 to i32
    %sign3A_90 = arith.subi %sign3A_86, %sign3A_89 : i32
    %sign3A_91 = arith.constant 0 : i32
    %sign3A_92 = arith.cmpi sgt, %jit3A_84, %sign3A_91 : i32
    %sign3A_93 = arith.extui %sign3A_92 : i1 to i32
    %sign3A_94 = arith.constant 0 : i32
    %sign3A_95 = arith.cmpi slt, %jit3A_84, %sign3A_94 : i32
    %sign3A_96 = arith.extui %sign3A_95 : i1 to i32
    %sign3A_97 = arith.subi %sign3A_93, %sign3A_96 : i32
    %ne3A = arith.cmpi ne, %sign3A_90, %sign3A_97 : i32
    %rem3A = arith.remsi %select_n3A, %jit3A_84 : i32
    %ne3A_98 = arith.constant 0 : i32
    %ne3A_99 = arith.cmpi ne, %rem3A, %ne3A_98 : i32
    %and3A = arith.andi %ne3A, %ne3A_99 : i1
    %sub3A = arith.constant 1 : i32
    %sub3A_100 = arith.subi %div3A, %sub3A : i32
    %select_n3A_101 = arith.select %and3A, %sub3A_100, %div3A : i32
    %while3A = arith.constant 0 : i32
    %while3A_102 = arith.subi %select_n3A_101, %while3A : i32
    %while3A_103 = arith.addi %while3A, %while3A_102 : i32
    %while3A_104 = arith.constant 1 : i32
    %while3A_105 = arith.divsi %while3A_102, %while3A_104 : i32
    %while3A_106 = arith.muli %while3A_105, %while3A_104 : i32
    %while3A_107 = arith.addi %while3A, %while3A_106 : i32
    %while3A_108 = arith.constant 1 : i32
    scf.for %while3A_128 = %while3A to %while3A_107 step %while3A_108  : i32 {
      %mul3A_129 = arith.constant 4 : i32
      %mul3A_130 = arith.muli %while3A_128, %mul3A_129 : i32
      %add3A_131 = arith.constant 0 : i32
      %add3A_132 = arith.addi %mul3A_130, %add3A_131 : i32
      %add3A_133 = arith.constant 2 : i32
      %add3A_134 = arith.addi %add3A_132, %add3A_133 : i32
      %dma_wait3A_135 = arith.constant 0 : i32
      %dma_wait3A_136 = arith.constant 0 : i32
      %dma_wait3A_137 = tpu.memref_slice %arg2[%dma_wait3A_135, %dma_wait3A_136] : memref<10240x128xf32, #tpu.memory_space<hbm>> -> memref<10240x128xf32, #tpu.memory_space<hbm>>
      tpu.wait_indirect_dma semaphore(%arg19 : memref<!tpu.dma_semaphore, #tpu.memory_space<semaphore_mem>>) src(%dma_wait3A_137 : memref<10240x128xf32, #tpu.memory_space<hbm>>) dst(%arg6 : memref<64x128xf32, #tpu.memory_space<vmem>>)
      %add3A_138 = arith.addi %mul3A_6, %add3A_132 : i32
      %dma_wait3A_139 = arith.constant 0 : i32
      %dma_wait3A_140 = tpu.memref_slice %arg4[%arg1, %add3A_138, %dma_wait3A_139] : memref<16x320x64xi32, #tpu.memory_space<hbm>> -> memref<1x1x64xi32, #tpu.memory_space<hbm>>
      %dma_wait3A_141 = tpu.memref_squeeze %dma_wait3A_140 : memref<1x1x64xi32, #tpu.memory_space<hbm>> -> memref<64xi32, #tpu.memory_space<hbm>>
      %dma_wait3A_142 = arith.constant 0 : i32
      %dma_wait3A_143 = tpu.memref_slice %arg4[%arg1, %add3A_138, %dma_wait3A_142] : memref<16x320x64xi32, #tpu.memory_space<hbm>> -> memref<1x1x64xi32, #tpu.memory_space<hbm>>
      %dma_wait3A_144 = tpu.memref_squeeze %dma_wait3A_143 : memref<1x1x64xi32, #tpu.memory_space<hbm>> -> memref<64xi32, #tpu.memory_space<hbm>>
      tpu.wait_dma2 semaphore(%arg23 : memref<!tpu.dma_semaphore, #tpu.memory_space<semaphore_mem>>) src(%dma_wait3A_144 : memref<64xi32, #tpu.memory_space<hbm>>) dst(%arg10 : memref<64xi32, #tpu.memory_space<vmem>>)
      %dma_start3A_145 = arith.constant 0 : i32
      %dma_start3A_146 = arith.constant 0 : i32
      %dma_start3A_147 = tpu.memref_slice %arg18[%dma_start3A_145, %dma_start3A_146] : memref<10240x128xf32, #tpu.memory_space<vmem_shared>> -> memref<10240x128xf32, #tpu.memory_space<vmem_shared>>
      tpu.enqueue_indirect_dma source(%arg6 : memref<64x128xf32, #tpu.memory_space<vmem>>) target(%dma_start3A_147 : memref<10240x128xf32, #tpu.memory_space<vmem_shared>>) offsets(%arg10 : memref<64xi32, #tpu.memory_space<vmem>>) semaphore(%arg31 : memref<!tpu.dma_semaphore, #tpu.memory_space<semaphore_mem>>) {add = true}
      %add3A_148 = arith.constant 4 : i32
      %add3A_149 = arith.addi %add3A_132, %add3A_148 : i32
      %lt3A = arith.cmpi slt, %add3A_149, %select_n3A : i32
      %convert_element_type3A = arith.extui %lt3A : i1 to i32
      %cond3A = arith.constant 0 : i32
      %cond3A_150 = arith.cmpi ne, %convert_element_type3A, %cond3A : i32
      scf.if %cond3A_150 {
        %add3A_269 = arith.addi %mul3A_6, %add3A_132 : i32
        %add3A_270 = arith.constant 4 : i32
        %add3A_271 = arith.addi %add3A_269, %add3A_270 : i32
        %dma_start3A_272 = arith.constant 0 : i32
        %dma_start3A_273 = tpu.memref_slice %arg3[%arg1, %add3A_271, %dma_start3A_272] : memref<16x320x64xi32, #tpu.memory_space<hbm>> -> memref<1x1x64xi32, #tpu.memory_space<hbm>>
        %dma_start3A_274 = tpu.memref_squeeze %dma_start3A_273 : memref<1x1x64xi32, #tpu.memory_space<hbm>> -> memref<64xi32, #tpu.memory_space<hbm>>
        %dma_start3A_275 = arith.constant 0 : i32
        %dma_start3A_276 = tpu.memref_slice %arg3[%arg1, %add3A_271, %dma_start3A_275] : memref<16x320x64xi32, #tpu.memory_space<hbm>> -> memref<1x1x64xi32, #tpu.memory_space<hbm>>
        %dma_start3A_277 = tpu.memref_squeeze %dma_start3A_276 : memref<1x1x64xi32, #tpu.memory_space<hbm>> -> memref<64xi32, #tpu.memory_space<hbm>>
        tpu.enqueue_dma source(%dma_start3A_277 : memref<64xi32, #tpu.memory_space<hbm>>) target(%arg14 : memref<64xi32, #tpu.memory_space<vmem>>) target_semaphore(%arg27 : memref<!tpu.dma_semaphore, #tpu.memory_space<semaphore_mem>>)
      } else {
      }
      %ge3A = arith.constant 4 : i32
      %ge3A_151 = arith.cmpi sge, %add3A_134, %ge3A : i32
      %lt3A_152 = arith.cmpi slt, %add3A_134, %select_n3A : i32
      %and3A_153 = arith.andi %ge3A_151, %lt3A_152 : i1
      %convert_element_type3A_154 = arith.extui %and3A_153 : i1 to i32
      %cond3A_155 = arith.constant 0 : i32
      %cond3A_156 = arith.cmpi ne, %convert_element_type3A_154, %cond3A_155 : i32
      scf.if %cond3A_156 {
        %dma_wait3A_269 = arith.constant 0 : i32
        %dma_wait3A_270 = arith.constant 0 : i32
        %dma_wait3A_271 = tpu.memref_slice %arg18[%dma_wait3A_269, %dma_wait3A_270] : memref<10240x128xf32, #tpu.memory_space<vmem_shared>> -> memref<10240x128xf32, #tpu.memory_space<vmem_shared>>
        tpu.wait_indirect_dma semaphore(%arg33 : memref<!tpu.dma_semaphore, #tpu.memory_space<semaphore_mem>>) src(%arg8 : memref<64x128xf32, #tpu.memory_space<vmem>>) dst(%dma_wait3A_271 : memref<10240x128xf32, #tpu.memory_space<vmem_shared>>)
      } else {
      }
      %lt3A_157 = arith.cmpi slt, %add3A_134, %select_n3A : i32
      %convert_element_type3A_158 = arith.extui %lt3A_157 : i1 to i32
      %cond3A_159 = arith.constant 0 : i32
      %cond3A_160 = arith.cmpi ne, %convert_element_type3A_158, %cond3A_159 : i32
      scf.if %cond3A_160 {
        %add3A_269 = arith.addi %mul3A_6, %add3A_134 : i32
        %dma_wait3A_270 = arith.constant 0 : i32
        %dma_wait3A_271 = tpu.memref_slice %arg3[%arg1, %add3A_269, %dma_wait3A_270] : memref<16x320x64xi32, #tpu.memory_space<hbm>> -> memref<1x1x64xi32, #tpu.memory_space<hbm>>
        %dma_wait3A_272 = tpu.memref_squeeze %dma_wait3A_271 : memref<1x1x64xi32, #tpu.memory_space<hbm>> -> memref<64xi32, #tpu.memory_space<hbm>>
        %dma_wait3A_273 = arith.constant 0 : i32
        %dma_wait3A_274 = tpu.memref_slice %arg3[%arg1, %add3A_269, %dma_wait3A_273] : memref<16x320x64xi32, #tpu.memory_space<hbm>> -> memref<1x1x64xi32, #tpu.memory_space<hbm>>
        %dma_wait3A_275 = tpu.memref_squeeze %dma_wait3A_274 : memref<1x1x64xi32, #tpu.memory_space<hbm>> -> memref<64xi32, #tpu.memory_space<hbm>>
        tpu.wait_dma2 semaphore(%arg29 : memref<!tpu.dma_semaphore, #tpu.memory_space<semaphore_mem>>) src(%dma_wait3A_275 : memref<64xi32, #tpu.memory_space<hbm>>) dst(%arg16 : memref<64xi32, #tpu.memory_space<vmem>>)
        %dma_start3A_276 = arith.constant 0 : i32
        %dma_start3A_277 = arith.constant 0 : i32
        %dma_start3A_278 = tpu.memref_slice %arg2[%dma_start3A_276, %dma_start3A_277] : memref<10240x128xf32, #tpu.memory_space<hbm>> -> memref<10240x128xf32, #tpu.memory_space<hbm>>
        tpu.enqueue_indirect_dma source(%dma_start3A_278 : memref<10240x128xf32, #tpu.memory_space<hbm>>) target(%arg8 : memref<64x128xf32, #tpu.memory_space<vmem>>) offsets(%arg16 : memref<64xi32, #tpu.memory_space<vmem>>) semaphore(%arg21 : memref<!tpu.dma_semaphore, #tpu.memory_space<semaphore_mem>>)
        %add3A_279 = arith.addi %mul3A_6, %add3A_134 : i32
        %dma_start3A_280 = arith.constant 0 : i32
        %dma_start3A_281 = tpu.memref_slice %arg4[%arg1, %add3A_279, %dma_start3A_280] : memref<16x320x64xi32, #tpu.memory_space<hbm>> -> memref<1x1x64xi32, #tpu.memory_space<hbm>>
        %dma_start3A_282 = tpu.memref_squeeze %dma_start3A_281 : memref<1x1x64xi32, #tpu.memory_space<hbm>> -> memref<64xi32, #tpu.memory_space<hbm>>
        %dma_start3A_283 = arith.constant 0 : i32
        %dma_start3A_284 = tpu.memref_slice %arg4[%arg1, %add3A_279, %dma_start3A_283] : memref<16x320x64xi32, #tpu.memory_space<hbm>> -> memref<1x1x64xi32, #tpu.memory_space<hbm>>
        %dma_start3A_285 = tpu.memref_squeeze %dma_start3A_284 : memref<1x1x64xi32, #tpu.memory_space<hbm>> -> memref<64xi32, #tpu.memory_space<hbm>>
        tpu.enqueue_dma source(%dma_start3A_285 : memref<64xi32, #tpu.memory_space<hbm>>) target(%arg12 : memref<64xi32, #tpu.memory_space<vmem>>) target_semaphore(%arg25 : memref<!tpu.dma_semaphore, #tpu.memory_space<semaphore_mem>>)
      } else {
      }
      %mul3A_161 = arith.constant 4 : i32
      %mul3A_162 = arith.muli %while3A_128, %mul3A_161 : i32
      %add3A_163 = arith.constant 1 : i32
      %add3A_164 = arith.addi %mul3A_162, %add3A_163 : i32
      %add3A_165 = arith.constant 2 : i32
      %add3A_166 = arith.addi %add3A_164, %add3A_165 : i32
      %dma_wait3A_167 = arith.constant 0 : i32
      %dma_wait3A_168 = arith.constant 0 : i32
      %dma_wait3A_169 = tpu.memref_slice %arg2[%dma_wait3A_167, %dma_wait3A_168] : memref<10240x128xf32, #tpu.memory_space<hbm>> -> memref<10240x128xf32, #tpu.memory_space<hbm>>
      tpu.wait_indirect_dma semaphore(%arg20 : memref<!tpu.dma_semaphore, #tpu.memory_space<semaphore_mem>>) src(%dma_wait3A_169 : memref<10240x128xf32, #tpu.memory_space<hbm>>) dst(%arg7 : memref<64x128xf32, #tpu.memory_space<vmem>>)
      %add3A_170 = arith.addi %mul3A_6, %add3A_164 : i32
      %dma_wait3A_171 = arith.constant 0 : i32
      %dma_wait3A_172 = tpu.memref_slice %arg4[%arg1, %add3A_170, %dma_wait3A_171] : memref<16x320x64xi32, #tpu.memory_space<hbm>> -> memref<1x1x64xi32, #tpu.memory_space<hbm>>
      %dma_wait3A_173 = tpu.memref_squeeze %dma_wait3A_172 : memref<1x1x64xi32, #tpu.memory_space<hbm>> -> memref<64xi32, #tpu.memory_space<hbm>>
      %dma_wait3A_174 = arith.constant 0 : i32
      %dma_wait3A_175 = tpu.memref_slice %arg4[%arg1, %add3A_170, %dma_wait3A_174] : memref<16x320x64xi32, #tpu.memory_space<hbm>> -> memref<1x1x64xi32, #tpu.memory_space<hbm>>
      %dma_wait3A_176 = tpu.memref_squeeze %dma_wait3A_175 : memref<1x1x64xi32, #tpu.memory_space<hbm>> -> memref<64xi32, #tpu.memory_space<hbm>>
      tpu.wait_dma2 semaphore(%arg24 : memref<!tpu.dma_semaphore, #tpu.memory_space<semaphore_mem>>) src(%dma_wait3A_176 : memref<64xi32, #tpu.memory_space<hbm>>) dst(%arg11 : memref<64xi32, #tpu.memory_space<vmem>>)
      %dma_start3A_177 = arith.constant 0 : i32
      %dma_start3A_178 = arith.constant 0 : i32
      %dma_start3A_179 = tpu.memref_slice %arg18[%dma_start3A_177, %dma_start3A_178] : memref<10240x128xf32, #tpu.memory_space<vmem_shared>> -> memref<10240x128xf32, #tpu.memory_space<vmem_shared>>
      tpu.enqueue_indirect_dma source(%arg7 : memref<64x128xf32, #tpu.memory_space<vmem>>) target(%dma_start3A_179 : memref<10240x128xf32, #tpu.memory_space<vmem_shared>>) offsets(%arg11 : memref<64xi32, #tpu.memory_space<vmem>>) semaphore(%arg32 : memref<!tpu.dma_semaphore, #tpu.memory_space<semaphore_mem>>) {add = true}
      %add3A_180 = arith.constant 4 : i32
      %add3A_181 = arith.addi %add3A_164, %add3A_180 : i32
      %lt3A_182 = arith.cmpi slt, %add3A_181, %select_n3A : i32
      %convert_element_type3A_183 = arith.extui %lt3A_182 : i1 to i32
      %cond3A_184 = arith.constant 0 : i32
      %cond3A_185 = arith.cmpi ne, %convert_element_type3A_183, %cond3A_184 : i32
      scf.if %cond3A_185 {
        %add3A_269 = arith.addi %mul3A_6, %add3A_164 : i32
        %add3A_270 = arith.constant 4 : i32
        %add3A_271 = arith.addi %add3A_269, %add3A_270 : i32
        %dma_start3A_272 = arith.constant 0 : i32
        %dma_start3A_273 = tpu.memref_slice %arg3[%arg1, %add3A_271, %dma_start3A_272] : memref<16x320x64xi32, #tpu.memory_space<hbm>> -> memref<1x1x64xi32, #tpu.memory_space<hbm>>
        %dma_start3A_274 = tpu.memref_squeeze %dma_start3A_273 : memref<1x1x64xi32, #tpu.memory_space<hbm>> -> memref<64xi32, #tpu.memory_space<hbm>>
        %dma_start3A_275 = arith.constant 0 : i32
        %dma_start3A_276 = tpu.memref_slice %arg3[%arg1, %add3A_271, %dma_start3A_275] : memref<16x320x64xi32, #tpu.memory_space<hbm>> -> memref<1x1x64xi32, #tpu.memory_space<hbm>>
        %dma_start3A_277 = tpu.memref_squeeze %dma_start3A_276 : memref<1x1x64xi32, #tpu.memory_space<hbm>> -> memref<64xi32, #tpu.memory_space<hbm>>
        tpu.enqueue_dma source(%dma_start3A_277 : memref<64xi32, #tpu.memory_space<hbm>>) target(%arg15 : memref<64xi32, #tpu.memory_space<vmem>>) target_semaphore(%arg28 : memref<!tpu.dma_semaphore, #tpu.memory_space<semaphore_mem>>)
      } else {
      }
      %ge3A_186 = arith.constant 4 : i32
      %ge3A_187 = arith.cmpi sge, %add3A_166, %ge3A_186 : i32
      %lt3A_188 = arith.cmpi slt, %add3A_166, %select_n3A : i32
      %and3A_189 = arith.andi %ge3A_187, %lt3A_188 : i1
      %convert_element_type3A_190 = arith.extui %and3A_189 : i1 to i32
      %cond3A_191 = arith.constant 0 : i32
      %cond3A_192 = arith.cmpi ne, %convert_element_type3A_190, %cond3A_191 : i32
      scf.if %cond3A_192 {
        %dma_wait3A_269 = arith.constant 0 : i32
        %dma_wait3A_270 = arith.constant 0 : i32
        %dma_wait3A_271 = tpu.memref_slice %arg18[%dma_wait3A_269, %dma_wait3A_270] : memref<10240x128xf32, #tpu.memory_space<vmem_shared>> -> memref<10240x128xf32, #tpu.memory_space<vmem_shared>>
        tpu.wait_indirect_dma semaphore(%arg34 : memref<!tpu.dma_semaphore, #tpu.memory_space<semaphore_mem>>) src(%arg9 : memref<64x128xf32, #tpu.memory_space<vmem>>) dst(%dma_wait3A_271 : memref<10240x128xf32, #tpu.memory_space<vmem_shared>>)
      } else {
      }
      %lt3A_193 = arith.cmpi slt, %add3A_166, %select_n3A : i32
      %convert_element_type3A_194 = arith.extui %lt3A_193 : i1 to i32
      %cond3A_195 = arith.constant 0 : i32
      %cond3A_196 = arith.cmpi ne, %convert_element_type3A_194, %cond3A_195 : i32
      scf.if %cond3A_196 {
        %add3A_269 = arith.addi %mul3A_6, %add3A_166 : i32
        %dma_wait3A_270 = arith.constant 0 : i32
        %dma_wait3A_271 = tpu.memref_slice %arg3[%arg1, %add3A_269, %dma_wait3A_270] : memref<16x320x64xi32, #tpu.memory_space<hbm>> -> memref<1x1x64xi32, #tpu.memory_space<hbm>>
        %dma_wait3A_272 = tpu.memref_squeeze %dma_wait3A_271 : memref<1x1x64xi32, #tpu.memory_space<hbm>> -> memref<64xi32, #tpu.memory_space<hbm>>
        %dma_wait3A_273 = arith.constant 0 : i32
        %dma_wait3A_274 = tpu.memref_slice %arg3[%arg1, %add3A_269, %dma_wait3A_273] : memref<16x320x64xi32, #tpu.memory_space<hbm>> -> memref<1x1x64xi32, #tpu.memory_space<hbm>>
        %dma_wait3A_275 = tpu.memref_squeeze %dma_wait3A_274 : memref<1x1x64xi32, #tpu.memory_space<hbm>> -> memref<64xi32, #tpu.memory_space<hbm>>
        tpu.wait_dma2 semaphore(%arg30 : memref<!tpu.dma_semaphore, #tpu.memory_space<semaphore_mem>>) src(%dma_wait3A_275 : memref<64xi32, #tpu.memory_space<hbm>>) dst(%arg17 : memref<64xi32, #tpu.memory_space<vmem>>)
        %dma_start3A_276 = arith.constant 0 : i32
        %dma_start3A_277 = arith.constant 0 : i32
        %dma_start3A_278 = tpu.memref_slice %arg2[%dma_start3A_276, %dma_start3A_277] : memref<10240x128xf32, #tpu.memory_space<hbm>> -> memref<10240x128xf32, #tpu.memory_space<hbm>>
        tpu.enqueue_indirect_dma source(%dma_start3A_278 : memref<10240x128xf32, #tpu.memory_space<hbm>>) target(%arg9 : memref<64x128xf32, #tpu.memory_space<vmem>>) offsets(%arg17 : memref<64xi32, #tpu.memory_space<vmem>>) semaphore(%arg22 : memref<!tpu.dma_semaphore, #tpu.memory_space<semaphore_mem>>)
        %add3A_279 = arith.addi %mul3A_6, %add3A_166 : i32
        %dma_start3A_280 = arith.constant 0 : i32
        %dma_start3A_281 = tpu.memref_slice %arg4[%arg1, %add3A_279, %dma_start3A_280] : memref<16x320x64xi32, #tpu.memory_space<hbm>> -> memref<1x1x64xi32, #tpu.memory_space<hbm>>
        %dma_start3A_282 = tpu.memref_squeeze %dma_start3A_281 : memref<1x1x64xi32, #tpu.memory_space<hbm>> -> memref<64xi32, #tpu.memory_space<hbm>>
        %dma_start3A_283 = arith.constant 0 : i32
        %dma_start3A_284 = tpu.memref_slice %arg4[%arg1, %add3A_279, %dma_start3A_283] : memref<16x320x64xi32, #tpu.memory_space<hbm>> -> memref<1x1x64xi32, #tpu.memory_space<hbm>>
        %dma_start3A_285 = tpu.memref_squeeze %dma_start3A_284 : memref<1x1x64xi32, #tpu.memory_space<hbm>> -> memref<64xi32, #tpu.memory_space<hbm>>
        tpu.enqueue_dma source(%dma_start3A_285 : memref<64xi32, #tpu.memory_space<hbm>>) target(%arg13 : memref<64xi32, #tpu.memory_space<vmem>>) target_semaphore(%arg26 : memref<!tpu.dma_semaphore, #tpu.memory_space<semaphore_mem>>)
      } else {
      }
      %mul3A_197 = arith.constant 4 : i32
      %mul3A_198 = arith.muli %while3A_128, %mul3A_197 : i32
      %add3A_199 = arith.constant 2 : i32
      %add3A_200 = arith.addi %mul3A_198, %add3A_199 : i32
      %add3A_201 = arith.constant 2 : i32
      %add3A_202 = arith.addi %add3A_200, %add3A_201 : i32
      %dma_wait3A_203 = arith.constant 0 : i32
      %dma_wait3A_204 = arith.constant 0 : i32
      %dma_wait3A_205 = tpu.memref_slice %arg2[%dma_wait3A_203, %dma_wait3A_204] : memref<10240x128xf32, #tpu.memory_space<hbm>> -> memref<10240x128xf32, #tpu.memory_space<hbm>>
      tpu.wait_indirect_dma semaphore(%arg21 : memref<!tpu.dma_semaphore, #tpu.memory_space<semaphore_mem>>) src(%dma_wait3A_205 : memref<10240x128xf32, #tpu.memory_space<hbm>>) dst(%arg8 : memref<64x128xf32, #tpu.memory_space<vmem>>)
      %add3A_206 = arith.addi %mul3A_6, %add3A_200 : i32
      %dma_wait3A_207 = arith.constant 0 : i32
      %dma_wait3A_208 = tpu.memref_slice %arg4[%arg1, %add3A_206, %dma_wait3A_207] : memref<16x320x64xi32, #tpu.memory_space<hbm>> -> memref<1x1x64xi32, #tpu.memory_space<hbm>>
      %dma_wait3A_209 = tpu.memref_squeeze %dma_wait3A_208 : memref<1x1x64xi32, #tpu.memory_space<hbm>> -> memref<64xi32, #tpu.memory_space<hbm>>
      %dma_wait3A_210 = arith.constant 0 : i32
      %dma_wait3A_211 = tpu.memref_slice %arg4[%arg1, %add3A_206, %dma_wait3A_210] : memref<16x320x64xi32, #tpu.memory_space<hbm>> -> memref<1x1x64xi32, #tpu.memory_space<hbm>>
      %dma_wait3A_212 = tpu.memref_squeeze %dma_wait3A_211 : memref<1x1x64xi32, #tpu.memory_space<hbm>> -> memref<64xi32, #tpu.memory_space<hbm>>
      tpu.wait_dma2 semaphore(%arg25 : memref<!tpu.dma_semaphore, #tpu.memory_space<semaphore_mem>>) src(%dma_wait3A_212 : memref<64xi32, #tpu.memory_space<hbm>>) dst(%arg12 : memref<64xi32, #tpu.memory_space<vmem>>)
      %dma_start3A_213 = arith.constant 0 : i32
      %dma_start3A_214 = arith.constant 0 : i32
      %dma_start3A_215 = tpu.memref_slice %arg18[%dma_start3A_213, %dma_start3A_214] : memref<10240x128xf32, #tpu.memory_space<vmem_shared>> -> memref<10240x128xf32, #tpu.memory_space<vmem_shared>>
      tpu.enqueue_indirect_dma source(%arg8 : memref<64x128xf32, #tpu.memory_space<vmem>>) target(%dma_start3A_215 : memref<10240x128xf32, #tpu.memory_space<vmem_shared>>) offsets(%arg12 : memref<64xi32, #tpu.memory_space<vmem>>) semaphore(%arg33 : memref<!tpu.dma_semaphore, #tpu.memory_space<semaphore_mem>>) {add = true}
      %add3A_216 = arith.constant 4 : i32
      %add3A_217 = arith.addi %add3A_200, %add3A_216 : i32
      %lt3A_218 = arith.cmpi slt, %add3A_217, %select_n3A : i32
      %convert_element_type3A_219 = arith.extui %lt3A_218 : i1 to i32
      %cond3A_220 = arith.constant 0 : i32
      %cond3A_221 = arith.cmpi ne, %convert_element_type3A_219, %cond3A_220 : i32
      scf.if %cond3A_221 {
        %add3A_269 = arith.addi %mul3A_6, %add3A_200 : i32
        %add3A_270 = arith.constant 4 : i32
        %add3A_271 = arith.addi %add3A_269, %add3A_270 : i32
        %dma_start3A_272 = arith.constant 0 : i32
        %dma_start3A_273 = tpu.memref_slice %arg3[%arg1, %add3A_271, %dma_start3A_272] : memref<16x320x64xi32, #tpu.memory_space<hbm>> -> memref<1x1x64xi32, #tpu.memory_space<hbm>>
        %dma_start3A_274 = tpu.memref_squeeze %dma_start3A_273 : memref<1x1x64xi32, #tpu.memory_space<hbm>> -> memref<64xi32, #tpu.memory_space<hbm>>
        %dma_start3A_275 = arith.constant 0 : i32
        %dma_start3A_276 = tpu.memref_slice %arg3[%arg1, %add3A_271, %dma_start3A_275] : memref<16x320x64xi32, #tpu.memory_space<hbm>> -> memref<1x1x64xi32, #tpu.memory_space<hbm>>
        %dma_start3A_277 = tpu.memref_squeeze %dma_start3A_276 : memref<1x1x64xi32, #tpu.memory_space<hbm>> -> memref<64xi32, #tpu.memory_space<hbm>>
        tpu.enqueue_dma source(%dma_start3A_277 : memref<64xi32, #tpu.memory_space<hbm>>) target(%arg16 : memref<64xi32, #tpu.memory_space<vmem>>) target_semaphore(%arg29 : memref<!tpu.dma_semaphore, #tpu.memory_space<semaphore_mem>>)
      } else {
      }
      %ge3A_222 = arith.constant 4 : i32
      %ge3A_223 = arith.cmpi sge, %add3A_202, %ge3A_222 : i32
      %lt3A_224 = arith.cmpi slt, %add3A_202, %select_n3A : i32
      %and3A_225 = arith.andi %ge3A_223, %lt3A_224 : i1
      %convert_element_type3A_226 = arith.extui %and3A_225 : i1 to i32
      %cond3A_227 = arith.constant 0 : i32
      %cond3A_228 = arith.cmpi ne, %convert_element_type3A_226, %cond3A_227 : i32
      scf.if %cond3A_228 {
        %dma_wait3A_269 = arith.constant 0 : i32
        %dma_wait3A_270 = arith.constant 0 : i32
        %dma_wait3A_271 = tpu.memref_slice %arg18[%dma_wait3A_269, %dma_wait3A_270] : memref<10240x128xf32, #tpu.memory_space<vmem_shared>> -> memref<10240x128xf32, #tpu.memory_space<vmem_shared>>
        tpu.wait_indirect_dma semaphore(%arg31 : memref<!tpu.dma_semaphore, #tpu.memory_space<semaphore_mem>>) src(%arg6 : memref<64x128xf32, #tpu.memory_space<vmem>>) dst(%dma_wait3A_271 : memref<10240x128xf32, #tpu.memory_space<vmem_shared>>)
      } else {
      }
      %lt3A_229 = arith.cmpi slt, %add3A_202, %select_n3A : i32
      %convert_element_type3A_230 = arith.extui %lt3A_229 : i1 to i32
      %cond3A_231 = arith.constant 0 : i32
      %cond3A_232 = arith.cmpi ne, %convert_element_type3A_230, %cond3A_231 : i32
      scf.if %cond3A_232 {
        %add3A_269 = arith.addi %mul3A_6, %add3A_202 : i32
        %dma_wait3A_270 = arith.constant 0 : i32
        %dma_wait3A_271 = tpu.memref_slice %arg3[%arg1, %add3A_269, %dma_wait3A_270] : memref<16x320x64xi32, #tpu.memory_space<hbm>> -> memref<1x1x64xi32, #tpu.memory_space<hbm>>
        %dma_wait3A_272 = tpu.memref_squeeze %dma_wait3A_271 : memref<1x1x64xi32, #tpu.memory_space<hbm>> -> memref<64xi32, #tpu.memory_space<hbm>>
        %dma_wait3A_273 = arith.constant 0 : i32
        %dma_wait3A_274 = tpu.memref_slice %arg3[%arg1, %add3A_269, %dma_wait3A_273] : memref<16x320x64xi32, #tpu.memory_space<hbm>> -> memref<1x1x64xi32, #tpu.memory_space<hbm>>
        %dma_wait3A_275 = tpu.memref_squeeze %dma_wait3A_274 : memref<1x1x64xi32, #tpu.memory_space<hbm>> -> memref<64xi32, #tpu.memory_space<hbm>>
        tpu.wait_dma2 semaphore(%arg27 : memref<!tpu.dma_semaphore, #tpu.memory_space<semaphore_mem>>) src(%dma_wait3A_275 : memref<64xi32, #tpu.memory_space<hbm>>) dst(%arg14 : memref<64xi32, #tpu.memory_space<vmem>>)
        %dma_start3A_276 = arith.constant 0 : i32
        %dma_start3A_277 = arith.constant 0 : i32
        %dma_start3A_278 = tpu.memref_slice %arg2[%dma_start3A_276, %dma_start3A_277] : memref<10240x128xf32, #tpu.memory_space<hbm>> -> memref<10240x128xf32, #tpu.memory_space<hbm>>
        tpu.enqueue_indirect_dma source(%dma_start3A_278 : memref<10240x128xf32, #tpu.memory_space<hbm>>) target(%arg6 : memref<64x128xf32, #tpu.memory_space<vmem>>) offsets(%arg14 : memref<64xi32, #tpu.memory_space<vmem>>) semaphore(%arg19 : memref<!tpu.dma_semaphore, #tpu.memory_space<semaphore_mem>>)
        %add3A_279 = arith.addi %mul3A_6, %add3A_202 : i32
        %dma_start3A_280 = arith.constant 0 : i32
        %dma_start3A_281 = tpu.memref_slice %arg4[%arg1, %add3A_279, %dma_start3A_280] : memref<16x320x64xi32, #tpu.memory_space<hbm>> -> memref<1x1x64xi32, #tpu.memory_space<hbm>>
        %dma_start3A_282 = tpu.memref_squeeze %dma_start3A_281 : memref<1x1x64xi32, #tpu.memory_space<hbm>> -> memref<64xi32, #tpu.memory_space<hbm>>
        %dma_start3A_283 = arith.constant 0 : i32
        %dma_start3A_284 = tpu.memref_slice %arg4[%arg1, %add3A_279, %dma_start3A_283] : memref<16x320x64xi32, #tpu.memory_space<hbm>> -> memref<1x1x64xi32, #tpu.memory_space<hbm>>
        %dma_start3A_285 = tpu.memref_squeeze %dma_start3A_284 : memref<1x1x64xi32, #tpu.memory_space<hbm>> -> memref<64xi32, #tpu.memory_space<hbm>>
        tpu.enqueue_dma source(%dma_start3A_285 : memref<64xi32, #tpu.memory_space<hbm>>) target(%arg10 : memref<64xi32, #tpu.memory_space<vmem>>) target_semaphore(%arg23 : memref<!tpu.dma_semaphore, #tpu.memory_space<semaphore_mem>>)
      } else {
      }
      %mul3A_233 = arith.constant 4 : i32
      %mul3A_234 = arith.muli %while3A_128, %mul3A_233 : i32
      %add3A_235 = arith.constant 3 : i32
      %add3A_236 = arith.addi %mul3A_234, %add3A_235 : i32
      %add3A_237 = arith.constant 2 : i32
      %add3A_238 = arith.addi %add3A_236, %add3A_237 : i32
      %dma_wait3A_239 = arith.constant 0 : i32
      %dma_wait3A_240 = arith.constant 0 : i32
      %dma_wait3A_241 = tpu.memref_slice %arg2[%dma_wait3A_239, %dma_wait3A_240] : memref<10240x128xf32, #tpu.memory_space<hbm>> -> memref<10240x128xf32, #tpu.memory_space<hbm>>
      tpu.wait_indirect_dma semaphore(%arg22 : memref<!tpu.dma_semaphore, #tpu.memory_space<semaphore_mem>>) src(%dma_wait3A_241 : memref<10240x128xf32, #tpu.memory_space<hbm>>) dst(%arg9 : memref<64x128xf32, #tpu.memory_space<vmem>>)
      %add3A_242 = arith.addi %mul3A_6, %add3A_236 : i32
      %dma_wait3A_243 = arith.constant 0 : i32
      %dma_wait3A_244 = tpu.memref_slice %arg4[%arg1, %add3A_242, %dma_wait3A_243] : memref<16x320x64xi32, #tpu.memory_space<hbm>> -> memref<1x1x64xi32, #tpu.memory_space<hbm>>
      %dma_wait3A_245 = tpu.memref_squeeze %dma_wait3A_244 : memref<1x1x64xi32, #tpu.memory_space<hbm>> -> memref<64xi32, #tpu.memory_space<hbm>>
      %dma_wait3A_246 = arith.constant 0 : i32
      %dma_wait3A_247 = tpu.memref_slice %arg4[%arg1, %add3A_242, %dma_wait3A_246] : memref<16x320x64xi32, #tpu.memory_space<hbm>> -> memref<1x1x64xi32, #tpu.memory_space<hbm>>
      %dma_wait3A_248 = tpu.memref_squeeze %dma_wait3A_247 : memref<1x1x64xi32, #tpu.memory_space<hbm>> -> memref<64xi32, #tpu.memory_space<hbm>>
      tpu.wait_dma2 semaphore(%arg26 : memref<!tpu.dma_semaphore, #tpu.memory_space<semaphore_mem>>) src(%dma_wait3A_248 : memref<64xi32, #tpu.memory_space<hbm>>) dst(%arg13 : memref<64xi32, #tpu.memory_space<vmem>>)
      %dma_start3A_249 = arith.constant 0 : i32
      %dma_start3A_250 = arith.constant 0 : i32
      %dma_start3A_251 = tpu.memref_slice %arg18[%dma_start3A_249, %dma_start3A_250] : memref<10240x128xf32, #tpu.memory_space<vmem_shared>> -> memref<10240x128xf32, #tpu.memory_space<vmem_shared>>
      tpu.enqueue_indirect_dma source(%arg9 : memref<64x128xf32, #tpu.memory_space<vmem>>) target(%dma_start3A_251 : memref<10240x128xf32, #tpu.memory_space<vmem_shared>>) offsets(%arg13 : memref<64xi32, #tpu.memory_space<vmem>>) semaphore(%arg34 : memref<!tpu.dma_semaphore, #tpu.memory_space<semaphore_mem>>) {add = true}
      %add3A_252 = arith.constant 4 : i32
      %add3A_253 = arith.addi %add3A_236, %add3A_252 : i32
      %lt3A_254 = arith.cmpi slt, %add3A_253, %select_n3A : i32
      %convert_element_type3A_255 = arith.extui %lt3A_254 : i1 to i32
      %cond3A_256 = arith.constant 0 : i32
      %cond3A_257 = arith.cmpi ne, %convert_element_type3A_255, %cond3A_256 : i32
      scf.if %cond3A_257 {
        %add3A_269 = arith.addi %mul3A_6, %add3A_236 : i32
        %add3A_270 = arith.constant 4 : i32
        %add3A_271 = arith.addi %add3A_269, %add3A_270 : i32
        %dma_start3A_272 = arith.constant 0 : i32
        %dma_start3A_273 = tpu.memref_slice %arg3[%arg1, %add3A_271, %dma_start3A_272] : memref<16x320x64xi32, #tpu.memory_space<hbm>> -> memref<1x1x64xi32, #tpu.memory_space<hbm>>
        %dma_start3A_274 = tpu.memref_squeeze %dma_start3A_273 : memref<1x1x64xi32, #tpu.memory_space<hbm>> -> memref<64xi32, #tpu.memory_space<hbm>>
        %dma_start3A_275 = arith.constant 0 : i32
        %dma_start3A_276 = tpu.memref_slice %arg3[%arg1, %add3A_271, %dma_start3A_275] : memref<16x320x64xi32, #tpu.memory_space<hbm>> -> memref<1x1x64xi32, #tpu.memory_space<hbm>>
        %dma_start3A_277 = tpu.memref_squeeze %dma_start3A_276 : memref<1x1x64xi32, #tpu.memory_space<hbm>> -> memref<64xi32, #tpu.memory_space<hbm>>
        tpu.enqueue_dma source(%dma_start3A_277 : memref<64xi32, #tpu.memory_space<hbm>>) target(%arg17 : memref<64xi32, #tpu.memory_space<vmem>>) target_semaphore(%arg30 : memref<!tpu.dma_semaphore, #tpu.memory_space<semaphore_mem>>)
      } else {
      }
      %ge3A_258 = arith.constant 4 : i32
      %ge3A_259 = arith.cmpi sge, %add3A_238, %ge3A_258 : i32
      %lt3A_260 = arith.cmpi slt, %add3A_238, %select_n3A : i32
      %and3A_261 = arith.andi %ge3A_259, %lt3A_260 : i1
      %convert_element_type3A_262 = arith.extui %and3A_261 : i1 to i32
      %cond3A_263 = arith.constant 0 : i32
      %cond3A_264 = arith.cmpi ne, %convert_element_type3A_262, %cond3A_263 : i32
      scf.if %cond3A_264 {
        %dma_wait3A_269 = arith.constant 0 : i32
        %dma_wait3A_270 = arith.constant 0 : i32
        %dma_wait3A_271 = tpu.memref_slice %arg18[%dma_wait3A_269, %dma_wait3A_270] : memref<10240x128xf32, #tpu.memory_space<vmem_shared>> -> memref<10240x128xf32, #tpu.memory_space<vmem_shared>>
        tpu.wait_indirect_dma semaphore(%arg32 : memref<!tpu.dma_semaphore, #tpu.memory_space<semaphore_mem>>) src(%arg7 : memref<64x128xf32, #tpu.memory_space<vmem>>) dst(%dma_wait3A_271 : memref<10240x128xf32, #tpu.memory_space<vmem_shared>>)
      } else {
      }
      %lt3A_265 = arith.cmpi slt, %add3A_238, %select_n3A : i32
      %convert_element_type3A_266 = arith.extui %lt3A_265 : i1 to i32
      %cond3A_267 = arith.constant 0 : i32
      %cond3A_268 = arith.cmpi ne, %convert_element_type3A_266, %cond3A_267 : i32
      scf.if %cond3A_268 {
        %add3A_269 = arith.addi %mul3A_6, %add3A_238 : i32
        %dma_wait3A_270 = arith.constant 0 : i32
        %dma_wait3A_271 = tpu.memref_slice %arg3[%arg1, %add3A_269, %dma_wait3A_270] : memref<16x320x64xi32, #tpu.memory_space<hbm>> -> memref<1x1x64xi32, #tpu.memory_space<hbm>>
        %dma_wait3A_272 = tpu.memref_squeeze %dma_wait3A_271 : memref<1x1x64xi32, #tpu.memory_space<hbm>> -> memref<64xi32, #tpu.memory_space<hbm>>
        %dma_wait3A_273 = arith.constant 0 : i32
        %dma_wait3A_274 = tpu.memref_slice %arg3[%arg1, %add3A_269, %dma_wait3A_273] : memref<16x320x64xi32, #tpu.memory_space<hbm>> -> memref<1x1x64xi32, #tpu.memory_space<hbm>>
        %dma_wait3A_275 = tpu.memref_squeeze %dma_wait3A_274 : memref<1x1x64xi32, #tpu.memory_space<hbm>> -> memref<64xi32, #tpu.memory_space<hbm>>
        tpu.wait_dma2 semaphore(%arg28 : memref<!tpu.dma_semaphore, #tpu.memory_space<semaphore_mem>>) src(%dma_wait3A_275 : memref<64xi32, #tpu.memory_space<hbm>>) dst(%arg15 : memref<64xi32, #tpu.memory_space<vmem>>)
        %dma_start3A_276 = arith.constant 0 : i32
        %dma_start3A_277 = arith.constant 0 : i32
        %dma_start3A_278 = tpu.memref_slice %arg2[%dma_start3A_276, %dma_start3A_277] : memref<10240x128xf32, #tpu.memory_space<hbm>> -> memref<10240x128xf32, #tpu.memory_space<hbm>>
        tpu.enqueue_indirect_dma source(%dma_start3A_278 : memref<10240x128xf32, #tpu.memory_space<hbm>>) target(%arg7 : memref<64x128xf32, #tpu.memory_space<vmem>>) offsets(%arg15 : memref<64xi32, #tpu.memory_space<vmem>>) semaphore(%arg20 : memref<!tpu.dma_semaphore, #tpu.memory_space<semaphore_mem>>)
        %add3A_279 = arith.addi %mul3A_6, %add3A_238 : i32
        %dma_start3A_280 = arith.constant 0 : i32
        %dma_start3A_281 = tpu.memref_slice %arg4[%arg1, %add3A_279, %dma_start3A_280] : memref<16x320x64xi32, #tpu.memory_space<hbm>> -> memref<1x1x64xi32, #tpu.memory_space<hbm>>
        %dma_start3A_282 = tpu.memref_squeeze %dma_start3A_281 : memref<1x1x64xi32, #tpu.memory_space<hbm>> -> memref<64xi32, #tpu.memory_space<hbm>>
        %dma_start3A_283 = arith.constant 0 : i32
        %dma_start3A_284 = tpu.memref_slice %arg4[%arg1, %add3A_279, %dma_start3A_283] : memref<16x320x64xi32, #tpu.memory_space<hbm>> -> memref<1x1x64xi32, #tpu.memory_space<hbm>>
        %dma_start3A_285 = tpu.memref_squeeze %dma_start3A_284 : memref<1x1x64xi32, #tpu.memory_space<hbm>> -> memref<64xi32, #tpu.memory_space<hbm>>
        tpu.enqueue_dma source(%dma_start3A_285 : memref<64xi32, #tpu.memory_space<hbm>>) target(%arg11 : memref<64xi32, #tpu.memory_space<vmem>>) target_semaphore(%arg24 : memref<!tpu.dma_semaphore, #tpu.memory_space<semaphore_mem>>)
      } else {
      }
    }
    %while3A_109 = arith.constant 1 : i32
    scf.for %while3A_128 = %while3A_107 to %while3A_103 step %while3A_109  : i32 {
      %mul3A_129 = arith.constant 4 : i32
      %mul3A_130 = arith.muli %while3A_128, %mul3A_129 : i32
      %add3A_131 = arith.constant 0 : i32
      %add3A_132 = arith.addi %mul3A_130, %add3A_131 : i32
      %add3A_133 = arith.constant 2 : i32
      %add3A_134 = arith.addi %add3A_132, %add3A_133 : i32
      %dma_wait3A_135 = arith.constant 0 : i32
      %dma_wait3A_136 = arith.constant 0 : i32
      %dma_wait3A_137 = tpu.memref_slice %arg2[%dma_wait3A_135, %dma_wait3A_136] : memref<10240x128xf32, #tpu.memory_space<hbm>> -> memref<10240x128xf32, #tpu.memory_space<hbm>>
      tpu.wait_indirect_dma semaphore(%arg19 : memref<!tpu.dma_semaphore, #tpu.memory_space<semaphore_mem>>) src(%dma_wait3A_137 : memref<10240x128xf32, #tpu.memory_space<hbm>>) dst(%arg6 : memref<64x128xf32, #tpu.memory_space<vmem>>)
      %add3A_138 = arith.addi %mul3A_6, %add3A_132 : i32
      %dma_wait3A_139 = arith.constant 0 : i32
      %dma_wait3A_140 = tpu.memref_slice %arg4[%arg1, %add3A_138, %dma_wait3A_139] : memref<16x320x64xi32, #tpu.memory_space<hbm>> -> memref<1x1x64xi32, #tpu.memory_space<hbm>>
      %dma_wait3A_141 = tpu.memref_squeeze %dma_wait3A_140 : memref<1x1x64xi32, #tpu.memory_space<hbm>> -> memref<64xi32, #tpu.memory_space<hbm>>
      %dma_wait3A_142 = arith.constant 0 : i32
      %dma_wait3A_143 = tpu.memref_slice %arg4[%arg1, %add3A_138, %dma_wait3A_142] : memref<16x320x64xi32, #tpu.memory_space<hbm>> -> memref<1x1x64xi32, #tpu.memory_space<hbm>>
      %dma_wait3A_144 = tpu.memref_squeeze %dma_wait3A_143 : memref<1x1x64xi32, #tpu.memory_space<hbm>> -> memref<64xi32, #tpu.memory_space<hbm>>
      tpu.wait_dma2 semaphore(%arg23 : memref<!tpu.dma_semaphore, #tpu.memory_space<semaphore_mem>>) src(%dma_wait3A_144 : memref<64xi32, #tpu.memory_space<hbm>>) dst(%arg10 : memref<64xi32, #tpu.memory_space<vmem>>)
      %dma_start3A_145 = arith.constant 0 : i32
      %dma_start3A_146 = arith.constant 0 : i32
      %dma_start3A_147 = tpu.memref_slice %arg18[%dma_start3A_145, %dma_start3A_146] : memref<10240x128xf32, #tpu.memory_space<vmem_shared>> -> memref<10240x128xf32, #tpu.memory_space<vmem_shared>>
      tpu.enqueue_indirect_dma source(%arg6 : memref<64x128xf32, #tpu.memory_space<vmem>>) target(%dma_start3A_147 : memref<10240x128xf32, #tpu.memory_space<vmem_shared>>) offsets(%arg10 : memref<64xi32, #tpu.memory_space<vmem>>) semaphore(%arg31 : memref<!tpu.dma_semaphore, #tpu.memory_space<semaphore_mem>>) {add = true}
      %add3A_148 = arith.constant 4 : i32
      %add3A_149 = arith.addi %add3A_132, %add3A_148 : i32
      %lt3A = arith.cmpi slt, %add3A_149, %select_n3A : i32
      %convert_element_type3A = arith.extui %lt3A : i1 to i32
      %cond3A = arith.constant 0 : i32
      %cond3A_150 = arith.cmpi ne, %convert_element_type3A, %cond3A : i32
      scf.if %cond3A_150 {
        %add3A_269 = arith.addi %mul3A_6, %add3A_132 : i32
        %add3A_270 = arith.constant 4 : i32
        %add3A_271 = arith.addi %add3A_269, %add3A_270 : i32
        %dma_start3A_272 = arith.constant 0 : i32
        %dma_start3A_273 = tpu.memref_slice %arg3[%arg1, %add3A_271, %dma_start3A_272] : memref<16x320x64xi32, #tpu.memory_space<hbm>> -> memref<1x1x64xi32, #tpu.memory_space<hbm>>
        %dma_start3A_274 = tpu.memref_squeeze %dma_start3A_273 : memref<1x1x64xi32, #tpu.memory_space<hbm>> -> memref<64xi32, #tpu.memory_space<hbm>>
        %dma_start3A_275 = arith.constant 0 : i32
        %dma_start3A_276 = tpu.memref_slice %arg3[%arg1, %add3A_271, %dma_start3A_275] : memref<16x320x64xi32, #tpu.memory_space<hbm>> -> memref<1x1x64xi32, #tpu.memory_space<hbm>>
        %dma_start3A_277 = tpu.memref_squeeze %dma_start3A_276 : memref<1x1x64xi32, #tpu.memory_space<hbm>> -> memref<64xi32, #tpu.memory_space<hbm>>
        tpu.enqueue_dma source(%dma_start3A_277 : memref<64xi32, #tpu.memory_space<hbm>>) target(%arg14 : memref<64xi32, #tpu.memory_space<vmem>>) target_semaphore(%arg27 : memref<!tpu.dma_semaphore, #tpu.memory_space<semaphore_mem>>)
      } else {
      }
      %ge3A = arith.constant 4 : i32
      %ge3A_151 = arith.cmpi sge, %add3A_134, %ge3A : i32
      %lt3A_152 = arith.cmpi slt, %add3A_134, %select_n3A : i32
      %and3A_153 = arith.andi %ge3A_151, %lt3A_152 : i1
      %convert_element_type3A_154 = arith.extui %and3A_153 : i1 to i32
      %cond3A_155 = arith.constant 0 : i32
      %cond3A_156 = arith.cmpi ne, %convert_element_type3A_154, %cond3A_155 : i32
      scf.if %cond3A_156 {
        %dma_wait3A_269 = arith.constant 0 : i32
        %dma_wait3A_270 = arith.constant 0 : i32
        %dma_wait3A_271 = tpu.memref_slice %arg18[%dma_wait3A_269, %dma_wait3A_270] : memref<10240x128xf32, #tpu.memory_space<vmem_shared>> -> memref<10240x128xf32, #tpu.memory_space<vmem_shared>>
        tpu.wait_indirect_dma semaphore(%arg33 : memref<!tpu.dma_semaphore, #tpu.memory_space<semaphore_mem>>) src(%arg8 : memref<64x128xf32, #tpu.memory_space<vmem>>) dst(%dma_wait3A_271 : memref<10240x128xf32, #tpu.memory_space<vmem_shared>>)
      } else {
      }
      %lt3A_157 = arith.cmpi slt, %add3A_134, %select_n3A : i32
      %convert_element_type3A_158 = arith.extui %lt3A_157 : i1 to i32
      %cond3A_159 = arith.constant 0 : i32
      %cond3A_160 = arith.cmpi ne, %convert_element_type3A_158, %cond3A_159 : i32
      scf.if %cond3A_160 {
        %add3A_269 = arith.addi %mul3A_6, %add3A_134 : i32
        %dma_wait3A_270 = arith.constant 0 : i32
        %dma_wait3A_271 = tpu.memref_slice %arg3[%arg1, %add3A_269, %dma_wait3A_270] : memref<16x320x64xi32, #tpu.memory_space<hbm>> -> memref<1x1x64xi32, #tpu.memory_space<hbm>>
        %dma_wait3A_272 = tpu.memref_squeeze %dma_wait3A_271 : memref<1x1x64xi32, #tpu.memory_space<hbm>> -> memref<64xi32, #tpu.memory_space<hbm>>
        %dma_wait3A_273 = arith.constant 0 : i32
        %dma_wait3A_274 = tpu.memref_slice %arg3[%arg1, %add3A_269, %dma_wait3A_273] : memref<16x320x64xi32, #tpu.memory_space<hbm>> -> memref<1x1x64xi32, #tpu.memory_space<hbm>>
        %dma_wait3A_275 = tpu.memref_squeeze %dma_wait3A_274 : memref<1x1x64xi32, #tpu.memory_space<hbm>> -> memref<64xi32, #tpu.memory_space<hbm>>
        tpu.wait_dma2 semaphore(%arg29 : memref<!tpu.dma_semaphore, #tpu.memory_space<semaphore_mem>>) src(%dma_wait3A_275 : memref<64xi32, #tpu.memory_space<hbm>>) dst(%arg16 : memref<64xi32, #tpu.memory_space<vmem>>)
        %dma_start3A_276 = arith.constant 0 : i32
        %dma_start3A_277 = arith.constant 0 : i32
        %dma_start3A_278 = tpu.memref_slice %arg2[%dma_start3A_276, %dma_start3A_277] : memref<10240x128xf32, #tpu.memory_space<hbm>> -> memref<10240x128xf32, #tpu.memory_space<hbm>>
        tpu.enqueue_indirect_dma source(%dma_start3A_278 : memref<10240x128xf32, #tpu.memory_space<hbm>>) target(%arg8 : memref<64x128xf32, #tpu.memory_space<vmem>>) offsets(%arg16 : memref<64xi32, #tpu.memory_space<vmem>>) semaphore(%arg21 : memref<!tpu.dma_semaphore, #tpu.memory_space<semaphore_mem>>)
        %add3A_279 = arith.addi %mul3A_6, %add3A_134 : i32
        %dma_start3A_280 = arith.constant 0 : i32
        %dma_start3A_281 = tpu.memref_slice %arg4[%arg1, %add3A_279, %dma_start3A_280] : memref<16x320x64xi32, #tpu.memory_space<hbm>> -> memref<1x1x64xi32, #tpu.memory_space<hbm>>
        %dma_start3A_282 = tpu.memref_squeeze %dma_start3A_281 : memref<1x1x64xi32, #tpu.memory_space<hbm>> -> memref<64xi32, #tpu.memory_space<hbm>>
        %dma_start3A_283 = arith.constant 0 : i32
        %dma_start3A_284 = tpu.memref_slice %arg4[%arg1, %add3A_279, %dma_start3A_283] : memref<16x320x64xi32, #tpu.memory_space<hbm>> -> memref<1x1x64xi32, #tpu.memory_space<hbm>>
        %dma_start3A_285 = tpu.memref_squeeze %dma_start3A_284 : memref<1x1x64xi32, #tpu.memory_space<hbm>> -> memref<64xi32, #tpu.memory_space<hbm>>
        tpu.enqueue_dma source(%dma_start3A_285 : memref<64xi32, #tpu.memory_space<hbm>>) target(%arg12 : memref<64xi32, #tpu.memory_space<vmem>>) target_semaphore(%arg25 : memref<!tpu.dma_semaphore, #tpu.memory_space<semaphore_mem>>)
      } else {
      }
      %mul3A_161 = arith.constant 4 : i32
      %mul3A_162 = arith.muli %while3A_128, %mul3A_161 : i32
      %add3A_163 = arith.constant 1 : i32
      %add3A_164 = arith.addi %mul3A_162, %add3A_163 : i32
      %add3A_165 = arith.constant 2 : i32
      %add3A_166 = arith.addi %add3A_164, %add3A_165 : i32
      %dma_wait3A_167 = arith.constant 0 : i32
      %dma_wait3A_168 = arith.constant 0 : i32
      %dma_wait3A_169 = tpu.memref_slice %arg2[%dma_wait3A_167, %dma_wait3A_168] : memref<10240x128xf32, #tpu.memory_space<hbm>> -> memref<10240x128xf32, #tpu.memory_space<hbm>>
      tpu.wait_indirect_dma semaphore(%arg20 : memref<!tpu.dma_semaphore, #tpu.memory_space<semaphore_mem>>) src(%dma_wait3A_169 : memref<10240x128xf32, #tpu.memory_space<hbm>>) dst(%arg7 : memref<64x128xf32, #tpu.memory_space<vmem>>)
      %add3A_170 = arith.addi %mul3A_6, %add3A_164 : i32
      %dma_wait3A_171 = arith.constant 0 : i32
      %dma_wait3A_172 = tpu.memref_slice %arg4[%arg1, %add3A_170, %dma_wait3A_171] : memref<16x320x64xi32, #tpu.memory_space<hbm>> -> memref<1x1x64xi32, #tpu.memory_space<hbm>>
      %dma_wait3A_173 = tpu.memref_squeeze %dma_wait3A_172 : memref<1x1x64xi32, #tpu.memory_space<hbm>> -> memref<64xi32, #tpu.memory_space<hbm>>
      %dma_wait3A_174 = arith.constant 0 : i32
      %dma_wait3A_175 = tpu.memref_slice %arg4[%arg1, %add3A_170, %dma_wait3A_174] : memref<16x320x64xi32, #tpu.memory_space<hbm>> -> memref<1x1x64xi32, #tpu.memory_space<hbm>>
      %dma_wait3A_176 = tpu.memref_squeeze %dma_wait3A_175 : memref<1x1x64xi32, #tpu.memory_space<hbm>> -> memref<64xi32, #tpu.memory_space<hbm>>
      tpu.wait_dma2 semaphore(%arg24 : memref<!tpu.dma_semaphore, #tpu.memory_space<semaphore_mem>>) src(%dma_wait3A_176 : memref<64xi32, #tpu.memory_space<hbm>>) dst(%arg11 : memref<64xi32, #tpu.memory_space<vmem>>)
      %dma_start3A_177 = arith.constant 0 : i32
      %dma_start3A_178 = arith.constant 0 : i32
      %dma_start3A_179 = tpu.memref_slice %arg18[%dma_start3A_177, %dma_start3A_178] : memref<10240x128xf32, #tpu.memory_space<vmem_shared>> -> memref<10240x128xf32, #tpu.memory_space<vmem_shared>>
      tpu.enqueue_indirect_dma source(%arg7 : memref<64x128xf32, #tpu.memory_space<vmem>>) target(%dma_start3A_179 : memref<10240x128xf32, #tpu.memory_space<vmem_shared>>) offsets(%arg11 : memref<64xi32, #tpu.memory_space<vmem>>) semaphore(%arg32 : memref<!tpu.dma_semaphore, #tpu.memory_space<semaphore_mem>>) {add = true}
      %add3A_180 = arith.constant 4 : i32
      %add3A_181 = arith.addi %add3A_164, %add3A_180 : i32
      %lt3A_182 = arith.cmpi slt, %add3A_181, %select_n3A : i32
      %convert_element_type3A_183 = arith.extui %lt3A_182 : i1 to i32
      %cond3A_184 = arith.constant 0 : i32
      %cond3A_185 = arith.cmpi ne, %convert_element_type3A_183, %cond3A_184 : i32
      scf.if %cond3A_185 {
        %add3A_269 = arith.addi %mul3A_6, %add3A_164 : i32
        %add3A_270 = arith.constant 4 : i32
        %add3A_271 = arith.addi %add3A_269, %add3A_270 : i32
        %dma_start3A_272 = arith.constant 0 : i32
        %dma_start3A_273 = tpu.memref_slice %arg3[%arg1, %add3A_271, %dma_start3A_272] : memref<16x320x64xi32, #tpu.memory_space<hbm>> -> memref<1x1x64xi32, #tpu.memory_space<hbm>>
        %dma_start3A_274 = tpu.memref_squeeze %dma_start3A_273 : memref<1x1x64xi32, #tpu.memory_space<hbm>> -> memref<64xi32, #tpu.memory_space<hbm>>
        %dma_start3A_275 = arith.constant 0 : i32
        %dma_start3A_276 = tpu.memref_slice %arg3[%arg1, %add3A_271, %dma_start3A_275] : memref<16x320x64xi32, #tpu.memory_space<hbm>> -> memref<1x1x64xi32, #tpu.memory_space<hbm>>
        %dma_start3A_277 = tpu.memref_squeeze %dma_start3A_276 : memref<1x1x64xi32, #tpu.memory_space<hbm>> -> memref<64xi32, #tpu.memory_space<hbm>>
        tpu.enqueue_dma source(%dma_start3A_277 : memref<64xi32, #tpu.memory_space<hbm>>) target(%arg15 : memref<64xi32, #tpu.memory_space<vmem>>) target_semaphore(%arg28 : memref<!tpu.dma_semaphore, #tpu.memory_space<semaphore_mem>>)
      } else {
      }
      %ge3A_186 = arith.constant 4 : i32
      %ge3A_187 = arith.cmpi sge, %add3A_166, %ge3A_186 : i32
      %lt3A_188 = arith.cmpi slt, %add3A_166, %select_n3A : i32
      %and3A_189 = arith.andi %ge3A_187, %lt3A_188 : i1
      %convert_element_type3A_190 = arith.extui %and3A_189 : i1 to i32
      %cond3A_191 = arith.constant 0 : i32
      %cond3A_192 = arith.cmpi ne, %convert_element_type3A_190, %cond3A_191 : i32
      scf.if %cond3A_192 {
        %dma_wait3A_269 = arith.constant 0 : i32
        %dma_wait3A_270 = arith.constant 0 : i32
        %dma_wait3A_271 = tpu.memref_slice %arg18[%dma_wait3A_269, %dma_wait3A_270] : memref<10240x128xf32, #tpu.memory_space<vmem_shared>> -> memref<10240x128xf32, #tpu.memory_space<vmem_shared>>
        tpu.wait_indirect_dma semaphore(%arg34 : memref<!tpu.dma_semaphore, #tpu.memory_space<semaphore_mem>>) src(%arg9 : memref<64x128xf32, #tpu.memory_space<vmem>>) dst(%dma_wait3A_271 : memref<10240x128xf32, #tpu.memory_space<vmem_shared>>)
      } else {
      }
      %lt3A_193 = arith.cmpi slt, %add3A_166, %select_n3A : i32
      %convert_element_type3A_194 = arith.extui %lt3A_193 : i1 to i32
      %cond3A_195 = arith.constant 0 : i32
      %cond3A_196 = arith.cmpi ne, %convert_element_type3A_194, %cond3A_195 : i32
      scf.if %cond3A_196 {
        %add3A_269 = arith.addi %mul3A_6, %add3A_166 : i32
        %dma_wait3A_270 = arith.constant 0 : i32
        %dma_wait3A_271 = tpu.memref_slice %arg3[%arg1, %add3A_269, %dma_wait3A_270] : memref<16x320x64xi32, #tpu.memory_space<hbm>> -> memref<1x1x64xi32, #tpu.memory_space<hbm>>
        %dma_wait3A_272 = tpu.memref_squeeze %dma_wait3A_271 : memref<1x1x64xi32, #tpu.memory_space<hbm>> -> memref<64xi32, #tpu.memory_space<hbm>>
        %dma_wait3A_273 = arith.constant 0 : i32
        %dma_wait3A_274 = tpu.memref_slice %arg3[%arg1, %add3A_269, %dma_wait3A_273] : memref<16x320x64xi32, #tpu.memory_space<hbm>> -> memref<1x1x64xi32, #tpu.memory_space<hbm>>
        %dma_wait3A_275 = tpu.memref_squeeze %dma_wait3A_274 : memref<1x1x64xi32, #tpu.memory_space<hbm>> -> memref<64xi32, #tpu.memory_space<hbm>>
        tpu.wait_dma2 semaphore(%arg30 : memref<!tpu.dma_semaphore, #tpu.memory_space<semaphore_mem>>) src(%dma_wait3A_275 : memref<64xi32, #tpu.memory_space<hbm>>) dst(%arg17 : memref<64xi32, #tpu.memory_space<vmem>>)
        %dma_start3A_276 = arith.constant 0 : i32
        %dma_start3A_277 = arith.constant 0 : i32
        %dma_start3A_278 = tpu.memref_slice %arg2[%dma_start3A_276, %dma_start3A_277] : memref<10240x128xf32, #tpu.memory_space<hbm>> -> memref<10240x128xf32, #tpu.memory_space<hbm>>
        tpu.enqueue_indirect_dma source(%dma_start3A_278 : memref<10240x128xf32, #tpu.memory_space<hbm>>) target(%arg9 : memref<64x128xf32, #tpu.memory_space<vmem>>) offsets(%arg17 : memref<64xi32, #tpu.memory_space<vmem>>) semaphore(%arg22 : memref<!tpu.dma_semaphore, #tpu.memory_space<semaphore_mem>>)
        %add3A_279 = arith.addi %mul3A_6, %add3A_166 : i32
        %dma_start3A_280 = arith.constant 0 : i32
        %dma_start3A_281 = tpu.memref_slice %arg4[%arg1, %add3A_279, %dma_start3A_280] : memref<16x320x64xi32, #tpu.memory_space<hbm>> -> memref<1x1x64xi32, #tpu.memory_space<hbm>>
        %dma_start3A_282 = tpu.memref_squeeze %dma_start3A_281 : memref<1x1x64xi32, #tpu.memory_space<hbm>> -> memref<64xi32, #tpu.memory_space<hbm>>
        %dma_start3A_283 = arith.constant 0 : i32
        %dma_start3A_284 = tpu.memref_slice %arg4[%arg1, %add3A_279, %dma_start3A_283] : memref<16x320x64xi32, #tpu.memory_space<hbm>> -> memref<1x1x64xi32, #tpu.memory_space<hbm>>
        %dma_start3A_285 = tpu.memref_squeeze %dma_start3A_284 : memref<1x1x64xi32, #tpu.memory_space<hbm>> -> memref<64xi32, #tpu.memory_space<hbm>>
        tpu.enqueue_dma source(%dma_start3A_285 : memref<64xi32, #tpu.memory_space<hbm>>) target(%arg13 : memref<64xi32, #tpu.memory_space<vmem>>) target_semaphore(%arg26 : memref<!tpu.dma_semaphore, #tpu.memory_space<semaphore_mem>>)
      } else {
      }
      %mul3A_197 = arith.constant 4 : i32
      %mul3A_198 = arith.muli %while3A_128, %mul3A_197 : i32
      %add3A_199 = arith.constant 2 : i32
      %add3A_200 = arith.addi %mul3A_198, %add3A_199 : i32
      %add3A_201 = arith.constant 2 : i32
      %add3A_202 = arith.addi %add3A_200, %add3A_201 : i32
      %dma_wait3A_203 = arith.constant 0 : i32
      %dma_wait3A_204 = arith.constant 0 : i32
      %dma_wait3A_205 = tpu.memref_slice %arg2[%dma_wait3A_203, %dma_wait3A_204] : memref<10240x128xf32, #tpu.memory_space<hbm>> -> memref<10240x128xf32, #tpu.memory_space<hbm>>
      tpu.wait_indirect_dma semaphore(%arg21 : memref<!tpu.dma_semaphore, #tpu.memory_space<semaphore_mem>>) src(%dma_wait3A_205 : memref<10240x128xf32, #tpu.memory_space<hbm>>) dst(%arg8 : memref<64x128xf32, #tpu.memory_space<vmem>>)
      %add3A_206 = arith.addi %mul3A_6, %add3A_200 : i32
      %dma_wait3A_207 = arith.constant 0 : i32
      %dma_wait3A_208 = tpu.memref_slice %arg4[%arg1, %add3A_206, %dma_wait3A_207] : memref<16x320x64xi32, #tpu.memory_space<hbm>> -> memref<1x1x64xi32, #tpu.memory_space<hbm>>
      %dma_wait3A_209 = tpu.memref_squeeze %dma_wait3A_208 : memref<1x1x64xi32, #tpu.memory_space<hbm>> -> memref<64xi32, #tpu.memory_space<hbm>>
      %dma_wait3A_210 = arith.constant 0 : i32
      %dma_wait3A_211 = tpu.memref_slice %arg4[%arg1, %add3A_206, %dma_wait3A_210] : memref<16x320x64xi32, #tpu.memory_space<hbm>> -> memref<1x1x64xi32, #tpu.memory_space<hbm>>
      %dma_wait3A_212 = tpu.memref_squeeze %dma_wait3A_211 : memref<1x1x64xi32, #tpu.memory_space<hbm>> -> memref<64xi32, #tpu.memory_space<hbm>>
      tpu.wait_dma2 semaphore(%arg25 : memref<!tpu.dma_semaphore, #tpu.memory_space<semaphore_mem>>) src(%dma_wait3A_212 : memref<64xi32, #tpu.memory_space<hbm>>) dst(%arg12 : memref<64xi32, #tpu.memory_space<vmem>>)
      %dma_start3A_213 = arith.constant 0 : i32
      %dma_start3A_214 = arith.constant 0 : i32
      %dma_start3A_215 = tpu.memref_slice %arg18[%dma_start3A_213, %dma_start3A_214] : memref<10240x128xf32, #tpu.memory_space<vmem_shared>> -> memref<10240x128xf32, #tpu.memory_space<vmem_shared>>
      tpu.enqueue_indirect_dma source(%arg8 : memref<64x128xf32, #tpu.memory_space<vmem>>) target(%dma_start3A_215 : memref<10240x128xf32, #tpu.memory_space<vmem_shared>>) offsets(%arg12 : memref<64xi32, #tpu.memory_space<vmem>>) semaphore(%arg33 : memref<!tpu.dma_semaphore, #tpu.memory_space<semaphore_mem>>) {add = true}
      %add3A_216 = arith.constant 4 : i32
      %add3A_217 = arith.addi %add3A_200, %add3A_216 : i32
      %lt3A_218 = arith.cmpi slt, %add3A_217, %select_n3A : i32
      %convert_element_type3A_219 = arith.extui %lt3A_218 : i1 to i32
      %cond3A_220 = arith.constant 0 : i32
      %cond3A_221 = arith.cmpi ne, %convert_element_type3A_219, %cond3A_220 : i32
      scf.if %cond3A_221 {
        %add3A_269 = arith.addi %mul3A_6, %add3A_200 : i32
        %add3A_270 = arith.constant 4 : i32
        %add3A_271 = arith.addi %add3A_269, %add3A_270 : i32
        %dma_start3A_272 = arith.constant 0 : i32
        %dma_start3A_273 = tpu.memref_slice %arg3[%arg1, %add3A_271, %dma_start3A_272] : memref<16x320x64xi32, #tpu.memory_space<hbm>> -> memref<1x1x64xi32, #tpu.memory_space<hbm>>
        %dma_start3A_274 = tpu.memref_squeeze %dma_start3A_273 : memref<1x1x64xi32, #tpu.memory_space<hbm>> -> memref<64xi32, #tpu.memory_space<hbm>>
        %dma_start3A_275 = arith.constant 0 : i32
        %dma_start3A_276 = tpu.memref_slice %arg3[%arg1, %add3A_271, %dma_start3A_275] : memref<16x320x64xi32, #tpu.memory_space<hbm>> -> memref<1x1x64xi32, #tpu.memory_space<hbm>>
        %dma_start3A_277 = tpu.memref_squeeze %dma_start3A_276 : memref<1x1x64xi32, #tpu.memory_space<hbm>> -> memref<64xi32, #tpu.memory_space<hbm>>
        tpu.enqueue_dma source(%dma_start3A_277 : memref<64xi32, #tpu.memory_space<hbm>>) target(%arg16 : memref<64xi32, #tpu.memory_space<vmem>>) target_semaphore(%arg29 : memref<!tpu.dma_semaphore, #tpu.memory_space<semaphore_mem>>)
      } else {
      }
      %ge3A_222 = arith.constant 4 : i32
      %ge3A_223 = arith.cmpi sge, %add3A_202, %ge3A_222 : i32
      %lt3A_224 = arith.cmpi slt, %add3A_202, %select_n3A : i32
      %and3A_225 = arith.andi %ge3A_223, %lt3A_224 : i1
      %convert_element_type3A_226 = arith.extui %and3A_225 : i1 to i32
      %cond3A_227 = arith.constant 0 : i32
      %cond3A_228 = arith.cmpi ne, %convert_element_type3A_226, %cond3A_227 : i32
      scf.if %cond3A_228 {
        %dma_wait3A_269 = arith.constant 0 : i32
        %dma_wait3A_270 = arith.constant 0 : i32
        %dma_wait3A_271 = tpu.memref_slice %arg18[%dma_wait3A_269, %dma_wait3A_270] : memref<10240x128xf32, #tpu.memory_space<vmem_shared>> -> memref<10240x128xf32, #tpu.memory_space<vmem_shared>>
        tpu.wait_indirect_dma semaphore(%arg31 : memref<!tpu.dma_semaphore, #tpu.memory_space<semaphore_mem>>) src(%arg6 : memref<64x128xf32, #tpu.memory_space<vmem>>) dst(%dma_wait3A_271 : memref<10240x128xf32, #tpu.memory_space<vmem_shared>>)
      } else {
      }
      %lt3A_229 = arith.cmpi slt, %add3A_202, %select_n3A : i32
      %convert_element_type3A_230 = arith.extui %lt3A_229 : i1 to i32
      %cond3A_231 = arith.constant 0 : i32
      %cond3A_232 = arith.cmpi ne, %convert_element_type3A_230, %cond3A_231 : i32
      scf.if %cond3A_232 {
        %add3A_269 = arith.addi %mul3A_6, %add3A_202 : i32
        %dma_wait3A_270 = arith.constant 0 : i32
        %dma_wait3A_271 = tpu.memref_slice %arg3[%arg1, %add3A_269, %dma_wait3A_270] : memref<16x320x64xi32, #tpu.memory_space<hbm>> -> memref<1x1x64xi32, #tpu.memory_space<hbm>>
        %dma_wait3A_272 = tpu.memref_squeeze %dma_wait3A_271 : memref<1x1x64xi32, #tpu.memory_space<hbm>> -> memref<64xi32, #tpu.memory_space<hbm>>
        %dma_wait3A_273 = arith.constant 0 : i32
        %dma_wait3A_274 = tpu.memref_slice %arg3[%arg1, %add3A_269, %dma_wait3A_273] : memref<16x320x64xi32, #tpu.memory_space<hbm>> -> memref<1x1x64xi32, #tpu.memory_space<hbm>>
        %dma_wait3A_275 = tpu.memref_squeeze %dma_wait3A_274 : memref<1x1x64xi32, #tpu.memory_space<hbm>> -> memref<64xi32, #tpu.memory_space<hbm>>
        tpu.wait_dma2 semaphore(%arg27 : memref<!tpu.dma_semaphore, #tpu.memory_space<semaphore_mem>>) src(%dma_wait3A_275 : memref<64xi32, #tpu.memory_space<hbm>>) dst(%arg14 : memref<64xi32, #tpu.memory_space<vmem>>)
        %dma_start3A_276 = arith.constant 0 : i32
        %dma_start3A_277 = arith.constant 0 : i32
        %dma_start3A_278 = tpu.memref_slice %arg2[%dma_start3A_276, %dma_start3A_277] : memref<10240x128xf32, #tpu.memory_space<hbm>> -> memref<10240x128xf32, #tpu.memory_space<hbm>>
        tpu.enqueue_indirect_dma source(%dma_start3A_278 : memref<10240x128xf32, #tpu.memory_space<hbm>>) target(%arg6 : memref<64x128xf32, #tpu.memory_space<vmem>>) offsets(%arg14 : memref<64xi32, #tpu.memory_space<vmem>>) semaphore(%arg19 : memref<!tpu.dma_semaphore, #tpu.memory_space<semaphore_mem>>)
        %add3A_279 = arith.addi %mul3A_6, %add3A_202 : i32
        %dma_start3A_280 = arith.constant 0 : i32
        %dma_start3A_281 = tpu.memref_slice %arg4[%arg1, %add3A_279, %dma_start3A_280] : memref<16x320x64xi32, #tpu.memory_space<hbm>> -> memref<1x1x64xi32, #tpu.memory_space<hbm>>
        %dma_start3A_282 = tpu.memref_squeeze %dma_start3A_281 : memref<1x1x64xi32, #tpu.memory_space<hbm>> -> memref<64xi32, #tpu.memory_space<hbm>>
        %dma_start3A_283 = arith.constant 0 : i32
        %dma_start3A_284 = tpu.memref_slice %arg4[%arg1, %add3A_279, %dma_start3A_283] : memref<16x320x64xi32, #tpu.memory_space<hbm>> -> memref<1x1x64xi32, #tpu.memory_space<hbm>>
        %dma_start3A_285 = tpu.memref_squeeze %dma_start3A_284 : memref<1x1x64xi32, #tpu.memory_space<hbm>> -> memref<64xi32, #tpu.memory_space<hbm>>
        tpu.enqueue_dma source(%dma_start3A_285 : memref<64xi32, #tpu.memory_space<hbm>>) target(%arg10 : memref<64xi32, #tpu.memory_space<vmem>>) target_semaphore(%arg23 : memref<!tpu.dma_semaphore, #tpu.memory_space<semaphore_mem>>)
      } else {
      }
      %mul3A_233 = arith.constant 4 : i32
      %mul3A_234 = arith.muli %while3A_128, %mul3A_233 : i32
      %add3A_235 = arith.constant 3 : i32
      %add3A_236 = arith.addi %mul3A_234, %add3A_235 : i32
      %add3A_237 = arith.constant 2 : i32
      %add3A_238 = arith.addi %add3A_236, %add3A_237 : i32
      %dma_wait3A_239 = arith.constant 0 : i32
      %dma_wait3A_240 = arith.constant 0 : i32
      %dma_wait3A_241 = tpu.memref_slice %arg2[%dma_wait3A_239, %dma_wait3A_240] : memref<10240x128xf32, #tpu.memory_space<hbm>> -> memref<10240x128xf32, #tpu.memory_space<hbm>>
      tpu.wait_indirect_dma semaphore(%arg22 : memref<!tpu.dma_semaphore, #tpu.memory_space<semaphore_mem>>) src(%dma_wait3A_241 : memref<10240x128xf32, #tpu.memory_space<hbm>>) dst(%arg9 : memref<64x128xf32, #tpu.memory_space<vmem>>)
      %add3A_242 = arith.addi %mul3A_6, %add3A_236 : i32
      %dma_wait3A_243 = arith.constant 0 : i32
      %dma_wait3A_244 = tpu.memref_slice %arg4[%arg1, %add3A_242, %dma_wait3A_243] : memref<16x320x64xi32, #tpu.memory_space<hbm>> -> memref<1x1x64xi32, #tpu.memory_space<hbm>>
      %dma_wait3A_245 = tpu.memref_squeeze %dma_wait3A_244 : memref<1x1x64xi32, #tpu.memory_space<hbm>> -> memref<64xi32, #tpu.memory_space<hbm>>
      %dma_wait3A_246 = arith.constant 0 : i32
      %dma_wait3A_247 = tpu.memref_slice %arg4[%arg1, %add3A_242, %dma_wait3A_246] : memref<16x320x64xi32, #tpu.memory_space<hbm>> -> memref<1x1x64xi32, #tpu.memory_space<hbm>>
      %dma_wait3A_248 = tpu.memref_squeeze %dma_wait3A_247 : memref<1x1x64xi32, #tpu.memory_space<hbm>> -> memref<64xi32, #tpu.memory_space<hbm>>
      tpu.wait_dma2 semaphore(%arg26 : memref<!tpu.dma_semaphore, #tpu.memory_space<semaphore_mem>>) src(%dma_wait3A_248 : memref<64xi32, #tpu.memory_space<hbm>>) dst(%arg13 : memref<64xi32, #tpu.memory_space<vmem>>)
      %dma_start3A_249 = arith.constant 0 : i32
      %dma_start3A_250 = arith.constant 0 : i32
      %dma_start3A_251 = tpu.memref_slice %arg18[%dma_start3A_249, %dma_start3A_250] : memref<10240x128xf32, #tpu.memory_space<vmem_shared>> -> memref<10240x128xf32, #tpu.memory_space<vmem_shared>>
      tpu.enqueue_indirect_dma source(%arg9 : memref<64x128xf32, #tpu.memory_space<vmem>>) target(%dma_start3A_251 : memref<10240x128xf32, #tpu.memory_space<vmem_shared>>) offsets(%arg13 : memref<64xi32, #tpu.memory_space<vmem>>) semaphore(%arg34 : memref<!tpu.dma_semaphore, #tpu.memory_space<semaphore_mem>>) {add = true}
      %add3A_252 = arith.constant 4 : i32
      %add3A_253 = arith.addi %add3A_236, %add3A_252 : i32
      %lt3A_254 = arith.cmpi slt, %add3A_253, %select_n3A : i32
      %convert_element_type3A_255 = arith.extui %lt3A_254 : i1 to i32
      %cond3A_256 = arith.constant 0 : i32
      %cond3A_257 = arith.cmpi ne, %convert_element_type3A_255, %cond3A_256 : i32
      scf.if %cond3A_257 {
        %add3A_269 = arith.addi %mul3A_6, %add3A_236 : i32
        %add3A_270 = arith.constant 4 : i32
        %add3A_271 = arith.addi %add3A_269, %add3A_270 : i32
        %dma_start3A_272 = arith.constant 0 : i32
        %dma_start3A_273 = tpu.memref_slice %arg3[%arg1, %add3A_271, %dma_start3A_272] : memref<16x320x64xi32, #tpu.memory_space<hbm>> -> memref<1x1x64xi32, #tpu.memory_space<hbm>>
        %dma_start3A_274 = tpu.memref_squeeze %dma_start3A_273 : memref<1x1x64xi32, #tpu.memory_space<hbm>> -> memref<64xi32, #tpu.memory_space<hbm>>
        %dma_start3A_275 = arith.constant 0 : i32
        %dma_start3A_276 = tpu.memref_slice %arg3[%arg1, %add3A_271, %dma_start3A_275] : memref<16x320x64xi32, #tpu.memory_space<hbm>> -> memref<1x1x64xi32, #tpu.memory_space<hbm>>
        %dma_start3A_277 = tpu.memref_squeeze %dma_start3A_276 : memref<1x1x64xi32, #tpu.memory_space<hbm>> -> memref<64xi32, #tpu.memory_space<hbm>>
        tpu.enqueue_dma source(%dma_start3A_277 : memref<64xi32, #tpu.memory_space<hbm>>) target(%arg17 : memref<64xi32, #tpu.memory_space<vmem>>) target_semaphore(%arg30 : memref<!tpu.dma_semaphore, #tpu.memory_space<semaphore_mem>>)
      } else {
      }
      %ge3A_258 = arith.constant 4 : i32
      %ge3A_259 = arith.cmpi sge, %add3A_238, %ge3A_258 : i32
      %lt3A_260 = arith.cmpi slt, %add3A_238, %select_n3A : i32
      %and3A_261 = arith.andi %ge3A_259, %lt3A_260 : i1
      %convert_element_type3A_262 = arith.extui %and3A_261 : i1 to i32
      %cond3A_263 = arith.constant 0 : i32
      %cond3A_264 = arith.cmpi ne, %convert_element_type3A_262, %cond3A_263 : i32
      scf.if %cond3A_264 {
        %dma_wait3A_269 = arith.constant 0 : i32
        %dma_wait3A_270 = arith.constant 0 : i32
        %dma_wait3A_271 = tpu.memref_slice %arg18[%dma_wait3A_269, %dma_wait3A_270] : memref<10240x128xf32, #tpu.memory_space<vmem_shared>> -> memref<10240x128xf32, #tpu.memory_space<vmem_shared>>
        tpu.wait_indirect_dma semaphore(%arg32 : memref<!tpu.dma_semaphore, #tpu.memory_space<semaphore_mem>>) src(%arg7 : memref<64x128xf32, #tpu.memory_space<vmem>>) dst(%dma_wait3A_271 : memref<10240x128xf32, #tpu.memory_space<vmem_shared>>)
      } else {
      }
      %lt3A_265 = arith.cmpi slt, %add3A_238, %select_n3A : i32
      %convert_element_type3A_266 = arith.extui %lt3A_265 : i1 to i32
      %cond3A_267 = arith.constant 0 : i32
      %cond3A_268 = arith.cmpi ne, %convert_element_type3A_266, %cond3A_267 : i32
      scf.if %cond3A_268 {
        %add3A_269 = arith.addi %mul3A_6, %add3A_238 : i32
        %dma_wait3A_270 = arith.constant 0 : i32
        %dma_wait3A_271 = tpu.memref_slice %arg3[%arg1, %add3A_269, %dma_wait3A_270] : memref<16x320x64xi32, #tpu.memory_space<hbm>> -> memref<1x1x64xi32, #tpu.memory_space<hbm>>
        %dma_wait3A_272 = tpu.memref_squeeze %dma_wait3A_271 : memref<1x1x64xi32, #tpu.memory_space<hbm>> -> memref<64xi32, #tpu.memory_space<hbm>>
        %dma_wait3A_273 = arith.constant 0 : i32
        %dma_wait3A_274 = tpu.memref_slice %arg3[%arg1, %add3A_269, %dma_wait3A_273] : memref<16x320x64xi32, #tpu.memory_space<hbm>> -> memref<1x1x64xi32, #tpu.memory_space<hbm>>
        %dma_wait3A_275 = tpu.memref_squeeze %dma_wait3A_274 : memref<1x1x64xi32, #tpu.memory_space<hbm>> -> memref<64xi32, #tpu.memory_space<hbm>>
        tpu.wait_dma2 semaphore(%arg28 : memref<!tpu.dma_semaphore, #tpu.memory_space<semaphore_mem>>) src(%dma_wait3A_275 : memref<64xi32, #tpu.memory_space<hbm>>) dst(%arg15 : memref<64xi32, #tpu.memory_space<vmem>>)
        %dma_start3A_276 = arith.constant 0 : i32
        %dma_start3A_277 = arith.constant 0 : i32
        %dma_start3A_278 = tpu.memref_slice %arg2[%dma_start3A_276, %dma_start3A_277] : memref<10240x128xf32, #tpu.memory_space<hbm>> -> memref<10240x128xf32, #tpu.memory_space<hbm>>
        tpu.enqueue_indirect_dma source(%dma_start3A_278 : memref<10240x128xf32, #tpu.memory_space<hbm>>) target(%arg7 : memref<64x128xf32, #tpu.memory_space<vmem>>) offsets(%arg15 : memref<64xi32, #tpu.memory_space<vmem>>) semaphore(%arg20 : memref<!tpu.dma_semaphore, #tpu.memory_space<semaphore_mem>>)
        %add3A_279 = arith.addi %mul3A_6, %add3A_238 : i32
        %dma_start3A_280 = arith.constant 0 : i32
        %dma_start3A_281 = tpu.memref_slice %arg4[%arg1, %add3A_279, %dma_start3A_280] : memref<16x320x64xi32, #tpu.memory_space<hbm>> -> memref<1x1x64xi32, #tpu.memory_space<hbm>>
        %dma_start3A_282 = tpu.memref_squeeze %dma_start3A_281 : memref<1x1x64xi32, #tpu.memory_space<hbm>> -> memref<64xi32, #tpu.memory_space<hbm>>
        %dma_start3A_283 = arith.constant 0 : i32
        %dma_start3A_284 = tpu.memref_slice %arg4[%arg1, %add3A_279, %dma_start3A_283] : memref<16x320x64xi32, #tpu.memory_space<hbm>> -> memref<1x1x64xi32, #tpu.memory_space<hbm>>
        %dma_start3A_285 = tpu.memref_squeeze %dma_start3A_284 : memref<1x1x64xi32, #tpu.memory_space<hbm>> -> memref<64xi32, #tpu.memory_space<hbm>>
        tpu.enqueue_dma source(%dma_start3A_285 : memref<64xi32, #tpu.memory_space<hbm>>) target(%arg11 : memref<64xi32, #tpu.memory_space<vmem>>) target_semaphore(%arg24 : memref<!tpu.dma_semaphore, #tpu.memory_space<semaphore_mem>>)
      } else {
      }
    }
    %dma_wait3A_110 = arith.constant 0 : i32
    %dma_wait3A_111 = arith.constant 0 : i32
    %dma_wait3A_112 = tpu.memref_slice %arg18[%dma_wait3A_110, %dma_wait3A_111] : memref<10240x128xf32, #tpu.memory_space<vmem_shared>> -> memref<10240x128xf32, #tpu.memory_space<vmem_shared>>
    tpu.wait_indirect_dma semaphore(%arg31 : memref<!tpu.dma_semaphore, #tpu.memory_space<semaphore_mem>>) src(%arg6 : memref<64x128xf32, #tpu.memory_space<vmem>>) dst(%dma_wait3A_112 : memref<10240x128xf32, #tpu.memory_space<vmem_shared>>)
    %dma_wait3A_113 = arith.constant 0 : i32
    %dma_wait3A_114 = arith.constant 0 : i32
    %dma_wait3A_115 = tpu.memref_slice %arg18[%dma_wait3A_113, %dma_wait3A_114] : memref<10240x128xf32, #tpu.memory_space<vmem_shared>> -> memref<10240x128xf32, #tpu.memory_space<vmem_shared>>
    tpu.wait_indirect_dma semaphore(%arg32 : memref<!tpu.dma_semaphore, #tpu.memory_space<semaphore_mem>>) src(%arg7 : memref<64x128xf32, #tpu.memory_space<vmem>>) dst(%dma_wait3A_115 : memref<10240x128xf32, #tpu.memory_space<vmem_shared>>)
    %dma_wait3A_116 = arith.constant 0 : i32
    %dma_wait3A_117 = arith.constant 0 : i32
    %dma_wait3A_118 = tpu.memref_slice %arg18[%dma_wait3A_116, %dma_wait3A_117] : memref<10240x128xf32, #tpu.memory_space<vmem_shared>> -> memref<10240x128xf32, #tpu.memory_space<vmem_shared>>
    tpu.wait_indirect_dma semaphore(%arg33 : memref<!tpu.dma_semaphore, #tpu.memory_space<semaphore_mem>>) src(%arg8 : memref<64x128xf32, #tpu.memory_space<vmem>>) dst(%dma_wait3A_118 : memref<10240x128xf32, #tpu.memory_space<vmem_shared>>)
    %dma_wait3A_119 = arith.constant 0 : i32
    %dma_wait3A_120 = arith.constant 0 : i32
    %dma_wait3A_121 = tpu.memref_slice %arg18[%dma_wait3A_119, %dma_wait3A_120] : memref<10240x128xf32, #tpu.memory_space<vmem_shared>> -> memref<10240x128xf32, #tpu.memory_space<vmem_shared>>
    tpu.wait_indirect_dma semaphore(%arg34 : memref<!tpu.dma_semaphore, #tpu.memory_space<semaphore_mem>>) src(%arg9 : memref<64x128xf32, #tpu.memory_space<vmem>>) dst(%dma_wait3A_121 : memref<10240x128xf32, #tpu.memory_space<vmem_shared>>)
    %barrier3A_122 = arith.constant 0 : index
    tpu.barrier barrier_id(%barrier3A_122)
    %scan3A_123 = arith.constant 0 : i32
    %scan3A_124 = arith.constant 10 : i32
    %scan3A_125 = arith.addi %scan3A_123, %scan3A_124 : i32
    %scan3A_126 = arith.constant 1 : i32
    scf.for %scan3A_128 = %scan3A_123 to %scan3A_125 step %scan3A_126  : i32 {
      %mul3A_129 = arith.constant 64 : i32
      %mul3A_130 = arith.muli %scan3A_128, %mul3A_129 : i32
      %add3A_131 = arith.addi %mul3A_2, %mul3A_130 : i32
      "tpu.region"() ({
        %run_scoped3A = tpu.sem_alloc : memref<!tpu.dma_semaphore, #tpu.memory_space<semaphore_mem>>
        %dma_start3A_132 = arith.constant 0 : i32
        %dma_start3A_133 = tpu.memref_slice %arg18[%add3A_131, %dma_start3A_132] : memref<10240x128xf32, #tpu.memory_space<vmem_shared>> -> memref<64x128xf32, #tpu.memory_space<vmem_shared>>
        %dma_start3A_134 = arith.constant 0 : i32
        %dma_start3A_135 = tpu.memref_slice %arg18[%add3A_131, %dma_start3A_134] : memref<10240x128xf32, #tpu.memory_space<vmem_shared>> -> memref<64x128xf32, #tpu.memory_space<vmem_shared>>
        tpu.enqueue_dma source(%dma_start3A_135 : memref<64x128xf32, #tpu.memory_space<vmem_shared>>) target(%arg6 : memref<64x128xf32, #tpu.memory_space<vmem>>) target_semaphore(%run_scoped3A : memref<!tpu.dma_semaphore, #tpu.memory_space<semaphore_mem>>)
        %dma_wait3A_136 = arith.constant 0 : i32
        %dma_wait3A_137 = tpu.memref_slice %arg18[%add3A_131, %dma_wait3A_136] : memref<10240x128xf32, #tpu.memory_space<vmem_shared>> -> memref<64x128xf32, #tpu.memory_space<vmem_shared>>
        %dma_wait3A_138 = arith.constant 0 : i32
        %dma_wait3A_139 = tpu.memref_slice %arg18[%add3A_131, %dma_wait3A_138] : memref<10240x128xf32, #tpu.memory_space<vmem_shared>> -> memref<64x128xf32, #tpu.memory_space<vmem_shared>>
        tpu.wait_dma2 semaphore(%run_scoped3A : memref<!tpu.dma_semaphore, #tpu.memory_space<semaphore_mem>>) src(%dma_wait3A_139 : memref<64x128xf32, #tpu.memory_space<vmem_shared>>) dst(%arg6 : memref<64x128xf32, #tpu.memory_space<vmem>>)
        tpu.yield
      }) : () -> ()
      "tpu.region"() ({
        %run_scoped3A = tpu.sem_alloc : memref<!tpu.dma_semaphore, #tpu.memory_space<semaphore_mem>>
        %dma_start3A_132 = arith.constant 0 : i32
        %dma_start3A_133 = tpu.memref_slice %arg5[%arg0, %add3A_131, %dma_start3A_132] : memref<2x10240x128xf32, #tpu.memory_space<hbm>> -> memref<1x64x128xf32, #tpu.memory_space<hbm>>
        %dma_start3A_134 = tpu.memref_squeeze %dma_start3A_133 : memref<1x64x128xf32, #tpu.memory_space<hbm>> -> memref<64x128xf32, #tpu.memory_space<hbm>>
        %dma_start3A_135 = arith.constant 0 : i32
        %dma_start3A_136 = tpu.memref_slice %arg5[%arg0, %add3A_131, %dma_start3A_135] : memref<2x10240x128xf32, #tpu.memory_space<hbm>> -> memref<1x64x128xf32, #tpu.memory_space<hbm>>
        %dma_start3A_137 = tpu.memref_squeeze %dma_start3A_136 : memref<1x64x128xf32, #tpu.memory_space<hbm>> -> memref<64x128xf32, #tpu.memory_space<hbm>>
        tpu.enqueue_dma source(%arg6 : memref<64x128xf32, #tpu.memory_space<vmem>>) target(%dma_start3A_137 : memref<64x128xf32, #tpu.memory_space<hbm>>) target_semaphore(%run_scoped3A : memref<!tpu.dma_semaphore, #tpu.memory_space<semaphore_mem>>)
        %dma_wait3A_138 = arith.constant 0 : i32
        %dma_wait3A_139 = tpu.memref_slice %arg5[%arg0, %add3A_131, %dma_wait3A_138] : memref<2x10240x128xf32, #tpu.memory_space<hbm>> -> memref<1x64x128xf32, #tpu.memory_space<hbm>>
        %dma_wait3A_140 = tpu.memref_squeeze %dma_wait3A_139 : memref<1x64x128xf32, #tpu.memory_space<hbm>> -> memref<64x128xf32, #tpu.memory_space<hbm>>
        %dma_wait3A_141 = arith.constant 0 : i32
        %dma_wait3A_142 = tpu.memref_slice %arg5[%arg0, %add3A_131, %dma_wait3A_141] : memref<2x10240x128xf32, #tpu.memory_space<hbm>> -> memref<1x64x128xf32, #tpu.memory_space<hbm>>
        %dma_wait3A_143 = tpu.memref_squeeze %dma_wait3A_142 : memref<1x64x128xf32, #tpu.memory_space<hbm>> -> memref<64x128xf32, #tpu.memory_space<hbm>>
        tpu.wait_dma2 semaphore(%run_scoped3A : memref<!tpu.dma_semaphore, #tpu.memory_space<semaphore_mem>>) src(%arg6 : memref<64x128xf32, #tpu.memory_space<vmem>>) dst(%dma_wait3A_143 : memref<64x128xf32, #tpu.memory_space<hbm>>)
        tpu.yield
      }) : () -> ()
    }
    %scan3A_127 = arith.constant 10 : i32
    return
  }
}

#map = affine_map<(d0, d1) -> (0, 0, 0)>
module attributes {stable_mosaic.version = 14 : i64} {
  func.func @agg(%arg0: i32, %arg1: i32, %arg2: memref<32x80x128xi32, #tpu.memory_space<hbm>>, %arg3: memref<2x10240x128xf32, #tpu.memory_space<hbm>>, %arg4: memref<80x128xi32, #tpu.memory_space<vmem>>, %arg5: memref<128x128xf32, #tpu.memory_space<vmem>>, %arg6: memref<128x128xf32, #tpu.memory_space<vmem>>, %arg7: memref<10240x128xf32, #tpu.memory_space<vmem_shared>>, %arg8: memref<!tpu.dma_semaphore, #tpu.memory_space<semaphore_mem>>, %arg9: memref<!tpu.dma_semaphore, #tpu.memory_space<semaphore_mem>>, %arg10: memref<!tpu.dma_semaphore, #tpu.memory_space<semaphore_mem>>, %arg11: memref<!tpu.dma_semaphore, #tpu.memory_space<semaphore_mem>>) attributes {dimension_semantics = [#tpu.dimension_semantics<core_parallel>, #tpu.dimension_semantics<subcore_parallel>], iteration_bounds = array<i64: 2, 16>, scalar_prefetch = 0 : i64, scratch_operands = 8 : i64, tpu.core_type = #tpu.core_type<sc_vector_subcore>, window_params = [{transform_indices = #map}, {transform_indices = #map}]} {
    %mul3A = arith.constant 16 : i32
    %mul3A_0 = arith.muli %arg0, %mul3A : i32
    %add3A = arith.addi %mul3A_0, %arg1 : i32
    %mul3A_1 = arith.constant 640 : i32
    %mul3A_2 = arith.muli %arg1, %mul3A_1 : i32
    "tpu.region"() ({
      %run_scoped3A = tpu.sem_alloc : memref<!tpu.dma_semaphore, #tpu.memory_space<semaphore_mem>>
      %dma_start3A = arith.constant 0 : i32
      %dma_start3A_55 = arith.constant 0 : i32
      %dma_start3A_56 = tpu.memref_slice %arg2[%add3A, %dma_start3A, %dma_start3A_55] : memref<32x80x128xi32, #tpu.memory_space<hbm>> -> memref<1x80x128xi32, #tpu.memory_space<hbm>>
      %dma_start3A_57 = tpu.memref_squeeze %dma_start3A_56 : memref<1x80x128xi32, #tpu.memory_space<hbm>> -> memref<80x128xi32, #tpu.memory_space<hbm>>
      %dma_start3A_58 = arith.constant 0 : i32
      %dma_start3A_59 = arith.constant 0 : i32
      %dma_start3A_60 = tpu.memref_slice %arg2[%add3A, %dma_start3A_58, %dma_start3A_59] : memref<32x80x128xi32, #tpu.memory_space<hbm>> -> memref<1x80x128xi32, #tpu.memory_space<hbm>>
      %dma_start3A_61 = tpu.memref_squeeze %dma_start3A_60 : memref<1x80x128xi32, #tpu.memory_space<hbm>> -> memref<80x128xi32, #tpu.memory_space<hbm>>
      tpu.enqueue_dma source(%dma_start3A_61 : memref<80x128xi32, #tpu.memory_space<hbm>>) target(%arg4 : memref<80x128xi32, #tpu.memory_space<vmem>>) target_semaphore(%run_scoped3A : memref<!tpu.dma_semaphore, #tpu.memory_space<semaphore_mem>>)
      %dma_wait3A_62 = arith.constant 0 : i32
      %dma_wait3A_63 = arith.constant 0 : i32
      %dma_wait3A_64 = tpu.memref_slice %arg2[%add3A, %dma_wait3A_62, %dma_wait3A_63] : memref<32x80x128xi32, #tpu.memory_space<hbm>> -> memref<1x80x128xi32, #tpu.memory_space<hbm>>
      %dma_wait3A_65 = tpu.memref_squeeze %dma_wait3A_64 : memref<1x80x128xi32, #tpu.memory_space<hbm>> -> memref<80x128xi32, #tpu.memory_space<hbm>>
      %dma_wait3A_66 = arith.constant 0 : i32
      %dma_wait3A_67 = arith.constant 0 : i32
      %dma_wait3A_68 = tpu.memref_slice %arg2[%add3A, %dma_wait3A_66, %dma_wait3A_67] : memref<32x80x128xi32, #tpu.memory_space<hbm>> -> memref<1x80x128xi32, #tpu.memory_space<hbm>>
      %dma_wait3A_69 = tpu.memref_squeeze %dma_wait3A_68 : memref<1x80x128xi32, #tpu.memory_space<hbm>> -> memref<80x128xi32, #tpu.memory_space<hbm>>
      tpu.wait_dma2 semaphore(%run_scoped3A : memref<!tpu.dma_semaphore, #tpu.memory_space<semaphore_mem>>) src(%dma_wait3A_69 : memref<80x128xi32, #tpu.memory_space<hbm>>) dst(%arg4 : memref<80x128xi32, #tpu.memory_space<vmem>>)
      tpu.yield
    }) : () -> ()
    %scan3A = arith.constant 0 : i32
    %scan3A_3 = arith.constant 1024 : i32
    %scan3A_4 = arith.addi %scan3A, %scan3A_3 : i32
    %scan3A_5 = arith.constant 1 : i32
    scf.for %scan3A_55 = %scan3A to %scan3A_4 step %scan3A_5  : i32 {
      %broadcast_in_dim3A = arith.constant 1.000000e+00 : f32
      %broadcast_in_dim3A_56 = vector.broadcast %broadcast_in_dim3A : f32 to vector<16xf32>
      %jit3A = arith.constant 8 : i32
      %div3A = arith.divsi %scan3A_55, %jit3A : i32
      %sign3A = arith.constant 0 : i32
      %sign3A_57 = arith.cmpi sgt, %scan3A_55, %sign3A : i32
      %sign3A_58 = arith.extui %sign3A_57 : i1 to i32
      %sign3A_59 = arith.constant 0 : i32
      %sign3A_60 = arith.cmpi slt, %scan3A_55, %sign3A_59 : i32
      %sign3A_61 = arith.extui %sign3A_60 : i1 to i32
      %sign3A_62 = arith.subi %sign3A_58, %sign3A_61 : i32
      %sign3A_63 = arith.constant 0 : i32
      %sign3A_64 = arith.cmpi sgt, %jit3A, %sign3A_63 : i32
      %sign3A_65 = arith.extui %sign3A_64 : i1 to i32
      %sign3A_66 = arith.constant 0 : i32
      %sign3A_67 = arith.cmpi slt, %jit3A, %sign3A_66 : i32
      %sign3A_68 = arith.extui %sign3A_67 : i1 to i32
      %sign3A_69 = arith.subi %sign3A_65, %sign3A_68 : i32
      %ne3A = arith.cmpi ne, %sign3A_62, %sign3A_69 : i32
      %rem3A = arith.remsi %scan3A_55, %jit3A : i32
      %ne3A_70 = arith.constant 0 : i32
      %ne3A_71 = arith.cmpi ne, %rem3A, %ne3A_70 : i32
      %and3A = arith.andi %ne3A, %ne3A_71 : i1
      %sub3A = arith.constant 1 : i32
      %sub3A_72 = arith.subi %div3A, %sub3A : i32
      %select_n3A = arith.select %and3A, %sub3A_72, %div3A : i32
      %jit3A_73 = arith.constant 8 : i32
      %eq3A = arith.constant 0 : i32
      %eq3A_74 = arith.cmpi eq, %jit3A_73, %eq3A : i32
      %jit3A_75 = arith.constant 1 : i32
      %select_n3A_76 = arith.select %eq3A_74, %jit3A_75, %jit3A_73 : i32
      %rem3A_77 = arith.remsi %scan3A_55, %select_n3A_76 : i32
      %ne3A_78 = arith.constant 0 : i32
      %ne3A_79 = arith.cmpi ne, %rem3A_77, %ne3A_78 : i32
      %lt3A = arith.constant 0 : i32
      %lt3A_80 = arith.cmpi slt, %rem3A_77, %lt3A : i32
      %lt3A_81 = arith.constant 0 : i32
      %lt3A_82 = arith.cmpi slt, %select_n3A_76, %lt3A_81 : i32
      %ne3A_83 = arith.xori %lt3A_80, %lt3A_82 : i1
      %and3A_84 = arith.andi %ne3A_83, %ne3A_79 : i1
      %add3A_85 = arith.addi %rem3A_77, %select_n3A_76 : i32
      %select_n3A_86 = arith.select %and3A_84, %add3A_85, %rem3A_77 : i32
      %mul3A_87 = arith.constant 16 : i32
      %mul3A_88 = arith.muli %select_n3A_86, %mul3A_87 : i32
      %swap3A = arith.index_cast %select_n3A : i32 to index
      %swap3A_89 = arith.index_cast %mul3A_88 : i32 to index
      %swap3A_90 = tpu.vector_load %arg5[%swap3A, %swap3A_89] {strides = array<i32>} : memref<128x128xf32, #tpu.memory_space<vmem>>, vector<1x16xf32>,
      %swap3A_91 = vector.shape_cast %swap3A_90 : vector<1x16xf32> to vector<16xf32>
      %swap3A_92 = vector.shape_cast %broadcast_in_dim3A_56 : vector<16xf32> to vector<1x16xf32>
      tpu.vector_store %arg5[%swap3A, %swap3A_89], %swap3A_92 {strides = array<i32>} : memref<128x128xf32, #tpu.memory_space<vmem>>, vector<1x16xf32>,
    }
    %scan3A_6 = arith.constant 1024 : i32
    %scan3A_7 = arith.constant 0 : i32
    %scan3A_8 = arith.constant 1024 : i32
    %scan3A_9 = arith.addi %scan3A_7, %scan3A_8 : i32
    %scan3A_10 = arith.constant 1 : i32
    scf.for %scan3A_55 = %scan3A_7 to %scan3A_9 step %scan3A_10  : i32 {
      %broadcast_in_dim3A = arith.constant 0.000000e+00 : f32
      %broadcast_in_dim3A_56 = vector.broadcast %broadcast_in_dim3A : f32 to vector<16xf32>
      %jit3A = arith.constant 8 : i32
      %div3A = arith.divsi %scan3A_55, %jit3A : i32
      %sign3A = arith.constant 0 : i32
      %sign3A_57 = arith.cmpi sgt, %scan3A_55, %sign3A : i32
      %sign3A_58 = arith.extui %sign3A_57 : i1 to i32
      %sign3A_59 = arith.constant 0 : i32
      %sign3A_60 = arith.cmpi slt, %scan3A_55, %sign3A_59 : i32
      %sign3A_61 = arith.extui %sign3A_60 : i1 to i32
      %sign3A_62 = arith.subi %sign3A_58, %sign3A_61 : i32
      %sign3A_63 = arith.constant 0 : i32
      %sign3A_64 = arith.cmpi sgt, %jit3A, %sign3A_63 : i32
      %sign3A_65 = arith.extui %sign3A_64 : i1 to i32
      %sign3A_66 = arith.constant 0 : i32
      %sign3A_67 = arith.cmpi slt, %jit3A, %sign3A_66 : i32
      %sign3A_68 = arith.extui %sign3A_67 : i1 to i32
      %sign3A_69 = arith.subi %sign3A_65, %sign3A_68 : i32
      %ne3A = arith.cmpi ne, %sign3A_62, %sign3A_69 : i32
      %rem3A = arith.remsi %scan3A_55, %jit3A : i32
      %ne3A_70 = arith.constant 0 : i32
      %ne3A_71 = arith.cmpi ne, %rem3A, %ne3A_70 : i32
      %and3A = arith.andi %ne3A, %ne3A_71 : i1
      %sub3A = arith.constant 1 : i32
      %sub3A_72 = arith.subi %div3A, %sub3A : i32
      %select_n3A = arith.select %and3A, %sub3A_72, %div3A : i32
      %jit3A_73 = arith.constant 8 : i32
      %eq3A = arith.constant 0 : i32
      %eq3A_74 = arith.cmpi eq, %jit3A_73, %eq3A : i32
      %jit3A_75 = arith.constant 1 : i32
      %select_n3A_76 = arith.select %eq3A_74, %jit3A_75, %jit3A_73 : i32
      %rem3A_77 = arith.remsi %scan3A_55, %select_n3A_76 : i32
      %ne3A_78 = arith.constant 0 : i32
      %ne3A_79 = arith.cmpi ne, %rem3A_77, %ne3A_78 : i32
      %lt3A = arith.constant 0 : i32
      %lt3A_80 = arith.cmpi slt, %rem3A_77, %lt3A : i32
      %lt3A_81 = arith.constant 0 : i32
      %lt3A_82 = arith.cmpi slt, %select_n3A_76, %lt3A_81 : i32
      %ne3A_83 = arith.xori %lt3A_80, %lt3A_82 : i1
      %and3A_84 = arith.andi %ne3A_83, %ne3A_79 : i1
      %add3A_85 = arith.addi %rem3A_77, %select_n3A_76 : i32
      %select_n3A_86 = arith.select %and3A_84, %add3A_85, %rem3A_77 : i32
      %mul3A_87 = arith.constant 16 : i32
      %mul3A_88 = arith.muli %select_n3A_86, %mul3A_87 : i32
      %swap3A = arith.index_cast %select_n3A : i32 to index
      %swap3A_89 = arith.index_cast %mul3A_88 : i32 to index
      %swap3A_90 = tpu.vector_load %arg6[%swap3A, %swap3A_89] {strides = array<i32>} : memref<128x128xf32, #tpu.memory_space<vmem>>, vector<1x16xf32>,
      %swap3A_91 = vector.shape_cast %swap3A_90 : vector<1x16xf32> to vector<16xf32>
      %swap3A_92 = vector.shape_cast %broadcast_in_dim3A_56 : vector<16xf32> to vector<1x16xf32>
      tpu.vector_store %arg6[%swap3A, %swap3A_89], %swap3A_92 {strides = array<i32>} : memref<128x128xf32, #tpu.memory_space<vmem>>, vector<1x16xf32>,
    }
    %scan3A_11 = arith.constant 1024 : i32
    %scan3A_12 = arith.constant 0 : i32
    %scan3A_13 = arith.constant 5 : i32
    %scan3A_14 = arith.addi %scan3A_12, %scan3A_13 : i32
    %scan3A_15 = arith.constant 1 : i32
    scf.for %scan3A_55 = %scan3A_12 to %scan3A_14 step %scan3A_15  : i32 {
      %mul3A_56 = arith.constant 128 : i32
      %mul3A_57 = arith.muli %scan3A_55, %mul3A_56 : i32
      %add3A_58 = arith.addi %mul3A_2, %mul3A_57 : i32
      "tpu.region"() ({
        %run_scoped3A = tpu.sem_alloc : memref<!tpu.dma_semaphore, #tpu.memory_space<semaphore_mem>>
        %dma_start3A = arith.constant 0 : i32
        %dma_start3A_59 = tpu.memref_slice %arg7[%add3A_58, %dma_start3A] : memref<10240x128xf32, #tpu.memory_space<vmem_shared>> -> memref<128x128xf32, #tpu.memory_space<vmem_shared>>
        %dma_start3A_60 = arith.constant 0 : i32
        %dma_start3A_61 = tpu.memref_slice %arg7[%add3A_58, %dma_start3A_60] : memref<10240x128xf32, #tpu.memory_space<vmem_shared>> -> memref<128x128xf32, #tpu.memory_space<vmem_shared>>
        tpu.enqueue_dma source(%arg6 : memref<128x128xf32, #tpu.memory_space<vmem>>) target(%dma_start3A_61 : memref<128x128xf32, #tpu.memory_space<vmem_shared>>) target_semaphore(%run_scoped3A : memref<!tpu.dma_semaphore, #tpu.memory_space<semaphore_mem>>)
        %dma_wait3A_62 = arith.constant 0 : i32
        %dma_wait3A_63 = tpu.memref_slice %arg7[%add3A_58, %dma_wait3A_62] : memref<10240x128xf32, #tpu.memory_space<vmem_shared>> -> memref<128x128xf32, #tpu.memory_space<vmem_shared>>
        %dma_wait3A_64 = arith.constant 0 : i32
        %dma_wait3A_65 = tpu.memref_slice %arg7[%add3A_58, %dma_wait3A_64] : memref<10240x128xf32, #tpu.memory_space<vmem_shared>> -> memref<128x128xf32, #tpu.memory_space<vmem_shared>>
        tpu.wait_dma2 semaphore(%run_scoped3A : memref<!tpu.dma_semaphore, #tpu.memory_space<semaphore_mem>>) src(%arg6 : memref<128x128xf32, #tpu.memory_space<vmem>>) dst(%dma_wait3A_65 : memref<128x128xf32, #tpu.memory_space<vmem_shared>>)
        tpu.yield
      }) : () -> ()
    }
    %scan3A_16 = arith.constant 5 : i32
    %barrier3A = arith.constant 0 : index
    tpu.barrier barrier_id(%barrier3A)
    %scan3A_17 = arith.constant 0 : i32
    %scan3A_18 = arith.constant 20 : i32
    %scan3A_19 = arith.addi %scan3A_17, %scan3A_18 : i32
    %scan3A_20 = arith.constant 1 : i32
    scf.for %scan3A_55 = %scan3A_17 to %scan3A_19 step %scan3A_20  : i32 {
      %mul3A_56 = arith.constant 4 : i32
      %mul3A_57 = arith.muli %scan3A_55, %mul3A_56 : i32
      %add3A_58 = arith.constant 0 : i32
      %add3A_59 = arith.addi %mul3A_57, %add3A_58 : i32
      %ge3A = arith.constant 4 : i32
      %ge3A_60 = arith.cmpi sge, %add3A_59, %ge3A : i32
      %convert_element_type3A = arith.extui %ge3A_60 : i1 to i32
      %cond3A = arith.constant 0 : i32
      %cond3A_61 = arith.cmpi ne, %convert_element_type3A, %cond3A : i32
      scf.if %cond3A_61 {
        %dma_wait3A_112 = arith.constant 0 : i32
        %dma_wait3A_113 = arith.constant 0 : i32
        %dma_wait3A_114 = tpu.memref_slice %arg4[%dma_wait3A_112, %dma_wait3A_113] : memref<80x128xi32, #tpu.memory_space<vmem>> -> memref<1x128xi32, #tpu.memory_space<vmem>>
        %dma_wait3A_115 = tpu.memref_squeeze %dma_wait3A_114 : memref<1x128xi32, #tpu.memory_space<vmem>> -> memref<128xi32, #tpu.memory_space<vmem>>
        %dma_wait3A_116 = arith.constant 0 : i32
        %dma_wait3A_117 = arith.constant 0 : i32
        %dma_wait3A_118 = tpu.memref_slice %arg7[%dma_wait3A_116, %dma_wait3A_117] : memref<10240x128xf32, #tpu.memory_space<vmem_shared>> -> memref<10240x128xf32, #tpu.memory_space<vmem_shared>>
        tpu.wait_indirect_dma semaphore(%arg8 : memref<!tpu.dma_semaphore, #tpu.memory_space<semaphore_mem>>) src(%arg5 : memref<128x128xf32, #tpu.memory_space<vmem>>) dst(%dma_wait3A_118 : memref<10240x128xf32, #tpu.memory_space<vmem_shared>>)
      } else {
      }
      %dma_start3A = arith.constant 0 : i32
      %dma_start3A_62 = tpu.memref_slice %arg4[%add3A_59, %dma_start3A] : memref<80x128xi32, #tpu.memory_space<vmem>> -> memref<1x128xi32, #tpu.memory_space<vmem>>
      %dma_start3A_63 = tpu.memref_squeeze %dma_start3A_62 : memref<1x128xi32, #tpu.memory_space<vmem>> -> memref<128xi32, #tpu.memory_space<vmem>>
      %dma_start3A_64 = arith.constant 0 : i32
      %dma_start3A_65 = arith.constant 0 : i32
      %dma_start3A_66 = tpu.memref_slice %arg7[%dma_start3A_64, %dma_start3A_65] : memref<10240x128xf32, #tpu.memory_space<vmem_shared>> -> memref<10240x128xf32, #tpu.memory_space<vmem_shared>>
      tpu.enqueue_indirect_dma source(%arg5 : memref<128x128xf32, #tpu.memory_space<vmem>>) target(%dma_start3A_66 : memref<10240x128xf32, #tpu.memory_space<vmem_shared>>) offsets(%dma_start3A_63 : memref<128xi32, #tpu.memory_space<vmem>>) semaphore(%arg8 : memref<!tpu.dma_semaphore, #tpu.memory_space<semaphore_mem>>) {add = true}
      %mul3A_67 = arith.constant 4 : i32
      %mul3A_68 = arith.muli %scan3A_55, %mul3A_67 : i32
      %add3A_69 = arith.constant 1 : i32
      %add3A_70 = arith.addi %mul3A_68, %add3A_69 : i32
      %ge3A_71 = arith.constant 4 : i32
      %ge3A_72 = arith.cmpi sge, %add3A_70, %ge3A_71 : i32
      %convert_element_type3A_73 = arith.extui %ge3A_72 : i1 to i32
      %cond3A_74 = arith.constant 0 : i32
      %cond3A_75 = arith.cmpi ne, %convert_element_type3A_73, %cond3A_74 : i32
      scf.if %cond3A_75 {
        %dma_wait3A_112 = arith.constant 0 : i32
        %dma_wait3A_113 = arith.constant 0 : i32
        %dma_wait3A_114 = tpu.memref_slice %arg4[%dma_wait3A_112, %dma_wait3A_113] : memref<80x128xi32, #tpu.memory_space<vmem>> -> memref<1x128xi32, #tpu.memory_space<vmem>>
        %dma_wait3A_115 = tpu.memref_squeeze %dma_wait3A_114 : memref<1x128xi32, #tpu.memory_space<vmem>> -> memref<128xi32, #tpu.memory_space<vmem>>
        %dma_wait3A_116 = arith.constant 0 : i32
        %dma_wait3A_117 = arith.constant 0 : i32
        %dma_wait3A_118 = tpu.memref_slice %arg7[%dma_wait3A_116, %dma_wait3A_117] : memref<10240x128xf32, #tpu.memory_space<vmem_shared>> -> memref<10240x128xf32, #tpu.memory_space<vmem_shared>>
        tpu.wait_indirect_dma semaphore(%arg9 : memref<!tpu.dma_semaphore, #tpu.memory_space<semaphore_mem>>) src(%arg5 : memref<128x128xf32, #tpu.memory_space<vmem>>) dst(%dma_wait3A_118 : memref<10240x128xf32, #tpu.memory_space<vmem_shared>>)
      } else {
      }
      %dma_start3A_76 = arith.constant 0 : i32
      %dma_start3A_77 = tpu.memref_slice %arg4[%add3A_70, %dma_start3A_76] : memref<80x128xi32, #tpu.memory_space<vmem>> -> memref<1x128xi32, #tpu.memory_space<vmem>>
      %dma_start3A_78 = tpu.memref_squeeze %dma_start3A_77 : memref<1x128xi32, #tpu.memory_space<vmem>> -> memref<128xi32, #tpu.memory_space<vmem>>
      %dma_start3A_79 = arith.constant 0 : i32
      %dma_start3A_80 = arith.constant 0 : i32
      %dma_start3A_81 = tpu.memref_slice %arg7[%dma_start3A_79, %dma_start3A_80] : memref<10240x128xf32, #tpu.memory_space<vmem_shared>> -> memref<10240x128xf32, #tpu.memory_space<vmem_shared>>
      tpu.enqueue_indirect_dma source(%arg5 : memref<128x128xf32, #tpu.memory_space<vmem>>) target(%dma_start3A_81 : memref<10240x128xf32, #tpu.memory_space<vmem_shared>>) offsets(%dma_start3A_78 : memref<128xi32, #tpu.memory_space<vmem>>) semaphore(%arg9 : memref<!tpu.dma_semaphore, #tpu.memory_space<semaphore_mem>>) {add = true}
      %mul3A_82 = arith.constant 4 : i32
      %mul3A_83 = arith.muli %scan3A_55, %mul3A_82 : i32
      %add3A_84 = arith.constant 2 : i32
      %add3A_85 = arith.addi %mul3A_83, %add3A_84 : i32
      %ge3A_86 = arith.constant 4 : i32
      %ge3A_87 = arith.cmpi sge, %add3A_85, %ge3A_86 : i32
      %convert_element_type3A_88 = arith.extui %ge3A_87 : i1 to i32
      %cond3A_89 = arith.constant 0 : i32
      %cond3A_90 = arith.cmpi ne, %convert_element_type3A_88, %cond3A_89 : i32
      scf.if %cond3A_90 {
        %dma_wait3A_112 = arith.constant 0 : i32
        %dma_wait3A_113 = arith.constant 0 : i32
        %dma_wait3A_114 = tpu.memref_slice %arg4[%dma_wait3A_112, %dma_wait3A_113] : memref<80x128xi32, #tpu.memory_space<vmem>> -> memref<1x128xi32, #tpu.memory_space<vmem>>
        %dma_wait3A_115 = tpu.memref_squeeze %dma_wait3A_114 : memref<1x128xi32, #tpu.memory_space<vmem>> -> memref<128xi32, #tpu.memory_space<vmem>>
        %dma_wait3A_116 = arith.constant 0 : i32
        %dma_wait3A_117 = arith.constant 0 : i32
        %dma_wait3A_118 = tpu.memref_slice %arg7[%dma_wait3A_116, %dma_wait3A_117] : memref<10240x128xf32, #tpu.memory_space<vmem_shared>> -> memref<10240x128xf32, #tpu.memory_space<vmem_shared>>
        tpu.wait_indirect_dma semaphore(%arg10 : memref<!tpu.dma_semaphore, #tpu.memory_space<semaphore_mem>>) src(%arg5 : memref<128x128xf32, #tpu.memory_space<vmem>>) dst(%dma_wait3A_118 : memref<10240x128xf32, #tpu.memory_space<vmem_shared>>)
      } else {
      }
      %dma_start3A_91 = arith.constant 0 : i32
      %dma_start3A_92 = tpu.memref_slice %arg4[%add3A_85, %dma_start3A_91] : memref<80x128xi32, #tpu.memory_space<vmem>> -> memref<1x128xi32, #tpu.memory_space<vmem>>
      %dma_start3A_93 = tpu.memref_squeeze %dma_start3A_92 : memref<1x128xi32, #tpu.memory_space<vmem>> -> memref<128xi32, #tpu.memory_space<vmem>>
      %dma_start3A_94 = arith.constant 0 : i32
      %dma_start3A_95 = arith.constant 0 : i32
      %dma_start3A_96 = tpu.memref_slice %arg7[%dma_start3A_94, %dma_start3A_95] : memref<10240x128xf32, #tpu.memory_space<vmem_shared>> -> memref<10240x128xf32, #tpu.memory_space<vmem_shared>>
      tpu.enqueue_indirect_dma source(%arg5 : memref<128x128xf32, #tpu.memory_space<vmem>>) target(%dma_start3A_96 : memref<10240x128xf32, #tpu.memory_space<vmem_shared>>) offsets(%dma_start3A_93 : memref<128xi32, #tpu.memory_space<vmem>>) semaphore(%arg10 : memref<!tpu.dma_semaphore, #tpu.memory_space<semaphore_mem>>) {add = true}
      %mul3A_97 = arith.constant 4 : i32
      %mul3A_98 = arith.muli %scan3A_55, %mul3A_97 : i32
      %add3A_99 = arith.constant 3 : i32
      %add3A_100 = arith.addi %mul3A_98, %add3A_99 : i32
      %ge3A_101 = arith.constant 4 : i32
      %ge3A_102 = arith.cmpi sge, %add3A_100, %ge3A_101 : i32
      %convert_element_type3A_103 = arith.extui %ge3A_102 : i1 to i32
      %cond3A_104 = arith.constant 0 : i32
      %cond3A_105 = arith.cmpi ne, %convert_element_type3A_103, %cond3A_104 : i32
      scf.if %cond3A_105 {
        %dma_wait3A_112 = arith.constant 0 : i32
        %dma_wait3A_113 = arith.constant 0 : i32
        %dma_wait3A_114 = tpu.memref_slice %arg4[%dma_wait3A_112, %dma_wait3A_113] : memref<80x128xi32, #tpu.memory_space<vmem>> -> memref<1x128xi32, #tpu.memory_space<vmem>>
        %dma_wait3A_115 = tpu.memref_squeeze %dma_wait3A_114 : memref<1x128xi32, #tpu.memory_space<vmem>> -> memref<128xi32, #tpu.memory_space<vmem>>
        %dma_wait3A_116 = arith.constant 0 : i32
        %dma_wait3A_117 = arith.constant 0 : i32
        %dma_wait3A_118 = tpu.memref_slice %arg7[%dma_wait3A_116, %dma_wait3A_117] : memref<10240x128xf32, #tpu.memory_space<vmem_shared>> -> memref<10240x128xf32, #tpu.memory_space<vmem_shared>>
        tpu.wait_indirect_dma semaphore(%arg11 : memref<!tpu.dma_semaphore, #tpu.memory_space<semaphore_mem>>) src(%arg5 : memref<128x128xf32, #tpu.memory_space<vmem>>) dst(%dma_wait3A_118 : memref<10240x128xf32, #tpu.memory_space<vmem_shared>>)
      } else {
      }
      %dma_start3A_106 = arith.constant 0 : i32
      %dma_start3A_107 = tpu.memref_slice %arg4[%add3A_100, %dma_start3A_106] : memref<80x128xi32, #tpu.memory_space<vmem>> -> memref<1x128xi32, #tpu.memory_space<vmem>>
      %dma_start3A_108 = tpu.memref_squeeze %dma_start3A_107 : memref<1x128xi32, #tpu.memory_space<vmem>> -> memref<128xi32, #tpu.memory_space<vmem>>
      %dma_start3A_109 = arith.constant 0 : i32
      %dma_start3A_110 = arith.constant 0 : i32
      %dma_start3A_111 = tpu.memref_slice %arg7[%dma_start3A_109, %dma_start3A_110] : memref<10240x128xf32, #tpu.memory_space<vmem_shared>> -> memref<10240x128xf32, #tpu.memory_space<vmem_shared>>
      tpu.enqueue_indirect_dma source(%arg5 : memref<128x128xf32, #tpu.memory_space<vmem>>) target(%dma_start3A_111 : memref<10240x128xf32, #tpu.memory_space<vmem_shared>>) offsets(%dma_start3A_108 : memref<128xi32, #tpu.memory_space<vmem>>) semaphore(%arg11 : memref<!tpu.dma_semaphore, #tpu.memory_space<semaphore_mem>>) {add = true}
    }
    %scan3A_21 = arith.constant 20 : i32
    %dma_wait3A = arith.constant 0 : i32
    %dma_wait3A_22 = arith.constant 0 : i32
    %dma_wait3A_23 = tpu.memref_slice %arg4[%dma_wait3A, %dma_wait3A_22] : memref<80x128xi32, #tpu.memory_space<vmem>> -> memref<1x128xi32, #tpu.memory_space<vmem>>
    %dma_wait3A_24 = tpu.memref_squeeze %dma_wait3A_23 : memref<1x128xi32, #tpu.memory_space<vmem>> -> memref<128xi32, #tpu.memory_space<vmem>>
    %dma_wait3A_25 = arith.constant 0 : i32
    %dma_wait3A_26 = arith.constant 0 : i32
    %dma_wait3A_27 = tpu.memref_slice %arg7[%dma_wait3A_25, %dma_wait3A_26] : memref<10240x128xf32, #tpu.memory_space<vmem_shared>> -> memref<10240x128xf32, #tpu.memory_space<vmem_shared>>
    tpu.wait_indirect_dma semaphore(%arg8 : memref<!tpu.dma_semaphore, #tpu.memory_space<semaphore_mem>>) src(%arg5 : memref<128x128xf32, #tpu.memory_space<vmem>>) dst(%dma_wait3A_27 : memref<10240x128xf32, #tpu.memory_space<vmem_shared>>)
    %dma_wait3A_28 = arith.constant 0 : i32
    %dma_wait3A_29 = arith.constant 0 : i32
    %dma_wait3A_30 = tpu.memref_slice %arg4[%dma_wait3A_28, %dma_wait3A_29] : memref<80x128xi32, #tpu.memory_space<vmem>> -> memref<1x128xi32, #tpu.memory_space<vmem>>
    %dma_wait3A_31 = tpu.memref_squeeze %dma_wait3A_30 : memref<1x128xi32, #tpu.memory_space<vmem>> -> memref<128xi32, #tpu.memory_space<vmem>>
    %dma_wait3A_32 = arith.constant 0 : i32
    %dma_wait3A_33 = arith.constant 0 : i32
    %dma_wait3A_34 = tpu.memref_slice %arg7[%dma_wait3A_32, %dma_wait3A_33] : memref<10240x128xf32, #tpu.memory_space<vmem_shared>> -> memref<10240x128xf32, #tpu.memory_space<vmem_shared>>
    tpu.wait_indirect_dma semaphore(%arg9 : memref<!tpu.dma_semaphore, #tpu.memory_space<semaphore_mem>>) src(%arg5 : memref<128x128xf32, #tpu.memory_space<vmem>>) dst(%dma_wait3A_34 : memref<10240x128xf32, #tpu.memory_space<vmem_shared>>)
    %dma_wait3A_35 = arith.constant 0 : i32
    %dma_wait3A_36 = arith.constant 0 : i32
    %dma_wait3A_37 = tpu.memref_slice %arg4[%dma_wait3A_35, %dma_wait3A_36] : memref<80x128xi32, #tpu.memory_space<vmem>> -> memref<1x128xi32, #tpu.memory_space<vmem>>
    %dma_wait3A_38 = tpu.memref_squeeze %dma_wait3A_37 : memref<1x128xi32, #tpu.memory_space<vmem>> -> memref<128xi32, #tpu.memory_space<vmem>>
    %dma_wait3A_39 = arith.constant 0 : i32
    %dma_wait3A_40 = arith.constant 0 : i32
    %dma_wait3A_41 = tpu.memref_slice %arg7[%dma_wait3A_39, %dma_wait3A_40] : memref<10240x128xf32, #tpu.memory_space<vmem_shared>> -> memref<10240x128xf32, #tpu.memory_space<vmem_shared>>
    tpu.wait_indirect_dma semaphore(%arg10 : memref<!tpu.dma_semaphore, #tpu.memory_space<semaphore_mem>>) src(%arg5 : memref<128x128xf32, #tpu.memory_space<vmem>>) dst(%dma_wait3A_41 : memref<10240x128xf32, #tpu.memory_space<vmem_shared>>)
    %dma_wait3A_42 = arith.constant 0 : i32
    %dma_wait3A_43 = arith.constant 0 : i32
    %dma_wait3A_44 = tpu.memref_slice %arg4[%dma_wait3A_42, %dma_wait3A_43] : memref<80x128xi32, #tpu.memory_space<vmem>> -> memref<1x128xi32, #tpu.memory_space<vmem>>
    %dma_wait3A_45 = tpu.memref_squeeze %dma_wait3A_44 : memref<1x128xi32, #tpu.memory_space<vmem>> -> memref<128xi32, #tpu.memory_space<vmem>>
    %dma_wait3A_46 = arith.constant 0 : i32
    %dma_wait3A_47 = arith.constant 0 : i32
    %dma_wait3A_48 = tpu.memref_slice %arg7[%dma_wait3A_46, %dma_wait3A_47] : memref<10240x128xf32, #tpu.memory_space<vmem_shared>> -> memref<10240x128xf32, #tpu.memory_space<vmem_shared>>
    tpu.wait_indirect_dma semaphore(%arg11 : memref<!tpu.dma_semaphore, #tpu.memory_space<semaphore_mem>>) src(%arg5 : memref<128x128xf32, #tpu.memory_space<vmem>>) dst(%dma_wait3A_48 : memref<10240x128xf32, #tpu.memory_space<vmem_shared>>)
    %barrier3A_49 = arith.constant 0 : index
    tpu.barrier barrier_id(%barrier3A_49)
    %scan3A_50 = arith.constant 0 : i32
    %scan3A_51 = arith.constant 5 : i32
    %scan3A_52 = arith.addi %scan3A_50, %scan3A_51 : i32
    %scan3A_53 = arith.constant 1 : i32
    scf.for %scan3A_55 = %scan3A_50 to %scan3A_52 step %scan3A_53  : i32 {
      %mul3A_56 = arith.constant 128 : i32
      %mul3A_57 = arith.muli %scan3A_55, %mul3A_56 : i32
      %add3A_58 = arith.addi %mul3A_2, %mul3A_57 : i32
      "tpu.region"() ({
        %run_scoped3A = tpu.sem_alloc : memref<!tpu.dma_semaphore, #tpu.memory_space<semaphore_mem>>
        %dma_start3A = arith.constant 0 : i32
        %dma_start3A_59 = tpu.memref_slice %arg7[%add3A_58, %dma_start3A] : memref<10240x128xf32, #tpu.memory_space<vmem_shared>> -> memref<128x128xf32, #tpu.memory_space<vmem_shared>>
        %dma_start3A_60 = arith.constant 0 : i32
        %dma_start3A_61 = tpu.memref_slice %arg7[%add3A_58, %dma_start3A_60] : memref<10240x128xf32, #tpu.memory_space<vmem_shared>> -> memref<128x128xf32, #tpu.memory_space<vmem_shared>>
        tpu.enqueue_dma source(%dma_start3A_61 : memref<128x128xf32, #tpu.memory_space<vmem_shared>>) target(%arg6 : memref<128x128xf32, #tpu.memory_space<vmem>>) target_semaphore(%run_scoped3A : memref<!tpu.dma_semaphore, #tpu.memory_space<semaphore_mem>>)
        %dma_wait3A_62 = arith.constant 0 : i32
        %dma_wait3A_63 = tpu.memref_slice %arg7[%add3A_58, %dma_wait3A_62] : memref<10240x128xf32, #tpu.memory_space<vmem_shared>> -> memref<128x128xf32, #tpu.memory_space<vmem_shared>>
        %dma_wait3A_64 = arith.constant 0 : i32
        %dma_wait3A_65 = tpu.memref_slice %arg7[%add3A_58, %dma_wait3A_64] : memref<10240x128xf32, #tpu.memory_space<vmem_shared>> -> memref<128x128xf32, #tpu.memory_space<vmem_shared>>
        tpu.wait_dma2 semaphore(%run_scoped3A : memref<!tpu.dma_semaphore, #tpu.memory_space<semaphore_mem>>) src(%dma_wait3A_65 : memref<128x128xf32, #tpu.memory_space<vmem_shared>>) dst(%arg6 : memref<128x128xf32, #tpu.memory_space<vmem>>)
        tpu.yield
      }) : () -> ()
      "tpu.region"() ({
        %run_scoped3A = tpu.sem_alloc : memref<!tpu.dma_semaphore, #tpu.memory_space<semaphore_mem>>
        %dma_start3A = arith.constant 0 : i32
        %dma_start3A_59 = tpu.memref_slice %arg3[%arg0, %add3A_58, %dma_start3A] : memref<2x10240x128xf32, #tpu.memory_space<hbm>> -> memref<1x128x128xf32, #tpu.memory_space<hbm>>
        %dma_start3A_60 = tpu.memref_squeeze %dma_start3A_59 : memref<1x128x128xf32, #tpu.memory_space<hbm>> -> memref<128x128xf32, #tpu.memory_space<hbm>>
        %dma_start3A_61 = arith.constant 0 : i32
        %dma_start3A_62 = tpu.memref_slice %arg3[%arg0, %add3A_58, %dma_start3A_61] : memref<2x10240x128xf32, #tpu.memory_space<hbm>> -> memref<1x128x128xf32, #tpu.memory_space<hbm>>
        %dma_start3A_63 = tpu.memref_squeeze %dma_start3A_62 : memref<1x128x128xf32, #tpu.memory_space<hbm>> -> memref<128x128xf32, #tpu.memory_space<hbm>>
        tpu.enqueue_dma source(%arg6 : memref<128x128xf32, #tpu.memory_space<vmem>>) target(%dma_start3A_63 : memref<128x128xf32, #tpu.memory_space<hbm>>) target_semaphore(%run_scoped3A : memref<!tpu.dma_semaphore, #tpu.memory_space<semaphore_mem>>)
        %dma_wait3A_64 = arith.constant 0 : i32
        %dma_wait3A_65 = tpu.memref_slice %arg3[%arg0, %add3A_58, %dma_wait3A_64] : memref<2x10240x128xf32, #tpu.memory_space<hbm>> -> memref<1x128x128xf32, #tpu.memory_space<hbm>>
        %dma_wait3A_66 = tpu.memref_squeeze %dma_wait3A_65 : memref<1x128x128xf32, #tpu.memory_space<hbm>> -> memref<128x128xf32, #tpu.memory_space<hbm>>
        %dma_wait3A_67 = arith.constant 0 : i32
        %dma_wait3A_68 = tpu.memref_slice %arg3[%arg0, %add3A_58, %dma_wait3A_67] : memref<2x10240x128xf32, #tpu.memory_space<hbm>> -> memref<1x128x128xf32, #tpu.memory_space<hbm>>
        %dma_wait3A_69 = tpu.memref_squeeze %dma_wait3A_68 : memref<1x128x128xf32, #tpu.memory_space<hbm>> -> memref<128x128xf32, #tpu.memory_space<hbm>>
        tpu.wait_dma2 semaphore(%run_scoped3A : memref<!tpu.dma_semaphore, #tpu.memory_space<semaphore_mem>>) src(%arg6 : memref<128x128xf32, #tpu.memory_space<vmem>>) dst(%dma_wait3A_69 : memref<128x128xf32, #tpu.memory_space<hbm>>)
        tpu.yield
      }) : () -> ()
    }
    %scan3A_54 = arith.constant 5 : i32
    return
  }
}

module attributes {stable_mosaic.version = 14 : i64} {
  func.func @_tc_g1_body(%arg0: i32, %arg1: memref<1000x128xf32, #tpu.memory_space<vmem>>, %arg2: memref<128x128xf32, #tpu.memory_space<vmem>>, %arg3: memref<2x1000x128xf32, #tpu.memory_space<vmem>>, %arg4: memref<1000x128xf32, #tpu.memory_space<vmem>>) attributes {dimension_semantics = [#tpu.dimension_semantics<arbitrary>], iteration_bounds = array<i64: 10>, scalar_prefetch = 0 : i64, scratch_operands = 0 : i64, tpu.core_type = #tpu.core_type<tc>, window_params = [{transform_indices = @transform_0, window_bounds = array<i64: 1000, 128>}, {pipeline_mode = #tpu.pipeline_mode<synchronous>, transform_indices = @transform_1, window_bounds = array<i64: 128, 128>}, {transform_indices = @transform_2, window_bounds = array<i64: 2, 1000, 128>}, {transform_indices = @transform_3, window_bounds = array<i64: 1000, 128>}]} {
    %get3A = arith.constant 0 : index
    %get3A_0 = arith.constant 0 : index
    %get3A_1 = arith.constant 0 : index
    %get3A_2 = vector.load %arg3[%get3A, %get3A_0, %get3A_1] : memref<2x1000x128xf32, #tpu.memory_space<vmem>>, vector<1x1000x1xf32>
    %get3A_3 = vector.shape_cast %get3A_2 : vector<1x1000x1xf32> to vector<1000x1xf32>
    %get3A_4 = arith.constant 1 : index
    %get3A_5 = arith.constant 0 : index
    %get3A_6 = arith.constant 0 : index
    %get3A_7 = vector.load %arg3[%get3A_4, %get3A_5, %get3A_6] : memref<2x1000x128xf32, #tpu.memory_space<vmem>>, vector<1x1000x1xf32>
    %get3A_8 = vector.shape_cast %get3A_7 : vector<1x1000x1xf32> to vector<1000x1xf32>
    %add3A = arith.addf %get3A_3, %get3A_8 : vector<1000x1xf32>
    %add3A_9 = arith.constant 1.000000e+00 : f32
    %add3A_10 = vector.broadcast %add3A_9 : f32 to vector<1000x1xf32>
    %add3A_11 = arith.addf %add3A, %add3A_10 : vector<1000x1xf32>
    %rsqrt3A = math.rsqrt %add3A_11 : vector<1000x1xf32>
    %get3A_12 = arith.constant 0 : index
    %get3A_13 = arith.constant 0 : index
    %get3A_14 = vector.load %arg1[%get3A_12, %get3A_13] : memref<1000x128xf32, #tpu.memory_space<vmem>>, vector<1000x128xf32>
    %get3A_15 = arith.constant 0 : index
    %get3A_16 = arith.constant 0 : index
    %get3A_17 = vector.load %arg2[%get3A_15, %get3A_16] : memref<128x128xf32, #tpu.memory_space<vmem>>, vector<128x128xf32>
    %dot_general3A = arith.constant dense<0.000000e+00> : vector<1000x128xf32>
    %dot_general3A_18 = tpu.matmul %get3A_14, %get3A_17, %dot_general3A {dimension_numbers = #tpu.dot_dimension_numbers<[1], [0], [0], [1], [0, 0, 1, 1], [], []>, transpose_lhs_hint = false} : vector<1000x128xf32>, vector<128x128xf32>, vector<1000x128xf32> -> vector<1000x128xf32>
    %mul3A = vector.broadcast %rsqrt3A : vector<1000x1xf32> to vector<1000x128xf32>
    %mul3A_19 = arith.mulf %dot_general3A_18, %mul3A : vector<1000x128xf32>
    %swap3A = arith.constant 0 : index
    %swap3A_20 = arith.constant 0 : index
    %swap3A_21 = vector.load %arg4[%swap3A, %swap3A_20] : memref<1000x128xf32, #tpu.memory_space<vmem>>, vector<1000x128xf32>
    tpu.vector_store %arg4[%swap3A, %swap3A_20], %mul3A_19 {strides = array<i32>} : memref<1000x128xf32, #tpu.memory_space<vmem>>, vector<1000x128xf32>,
    return
  }
  func.func @transform_0(%arg0: i32) -> (i32, i32) {
    %c0_i32 = arith.constant 0 : i32
    %c0_i32_0 = arith.constant 0 : i32
    return %arg0, %c0_i32 : i32, i32
  }
  func.func @transform_1(%arg0: i32) -> (i32, i32) {
    %c0_i32 = arith.constant 0 : i32
    %c0_i32_0 = arith.constant 0 : i32
    %c0_i32_1 = arith.constant 0 : i32
    return %c0_i32, %c0_i32_0 : i32, i32
  }
  func.func @transform_2(%arg0: i32) -> (i32, i32, i32) {
    %c0_i32 = arith.constant 0 : i32
    %c0_i32_0 = arith.constant 0 : i32
    %c0_i32_1 = arith.constant 0 : i32
    return %c0_i32, %arg0, %c0_i32_0 : i32, i32, i32
  }
  func.func @transform_3(%arg0: i32) -> (i32, i32) {
    %c0_i32 = arith.constant 0 : i32
    %c0_i32_0 = arith.constant 0 : i32
    return %arg0, %c0_i32 : i32, i32
  }
}

module attributes {stable_mosaic.version = 14 : i64} {
  func.func @_tc_mid_body(%arg0: i32, %arg1: memref<2x1000x128xf32, #tpu.memory_space<vmem>>, %arg2: memref<1000x128xf32, #tpu.memory_space<vmem>>, %arg3: memref<2x1000x128xf32, #tpu.memory_space<vmem>>, %arg4: memref<1x128xf32, #tpu.memory_space<vmem>>, %arg5: memref<128x128xf32, #tpu.memory_space<vmem>>, %arg6: memref<1000x128xf32, #tpu.memory_space<vmem>>) attributes {dimension_semantics = [#tpu.dimension_semantics<arbitrary>], iteration_bounds = array<i64: 10>, scalar_prefetch = 0 : i64, scratch_operands = 0 : i64, tpu.core_type = #tpu.core_type<tc>, window_params = [{transform_indices = @transform_0, window_bounds = array<i64: 2, 1000, 128>}, {transform_indices = @transform_1, window_bounds = array<i64: 1000, 128>}, {transform_indices = @transform_2, window_bounds = array<i64: 2, 1000, 128>}, {pipeline_mode = #tpu.pipeline_mode<synchronous>, transform_indices = @transform_3, window_bounds = array<i64: 1, 128>}, {pipeline_mode = #tpu.pipeline_mode<synchronous>, transform_indices = @transform_4, window_bounds = array<i64: 128, 128>}, {transform_indices = @transform_5, window_bounds = array<i64: 1000, 128>}]} {
    %get3A = arith.constant 0 : index
    %get3A_0 = arith.constant 0 : index
    %get3A_1 = arith.constant 0 : index
    %get3A_2 = vector.load %arg3[%get3A, %get3A_0, %get3A_1] : memref<2x1000x128xf32, #tpu.memory_space<vmem>>, vector<1x1000x1xf32>
    %get3A_3 = vector.shape_cast %get3A_2 : vector<1x1000x1xf32> to vector<1000x1xf32>
    %get3A_4 = arith.constant 1 : index
    %get3A_5 = arith.constant 0 : index
    %get3A_6 = arith.constant 0 : index
    %get3A_7 = vector.load %arg3[%get3A_4, %get3A_5, %get3A_6] : memref<2x1000x128xf32, #tpu.memory_space<vmem>>, vector<1x1000x1xf32>
    %get3A_8 = vector.shape_cast %get3A_7 : vector<1x1000x1xf32> to vector<1000x1xf32>
    %add3A = arith.addf %get3A_3, %get3A_8 : vector<1000x1xf32>
    %add3A_9 = arith.constant 1.000000e+00 : f32
    %add3A_10 = vector.broadcast %add3A_9 : f32 to vector<1000x1xf32>
    %add3A_11 = arith.addf %add3A, %add3A_10 : vector<1000x1xf32>
    %rsqrt3A = math.rsqrt %add3A_11 : vector<1000x1xf32>
    %get3A_12 = arith.constant 0 : index
    %get3A_13 = arith.constant 0 : index
    %get3A_14 = arith.constant 0 : index
    %get3A_15 = vector.load %arg1[%get3A_12, %get3A_13, %get3A_14] : memref<2x1000x128xf32, #tpu.memory_space<vmem>>, vector<1x1000x128xf32>
    %get3A_16 = vector.shape_cast %get3A_15 : vector<1x1000x128xf32> to vector<1000x128xf32>
    %get3A_17 = arith.constant 1 : index
    %get3A_18 = arith.constant 0 : index
    %get3A_19 = arith.constant 0 : index
    %get3A_20 = vector.load %arg1[%get3A_17, %get3A_18, %get3A_19] : memref<2x1000x128xf32, #tpu.memory_space<vmem>>, vector<1x1000x128xf32>
    %get3A_21 = vector.shape_cast %get3A_20 : vector<1x1000x128xf32> to vector<1000x128xf32>
    %add3A_22 = arith.addf %get3A_16, %get3A_21 : vector<1000x128xf32>
    %get3A_23 = arith.constant 0 : index
    %get3A_24 = arith.constant 0 : index
    %get3A_25 = vector.load %arg2[%get3A_23, %get3A_24] : memref<1000x128xf32, #tpu.memory_space<vmem>>, vector<1000x128xf32>
    %add3A_26 = arith.addf %add3A_22, %get3A_25 : vector<1000x128xf32>
    %mul3A = vector.broadcast %rsqrt3A : vector<1000x1xf32> to vector<1000x128xf32>
    %mul3A_27 = arith.mulf %add3A_26, %mul3A : vector<1000x128xf32>
    %get3A_28 = arith.constant 0 : index
    %get3A_29 = arith.constant 0 : index
    %get3A_30 = vector.load %arg4[%get3A_28, %get3A_29] : memref<1x128xf32, #tpu.memory_space<vmem>>, vector<1x128xf32>
    %add3A_31 = vector.broadcast %get3A_30 : vector<1x128xf32> to vector<1000x128xf32>
    %add3A_32 = arith.addf %mul3A_27, %add3A_31 : vector<1000x128xf32>
    %max3A = arith.constant 0.000000e+00 : f32
    %max3A_33 = vector.broadcast %max3A : f32 to vector<1000x128xf32>
    %max3A_34 = arith.maximumf %add3A_32, %max3A_33 : vector<1000x128xf32>
    %get3A_35 = arith.constant 0 : index
    %get3A_36 = arith.constant 0 : index
    %get3A_37 = vector.load %arg5[%get3A_35, %get3A_36] : memref<128x128xf32, #tpu.memory_space<vmem>>, vector<128x128xf32>
    %dot_general3A = arith.constant dense<0.000000e+00> : vector<1000x128xf32>
    %dot_general3A_38 = tpu.matmul %max3A_34, %get3A_37, %dot_general3A {dimension_numbers = #tpu.dot_dimension_numbers<[1], [0], [0], [1], [0, 0, 1, 1], [], []>, transpose_lhs_hint = false} : vector<1000x128xf32>, vector<128x128xf32>, vector<1000x128xf32> -> vector<1000x128xf32>
    %mul3A_39 = vector.broadcast %rsqrt3A : vector<1000x1xf32> to vector<1000x128xf32>
    %mul3A_40 = arith.mulf %dot_general3A_38, %mul3A_39 : vector<1000x128xf32>
    %swap3A = arith.constant 0 : index
    %swap3A_41 = arith.constant 0 : index
    %swap3A_42 = vector.load %arg6[%swap3A, %swap3A_41] : memref<1000x128xf32, #tpu.memory_space<vmem>>, vector<1000x128xf32>
    tpu.vector_store %arg6[%swap3A, %swap3A_41], %mul3A_40 {strides = array<i32>} : memref<1000x128xf32, #tpu.memory_space<vmem>>, vector<1000x128xf32>,
    return
  }
  func.func @transform_0(%arg0: i32) -> (i32, i32, i32) {
    %c0_i32 = arith.constant 0 : i32
    %c0_i32_0 = arith.constant 0 : i32
    %c0_i32_1 = arith.constant 0 : i32
    return %c0_i32, %arg0, %c0_i32_0 : i32, i32, i32
  }
  func.func @transform_1(%arg0: i32) -> (i32, i32) {
    %c0_i32 = arith.constant 0 : i32
    %c0_i32_0 = arith.constant 0 : i32
    return %arg0, %c0_i32 : i32, i32
  }
  func.func @transform_2(%arg0: i32) -> (i32, i32, i32) {
    %c0_i32 = arith.constant 0 : i32
    %c0_i32_0 = arith.constant 0 : i32
    %c0_i32_1 = arith.constant 0 : i32
    return %c0_i32, %arg0, %c0_i32_0 : i32, i32, i32
  }
  func.func @transform_3(%arg0: i32) -> (i32, i32) {
    %c0_i32 = arith.constant 0 : i32
    %c0_i32_0 = arith.constant 0 : i32
    %c0_i32_1 = arith.constant 0 : i32
    return %c0_i32, %c0_i32_0 : i32, i32
  }
  func.func @transform_4(%arg0: i32) -> (i32, i32) {
    %c0_i32 = arith.constant 0 : i32
    %c0_i32_0 = arith.constant 0 : i32
    %c0_i32_1 = arith.constant 0 : i32
    return %c0_i32, %c0_i32_0 : i32, i32
  }
  func.func @transform_5(%arg0: i32) -> (i32, i32) {
    %c0_i32 = arith.constant 0 : i32
    %c0_i32_0 = arith.constant 0 : i32
    return %arg0, %c0_i32 : i32, i32
  }
}

module attributes {stable_mosaic.version = 14 : i64} {
  func.func @_tc_out_body(%arg0: i32, %arg1: memref<2x1000x128xf32, #tpu.memory_space<vmem>>, %arg2: memref<1000x128xf32, #tpu.memory_space<vmem>>, %arg3: memref<2x1000x128xf32, #tpu.memory_space<vmem>>, %arg4: memref<1x128xf32, #tpu.memory_space<vmem>>, %arg5: memref<1000x128xf32, #tpu.memory_space<vmem>>) attributes {dimension_semantics = [#tpu.dimension_semantics<arbitrary>], iteration_bounds = array<i64: 10>, scalar_prefetch = 0 : i64, scratch_operands = 0 : i64, tpu.core_type = #tpu.core_type<tc>, window_params = [{transform_indices = @transform_0, window_bounds = array<i64: 2, 1000, 128>}, {transform_indices = @transform_1, window_bounds = array<i64: 1000, 128>}, {transform_indices = @transform_2, window_bounds = array<i64: 2, 1000, 128>}, {pipeline_mode = #tpu.pipeline_mode<synchronous>, transform_indices = @transform_3, window_bounds = array<i64: 1, 128>}, {transform_indices = @transform_4, window_bounds = array<i64: 1000, 128>}]} {
    %get3A = arith.constant 0 : index
    %get3A_0 = arith.constant 0 : index
    %get3A_1 = arith.constant 0 : index
    %get3A_2 = vector.load %arg3[%get3A, %get3A_0, %get3A_1] : memref<2x1000x128xf32, #tpu.memory_space<vmem>>, vector<1x1000x1xf32>
    %get3A_3 = vector.shape_cast %get3A_2 : vector<1x1000x1xf32> to vector<1000x1xf32>
    %get3A_4 = arith.constant 1 : index
    %get3A_5 = arith.constant 0 : index
    %get3A_6 = arith.constant 0 : index
    %get3A_7 = vector.load %arg3[%get3A_4, %get3A_5, %get3A_6] : memref<2x1000x128xf32, #tpu.memory_space<vmem>>, vector<1x1000x1xf32>
    %get3A_8 = vector.shape_cast %get3A_7 : vector<1x1000x1xf32> to vector<1000x1xf32>
    %add3A = arith.addf %get3A_3, %get3A_8 : vector<1000x1xf32>
    %add3A_9 = arith.constant 1.000000e+00 : f32
    %add3A_10 = vector.broadcast %add3A_9 : f32 to vector<1000x1xf32>
    %add3A_11 = arith.addf %add3A, %add3A_10 : vector<1000x1xf32>
    %rsqrt3A = math.rsqrt %add3A_11 : vector<1000x1xf32>
    %get3A_12 = arith.constant 0 : index
    %get3A_13 = arith.constant 0 : index
    %get3A_14 = arith.constant 0 : index
    %get3A_15 = vector.load %arg1[%get3A_12, %get3A_13, %get3A_14] : memref<2x1000x128xf32, #tpu.memory_space<vmem>>, vector<1x1000x128xf32>
    %get3A_16 = vector.shape_cast %get3A_15 : vector<1x1000x128xf32> to vector<1000x128xf32>
    %get3A_17 = arith.constant 1 : index
    %get3A_18 = arith.constant 0 : index
    %get3A_19 = arith.constant 0 : index
    %get3A_20 = vector.load %arg1[%get3A_17, %get3A_18, %get3A_19] : memref<2x1000x128xf32, #tpu.memory_space<vmem>>, vector<1x1000x128xf32>
    %get3A_21 = vector.shape_cast %get3A_20 : vector<1x1000x128xf32> to vector<1000x128xf32>
    %add3A_22 = arith.addf %get3A_16, %get3A_21 : vector<1000x128xf32>
    %get3A_23 = arith.constant 0 : index
    %get3A_24 = arith.constant 0 : index
    %get3A_25 = vector.load %arg2[%get3A_23, %get3A_24] : memref<1000x128xf32, #tpu.memory_space<vmem>>, vector<1000x128xf32>
    %add3A_26 = arith.addf %add3A_22, %get3A_25 : vector<1000x128xf32>
    %mul3A = vector.broadcast %rsqrt3A : vector<1000x1xf32> to vector<1000x128xf32>
    %mul3A_27 = arith.mulf %add3A_26, %mul3A : vector<1000x128xf32>
    %get3A_28 = arith.constant 0 : index
    %get3A_29 = arith.constant 0 : index
    %get3A_30 = vector.load %arg4[%get3A_28, %get3A_29] : memref<1x128xf32, #tpu.memory_space<vmem>>, vector<1x128xf32>
    %add3A_31 = vector.broadcast %get3A_30 : vector<1x128xf32> to vector<1000x128xf32>
    %add3A_32 = arith.addf %mul3A_27, %add3A_31 : vector<1000x128xf32>
    %swap3A = arith.constant 0 : index
    %swap3A_33 = arith.constant 0 : index
    %swap3A_34 = vector.load %arg5[%swap3A, %swap3A_33] : memref<1000x128xf32, #tpu.memory_space<vmem>>, vector<1000x128xf32>
    tpu.vector_store %arg5[%swap3A, %swap3A_33], %add3A_32 {strides = array<i32>} : memref<1000x128xf32, #tpu.memory_space<vmem>>, vector<1000x128xf32>,
    return
  }
  func.func @transform_0(%arg0: i32) -> (i32, i32, i32) {
    %c0_i32 = arith.constant 0 : i32
    %c0_i32_0 = arith.constant 0 : i32
    %c0_i32_1 = arith.constant 0 : i32
    return %c0_i32, %arg0, %c0_i32_0 : i32, i32, i32
  }
  func.func @transform_1(%arg0: i32) -> (i32, i32) {
    %c0_i32 = arith.constant 0 : i32
    %c0_i32_0 = arith.constant 0 : i32
    return %arg0, %c0_i32 : i32, i32
  }
  func.func @transform_2(%arg0: i32) -> (i32, i32, i32) {
    %c0_i32 = arith.constant 0 : i32
    %c0_i32_0 = arith.constant 0 : i32
    %c0_i32_1 = arith.constant 0 : i32
    return %c0_i32, %arg0, %c0_i32_0 : i32, i32, i32
  }
  func.func @transform_3(%arg0: i32) -> (i32, i32) {
    %c0_i32 = arith.constant 0 : i32
    %c0_i32_0 = arith.constant 0 : i32
    %c0_i32_1 = arith.constant 0 : i32
    return %c0_i32, %c0_i32_0 : i32, i32
  }
  func.func @transform_4(%arg0: i32) -> (i32, i32) {
    %c0_i32 = arith.constant 0 : i32
    %c0_i32_0 = arith.constant 0 : i32
    return %arg0, %c0_i32 : i32, i32
  }
}

</mosaic_0001>

<sc_bundles>
// kernel: kernel.11.cloned.1.call-start
scs
__scs_entry_jumppad:
0x0: {  	(pc) =	sbr.rel $0x88, $3  }
0x1: {  	(tag) =	ssettag $0x0;
	lr =	simm.s32 $0x1  }
0x2: {  	[smem:$0x3F9B] =	sst lr;
	_ =	strace $0xD0000000  }
0x3: {  	_ = 	snop  }
0x4: {  	_ = 	snop  }
0x5: {  	_ = 	snop  }
0x6: {  	_ = 	snop  }
0x7: {  	_ = 	snop  }
__scs_overlays_trampoline_lowered:
0x8: {  	[smem:$0x3FAA] =	sst s0  }
0x9: {  	[smem:$0x3FAB] =	sst s1  }
0xa: {  	[smem:$0x3FAC] =	sst s2  }
0xb: {  	[smem:$0x3FAD] =	sst s3  }
0xc: {  	[smem:$0x3FAE] =	sst s4  }
0xd: {  	[smem:$0x3FAF] =	sst s5  }
0xe: {  	[smem:$0x3FB0] =	sst s6  }
0xf: {  	[smem:$0x3FB1] =	sst s7  }
0x10: {  	[smem:$0x3FB2] =	sst s8  }
0x11: {  	[smem:$0x3FB3] =	sst s9;
	s0 =	simm.s32 @!p0 $0x0  }
0x12: {  	s1 =	sld [smem:$0x3F99];
	s0 =	simm.s32 @p0 $0x1  }
0x13: {  	[smem:$0x3FB4] =	sst s0;
	s0 =	simm.s32 @!p1 $0x0  }
0x14: {  	s2 =	sld [smem:$0x3F98];
	s0 =	simm.s32 @p1 $0x1  }
0x15: {  	[smem:$0x3FB5] =	sst s0;
	s0 =	simm.s32 @!p2 $0x0  }
0x16: {  	s3 =	sld [smem:$0x3FDB];
	s0 =	simm.s32 @p2 $0x1  }
0x17: {  	s4 =	simm.s32 $0x1BF5;
	[smem:$0x3FB7] =	sst s0  }
0x18: {  	s0 =	sld [smem:$0x3F9A];
	_ =	swait.ge [sflag:s4], $0x0  }
0x19: {  	s7 =	sld [smem:$0x3F9B]  }
0x1a: {  	s8 =	sadd.s32 $0xFFFFE003, lr  }
0x1b: {  	s9 =	sadd.s32 $0xFFFFFEF7, lr;
	s5 =	simm.s32 $0xFFFFFFFF;
	p2 =	slt.u32 s8, $0xFFFFF086  }
0x1c: {  	p1 =	slt.u32 s9, $0xF7A;
	s5 =	simm.s32 @!p2 $0x0  }
0x1d: {  	s5 =	simm.s32 @p1 $0x1;
	p0 =	seq.s32 s7, s2  }
0x1e: {  	s7 =	smul.u32 @!p0 $0xF7A, s2;
	p2 =	seq.s32 @!p0 s5, $0x0  }
0x1f: {  	s9 =	smul.u32 $0xF7A, s1;
	s8 =	simm.s32 @!p0 $0x1BF5;
	p2 =	por !p2, p0  }
0x20: {  	[sflag:s8] =	ssyncset.s32 @!p0 $0xFFFFF086;
	s6 =	sadd.s32 @!p0 s3, s7;
	s7 =	simm.s32 @!p0 $0x108  }
0x21: {  	s3 =	sadd.s32 s3, s9;
	s6 =	sadd.s32 @!p0 $0x88, s6;
	s7 =	simm.s32 @p2 $0x1082  }
0x22: {  	[simem:s7], [sflag:s8] =	dma.local @!p0 [hbm:s6], $0xF7A  }
0x23: {  	s9 =	sor.u32 $0xD0000000, s2;
	s6 =	simm.s32 $0x108;
	_ =	swait.ge @!p0 [sflag:s8], $0x0  }
0x24: {  	s3 =	sadd.s32 $0x88, s3;
	s6 =	simm.s32 @!p1 $0x1082;
	[sflag:s4] =	ssyncset.s32 $0xFFFFF086  }
0x25: {  	[simem:s6], [sflag:s4] =	dma.local [hbm:s3], $0xF7A  }
0x26: {  	[smem:$0x3F9B] =	sst s1;
	(tag) =	ssettag s2;
	_ =	strace s9  }
0x27: {  	s1 =	sld [smem:$0x3FAB]  }
0x28: {  	s2 =	sld [smem:$0x3FAC]  }
0x29: {  	s4 =	sld [smem:$0x3FAE]  }
0x2a: {  	p0 =	seq.s32 s5, $0x0;
	s5 =	sld [smem:$0x3FAF]  }
0x2b: {  	s6 =	sld [smem:$0x3FB0]  }
0x2c: {  	s7 =	sld [smem:$0x3FB1]  }
0x2d: {  	s3 =	simm.s32 $0x108;
	s8 =	sld [smem:$0x3FB2]  }
0x2e: {  	s3 =	simm.s32 @!p0 $0x1082;
	s9 =	sld [smem:$0x3FB3]  }
0x2f: {  	lr =	sadd.s32 s0, s3;
	s0 =	sld [smem:$0x3FAA]  }
0x30: {  	s3 =	sld [smem:$0x3FAD]  }
0x31: {  	[smem:$0x3FB6] =	sst s10  }
0x32: {  	s10 =	sld [smem:$0x3FB4];
	_ =	sdelay $0x3  }
0x33: {  	p0 =	seq.s32 s10, $0x1;
	s10 =	sld [smem:$0x3FB6];
	_ =	sdelay $0x3  }
0x34: {  	[smem:$0x3FB6] =	sst s10  }
0x35: {  	s10 =	sld [smem:$0x3FB5];
	_ =	sdelay $0x3  }
0x36: {  	p1 =	seq.s32 s10, $0x1;
	s10 =	sld [smem:$0x3FB6];
	_ =	sdelay $0x3  }
0x37: {  	[smem:$0x3FB6] =	sst s10  }
0x38: {  	s10 =	sld [smem:$0x3FB7]  }
0x39: {  	_ = 	snop;
	(pc) =	sbr.ind lr, $3  }
0x3a: {  	_ = 	snop  }
0x3b: {  	_ = 	snop  }
0x3c: {  	p2 =	seq.s32 s10, $0x1;
	s10 =	sld [smem:$0x3FB6]  }
0x3d: {  	_ =	shalt  }
0x3e: {  	_ =	shalt  }
0x3f: {  	_ =	shalt  }
0x40: {  	_ =	shalt  }
0x41: {  	_ =	shalt  }
0x42: {  	_ =	shalt  }
0x43: {  	_ =	shalt  }
0x44: {  	_ =	shalt  }
0x45: {  	_ =	shalt  }
0x46: {  	_ =	shalt  }
0x47: {  	_ =	shalt  }
0x48: {  	_ =	shalt  }
0x49: {  	_ =	shalt  }
0x4a: {  	_ =	shalt  }
0x4b: {  	_ =	shalt  }
0x4c: {  	_ =	shalt  }
0x4d: {  	_ =	shalt  }
0x4e: {  	_ =	shalt  }
0x4f: {  	_ =	shalt  }
0x50: {  	_ =	shalt  }
0x51: {  	_ =	shalt  }
0x52: {  	_ =	shalt  }
0x53: {  	_ =	shalt  }
0x54: {  	_ =	shalt  }
0x55: {  	_ =	shalt  }
0x56: {  	_ =	shalt  }
0x57: {  	_ =	shalt  }
0x58: {  	_ =	shalt  }
0x59: {  	_ =	shalt  }
0x5a: {  	_ =	shalt  }
0x5b: {  	_ =	shalt  }
0x5c: {  	_ =	shalt  }
0x5d: {  	_ =	shalt  }
0x5e: {  	_ =	shalt  }
0x5f: {  	_ =	shalt  }
0x60: {  	_ =	shalt  }
0x61: {  	_ =	shalt  }
0x62: {  	_ =	shalt  }
0x63: {  	_ =	shalt  }
0x64: {  	_ =	shalt  }
0x65: {  	_ =	shalt  }
0x66: {  	_ =	shalt  }
0x67: {  	_ =	shalt  }
0x68: {  	_ =	shalt  }
0x69: {  	_ =	shalt  }
0x6a: {  	_ =	shalt  }
0x6b: {  	_ =	shalt  }
0x6c: {  	_ =	shalt  }
0x6d: {  	_ =	shalt  }
0x6e: {  	_ =	shalt  }
0x6f: {  	_ =	shalt  }
0x70: {  	_ =	shalt  }
0x71: {  	_ =	shalt  }
0x72: {  	_ =	shalt  }
0x73: {  	_ =	shalt  }
0x74: {  	_ =	shalt  }
0x75: {  	_ =	shalt  }
0x76: {  	_ =	shalt  }
0x77: {  	_ =	shalt  }
0x78: {  	_ =	shalt  }
0x79: {  	_ =	shalt  }
0x7a: {  	_ =	shalt  }
0x7b: {  	_ =	shalt  }
0x7c: {  	_ =	shalt  }
0x7d: {  	_ =	shalt  }
0x7e: {  	_ =	shalt  }
0x7f: {  	_ =	shalt  }
0x80: {  	_ =	shalt  }
0x81: {  	_ =	shalt  }
0x82: {  	_ =	shalt  }
0x83: {  	_ =	shalt  }
0x84: {  	_ =	shalt  }
0x85: {  	_ =	shalt  }
0x86: {  	_ =	shalt  }
0x87: {  	_ =	shalt  }
.Lfunc_end0:
.L_simem_size_0:
called_computation.1_lowered:
.L_overlay_start_0:
0x88: {  	s2 =	sld [smem:$0x3FD9]  }
0x89: {  	s3 =	sld [smem:$0x3FFE];
	_ =	sdelay $0x1  }
0x8a: {  	s1 =	srdreg.scid  }
0x8b: {  	s0 =	sand.u32 $0x1, s1  }
0x8c: {  	s17 =	sshll.u32 s0, $0xA;
	s2 =	sadd.s32 s3, s2  }
0x8d: {  	s2 =	sadd.s32 s2, s17  }
0x8e: {  	[smem:$0x3FC2] =	sst s2  }
0x8f: {  	_ = 	snop  }
0x90: {  	s2 =	sld [smem:$0x3FD0];
	(tm) =	ssettm $0x1  }
0x91: {  	s18 =	sld [smem:$0x3FFB];
	_ =	sdelay $0x3  }
0x92: {  	_ =	strace s18  }
0x93: {  	s3 =	sld [smem:$0x3FFC];
	_ =	sdelay $0x3  }
0x94: {  	_ =	strace s3  }
0x95: {  	s3 =	sld [smem:$0x3FFD];
	_ =	sdelay $0x3  }
0x96: {  	_ =	strace s3  }
0x97: {  	_ =	strace $0x8FFFFFFF  }
0x98: {  	s19 =	sld [smem:$0x3FDB];
	_ =	sdelay $0x1  }
0x99: {  	s4 =	simm.s32 $_scs_section_size  }
0x9a: {  	s5 =	simm.s32 $_size__tile_overlayer_lowered;
	s6 =	simm.s32 $_tile_overlayer_lowered  }
0x9b: {  	s22 =	simm.s32 $0x1BFF;
	s21 =	sshll.u32 s6, $0x1;
	s3 =	sadd.s32 s4, s19  }
0x9c: {  	s7 =	simm.s32 $0x0;
	s20 =	sshll.u32 s5, $0x1;
	s5 =	sadd.s32 s21, s3  }
0x9d: {  	[timem:s7], [sflag:s22] =	dma.local [hbm:s5], s20  }
0x9e: {  	_ =	swait.ge [sflag:s22], s20  }
0x9f: {  	s4 =	ssub.s32 $0x0, s20;
	[sflag:s22] =	ssyncset.done $0x0  }
0xa0: {  	[sflag:s22] =	ssyncadd.s32 s4;
	_ =	sdelay $0x1  }
0xa1: {  	s23 =	simm.s32 $0x1B8B  }
0xa2: {  	_ =	swait.ge [sflag:s23], $0x1  }
0xa3: {  	[sflag:s23] =	ssyncset.done $0x0  }
0xa4: {  	s25 =	simm.s32 $0x1B8E;
	s24 =	sld [smem:$0x3FFE];
	[sflag:s23] =	ssyncadd.s32 $0xFFFFFFFF  }
0xa5: {  	s26 =	simm.s32 $execute0_lowered;
	[smem:$0x3FD2] =	sst s25  }
0xa6: {  	s5 =	sshll.u32 s26, $0x1;
	_ =	strace $0x80000049;
	[dreg:$0x1] =	wrdreg $0xFFFFFFFF  }
0xa7: {  	s28 =	simm.s32 $_size_execute0_lowered;
	s3 =	sadd.s32 s3, s5;
	[dreg:$0x0] =	wrdreg $0x0  }
0xa8: {  	s5 =	sshll.u32 s28, $0x1;
	[dreg:$0x2] =	wrdreg s3  }
0xa9: {  	[dreg:$0x3] =	wrdreg s5  }
0xaa: {  	[dreg:$0x4] =	wrdreg $0xC0  }
0xab: {  	_ =	task [dreg:s7], $0x5FFFF  }
0xac: {  	[dreg:$0x1] =	wrdreg $0xFFFFFFFF  }
0xad: {  	[dreg:$0x0] =	wrdreg $0x60  }
0xae: {  	[dreg:$0x2] =	wrdreg s24  }
0xaf: {  	[dreg:$0x3] =	wrdreg s2  }
0xb0: {  	[dreg:$0x4] =	wrdreg $0x84000  }
0xb1: {  	[dreg:$0x5] =	wrdreg $0x9  }
0xb2: {  	_ =	task.clear_ibuf [dreg:s7], $0x6FFFF;
	_ =	strace $0x90000049  }
0xb3: {  	s29 =	simm.s32 $0x9;
	_ =	strace $0x8000004B  }
0xb4: {  	_ =	swait.ge [sflag:s29], $0x1  }
0xb5: {  	[sflag:s29] =	ssyncadd.s32 $0xFFFFFFFF  }
0xb6: {  	_ =	strace $0x9000004B  }
0xb7: {  	_ =	sfence  }
0xb8: {  	s30 =	sld [smem:$0x0];
	_ =	sdelay $0x2  }
0xb9: {  	s31 =	sshll.u32 s1, $0xD;
	s1 =	sshrl.u32 s1, $0x2  }
0xba: {  	s3 =	sand.u32 $0x4000, s31;
	s1 =	sadd.s32 s1, s30  }
0xbb: {  	s0 =	sor.u32 s3, s0;
	s1 =	sshll.u32 s1, $0x11  }
0xbc: {  	s0 =	sor.u32 s1, s0  }
0xbd: {  	s0 =	sadd.s32 $0x8F2B, s0  }
0xbe: {  	[sflag:s0] =	ssyncadd.remote.s32 $0x1  }
0xbf: {  	_ =	sfence.sel $0xFFFF  }
0xc0: {  	[dreg:$0x0] =	wrdreg $0xFFFFFFFF;
	(pc) =	sbr.abs _section_cstart, $3  }
0xc1: {  	[dreg:$0x1] =	wrdreg $0xFFFFFFFF  }
0xc2: {  	_ =	task.clear_ibuf [dreg:s7], $0x2FFFF;
	_ =	strace $0x9FFFFFFF  }
0xc3: {  	(tm) =	ssettm $0x7FFFFFFF  }
tec
execute0_lowered:
.L_overlay_start_1:
0x0: {  	(tag) =	ssettag $0x1  }
0x1: {  	s0 =	rddreg [dreg:$0x0]  }
0x2: {  	s1 =	rddreg [dreg:$0x1]  }
0x3: {  	s2 =	rddreg [dreg:$0x2]  }
0x4: {  	s3 =	simm.s32 $0x0;
	s4 =	srdreg.scid;
	s18 =	stileid.u32  }
0x5: {  	s5 =	simm.s32 $0xF0;
	[smem:$0x7FF] =	sst s3;
	s6 =	sand.u32 $0x1, s4  }
0x6: {  	s9 =	smul.u32 $0x14000, s18;
	s10 =	sadd.s32 $0x98400, s0;
	_ =	strace $0x8000004A  }
0x7: {  	s4 =	ssub.s32 $0x2, s6;
	p0 =	seq.s32 s6, $0x0;
	s7 =	smul.u32 $0x140000, s6  }
0x8: {  	s8 =	sshrl.u32 s4, $0x1;
	s5 =	simm.s32 @!p0 $0x50;
	s12 =	sadd.s32 $0x4000, s9  }
0x9: {  	s14 =	sadd.s32 $0x6000, s9;
	s15 =	sadd.s32 $0xA000, s9;
	s4 =	ssub.s32 s4, s8  }
0xa: {  	s20 =	sadd.s32 $0xFFFFFFFA, s5;
	s21 =	sadd.s32 $0xFFFFFFF9, s5;
	s11 =	sadd.s32 s7, s9  }
0xb: {  	s13 =	sadd.s32 s7, s12;
	s25 =	sadd.s32 s7, s14;
	[dreg:$0x4] =	wrdreg s20  }
0xc: {  	s16 =	sadd.s32 s7, s15;
	[dreg:$0x5] =	wrdreg s21;
	s22 =	sshrl.u32 s11, $0x3  }
0xd: {  	s11 =	sor.u32 $0x2000, s9;
	s24 =	sshrl.u32 s13, $0x3;
	s26 =	sshrl.u32 s25, $0x3  }
0xe: {  	s13 =	sadd.s32 $0x8000, s9;
	s21 =	sadd.s32 $0xC000, s9;
	s25 =	sshll.u32 s5, $0x7  }
0xf: {  	s8 =	sadd.s32 s10, s22;
	s23 =	sadd.s32 s7, s11;
	s28 =	sadd.s32 s7, s13  }
0x10: {  	s31 =	sadd.s32 s7, s21;
	s22 =	sadd.s32 $0xE000, s9;
	[dreg:$0x6] =	wrdreg s25  }
0x11: {  	[dreg:$0xb] =	wrdreg s8;
	s8 =	sshrl.u32 s23, $0x3;
	s17 =	sshrl.u32 s31, $0x3  }
0x12: {  	s19 =	sadd.s32 s7, s22;
	s23 =	sadd.s32 $0x10000, s9;
	s9 =	sadd.s32 $0x12000, s9  }
0x13: {  	s31 =	smul.u32 $0x50000, s18;
	s8 =	sadd.s32 s10, s8;
	s20 =	sadd.s32 s7, s23  }
0x14: {  	[dreg:$0xc] =	wrdreg s8;
	s8 =	sadd.s32 s10, s24;
	s24 =	sshrl.u32 s20, $0x3  }
0x15: {  	s20 =	sshrl.u32 s31, $0x2;
	s31 =	sadd.s32 s12, s2;
	[dreg:$0xd] =	wrdreg s8  }
0x16: {  	s7 =	sadd.s32 s7, s9;
	s12 =	sadd.s32 s23, s2;
	[dreg:$0x1c] =	wrdreg s31  }
0x17: {  	s7 =	sshrl.u32 s7, $0x3;
	s8 =	sadd.s32 s10, s26;
	[smem:$0x7F1] =	sst s12  }
0x18: {  	s7 =	sadd.s32 s10, s7;
	[dreg:$0xe] =	wrdreg s8  }
0x19: {  	s26 =	simm.s32 $0x8100;
	[dreg:$0x14] =	wrdreg s7  }
0x1a: {  	s20 =	sadd.s32 s20, s2;
	[dreg:$0x7] =	wrdreg s26  }
0x1b: {  	s8 =	sshrl.u32 s28, $0x3;
	s28 =	simm.s32 $0x4000;
	[dreg:$0x15] =	wrdreg s20  }
0x1c: {  	s23 =	sadd.s32 $0x6000, s20;
	[dreg:$0x8] =	wrdreg s28  }
0x1d: {  	s31 =	sadd.s32 $0x12000, s20;
	[smem:$0x7F7] =	sst s23  }
0x1e: {  	s8 =	sadd.s32 s10, s8;
	[smem:$0x7FD] =	sst s31  }
0x1f: {  	s28 =	smax.u32 s4, $0x1;
	[dreg:$0xf] =	wrdreg s8  }
0x20: {  	s29 =	sshrl.u32 s16, $0x3;
	s4 =	sadd.s32 s14, s2;
	[dreg:$0x1a] =	wrdreg s28  }
0x21: {  	s8 =	sadd.s32 s10, s29;
	[dreg:$0x1d] =	wrdreg s4  }
0x22: {  	s29 =	simm.s32 $0x8180;
	[dreg:$0x10] =	wrdreg s8  }
0x23: {  	s28 =	sadd.s32 $0xE000, s20;
	[dreg:$0x9] =	wrdreg s29  }
0x24: {  	s8 =	sadd.s32 s10, s17;
	[smem:$0x7FB] =	sst s28  }
0x25: {  	s29 =	sadd.s32 s11, s2;
	[dreg:$0x11] =	wrdreg s8  }
0x26: {  	s11 =	sadd.s32 s22, s2;
	[dreg:$0x1b] =	wrdreg s29  }
0x27: {  	s16 =	smul.u32 $0x7800, s6;
	s22 =	sadd.s32 $0x4000, s20;
	[smem:$0x7F0] =	sst s11  }
0x28: {  	s8 =	sshrl.u32 s19, $0x3;
	[smem:$0x7F6] =	sst s22;
	s29 =	sadd.s32 $0x10000, s20  }
0x29: {  	s17 =	smul.u32 $0xA000, s18;
	s8 =	sadd.s32 s10, s8;
	[smem:$0x7FC] =	sst s29  }
0x2a: {  	[dreg:$0x12] =	wrdreg s8;
	s8 =	sadd.s32 s10, s24  }
0x2b: {  	s10 =	sadd.s32 s16, s17;
	[dreg:$0x13] =	wrdreg s8;
	s8 =	simm.s32 $0x6000  }
0x2c: {  	s24 =	sshrl.u32 s10, $0x3;
	s10 =	sadd.s32 s21, s2;
	[dreg:$0xa] =	wrdreg s8  }
0x2d: {  	s19 =	sadd.s32 $0x5C400, s0;
	s21 =	sadd.s32 $0x2000, s20;
	[smem:$0x7EF] =	sst s10  }
0x2e: {  	s6 =	sadd.s32 s19, s24;
	[smem:$0x7F5] =	sst s21  }
0x2f: {  	s30 =	simm.s32 $0x40;
	s8 =	sadd.s32 s15, s2;
	[dreg:$0x17] =	wrdreg s6  }
0x30: {  	s12 =	simm.s32 $0x7;
	s7 =	sadd.s32 s1, s24;
	[dreg:$0x1f] =	wrdreg s8  }
0x31: {  	s25 =	sor.u32 $0x10, s24;
	s24 =	sadd.s32 $0x8000, s20;
	[dreg:$0x16] =	wrdreg s7  }
0x32: {  	s4 =	simm.s32 $0x2000;
	s26 =	sadd.s32 s1, s25;
	[smem:$0x7F8] =	sst s24  }
0x33: {  	s18 =	sadd.s32 $0x70400, s0;
	s0 =	sadd.s32 s19, s25;
	[dreg:$0x18] =	wrdreg s26  }
0x34: {  	s22 =	simm.s32 $0x8000;
	s6 =	sadd.s32 s13, s2;
	[dreg:$0x19] =	wrdreg s0  }
0x35: {  	s11 =	simm.s32 $0x3;
	s13 =	sadd.s32 s9, s2;
	[dreg:$0x1e] =	wrdreg s6  }
0x36: {  	s10 =	simm.s32 $0x6;
	s14 =	sadd.s32 $0x20, s7;
	[smem:$0x7F2] =	sst s13  }
0x37: {  	s15 =	sadd.s32 $0x30, s7;
	s25 =	sadd.s32 $0xA000, s20;
	[smem:$0x7F3] =	sst s14  }
0x38: {  	s7 =	simm.s32 $0x1;
	s8 =	simm.s32 $0x5;
	[smem:$0x7F4] =	sst s15  }
0x39: {  	s9 =	simm.s32 $0x2;
	[smem:$0x7F9] =	sst s25;
	s26 =	sadd.s32 $0xC000, s20  }
0x3a: {  	s25 =	simm.s32 $0x11;
	s6 =	simm.s32 $0x8080;
	s13 =	simm.s32 $0x4  }
0x3b: {  	v0 =	vimm.f32 $0.0e+00;
	s14 =	simm.s32 $0x0;
	[smem:$0x7FA] =	sst s26;
	s26 =	simm.s32 $0x8  }
.LBB2_1:
0x3c: {  	s0 =	sand.u32 $0x7E00, s3  }
0x3d: {  	[smem:$0x7EE] =	sst s14;
	s31 =	sand.u32 $0x70, s3;
	s15 =	sshrl.u32 s0, $0x2  }
0x3e: {  	s14 =	simm.s32 $0x0;
	s0 =	simm.s32 $0x40;
	s15 =	sor.u32 s31, s15  }
.LBB2_2:
0x3f: {  	p0 =	sne.s32 s0, $0x7FC0  }
0x40: {  	[tilespmem:s15+$0x0] =	vst v0;
	s14 =	sadd.s32 $0x10, s14;
	s15 =	smov.u32 s0;
	s0 =	sadd.s32 $0x40, s0  }
.Ltmp0:
0x41: {  	(pc) =	sbr.rel @p0 .LBB2_2-.Ltmp0, $4  }
0x42: {  	_ = 	snop  }
0x43: {  	s15 =	sand.u32 $0x7E00, s15  }
0x44: {  	s21 =	sand.u32 $0x70, s14;
	s15 =	sshrl.u32 s15, $0x2  }
0x45: {  	s15 =	sor.u32 s21, s15  }
0x46: {  	[tilespmem:s15+$0x0] =	vst v0;
	s24 =	simm.s32 $0x0  }
0x47: {  	[spmem:s20] =	stream.linear.scatter [tilespmem:s24], [sflag:$0x11], $0x2000, $0x38;
	[tilespmem:$0x1C400] =	vst v63  }
0x48: {  	_ =	swait.ge [sflag:s25], $0x2000  }
0x49: {  	s0 =	sld [smem:$0x7F5]  }
0x4a: {  	[sflag:s25] =	ssyncset.done $0x0  }
0x4b: {  	[sflag:s25] =	ssyncadd.s32 $0xFFFFE000  }
0x4c: {  	[spmem:s0] =	stream.linear.scatter [tilespmem:s24], [sflag:$0x11], $0x2000, $0x38;
	[tilespmem:$0x1C400] =	vst v63  }
0x4d: {  	_ =	swait.ge [sflag:s25], $0x2000  }
0x4e: {  	s23 =	sld [smem:$0x7F6]  }
0x4f: {  	[sflag:s25] =	ssyncset.done $0x0  }
0x50: {  	[sflag:s25] =	ssyncadd.s32 $0xFFFFE000  }
0x51: {  	[spmem:s23] =	stream.linear.scatter [tilespmem:s24], [sflag:$0x11], $0x2000, $0x38;
	[tilespmem:$0x1C400] =	vst v63  }
0x52: {  	_ =	swait.ge [sflag:s25], $0x2000  }
0x53: {  	s28 =	sld [smem:$0x7F7]  }
0x54: {  	[sflag:s25] =	ssyncset.done $0x0  }
0x55: {  	[sflag:s25] =	ssyncadd.s32 $0xFFFFE000  }
0x56: {  	[spmem:s28] =	stream.linear.scatter [tilespmem:s24], [sflag:$0x11], $0x2000, $0x38;
	[tilespmem:$0x1C400] =	vst v63  }
0x57: {  	_ =	swait.ge [sflag:s25], $0x2000  }
0x58: {  	s29 =	sld [smem:$0x7F8]  }
0x59: {  	[sflag:s25] =	ssyncset.done $0x0  }
0x5a: {  	[sflag:s25] =	ssyncadd.s32 $0xFFFFE000  }
0x5b: {  	[spmem:s29] =	stream.linear.scatter [tilespmem:s24], [sflag:$0x11], $0x2000, $0x38;
	[tilespmem:$0x1C400] =	vst v63  }
0x5c: {  	_ =	swait.ge [sflag:s25], $0x2000  }
0x5d: {  	s31 =	sld [smem:$0x7F9]  }
0x5e: {  	[sflag:s25] =	ssyncset.done $0x0  }
0x5f: {  	[sflag:s25] =	ssyncadd.s32 $0xFFFFE000  }
0x60: {  	[spmem:s31] =	stream.linear.scatter [tilespmem:s24], [sflag:$0x11], $0x2000, $0x38;
	[tilespmem:$0x1C400] =	vst v63  }
0x61: {  	_ =	swait.ge [sflag:s25], $0x2000  }
0x62: {  	s14 =	sld [smem:$0x7FA]  }
0x63: {  	[sflag:s25] =	ssyncset.done $0x0  }
0x64: {  	[sflag:s25] =	ssyncadd.s32 $0xFFFFE000  }
0x65: {  	[spmem:s14] =	stream.linear.scatter [tilespmem:s24], [sflag:$0x11], $0x2000, $0x38;
	[tilespmem:$0x1C400] =	vst v63  }
0x66: {  	_ =	swait.ge [sflag:s25], $0x2000  }
0x67: {  	s15 =	sld [smem:$0x7FB]  }
0x68: {  	[sflag:s25] =	ssyncset.done $0x0  }
0x69: {  	[sflag:s25] =	ssyncadd.s32 $0xFFFFE000  }
0x6a: {  	[spmem:s15] =	stream.linear.scatter [tilespmem:s24], [sflag:$0x11], $0x2000, $0x38;
	[tilespmem:$0x1C400] =	vst v63  }
0x6b: {  	_ =	swait.ge [sflag:s25], $0x2000  }
0x6c: {  	s20 =	sld [smem:$0x7FC]  }
0x6d: {  	[sflag:s25] =	ssyncset.done $0x0  }
0x6e: {  	[sflag:s25] =	ssyncadd.s32 $0xFFFFE000  }
0x6f: {  	[spmem:s20] =	stream.linear.scatter [tilespmem:s24], [sflag:$0x11], $0x2000, $0x38;
	[tilespmem:$0x1C400] =	vst v63  }
0x70: {  	_ =	swait.ge [sflag:s25], $0x2000  }
0x71: {  	s21 =	sld [smem:$0x7FD]  }
0x72: {  	[sflag:s25] =	ssyncset.done $0x0  }
0x73: {  	[sflag:s25] =	ssyncadd.s32 $0xFFFFE000  }
0x74: {  	[spmem:s21] =	stream.linear.scatter [tilespmem:s24], [sflag:$0x11], $0x2000, $0x38;
	[tilespmem:$0x1C400] =	vst v63  }
0x75: {  	_ =	swait.ge [sflag:s25], $0x2000  }
0x76: {  	[sflag:s25] =	ssyncset.done $0x0;
	s23 =	rddreg [dreg:$0x16]  }
0x77: {  	s14 =	simm.s32 $0x8200;
	s28 =	rddreg [dreg:$0x18];
	[sflag:s25] =	ssyncadd.s32 $0xFFFFE000  }
0x78: {  	[tilespmem:s14], [sflag:$0x9] =	stream.linear.gather [hbm4b:s23+s24], $0x80, $0x38;
	[tilespmem:$0x1C400] =	vst v63  }
0x79: {  	s15 =	simm.s32 $0x8280;
	s29 =	sld [smem:$0x7F3]  }
0x7a: {  	[tilespmem:s15], [sflag:$0xA] =	stream.linear.gather [hbm4b:s28+s24], $0x80, $0x38;
	[tilespmem:$0x1C400] =	vst v63  }
0x7b: {  	s31 =	simm.s32 $0x8300;
	s20 =	sld [smem:$0x7F4]  }
0x7c: {  	[tilespmem:s31], [sflag:$0xB] =	stream.linear.gather [hbm4b:s29+s24], $0x80, $0x38;
	[tilespmem:$0x1C400] =	vst v63  }
0x7d: {  	s21 =	simm.s32 $0x8380;
	s23 =	simm.s32 $0x9  }
0x7e: {  	[tilespmem:s21], [sflag:$0xC] =	stream.linear.gather [hbm4b:s20+s24], $0x80, $0x38;
	[tilespmem:$0x1C400] =	vst v63  }
0x7f: {  	_ =	swait.ge [sflag:s23], $0x80  }
0x80: {  	[sflag:s23] =	ssyncset.done $0x0  }
0x81: {  	[sflag:s23] =	ssyncadd.s32 $0xFFFFFF80  }
0x82: {  	[tilespmem:s24], [sflag:$0x1] =	stream.indirect.gather [hbm4b:s18+s30], $0x80, s14, s30, $0xb8;
	[tilespmem:$0x1C400] =	vst v63  }
0x83: {  	s29 =	simm.s32 $0xA;
	s28 =	rddreg [dreg:$0x17]  }
0x84: {  	[tilespmem:s22], [sflag:$0x5] =	stream.linear.gather [hbm4b:s28+s24], $0x80, $0x38;
	[tilespmem:$0x1C400] =	vst v63  }
0x85: {  	_ =	swait.ge [sflag:s29], $0x80  }
0x86: {  	[sflag:s29] =	ssyncset.done $0x0  }
0x87: {  	[sflag:s29] =	ssyncadd.s32 $0xFFFFFF80  }
0x88: {  	[tilespmem:s4], [sflag:$0x2] =	stream.indirect.gather [hbm4b:s18+s30], $0x80, s15, s30, $0xb8;
	[tilespmem:$0x1C400] =	vst v63  }
0x89: {  	s31 =	rddreg [dreg:$0x19]  }
0x8a: {  	[tilespmem:s6], [sflag:$0x6] =	stream.linear.gather [hbm4b:s31+s24], $0x80, $0x38;
	[tilespmem:$0x1C400] =	vst v63  }
0x8b: {  	s21 =	simm.s32 $0x0;
	[bflag:$0x0] =	sbarrier.arrive $0xFFFF  }
.LBB2_4:
0x8c: {  	_ =	swait.ge [sflag:s7], $0x2000;
	s29 =	sadd.s32 $0x4, s24  }
0x8d: {  	[sflag:s7] =	ssyncset.done $0x0;
	p0 =	sge.u32 s29, s5  }
0x8e: {  	[sflag:s7] =	ssyncadd.s32 $0xFFFFE000;
	s0 =	sadd.s32 @!p0 s21, s16  }
0x8f: {  	_ =	swait.ge [sflag:s8], $0x80;
	s14 =	sadd.s32 @!p0 $0x200, s0  }
0x90: {  	[sflag:s8] =	ssyncset.done $0x0;
	s0 =	sand.u32 @!p0 $0xFFFFFC00, s14  }
0x91: {  	s15 =	sand.u32 @!p0 $0x200, s14;
	[sflag:s8] =	ssyncadd.s32 $0xFFFFFF80;
	s0 =	sadd.s32 @!p0 s17, s0  }
0x92: {  	[spmem:s2] =	stream.indirect.scatter.add.f32 [tilespmem:s3], [sflag:$0xD], $0x80, s22, s30, $0xb8;
	[tilespmem:$0x1C400] =	vst v63  }
0x93: {  	s0 =	sor.u32 @!p0 s15, s0  }
0x94: {  	s0 =	sshrl.u32 @!p0 s0, $0x3  }
0x95: {  	s15 =	simm.s32 @!p0 $0x8200;
	s22 =	sadd.s32 @!p0 s1, s0;
	s0 =	simm.s32 @!p0 $0x0  }
0x96: {  	[tilespmem:s15], [sflag:$0x9] =	stream.linear.gather @!p0 [hbm4b:s22+s0], $0x80, $0x38;
	[tilespmem:$0x1C400] =	vst v63  }
0x97: {  	p2 =	seq.s32 s21, $0x0;
	s22 =	sadd.s32 $0x2, s24  }
0x98: {  	p1 =	sge.u32 @!p2 s22, s5  }
0x99: {  	p3 =	por p1, p2  }
0x9a: {  	s28 =	simm.s32 @!p3 $0xF  }
0x9b: {  	_ =	swait.ge @!p3 [sflag:s28], $0x2000  }
0x9c: {  	p1 =	sge.u32 s22, s5;
	[sflag:s28] =	ssyncset.done @!p3 $0x0  }
0x9d: {  	s22 =	simm.s32 @!p1 $0xB;
	[sflag:s28] =	ssyncadd.s32 @!p3 $0xFFFFE000  }
0x9e: {  	_ =	swait.ge @!p1 [sflag:s22], $0x80  }
0x9f: {  	s20 =	simm.s32 @!p1 $0x4000;
	[sflag:s22] =	ssyncset.done @!p1 $0x0  }
0xa0: {  	s28 =	simm.s32 @!p1 $0x8300;
	[sflag:s22] =	ssyncadd.s32 @!p1 $0xFFFFFF80;
	s22 =	simm.s32 @!p1 $0x40  }
0xa1: {  	[tilespmem:s20], [sflag:$0x3] =	stream.indirect.gather @!p1 [hbm4b:s18+s22], $0x80, s28, s22, $0xb8;
	[tilespmem:$0x1C400] =	vst v63  }
0xa2: {  	s20 =	sadd.s32 @!p1 s21, s16  }
0xa3: {  	s22 =	sadd.s32 @!p1 $0x100, s21;
	s20 =	sand.u32 @!p1 $0xFFFFFC00, s20  }
0xa4: {  	s22 =	sand.u32 @!p1 $0x300, s22;
	s20 =	sadd.s32 @!p1 s17, s20  }
0xa5: {  	s20 =	sor.u32 @!p1 s22, s20  }
0xa6: {  	s31 =	sadd.s32 $0x5, s24;
	s20 =	sshrl.u32 @!p1 s20, $0x3  }
0xa7: {  	s28 =	simm.s32 @!p1 $0x8100;
	s22 =	simm.s32 @!p1 $0x0;
	s20 =	sadd.s32 @!p1 s19, s20  }
0xa8: {  	[tilespmem:s28], [sflag:$0x7] =	stream.linear.gather @!p1 [hbm4b:s20+s22], $0x80, $0x38;
	[tilespmem:$0x1C400] =	vst v63  }
0xa9: {  	p1 =	sge.u32 s31, s5  }
0xaa: {  	_ =	swait.ge [sflag:s9], $0x2000;
	s20 =	sadd.s32 @!p1 s21, s16  }
0xab: {  	[sflag:s9] =	ssyncset.done $0x0;
	s20 =	sadd.s32 @!p1 $0x280, s20  }
0xac: {  	s23 =	sadd.s32 $0x3, s24;
	[sflag:s9] =	ssyncadd.s32 $0xFFFFE000;
	s22 =	sand.u32 @!p1 $0xFFFFFC00, s20  }
0xad: {  	s20 =	sand.u32 @!p1 $0x280, s20;
	_ =	swait.ge [sflag:s10], $0x80;
	s22 =	sadd.s32 @!p1 s17, s22  }
0xae: {  	p3 =	sge.u32 @!p2 s23, s5;
	[sflag:s10] =	ssyncset.done $0x0;
	s20 =	sor.u32 @!p1 s20, s22  }
0xaf: {  	p3 =	por p3, p2;
	[sflag:s10] =	ssyncadd.s32 $0xFFFFFF80;
	s20 =	sshrl.u32 @!p1 s20, $0x3  }
0xb0: {  	[spmem:s2] =	stream.indirect.scatter.add.f32 [tilespmem:s4], [sflag:$0xE], $0x80, s6, s30, $0xb8;
	[tilespmem:$0x1C400] =	vst v63  }
0xb1: {  	s28 =	simm.s32 @!p1 $0x0;
	s22 =	simm.s32 @!p1 $0x8280;
	s20 =	sadd.s32 @!p1 s1, s20  }
0xb2: {  	[tilespmem:s22], [sflag:$0xA] =	stream.linear.gather @!p1 [hbm4b:s20+s28], $0x80, $0x38;
	[tilespmem:$0x1C400] =	vst v63  }
0xb3: {  	s20 =	simm.s32 @!p3 $0x10  }
0xb4: {  	_ =	swait.ge @!p3 [sflag:s20], $0x2000  }
0xb5: {  	p2 =	sge.u32 s23, s5;
	[sflag:s20] =	ssyncset.done @!p3 $0x0  }
0xb6: {  	[sflag:s20] =	ssyncadd.s32 @!p3 $0xFFFFE000;
	s20 =	simm.s32 @!p2 $0xC  }
0xb7: {  	_ =	swait.ge @!p2 [sflag:s20], $0x80  }
0xb8: {  	s23 =	simm.s32 @!p2 $0x8380;
	[sflag:s20] =	ssyncset.done @!p2 $0x0  }
0xb9: {  	s31 =	simm.s32 @!p2 $0x6000;
	[sflag:s20] =	ssyncadd.s32 @!p2 $0xFFFFFF80;
	s20 =	simm.s32 @!p2 $0x40  }
0xba: {  	[tilespmem:s31], [sflag:$0x4] =	stream.indirect.gather @!p2 [hbm4b:s18+s20], $0x80, s23, s20, $0xb8;
	[tilespmem:$0x1C400] =	vst v63  }
0xbb: {  	s20 =	sadd.s32 @!p2 s21, s16  }
0xbc: {  	s23 =	sadd.s32 @!p2 $0x180, s21;
	s20 =	sand.u32 @!p2 $0xFFFFFC00, s20  }
0xbd: {  	s23 =	sand.u32 @!p2 $0x380, s23;
	s20 =	sadd.s32 @!p2 s17, s20  }
0xbe: {  	s20 =	sor.u32 @!p2 s23, s20  }
0xbf: {  	s20 =	sshrl.u32 @!p2 s20, $0x3  }
0xc0: {  	s31 =	simm.s32 @!p2 $0x8180;
	s23 =	simm.s32 @!p2 $0x0;
	s20 =	sadd.s32 @!p2 s19, s20  }
0xc1: {  	[tilespmem:s31], [sflag:$0x8] =	stream.linear.gather @!p2 [hbm4b:s20+s23], $0x80, $0x38;
	[tilespmem:$0x1C400] =	vst v63  }
0xc2: {  	_ =	swait.ge [sflag:s11], $0x2000  }
0xc3: {  	[sflag:s11] =	ssyncset.done $0x0  }
0xc4: {  	[sflag:s11] =	ssyncadd.s32 $0xFFFFE000  }
0xc5: {  	_ =	swait.ge [sflag:s12], $0x80  }
0xc6: {  	s20 =	rddreg [dreg:$0x7]  }
0xc7: {  	[sflag:s12] =	ssyncset.done $0x0;
	s31 =	rddreg [dreg:$0x4]  }
0xc8: {  	s23 =	rddreg [dreg:$0x8];
	[sflag:s12] =	ssyncadd.s32 $0xFFFFFF80;
	p2 =	sge.u32 s24, s31  }
0xc9: {  	[spmem:s2] =	stream.indirect.scatter.add.f32 [tilespmem:s23], [sflag:$0xF], $0x80, s20, s30, $0xb8;
	[tilespmem:$0x1C400] =	vst v63  }
0xca: {  	s20 =	sadd.s32 @!p2 s21, s16  }
0xcb: {  	s20 =	sadd.s32 @!p2 $0x300, s20  }
0xcc: {  	s23 =	sand.u32 @!p2 $0xFFFFFC00, s20  }
0xcd: {  	s20 =	sand.u32 @!p2 $0x300, s20;
	s23 =	sadd.s32 @!p2 s17, s23  }
0xce: {  	s20 =	sor.u32 @!p2 s20, s23  }
0xcf: {  	s20 =	sshrl.u32 @!p2 s20, $0x3  }
0xd0: {  	s31 =	simm.s32 @!p2 $0x8300;
	s23 =	simm.s32 @!p2 $0x0;
	s20 =	sadd.s32 @!p2 s1, s20  }
0xd1: {  	[tilespmem:s31], [sflag:$0xB] =	stream.linear.gather @!p2 [hbm4b:s20+s23], $0x80, $0x38;
	[tilespmem:$0x1C400] =	vst v63  }
0xd2: {  	s20 =	simm.s32 @!p0 $0xD  }
0xd3: {  	_ =	swait.ge @!p0 [sflag:s20], $0x2000  }
0xd4: {  	[sflag:s20] =	ssyncset.done @!p0 $0x0  }
0xd5: {  	[sflag:s20] =	ssyncadd.s32 @!p0 $0xFFFFE000;
	s20 =	simm.s32 @!p0 $0x9  }
0xd6: {  	_ =	swait.ge @!p0 [sflag:s20], $0x80  }
0xd7: {  	[sflag:s20] =	ssyncset.done @!p0 $0x0  }
0xd8: {  	[sflag:s20] =	ssyncadd.s32 @!p0 $0xFFFFFF80;
	s20 =	simm.s32 @!p0 $0x40  }
0xd9: {  	[tilespmem:s0], [sflag:$0x1] =	stream.indirect.gather @!p0 [hbm4b:s18+s20], $0x80, s15, s20, $0xb8;
	[tilespmem:$0x1C400] =	vst v63  }
0xda: {  	s14 =	sand.u32 @!p0 $0x7FFFFC00, s14;
	s15 =	sxor.u32 @!p0 $0xFFFFFFFF, s21  }
0xdb: {  	s14 =	sadd.s32 @!p0 s17, s14;
	s15 =	sand.u32 @!p0 $0x200, s15  }
0xdc: {  	s14 =	sor.u32 @!p0 s15, s14  }
0xdd: {  	s14 =	sshrl.u32 @!p0 s14, $0x3  }
0xde: {  	s15 =	simm.s32 @!p0 $0x8000;
	s14 =	sadd.s32 @!p0 s19, s14  }
0xdf: {  	[tilespmem:s15], [sflag:$0x5] =	stream.linear.gather @!p0 [hbm4b:s14+s0], $0x80, $0x38;
	[tilespmem:$0x1C400] =	vst v63  }
0xe0: {  	_ =	swait.ge [sflag:s13], $0x2000  }
0xe1: {  	[sflag:s13] =	ssyncset.done $0x0  }
0xe2: {  	[sflag:s13] =	ssyncadd.s32 $0xFFFFE000  }
0xe3: {  	_ =	swait.ge [sflag:s26], $0x80  }
0xe4: {  	s15 =	rddreg [dreg:$0x9]  }
0xe5: {  	[sflag:s26] =	ssyncset.done $0x0;
	s23 =	rddreg [dreg:$0x5]  }
0xe6: {  	s20 =	rddreg [dreg:$0xa];
	[sflag:s26] =	ssyncadd.s32 $0xFFFFFF80;
	p0 =	sge.u32 s24, s23  }
0xe7: {  	[spmem:s2] =	stream.indirect.scatter.add.f32 [tilespmem:s20], [sflag:$0x10], $0x80, s15, s30, $0xb8;
	[tilespmem:$0x1C400] =	vst v63  }
0xe8: {  	s0 =	sadd.s32 @!p0 s21, s16  }
0xe9: {  	s0 =	sadd.s32 @!p0 $0x380, s0  }
0xea: {  	s14 =	sand.u32 @!p0 $0xFFFFFC00, s0  }
0xeb: {  	s0 =	sand.u32 @!p0 $0x380, s0;
	s14 =	sadd.s32 @!p0 s17, s14  }
0xec: {  	s0 =	sor.u32 @!p0 s0, s14  }
0xed: {  	s0 =	sshrl.u32 @!p0 s0, $0x3  }
0xee: {  	s15 =	simm.s32 @!p0 $0x8380;
	s14 =	simm.s32 @!p0 $0x0;
	s0 =	sadd.s32 @!p0 s1, s0  }
0xef: {  	[tilespmem:s15], [sflag:$0xC] =	stream.linear.gather @!p0 [hbm4b:s0+s14], $0x80, $0x38;
	[tilespmem:$0x1C400] =	vst v63  }
0xf0: {  	s0 =	simm.s32 @!p1 $0xE  }
0xf1: {  	_ =	swait.ge @!p1 [sflag:s0], $0x2000  }
0xf2: {  	[sflag:s0] =	ssyncset.done @!p1 $0x0  }
0xf3: {  	[sflag:s0] =	ssyncadd.s32 @!p1 $0xFFFFE000;
	s0 =	simm.s32 @!p1 $0xA  }
0xf4: {  	_ =	swait.ge @!p1 [sflag:s0], $0x80  }
0xf5: {  	[sflag:s0] =	ssyncset.done @!p1 $0x0  }
0xf6: {  	s14 =	simm.s32 @!p1 $0x2000;
	[sflag:s0] =	ssyncadd.s32 @!p1 $0xFFFFFF80;
	s0 =	simm.s32 @!p1 $0x40  }
0xf7: {  	[tilespmem:s14], [sflag:$0x2] =	stream.indirect.gather @!p1 [hbm4b:s18+s0], $0x80, s22, s0, $0xb8;
	[tilespmem:$0x1C400] =	vst v63  }
0xf8: {  	s0 =	sadd.s32 @!p1 $0x280, s21  }
0xf9: {  	s31 =	rddreg [dreg:$0x6];
	s21 =	sadd.s32 $0x200, s21;
	s14 =	sadd.s32 @!p1 s16, s0  }
0xfa: {  	p0 =	sne.s32 s31, s21;
	s14 =	sand.u32 @!p1 $0x7FFFFC00, s14  }
.Ltmp1:
0xfb: {  	s0 =	sand.u32 @!p1 $0x280, s0;
	s14 =	sadd.s32 @!p1 s17, s14;
	(pc) =	sbr.rel @p0 .LBB2_4-.Ltmp1, $4  }
0xfc: {  	s0 =	sor.u32 @!p1 s0, s14  }
0xfd: {  	s24 =	smov.u32 s29;
	s0 =	sshrl.u32 @!p1 s0, $0x3  }
0xfe: {  	s22 =	simm.s32 $0x8000;
	s14 =	simm.s32 @!p1 $0x8080;
	s0 =	sadd.s32 @!p1 s19, s0  }
0xff: {  	[tilespmem:s14], [sflag:$0x6] =	stream.linear.gather @!p1 [hbm4b:s0+s28], $0x80, $0x38;
	[tilespmem:$0x1C400] =	vst v63  }
0x100: {  	s0 =	simm.s32 $0xD  }
0x101: {  	_ =	swait.ge [sflag:s0], $0x2000  }
0x102: {  	[sflag:s0] =	ssyncset.done $0x0  }
0x103: {  	s20 =	simm.s32 $0xE;
	[sflag:s0] =	ssyncadd.s32 $0xFFFFE000  }
0x104: {  	_ =	swait.ge [sflag:s20], $0x2000  }
0x105: {  	[sflag:s20] =	ssyncset.done $0x0  }
0x106: {  	s21 =	simm.s32 $0xF;
	[sflag:s20] =	ssyncadd.s32 $0xFFFFE000  }
0x107: {  	_ =	swait.ge [sflag:s21], $0x2000  }
0x108: {  	[sflag:s21] =	ssyncset.done $0x0  }
0x109: {  	s23 =	simm.s32 $0x10;
	[sflag:s21] =	ssyncadd.s32 $0xFFFFE000  }
0x10a: {  	_ =	swait.ge [sflag:s23], $0x2000  }
0x10b: {  	[sflag:s23] =	ssyncset.done $0x0  }
0x10c: {  	[sflag:s23] =	ssyncadd.s32 $0xFFFFE000  }
0x10d: {  	[bflag:$0x0] =	sbarrier.arrive $0xFFFF  }
0x10e: {  	s20 =	rddreg [dreg:$0x15]  }
0x10f: {  	[tilespmem:s3], [sflag:$0x11] =	stream.linear.gather [spmem:s20], $0x2000, $0x38;
	[tilespmem:$0x1C400] =	vst v63  }
0x110: {  	_ =	swait.ge [sflag:s25], $0x2000  }
0x111: {  	[sflag:s25] =	ssyncset.done $0x0  }
0x112: {  	s24 =	rddreg [dreg:$0xb];
	[sflag:s25] =	ssyncadd.s32 $0xFFFFE000  }
0x113: {  	[hbm4b:s24+s3] =	stream.linear.scatter [tilespmem:s3], [sflag:$0x11], $0x2000, $0x38;
	[tilespmem:$0x1C400] =	vst v63  }
0x114: {  	_ =	swait.ge [sflag:s25], $0x2000  }
0x115: {  	[sflag:s25] =	ssyncset.done $0x0  }
0x116: {  	s28 =	rddreg [dreg:$0x1b];
	[sflag:s25] =	ssyncadd.s32 $0xFFFFE000  }
0x117: {  	[tilespmem:s3], [sflag:$0x11] =	stream.linear.gather [spmem:s28], $0x2000, $0x38;
	[tilespmem:$0x1C400] =	vst v63  }
0x118: {  	_ =	swait.ge [sflag:s25], $0x2000  }
0x119: {  	[sflag:s25] =	ssyncset.done $0x0  }
0x11a: {  	s29 =	rddreg [dreg:$0xc];
	[sflag:s25] =	ssyncadd.s32 $0xFFFFE000  }
0x11b: {  	[hbm4b:s29+s3] =	stream.linear.scatter [tilespmem:s3], [sflag:$0x11], $0x2000, $0x38;
	[tilespmem:$0x1C400] =	vst v63  }
0x11c: {  	_ =	swait.ge [sflag:s25], $0x2000  }
0x11d: {  	[sflag:s25] =	ssyncset.done $0x0  }
0x11e: {  	s31 =	rddreg [dreg:$0x1c];
	[sflag:s25] =	ssyncadd.s32 $0xFFFFE000  }
0x11f: {  	[tilespmem:s3], [sflag:$0x11] =	stream.linear.gather [spmem:s31], $0x2000, $0x38;
	[tilespmem:$0x1C400] =	vst v63  }
0x120: {  	_ =	swait.ge [sflag:s25], $0x2000  }
0x121: {  	[sflag:s25] =	ssyncset.done $0x0  }
0x122: {  	s14 =	rddreg [dreg:$0xd];
	[sflag:s25] =	ssyncadd.s32 $0xFFFFE000  }
0x123: {  	[hbm4b:s14+s3] =	stream.linear.scatter [tilespmem:s3], [sflag:$0x11], $0x2000, $0x38;
	[tilespmem:$0x1C400] =	vst v63  }
0x124: {  	_ =	swait.ge [sflag:s25], $0x2000  }
0x125: {  	[sflag:s25] =	ssyncset.done $0x0  }
0x126: {  	s15 =	rddreg [dreg:$0x1d];
	[sflag:s25] =	ssyncadd.s32 $0xFFFFE000  }
0x127: {  	[tilespmem:s3], [sflag:$0x11] =	stream.linear.gather [spmem:s15], $0x2000, $0x38;
	[tilespmem:$0x1C400] =	vst v63  }
0x128: {  	_ =	swait.ge [sflag:s25], $0x2000  }
0x129: {  	[sflag:s25] =	ssyncset.done $0x0  }
0x12a: {  	s21 =	rddreg [dreg:$0xe];
	[sflag:s25] =	ssyncadd.s32 $0xFFFFE000  }
0x12b: {  	[hbm4b:s21+s3] =	stream.linear.scatter [tilespmem:s3], [sflag:$0x11], $0x2000, $0x38;
	[tilespmem:$0x1C400] =	vst v63  }
0x12c: {  	_ =	swait.ge [sflag:s25], $0x2000  }
0x12d: {  	[sflag:s25] =	ssyncset.done $0x0  }
0x12e: {  	s23 =	rddreg [dreg:$0x1e];
	[sflag:s25] =	ssyncadd.s32 $0xFFFFE000  }
0x12f: {  	[tilespmem:s3], [sflag:$0x11] =	stream.linear.gather [spmem:s23], $0x2000, $0x38;
	[tilespmem:$0x1C400] =	vst v63  }
0x130: {  	_ =	swait.ge [sflag:s25], $0x2000  }
0x131: {  	[sflag:s25] =	ssyncset.done $0x0  }
0x132: {  	s24 =	rddreg [dreg:$0xf];
	[sflag:s25] =	ssyncadd.s32 $0xFFFFE000  }
0x133: {  	[hbm4b:s24+s3] =	stream.linear.scatter [tilespmem:s3], [sflag:$0x11], $0x2000, $0x38;
	[tilespmem:$0x1C400] =	vst v63  }
0x134: {  	_ =	swait.ge [sflag:s25], $0x2000  }
0x135: {  	[sflag:s25] =	ssyncset.done $0x0  }
0x136: {  	s28 =	rddreg [dreg:$0x1f];
	[sflag:s25] =	ssyncadd.s32 $0xFFFFE000  }
0x137: {  	[tilespmem:s3], [sflag:$0x11] =	stream.linear.gather [spmem:s28], $0x2000, $0x38;
	[tilespmem:$0x1C400] =	vst v63  }
0x138: {  	_ =	swait.ge [sflag:s25], $0x2000  }
0x139: {  	[sflag:s25] =	ssyncset.done $0x0  }
0x13a: {  	s29 =	rddreg [dreg:$0x10];
	[sflag:s25] =	ssyncadd.s32 $0xFFFFE000  }
0x13b: {  	[hbm4b:s29+s3] =	stream.linear.scatter [tilespmem:s3], [sflag:$0x11], $0x2000, $0x38;
	[tilespmem:$0x1C400] =	vst v63  }
0x13c: {  	_ =	swait.ge [sflag:s25], $0x2000  }
0x13d: {  	s31 =	sld [smem:$0x7EF]  }
0x13e: {  	[sflag:s25] =	ssyncset.done $0x0  }
0x13f: {  	[sflag:s25] =	ssyncadd.s32 $0xFFFFE000  }
0x140: {  	[tilespmem:s3], [sflag:$0x11] =	stream.linear.gather [spmem:s31], $0x2000, $0x38;
	[tilespmem:$0x1C400] =	vst v63  }
0x141: {  	_ =	swait.ge [sflag:s25], $0x2000  }
0x142: {  	[sflag:s25] =	ssyncset.done $0x0  }
0x143: {  	s14 =	rddreg [dreg:$0x11];
	[sflag:s25] =	ssyncadd.s32 $0xFFFFE000  }
0x144: {  	[hbm4b:s14+s3] =	stream.linear.scatter [tilespmem:s3], [sflag:$0x11], $0x2000, $0x38;
	[tilespmem:$0x1C400] =	vst v63  }
0x145: {  	_ =	swait.ge [sflag:s25], $0x2000  }
0x146: {  	s15 =	sld [smem:$0x7F0]  }
0x147: {  	[sflag:s25] =	ssyncset.done $0x0  }
0x148: {  	[sflag:s25] =	ssyncadd.s32 $0xFFFFE000  }
0x149: {  	[tilespmem:s3], [sflag:$0x11] =	stream.linear.gather [spmem:s15], $0x2000, $0x38;
	[tilespmem:$0x1C400] =	vst v63  }
0x14a: {  	_ =	swait.ge [sflag:s25], $0x2000  }
0x14b: {  	[sflag:s25] =	ssyncset.done $0x0  }
0x14c: {  	s21 =	rddreg [dreg:$0x12];
	[sflag:s25] =	ssyncadd.s32 $0xFFFFE000  }
0x14d: {  	[hbm4b:s21+s3] =	stream.linear.scatter [tilespmem:s3], [sflag:$0x11], $0x2000, $0x38;
	[tilespmem:$0x1C400] =	vst v63  }
0x14e: {  	_ =	swait.ge [sflag:s25], $0x2000  }
0x14f: {  	s23 =	sld [smem:$0x7F1]  }
0x150: {  	[sflag:s25] =	ssyncset.done $0x0  }
0x151: {  	[sflag:s25] =	ssyncadd.s32 $0xFFFFE000  }
0x152: {  	[tilespmem:s3], [sflag:$0x11] =	stream.linear.gather [spmem:s23], $0x2000, $0x38;
	[tilespmem:$0x1C400] =	vst v63  }
0x153: {  	_ =	swait.ge [sflag:s25], $0x2000  }
0x154: {  	[sflag:s25] =	ssyncset.done $0x0  }
0x155: {  	s24 =	rddreg [dreg:$0x13];
	[sflag:s25] =	ssyncadd.s32 $0xFFFFE000  }
0x156: {  	[hbm4b:s24+s3] =	stream.linear.scatter [tilespmem:s3], [sflag:$0x11], $0x2000, $0x38;
	[tilespmem:$0x1C400] =	vst v63  }
0x157: {  	_ =	swait.ge [sflag:s25], $0x2000  }
0x158: {  	s28 =	sld [smem:$0x7F2]  }
0x159: {  	[sflag:s25] =	ssyncset.done $0x0  }
0x15a: {  	[sflag:s25] =	ssyncadd.s32 $0xFFFFE000  }
0x15b: {  	[tilespmem:s3], [sflag:$0x11] =	stream.linear.gather [spmem:s28], $0x2000, $0x38;
	[tilespmem:$0x1C400] =	vst v63  }
0x15c: {  	_ =	swait.ge [sflag:s25], $0x2000  }
0x15d: {  	[sflag:s25] =	ssyncset.done $0x0  }
0x15e: {  	s29 =	rddreg [dreg:$0x14];
	[sflag:s25] =	ssyncadd.s32 $0xFFFFE000  }
0x15f: {  	[hbm4b:s29+s3] =	stream.linear.scatter [tilespmem:s3], [sflag:$0x11], $0x2000, $0x38;
	[tilespmem:$0x1C400] =	vst v63  }
0x160: {  	_ =	swait.ge [sflag:s25], $0x2000  }
0x161: {  	s14 =	sld [smem:$0x7EE];
	_ =	sdelay $0x2  }
0x162: {  	s31 =	rddreg [dreg:$0x1a];
	s14 =	sadd.s32 $0x1, s14  }
0x163: {  	p0 =	sne.s32 s14, s31  }
.Ltmp2:
0x164: {  	_ = 	snop;
	(pc) =	sbr.rel @p0 .LBB2_1-.Ltmp2, $3  }
0x165: {  	_ =	sdelay $0x1  }
0x166: {  	[sflag:s25] =	ssyncset.done $0x0  }
0x167: {  	[sflag:s25] =	ssyncadd.s32 $0xFFFFE000  }
0x168: {  	_ =	sfence.sel $0x180000  }
0x169: {  	[bflag:$0x0] =	sbarrier.arrive $0xFFFF  }
0x16a: {  	_ =	strace $0x9000004A  }
0x16b: {  	s0 =	stileid.u32;
	[bflag:$0x2] =	sbarrier.arrive $0xFFFF  }
0x16c: {  	p0 =	sne.s32 s0, $0x0;
	s0 =	rddreg [dreg:$0x3]  }
0x16d: {  	s0 =	sadd.s32 @!p0 $0x100000, s0  }
0x16e: {  	[sflag:s0] =	ssyncadd.tile.s32 @!p0 $0x1;
	_ =	shalt  }
.Lfunc_end2:
_tile_overlayer_lowered:
.L_overlay_start_2:
0x16f: {  	(tag) =	ssettag $0x2  }
0x170: {  	s0 =	rddreg [dreg:$0x0];
	s2 =	stileid.u32  }
0x171: {  	s1 =	rddreg [dreg:$0x1];
	p0 =	sne.s32 s2, $0x0  }
0x172: {  	s3 =	rddreg [dreg:$0x2];
	[bflag:$0x3] =	sbarrier.arrive $0xFFFF;
	s2 =	simm.s32 @!p0 $0x1C11  }
0x173: {  	[timem:s3], [sflag:s2] =	dma.local @!p0 [hbm:s0], s1  }
0x174: {  	s0 =	simm.s32 @!p0 $0x11  }
0x175: {  	_ =	swait.ge @!p0 [sflag:s0], s1  }
0x176: {  	s1 =	ssub.s32 @!p0 $0x0, s1;
	[sflag:s0] =	ssyncset.done @!p0 $0x0  }
0x177: {  	[sflag:s0] =	ssyncadd.s32 @!p0 s1  }
0x178: {  	[bflag:$0x3] =	sbarrier.arrive $0xFFFF  }
0x179: {  	_ =	shalt  }

// kernel: kernel.14.cloned.1.call-start
scs
__scs_entry_jumppad:
0x0: {  	(pc) =	sbr.rel $0x88, $3  }
0x1: {  	(tag) =	ssettag $0x0;
	lr =	simm.s32 $0x1  }
0x2: {  	[smem:$0x3F9B] =	sst lr;
	_ =	strace $0xD0000000  }
0x3: {  	_ = 	snop  }
0x4: {  	_ = 	snop  }
0x5: {  	_ = 	snop  }
0x6: {  	_ = 	snop  }
0x7: {  	_ = 	snop  }
__scs_overlays_trampoline_lowered:
0x8: {  	[smem:$0x3FAA] =	sst s0  }
0x9: {  	[smem:$0x3FAB] =	sst s1  }
0xa: {  	[smem:$0x3FAC] =	sst s2  }
0xb: {  	[smem:$0x3FAD] =	sst s3  }
0xc: {  	[smem:$0x3FAE] =	sst s4  }
0xd: {  	[smem:$0x3FAF] =	sst s5  }
0xe: {  	[smem:$0x3FB0] =	sst s6  }
0xf: {  	[smem:$0x3FB1] =	sst s7  }
0x10: {  	[smem:$0x3FB2] =	sst s8  }
0x11: {  	[smem:$0x3FB3] =	sst s9;
	s0 =	simm.s32 @!p0 $0x0  }
0x12: {  	s1 =	sld [smem:$0x3F99];
	s0 =	simm.s32 @p0 $0x1  }
0x13: {  	[smem:$0x3FB4] =	sst s0;
	s0 =	simm.s32 @!p1 $0x0  }
0x14: {  	s2 =	sld [smem:$0x3F98];
	s0 =	simm.s32 @p1 $0x1  }
0x15: {  	[smem:$0x3FB5] =	sst s0;
	s0 =	simm.s32 @!p2 $0x0  }
0x16: {  	s3 =	sld [smem:$0x3FDB];
	s0 =	simm.s32 @p2 $0x1  }
0x17: {  	s4 =	simm.s32 $0x1BF5;
	[smem:$0x3FB7] =	sst s0  }
0x18: {  	s0 =	sld [smem:$0x3F9A];
	_ =	swait.ge [sflag:s4], $0x0  }
0x19: {  	s7 =	sld [smem:$0x3F9B]  }
0x1a: {  	s8 =	sadd.s32 $0xFFFFE003, lr  }
0x1b: {  	s9 =	sadd.s32 $0xFFFFFEF7, lr;
	s5 =	simm.s32 $0xFFFFFFFF;
	p2 =	slt.u32 s8, $0xFFFFF086  }
0x1c: {  	p1 =	slt.u32 s9, $0xF7A;
	s5 =	simm.s32 @!p2 $0x0  }
0x1d: {  	s5 =	simm.s32 @p1 $0x1;
	p0 =	seq.s32 s7, s2  }
0x1e: {  	s7 =	smul.u32 @!p0 $0xF7A, s2;
	p2 =	seq.s32 @!p0 s5, $0x0  }
0x1f: {  	s9 =	smul.u32 $0xF7A, s1;
	s8 =	simm.s32 @!p0 $0x1BF5;
	p2 =	por !p2, p0  }
0x20: {  	[sflag:s8] =	ssyncset.s32 @!p0 $0xFFFFF086;
	s6 =	sadd.s32 @!p0 s3, s7;
	s7 =	simm.s32 @!p0 $0x108  }
0x21: {  	s3 =	sadd.s32 s3, s9;
	s6 =	sadd.s32 @!p0 $0x88, s6;
	s7 =	simm.s32 @p2 $0x1082  }
0x22: {  	[simem:s7], [sflag:s8] =	dma.local @!p0 [hbm:s6], $0xF7A  }
0x23: {  	s9 =	sor.u32 $0xD0000000, s2;
	s6 =	simm.s32 $0x108;
	_ =	swait.ge @!p0 [sflag:s8], $0x0  }
0x24: {  	s3 =	sadd.s32 $0x88, s3;
	s6 =	simm.s32 @!p1 $0x1082;
	[sflag:s4] =	ssyncset.s32 $0xFFFFF086  }
0x25: {  	[simem:s6], [sflag:s4] =	dma.local [hbm:s3], $0xF7A  }
0x26: {  	[smem:$0x3F9B] =	sst s1;
	(tag) =	ssettag s2;
	_ =	strace s9  }
0x27: {  	s1 =	sld [smem:$0x3FAB]  }
0x28: {  	s2 =	sld [smem:$0x3FAC]  }
0x29: {  	s4 =	sld [smem:$0x3FAE]  }
0x2a: {  	p0 =	seq.s32 s5, $0x0;
	s5 =	sld [smem:$0x3FAF]  }
0x2b: {  	s6 =	sld [smem:$0x3FB0]  }
0x2c: {  	s7 =	sld [smem:$0x3FB1]  }
0x2d: {  	s3 =	simm.s32 $0x108;
	s8 =	sld [smem:$0x3FB2]  }
0x2e: {  	s3 =	simm.s32 @!p0 $0x1082;
	s9 =	sld [smem:$0x3FB3]  }
0x2f: {  	lr =	sadd.s32 s0, s3;
	s0 =	sld [smem:$0x3FAA]  }
0x30: {  	s3 =	sld [smem:$0x3FAD]  }
0x31: {  	[smem:$0x3FB6] =	sst s10  }
0x32: {  	s10 =	sld [smem:$0x3FB4];
	_ =	sdelay $0x3  }
0x33: {  	p0 =	seq.s32 s10, $0x1;
	s10 =	sld [smem:$0x3FB6];
	_ =	sdelay $0x3  }
0x34: {  	[smem:$0x3FB6] =	sst s10  }
0x35: {  	s10 =	sld [smem:$0x3FB5];
	_ =	sdelay $0x3  }
0x36: {  	p1 =	seq.s32 s10, $0x1;
	s10 =	sld [smem:$0x3FB6];
	_ =	sdelay $0x3  }
0x37: {  	[smem:$0x3FB6] =	sst s10  }
0x38: {  	s10 =	sld [smem:$0x3FB7]  }
0x39: {  	_ = 	snop;
	(pc) =	sbr.ind lr, $3  }
0x3a: {  	_ = 	snop  }
0x3b: {  	_ = 	snop  }
0x3c: {  	p2 =	seq.s32 s10, $0x1;
	s10 =	sld [smem:$0x3FB6]  }
0x3d: {  	_ =	shalt  }
0x3e: {  	_ =	shalt  }
0x3f: {  	_ =	shalt  }
0x40: {  	_ =	shalt  }
0x41: {  	_ =	shalt  }
0x42: {  	_ =	shalt  }
0x43: {  	_ =	shalt  }
0x44: {  	_ =	shalt  }
0x45: {  	_ =	shalt  }
0x46: {  	_ =	shalt  }
0x47: {  	_ =	shalt  }
0x48: {  	_ =	shalt  }
0x49: {  	_ =	shalt  }
0x4a: {  	_ =	shalt  }
0x4b: {  	_ =	shalt  }
0x4c: {  	_ =	shalt  }
0x4d: {  	_ =	shalt  }
0x4e: {  	_ =	shalt  }
0x4f: {  	_ =	shalt  }
0x50: {  	_ =	shalt  }
0x51: {  	_ =	shalt  }
0x52: {  	_ =	shalt  }
0x53: {  	_ =	shalt  }
0x54: {  	_ =	shalt  }
0x55: {  	_ =	shalt  }
0x56: {  	_ =	shalt  }
0x57: {  	_ =	shalt  }
0x58: {  	_ =	shalt  }
0x59: {  	_ =	shalt  }
0x5a: {  	_ =	shalt  }
0x5b: {  	_ =	shalt  }
0x5c: {  	_ =	shalt  }
0x5d: {  	_ =	shalt  }
0x5e: {  	_ =	shalt  }
0x5f: {  	_ =	shalt  }
0x60: {  	_ =	shalt  }
0x61: {  	_ =	shalt  }
0x62: {  	_ =	shalt  }
0x63: {  	_ =	shalt  }
0x64: {  	_ =	shalt  }
0x65: {  	_ =	shalt  }
0x66: {  	_ =	shalt  }
0x67: {  	_ =	shalt  }
0x68: {  	_ =	shalt  }
0x69: {  	_ =	shalt  }
0x6a: {  	_ =	shalt  }
0x6b: {  	_ =	shalt  }
0x6c: {  	_ =	shalt  }
0x6d: {  	_ =	shalt  }
0x6e: {  	_ =	shalt  }
0x6f: {  	_ =	shalt  }
0x70: {  	_ =	shalt  }
0x71: {  	_ =	shalt  }
0x72: {  	_ =	shalt  }
0x73: {  	_ =	shalt  }
0x74: {  	_ =	shalt  }
0x75: {  	_ =	shalt  }
0x76: {  	_ =	shalt  }
0x77: {  	_ =	shalt  }
0x78: {  	_ =	shalt  }
0x79: {  	_ =	shalt  }
0x7a: {  	_ =	shalt  }
0x7b: {  	_ =	shalt  }
0x7c: {  	_ =	shalt  }
0x7d: {  	_ =	shalt  }
0x7e: {  	_ =	shalt  }
0x7f: {  	_ =	shalt  }
0x80: {  	_ =	shalt  }
0x81: {  	_ =	shalt  }
0x82: {  	_ =	shalt  }
0x83: {  	_ =	shalt  }
0x84: {  	_ =	shalt  }
0x85: {  	_ =	shalt  }
0x86: {  	_ =	shalt  }
0x87: {  	_ =	shalt  }
.Lfunc_end0:
.L_simem_size_0:
called_computation.2_lowered:
.L_overlay_start_0:
0x88: {  	s2 =	sld [smem:$0x3FD9]  }
0x89: {  	s3 =	sld [smem:$0x3FFE];
	_ =	sdelay $0x1  }
0x8a: {  	s1 =	srdreg.scid  }
0x8b: {  	s0 =	sand.u32 $0x1, s1  }
0x8c: {  	s17 =	sshll.u32 s0, $0xA;
	s2 =	sadd.s32 s3, s2  }
0x8d: {  	s2 =	sadd.s32 s2, s17  }
0x8e: {  	[smem:$0x3FC2] =	sst s2  }
0x8f: {  	_ = 	snop  }
0x90: {  	s2 =	sld [smem:$0x3FD0];
	(tm) =	ssettm $0x1  }
0x91: {  	s18 =	sld [smem:$0x3FFB];
	_ =	sdelay $0x3  }
0x92: {  	_ =	strace s18  }
0x93: {  	s3 =	sld [smem:$0x3FFC];
	_ =	sdelay $0x3  }
0x94: {  	_ =	strace s3  }
0x95: {  	s3 =	sld [smem:$0x3FFD];
	_ =	sdelay $0x3  }
0x96: {  	_ =	strace s3  }
0x97: {  	_ =	strace $0x8FFFFFFF  }
0x98: {  	s19 =	sld [smem:$0x3FDB];
	_ =	sdelay $0x1  }
0x99: {  	s4 =	simm.s32 $_scs_section_size  }
0x9a: {  	s5 =	simm.s32 $_size__tile_overlayer_lowered;
	s6 =	simm.s32 $_tile_overlayer_lowered  }
0x9b: {  	s22 =	simm.s32 $0x1BFF;
	s21 =	sshll.u32 s6, $0x1;
	s3 =	sadd.s32 s4, s19  }
0x9c: {  	s7 =	simm.s32 $0x0;
	s20 =	sshll.u32 s5, $0x1;
	s5 =	sadd.s32 s21, s3  }
0x9d: {  	[timem:s7], [sflag:s22] =	dma.local [hbm:s5], s20  }
0x9e: {  	_ =	swait.ge [sflag:s22], s20  }
0x9f: {  	s4 =	ssub.s32 $0x0, s20;
	[sflag:s22] =	ssyncset.done $0x0  }
0xa0: {  	[sflag:s22] =	ssyncadd.s32 s4;
	_ =	sdelay $0x1  }
0xa1: {  	s23 =	simm.s32 $0x1B8B  }
0xa2: {  	_ =	swait.ge [sflag:s23], $0x1  }
0xa3: {  	[sflag:s23] =	ssyncset.done $0x0  }
0xa4: {  	s25 =	simm.s32 $0x1B8E;
	s24 =	sld [smem:$0x3FFE];
	[sflag:s23] =	ssyncadd.s32 $0xFFFFFFFF  }
0xa5: {  	s26 =	simm.s32 $execute0_lowered;
	[smem:$0x3FD2] =	sst s25  }
0xa6: {  	s5 =	sshll.u32 s26, $0x1;
	_ =	strace $0x8000004C;
	[dreg:$0x1] =	wrdreg $0xFFFFFFFF  }
0xa7: {  	s28 =	simm.s32 $_size_execute0_lowered;
	s3 =	sadd.s32 s3, s5;
	[dreg:$0x0] =	wrdreg $0x0  }
0xa8: {  	s5 =	sshll.u32 s28, $0x1;
	[dreg:$0x2] =	wrdreg s3  }
0xa9: {  	[dreg:$0x3] =	wrdreg s5  }
0xaa: {  	[dreg:$0x4] =	wrdreg $0xC0  }
0xab: {  	_ =	task [dreg:s7], $0x5FFFF  }
0xac: {  	[dreg:$0x1] =	wrdreg $0xFFFFFFFF  }
0xad: {  	[dreg:$0x0] =	wrdreg $0x60  }
0xae: {  	[dreg:$0x2] =	wrdreg s24  }
0xaf: {  	[dreg:$0x3] =	wrdreg s2  }
0xb0: {  	[dreg:$0x4] =	wrdreg $0x84000  }
0xb1: {  	[dreg:$0x5] =	wrdreg $0x9  }
0xb2: {  	_ =	task.clear_ibuf [dreg:s7], $0x6FFFF;
	_ =	strace $0x9000004C  }
0xb3: {  	s29 =	simm.s32 $0x9;
	_ =	strace $0x8000004E  }
0xb4: {  	_ =	swait.ge [sflag:s29], $0x1  }
0xb5: {  	[sflag:s29] =	ssyncadd.s32 $0xFFFFFFFF  }
0xb6: {  	_ =	strace $0x9000004E  }
0xb7: {  	_ =	sfence  }
0xb8: {  	s30 =	sld [smem:$0x0];
	_ =	sdelay $0x2  }
0xb9: {  	s31 =	sshll.u32 s1, $0xD;
	s1 =	sshrl.u32 s1, $0x2  }
0xba: {  	s3 =	sand.u32 $0x4000, s31;
	s1 =	sadd.s32 s1, s30  }
0xbb: {  	s0 =	sor.u32 s3, s0;
	s1 =	sshll.u32 s1, $0x11  }
0xbc: {  	s0 =	sor.u32 s1, s0  }
0xbd: {  	s0 =	sadd.s32 $0x8F2B, s0  }
0xbe: {  	[sflag:s0] =	ssyncadd.remote.s32 $0x1  }
0xbf: {  	_ =	sfence.sel $0xFFFF  }
0xc0: {  	[dreg:$0x0] =	wrdreg $0xFFFFFFFF;
	(pc) =	sbr.abs _section_cstart, $3  }
0xc1: {  	[dreg:$0x1] =	wrdreg $0xFFFFFFFF  }
0xc2: {  	_ =	task.clear_ibuf [dreg:s7], $0x2FFFF;
	_ =	strace $0x9FFFFFFF  }
0xc3: {  	(tm) =	ssettm $0x7FFFFFFF  }
tec
execute0_lowered:
.L_overlay_start_1:
0x0: {  	(tag) =	ssettag $0x1  }
0x1: {  	s0 =	rddreg [dreg:$0x0]  }
0x2: {  	s1 =	rddreg [dreg:$0x1]  }
0x3: {  	s2 =	rddreg [dreg:$0x2]  }
0x4: {  	s3 =	simm.s32 $0x0;
	s4 =	srdreg.scid;
	s18 =	stileid.u32  }
0x5: {  	s5 =	simm.s32 $0xF0;
	[smem:$0x7FF] =	sst s3;
	s6 =	sand.u32 $0x1, s4  }
0x6: {  	s9 =	smul.u32 $0x14000, s18;
	s10 =	sadd.s32 $0x98400, s0;
	_ =	strace $0x8000004D  }
0x7: {  	s4 =	ssub.s32 $0x2, s6;
	p0 =	seq.s32 s6, $0x0;
	s7 =	smul.u32 $0x140000, s6  }
0x8: {  	s8 =	sshrl.u32 s4, $0x1;
	s5 =	simm.s32 @!p0 $0x50;
	s12 =	sadd.s32 $0x4000, s9  }
0x9: {  	s14 =	sadd.s32 $0x6000, s9;
	s15 =	sadd.s32 $0xA000, s9;
	s4 =	ssub.s32 s4, s8  }
0xa: {  	s20 =	sadd.s32 $0xFFFFFFFA, s5;
	s21 =	sadd.s32 $0xFFFFFFF9, s5;
	s11 =	sadd.s32 s7, s9  }
0xb: {  	s13 =	sadd.s32 s7, s12;
	s25 =	sadd.s32 s7, s14;
	[dreg:$0x4] =	wrdreg s20  }
0xc: {  	s16 =	sadd.s32 s7, s15;
	[dreg:$0x5] =	wrdreg s21;
	s22 =	sshrl.u32 s11, $0x3  }
0xd: {  	s11 =	sor.u32 $0x2000, s9;
	s24 =	sshrl.u32 s13, $0x3;
	s26 =	sshrl.u32 s25, $0x3  }
0xe: {  	s13 =	sadd.s32 $0x8000, s9;
	s21 =	sadd.s32 $0xC000, s9;
	s25 =	sshll.u32 s5, $0x7  }
0xf: {  	s8 =	sadd.s32 s10, s22;
	s23 =	sadd.s32 s7, s11;
	s28 =	sadd.s32 s7, s13  }
0x10: {  	s31 =	sadd.s32 s7, s21;
	s22 =	sadd.s32 $0xE000, s9;
	[dreg:$0x6] =	wrdreg s25  }
0x11: {  	[dreg:$0xb] =	wrdreg s8;
	s8 =	sshrl.u32 s23, $0x3;
	s17 =	sshrl.u32 s31, $0x3  }
0x12: {  	s19 =	sadd.s32 s7, s22;
	s23 =	sadd.s32 $0x10000, s9;
	s9 =	sadd.s32 $0x12000, s9  }
0x13: {  	s31 =	smul.u32 $0x50000, s18;
	s8 =	sadd.s32 s10, s8;
	s20 =	sadd.s32 s7, s23  }
0x14: {  	[dreg:$0xc] =	wrdreg s8;
	s8 =	sadd.s32 s10, s24;
	s24 =	sshrl.u32 s20, $0x3  }
0x15: {  	s20 =	sshrl.u32 s31, $0x2;
	s31 =	sadd.s32 s12, s2;
	[dreg:$0xd] =	wrdreg s8  }
0x16: {  	s7 =	sadd.s32 s7, s9;
	s12 =	sadd.s32 s23, s2;
	[dreg:$0x1c] =	wrdreg s31  }
0x17: {  	s7 =	sshrl.u32 s7, $0x3;
	s8 =	sadd.s32 s10, s26;
	[smem:$0x7F1] =	sst s12  }
0x18: {  	s7 =	sadd.s32 s10, s7;
	[dreg:$0xe] =	wrdreg s8  }
0x19: {  	s26 =	simm.s32 $0x8100;
	[dreg:$0x14] =	wrdreg s7  }
0x1a: {  	s20 =	sadd.s32 s20, s2;
	[dreg:$0x7] =	wrdreg s26  }
0x1b: {  	s8 =	sshrl.u32 s28, $0x3;
	s28 =	simm.s32 $0x4000;
	[dreg:$0x15] =	wrdreg s20  }
0x1c: {  	s23 =	sadd.s32 $0x6000, s20;
	[dreg:$0x8] =	wrdreg s28  }
0x1d: {  	s31 =	sadd.s32 $0x12000, s20;
	[smem:$0x7F7] =	sst s23  }
0x1e: {  	s8 =	sadd.s32 s10, s8;
	[smem:$0x7FD] =	sst s31  }
0x1f: {  	s28 =	smax.u32 s4, $0x1;
	[dreg:$0xf] =	wrdreg s8  }
0x20: {  	s29 =	sshrl.u32 s16, $0x3;
	s4 =	sadd.s32 s14, s2;
	[dreg:$0x1a] =	wrdreg s28  }
0x21: {  	s8 =	sadd.s32 s10, s29;
	[dreg:$0x1d] =	wrdreg s4  }
0x22: {  	s29 =	simm.s32 $0x8180;
	[dreg:$0x10] =	wrdreg s8  }
0x23: {  	s28 =	sadd.s32 $0xE000, s20;
	[dreg:$0x9] =	wrdreg s29  }
0x24: {  	s8 =	sadd.s32 s10, s17;
	[smem:$0x7FB] =	sst s28  }
0x25: {  	s29 =	sadd.s32 s11, s2;
	[dreg:$0x11] =	wrdreg s8  }
0x26: {  	s11 =	sadd.s32 s22, s2;
	[dreg:$0x1b] =	wrdreg s29  }
0x27: {  	s16 =	smul.u32 $0x7800, s6;
	s22 =	sadd.s32 $0x4000, s20;
	[smem:$0x7F0] =	sst s11  }
0x28: {  	s8 =	sshrl.u32 s19, $0x3;
	[smem:$0x7F6] =	sst s22;
	s29 =	sadd.s32 $0x10000, s20  }
0x29: {  	s17 =	smul.u32 $0xA000, s18;
	s8 =	sadd.s32 s10, s8;
	[smem:$0x7FC] =	sst s29  }
0x2a: {  	[dreg:$0x12] =	wrdreg s8;
	s8 =	sadd.s32 s10, s24  }
0x2b: {  	s10 =	sadd.s32 s16, s17;
	[dreg:$0x13] =	wrdreg s8;
	s8 =	simm.s32 $0x6000  }
0x2c: {  	s24 =	sshrl.u32 s10, $0x3;
	s10 =	sadd.s32 s21, s2;
	[dreg:$0xa] =	wrdreg s8  }
0x2d: {  	s19 =	sadd.s32 $0x5C400, s0;
	s21 =	sadd.s32 $0x2000, s20;
	[smem:$0x7EF] =	sst s10  }
0x2e: {  	s6 =	sadd.s32 s19, s24;
	[smem:$0x7F5] =	sst s21  }
0x2f: {  	s30 =	simm.s32 $0x40;
	s8 =	sadd.s32 s15, s2;
	[dreg:$0x17] =	wrdreg s6  }
0x30: {  	s12 =	simm.s32 $0x7;
	s7 =	sadd.s32 s1, s24;
	[dreg:$0x1f] =	wrdreg s8  }
0x31: {  	s25 =	sor.u32 $0x10, s24;
	s24 =	sadd.s32 $0x8000, s20;
	[dreg:$0x16] =	wrdreg s7  }
0x32: {  	s4 =	simm.s32 $0x2000;
	s26 =	sadd.s32 s1, s25;
	[smem:$0x7F8] =	sst s24  }
0x33: {  	s18 =	sadd.s32 $0x70400, s0;
	s0 =	sadd.s32 s19, s25;
	[dreg:$0x18] =	wrdreg s26  }
0x34: {  	s22 =	simm.s32 $0x8000;
	s6 =	sadd.s32 s13, s2;
	[dreg:$0x19] =	wrdreg s0  }
0x35: {  	s11 =	simm.s32 $0x3;
	s13 =	sadd.s32 s9, s2;
	[dreg:$0x1e] =	wrdreg s6  }
0x36: {  	s10 =	simm.s32 $0x6;
	s14 =	sadd.s32 $0x20, s7;
	[smem:$0x7F2] =	sst s13  }
0x37: {  	s15 =	sadd.s32 $0x30, s7;
	s25 =	sadd.s32 $0xA000, s20;
	[smem:$0x7F3] =	sst s14  }
0x38: {  	s7 =	simm.s32 $0x1;
	s8 =	simm.s32 $0x5;
	[smem:$0x7F4] =	sst s15  }
0x39: {  	s9 =	simm.s32 $0x2;
	[smem:$0x7F9] =	sst s25;
	s26 =	sadd.s32 $0xC000, s20  }
0x3a: {  	s25 =	simm.s32 $0x11;
	s6 =	simm.s32 $0x8080;
	s13 =	simm.s32 $0x4  }
0x3b: {  	v0 =	vimm.f32 $0.0e+00;
	s14 =	simm.s32 $0x0;
	[smem:$0x7FA] =	sst s26;
	s26 =	simm.s32 $0x8  }
.LBB2_1:
0x3c: {  	s0 =	sand.u32 $0x7E00, s3  }
0x3d: {  	[smem:$0x7EE] =	sst s14;
	s31 =	sand.u32 $0x70, s3;
	s15 =	sshrl.u32 s0, $0x2  }
0x3e: {  	s14 =	simm.s32 $0x0;
	s0 =	simm.s32 $0x40;
	s15 =	sor.u32 s31, s15  }
.LBB2_2:
0x3f: {  	p0 =	sne.s32 s0, $0x7FC0  }
0x40: {  	[tilespmem:s15+$0x0] =	vst v0;
	s14 =	sadd.s32 $0x10, s14;
	s15 =	smov.u32 s0;
	s0 =	sadd.s32 $0x40, s0  }
.Ltmp0:
0x41: {  	(pc) =	sbr.rel @p0 .LBB2_2-.Ltmp0, $4  }
0x42: {  	_ = 	snop  }
0x43: {  	s15 =	sand.u32 $0x7E00, s15  }
0x44: {  	s21 =	sand.u32 $0x70, s14;
	s15 =	sshrl.u32 s15, $0x2  }
0x45: {  	s15 =	sor.u32 s21, s15  }
0x46: {  	[tilespmem:s15+$0x0] =	vst v0;
	s24 =	simm.s32 $0x0  }
0x47: {  	[spmem:s20] =	stream.linear.scatter [tilespmem:s24], [sflag:$0x11], $0x2000, $0x38;
	[tilespmem:$0x1C400] =	vst v63  }
0x48: {  	_ =	swait.ge [sflag:s25], $0x2000  }
0x49: {  	s0 =	sld [smem:$0x7F5]  }
0x4a: {  	[sflag:s25] =	ssyncset.done $0x0  }
0x4b: {  	[sflag:s25] =	ssyncadd.s32 $0xFFFFE000  }
0x4c: {  	[spmem:s0] =	stream.linear.scatter [tilespmem:s24], [sflag:$0x11], $0x2000, $0x38;
	[tilespmem:$0x1C400] =	vst v63  }
0x4d: {  	_ =	swait.ge [sflag:s25], $0x2000  }
0x4e: {  	s23 =	sld [smem:$0x7F6]  }
0x4f: {  	[sflag:s25] =	ssyncset.done $0x0  }
0x50: {  	[sflag:s25] =	ssyncadd.s32 $0xFFFFE000  }
0x51: {  	[spmem:s23] =	stream.linear.scatter [tilespmem:s24], [sflag:$0x11], $0x2000, $0x38;
	[tilespmem:$0x1C400] =	vst v63  }
0x52: {  	_ =	swait.ge [sflag:s25], $0x2000  }
0x53: {  	s28 =	sld [smem:$0x7F7]  }
0x54: {  	[sflag:s25] =	ssyncset.done $0x0  }
0x55: {  	[sflag:s25] =	ssyncadd.s32 $0xFFFFE000  }
0x56: {  	[spmem:s28] =	stream.linear.scatter [tilespmem:s24], [sflag:$0x11], $0x2000, $0x38;
	[tilespmem:$0x1C400] =	vst v63  }
0x57: {  	_ =	swait.ge [sflag:s25], $0x2000  }
0x58: {  	s29 =	sld [smem:$0x7F8]  }
0x59: {  	[sflag:s25] =	ssyncset.done $0x0  }
0x5a: {  	[sflag:s25] =	ssyncadd.s32 $0xFFFFE000  }
0x5b: {  	[spmem:s29] =	stream.linear.scatter [tilespmem:s24], [sflag:$0x11], $0x2000, $0x38;
	[tilespmem:$0x1C400] =	vst v63  }
0x5c: {  	_ =	swait.ge [sflag:s25], $0x2000  }
0x5d: {  	s31 =	sld [smem:$0x7F9]  }
0x5e: {  	[sflag:s25] =	ssyncset.done $0x0  }
0x5f: {  	[sflag:s25] =	ssyncadd.s32 $0xFFFFE000  }
0x60: {  	[spmem:s31] =	stream.linear.scatter [tilespmem:s24], [sflag:$0x11], $0x2000, $0x38;
	[tilespmem:$0x1C400] =	vst v63  }
0x61: {  	_ =	swait.ge [sflag:s25], $0x2000  }
0x62: {  	s14 =	sld [smem:$0x7FA]  }
0x63: {  	[sflag:s25] =	ssyncset.done $0x0  }
0x64: {  	[sflag:s25] =	ssyncadd.s32 $0xFFFFE000  }
0x65: {  	[spmem:s14] =	stream.linear.scatter [tilespmem:s24], [sflag:$0x11], $0x2000, $0x38;
	[tilespmem:$0x1C400] =	vst v63  }
0x66: {  	_ =	swait.ge [sflag:s25], $0x2000  }
0x67: {  	s15 =	sld [smem:$0x7FB]  }
0x68: {  	[sflag:s25] =	ssyncset.done $0x0  }
0x69: {  	[sflag:s25] =	ssyncadd.s32 $0xFFFFE000  }
0x6a: {  	[spmem:s15] =	stream.linear.scatter [tilespmem:s24], [sflag:$0x11], $0x2000, $0x38;
	[tilespmem:$0x1C400] =	vst v63  }
0x6b: {  	_ =	swait.ge [sflag:s25], $0x2000  }
0x6c: {  	s20 =	sld [smem:$0x7FC]  }
0x6d: {  	[sflag:s25] =	ssyncset.done $0x0  }
0x6e: {  	[sflag:s25] =	ssyncadd.s32 $0xFFFFE000  }
0x6f: {  	[spmem:s20] =	stream.linear.scatter [tilespmem:s24], [sflag:$0x11], $0x2000, $0x38;
	[tilespmem:$0x1C400] =	vst v63  }
0x70: {  	_ =	swait.ge [sflag:s25], $0x2000  }
0x71: {  	s21 =	sld [smem:$0x7FD]  }
0x72: {  	[sflag:s25] =	ssyncset.done $0x0  }
0x73: {  	[sflag:s25] =	ssyncadd.s32 $0xFFFFE000  }
0x74: {  	[spmem:s21] =	stream.linear.scatter [tilespmem:s24], [sflag:$0x11], $0x2000, $0x38;
	[tilespmem:$0x1C400] =	vst v63  }
0x75: {  	_ =	swait.ge [sflag:s25], $0x2000  }
0x76: {  	[sflag:s25] =	ssyncset.done $0x0;
	s23 =	rddreg [dreg:$0x16]  }
0x77: {  	s14 =	simm.s32 $0x8200;
	s28 =	rddreg [dreg:$0x18];
	[sflag:s25] =	ssyncadd.s32 $0xFFFFE000  }
0x78: {  	[tilespmem:s14], [sflag:$0x9] =	stream.linear.gather [hbm4b:s23+s24], $0x80, $0x38;
	[tilespmem:$0x1C400] =	vst v63  }
0x79: {  	s15 =	simm.s32 $0x8280;
	s29 =	sld [smem:$0x7F3]  }
0x7a: {  	[tilespmem:s15], [sflag:$0xA] =	stream.linear.gather [hbm4b:s28+s24], $0x80, $0x38;
	[tilespmem:$0x1C400] =	vst v63  }
0x7b: {  	s31 =	simm.s32 $0x8300;
	s20 =	sld [smem:$0x7F4]  }
0x7c: {  	[tilespmem:s31], [sflag:$0xB] =	stream.linear.gather [hbm4b:s29+s24], $0x80, $0x38;
	[tilespmem:$0x1C400] =	vst v63  }
0x7d: {  	s21 =	simm.s32 $0x8380;
	s23 =	simm.s32 $0x9  }
0x7e: {  	[tilespmem:s21], [sflag:$0xC] =	stream.linear.gather [hbm4b:s20+s24], $0x80, $0x38;
	[tilespmem:$0x1C400] =	vst v63  }
0x7f: {  	_ =	swait.ge [sflag:s23], $0x80  }
0x80: {  	[sflag:s23] =	ssyncset.done $0x0  }
0x81: {  	[sflag:s23] =	ssyncadd.s32 $0xFFFFFF80  }
0x82: {  	[tilespmem:s24], [sflag:$0x1] =	stream.indirect.gather [hbm4b:s18+s30], $0x80, s14, s30, $0xb8;
	[tilespmem:$0x1C400] =	vst v63  }
0x83: {  	s29 =	simm.s32 $0xA;
	s28 =	rddreg [dreg:$0x17]  }
0x84: {  	[tilespmem:s22], [sflag:$0x5] =	stream.linear.gather [hbm4b:s28+s24], $0x80, $0x38;
	[tilespmem:$0x1C400] =	vst v63  }
0x85: {  	_ =	swait.ge [sflag:s29], $0x80  }
0x86: {  	[sflag:s29] =	ssyncset.done $0x0  }
0x87: {  	[sflag:s29] =	ssyncadd.s32 $0xFFFFFF80  }
0x88: {  	[tilespmem:s4], [sflag:$0x2] =	stream.indirect.gather [hbm4b:s18+s30], $0x80, s15, s30, $0xb8;
	[tilespmem:$0x1C400] =	vst v63  }
0x89: {  	s31 =	rddreg [dreg:$0x19]  }
0x8a: {  	[tilespmem:s6], [sflag:$0x6] =	stream.linear.gather [hbm4b:s31+s24], $0x80, $0x38;
	[tilespmem:$0x1C400] =	vst v63  }
0x8b: {  	s21 =	simm.s32 $0x0;
	[bflag:$0x0] =	sbarrier.arrive $0xFFFF  }
.LBB2_4:
0x8c: {  	_ =	swait.ge [sflag:s7], $0x2000;
	s29 =	sadd.s32 $0x4, s24  }
0x8d: {  	[sflag:s7] =	ssyncset.done $0x0;
	p0 =	sge.u32 s29, s5  }
0x8e: {  	[sflag:s7] =	ssyncadd.s32 $0xFFFFE000;
	s0 =	sadd.s32 @!p0 s21, s16  }
0x8f: {  	_ =	swait.ge [sflag:s8], $0x80;
	s14 =	sadd.s32 @!p0 $0x200, s0  }
0x90: {  	[sflag:s8] =	ssyncset.done $0x0;
	s0 =	sand.u32 @!p0 $0xFFFFFC00, s14  }
0x91: {  	s15 =	sand.u32 @!p0 $0x200, s14;
	[sflag:s8] =	ssyncadd.s32 $0xFFFFFF80;
	s0 =	sadd.s32 @!p0 s17, s0  }
0x92: {  	[spmem:s2] =	stream.indirect.scatter.add.f32 [tilespmem:s3], [sflag:$0xD], $0x80, s22, s30, $0xb8;
	[tilespmem:$0x1C400] =	vst v63  }
0x93: {  	s0 =	sor.u32 @!p0 s15, s0  }
0x94: {  	s0 =	sshrl.u32 @!p0 s0, $0x3  }
0x95: {  	s15 =	simm.s32 @!p0 $0x8200;
	s22 =	sadd.s32 @!p0 s1, s0;
	s0 =	simm.s32 @!p0 $0x0  }
0x96: {  	[tilespmem:s15], [sflag:$0x9] =	stream.linear.gather @!p0 [hbm4b:s22+s0], $0x80, $0x38;
	[tilespmem:$0x1C400] =	vst v63  }
0x97: {  	p2 =	seq.s32 s21, $0x0;
	s22 =	sadd.s32 $0x2, s24  }
0x98: {  	p1 =	sge.u32 @!p2 s22, s5  }
0x99: {  	p3 =	por p1, p2  }
0x9a: {  	s28 =	simm.s32 @!p3 $0xF  }
0x9b: {  	_ =	swait.ge @!p3 [sflag:s28], $0x2000  }
0x9c: {  	p1 =	sge.u32 s22, s5;
	[sflag:s28] =	ssyncset.done @!p3 $0x0  }
0x9d: {  	s22 =	simm.s32 @!p1 $0xB;
	[sflag:s28] =	ssyncadd.s32 @!p3 $0xFFFFE000  }
0x9e: {  	_ =	swait.ge @!p1 [sflag:s22], $0x80  }
0x9f: {  	s20 =	simm.s32 @!p1 $0x4000;
	[sflag:s22] =	ssyncset.done @!p1 $0x0  }
0xa0: {  	s28 =	simm.s32 @!p1 $0x8300;
	[sflag:s22] =	ssyncadd.s32 @!p1 $0xFFFFFF80;
	s22 =	simm.s32 @!p1 $0x40  }
0xa1: {  	[tilespmem:s20], [sflag:$0x3] =	stream.indirect.gather @!p1 [hbm4b:s18+s22], $0x80, s28, s22, $0xb8;
	[tilespmem:$0x1C400] =	vst v63  }
0xa2: {  	s20 =	sadd.s32 @!p1 s21, s16  }
0xa3: {  	s22 =	sadd.s32 @!p1 $0x100, s21;
	s20 =	sand.u32 @!p1 $0xFFFFFC00, s20  }
0xa4: {  	s22 =	sand.u32 @!p1 $0x300, s22;
	s20 =	sadd.s32 @!p1 s17, s20  }
0xa5: {  	s20 =	sor.u32 @!p1 s22, s20  }
0xa6: {  	s31 =	sadd.s32 $0x5, s24;
	s20 =	sshrl.u32 @!p1 s20, $0x3  }
0xa7: {  	s28 =	simm.s32 @!p1 $0x8100;
	s22 =	simm.s32 @!p1 $0x0;
	s20 =	sadd.s32 @!p1 s19, s20  }
0xa8: {  	[tilespmem:s28], [sflag:$0x7] =	stream.linear.gather @!p1 [hbm4b:s20+s22], $0x80, $0x38;
	[tilespmem:$0x1C400] =	vst v63  }
0xa9: {  	p1 =	sge.u32 s31, s5  }
0xaa: {  	_ =	swait.ge [sflag:s9], $0x2000;
	s20 =	sadd.s32 @!p1 s21, s16  }
0xab: {  	[sflag:s9] =	ssyncset.done $0x0;
	s20 =	sadd.s32 @!p1 $0x280, s20  }
0xac: {  	s23 =	sadd.s32 $0x3, s24;
	[sflag:s9] =	ssyncadd.s32 $0xFFFFE000;
	s22 =	sand.u32 @!p1 $0xFFFFFC00, s20  }
0xad: {  	s20 =	sand.u32 @!p1 $0x280, s20;
	_ =	swait.ge [sflag:s10], $0x80;
	s22 =	sadd.s32 @!p1 s17, s22  }
0xae: {  	p3 =	sge.u32 @!p2 s23, s5;
	[sflag:s10] =	ssyncset.done $0x0;
	s20 =	sor.u32 @!p1 s20, s22  }
0xaf: {  	p3 =	por p3, p2;
	[sflag:s10] =	ssyncadd.s32 $0xFFFFFF80;
	s20 =	sshrl.u32 @!p1 s20, $0x3  }
0xb0: {  	[spmem:s2] =	stream.indirect.scatter.add.f32 [tilespmem:s4], [sflag:$0xE], $0x80, s6, s30, $0xb8;
	[tilespmem:$0x1C400] =	vst v63  }
0xb1: {  	s28 =	simm.s32 @!p1 $0x0;
	s22 =	simm.s32 @!p1 $0x8280;
	s20 =	sadd.s32 @!p1 s1, s20  }
0xb2: {  	[tilespmem:s22], [sflag:$0xA] =	stream.linear.gather @!p1 [hbm4b:s20+s28], $0x80, $0x38;
	[tilespmem:$0x1C400] =	vst v63  }
0xb3: {  	s20 =	simm.s32 @!p3 $0x10  }
0xb4: {  	_ =	swait.ge @!p3 [sflag:s20], $0x2000  }
0xb5: {  	p2 =	sge.u32 s23, s5;
	[sflag:s20] =	ssyncset.done @!p3 $0x0  }
0xb6: {  	[sflag:s20] =	ssyncadd.s32 @!p3 $0xFFFFE000;
	s20 =	simm.s32 @!p2 $0xC  }
0xb7: {  	_ =	swait.ge @!p2 [sflag:s20], $0x80  }
0xb8: {  	s23 =	simm.s32 @!p2 $0x8380;
	[sflag:s20] =	ssyncset.done @!p2 $0x0  }
0xb9: {  	s31 =	simm.s32 @!p2 $0x6000;
	[sflag:s20] =	ssyncadd.s32 @!p2 $0xFFFFFF80;
	s20 =	simm.s32 @!p2 $0x40  }
0xba: {  	[tilespmem:s31], [sflag:$0x4] =	stream.indirect.gather @!p2 [hbm4b:s18+s20], $0x80, s23, s20, $0xb8;
	[tilespmem:$0x1C400] =	vst v63  }
0xbb: {  	s20 =	sadd.s32 @!p2 s21, s16  }
0xbc: {  	s23 =	sadd.s32 @!p2 $0x180, s21;
	s20 =	sand.u32 @!p2 $0xFFFFFC00, s20  }
0xbd: {  	s23 =	sand.u32 @!p2 $0x380, s23;
	s20 =	sadd.s32 @!p2 s17, s20  }
0xbe: {  	s20 =	sor.u32 @!p2 s23, s20  }
0xbf: {  	s20 =	sshrl.u32 @!p2 s20, $0x3  }
0xc0: {  	s31 =	simm.s32 @!p2 $0x8180;
	s23 =	simm.s32 @!p2 $0x0;
	s20 =	sadd.s32 @!p2 s19, s20  }
0xc1: {  	[tilespmem:s31], [sflag:$0x8] =	stream.linear.gather @!p2 [hbm4b:s20+s23], $0x80, $0x38;
	[tilespmem:$0x1C400] =	vst v63  }
0xc2: {  	_ =	swait.ge [sflag:s11], $0x2000  }
0xc3: {  	[sflag:s11] =	ssyncset.done $0x0  }
0xc4: {  	[sflag:s11] =	ssyncadd.s32 $0xFFFFE000  }
0xc5: {  	_ =	swait.ge [sflag:s12], $0x80  }
0xc6: {  	s20 =	rddreg [dreg:$0x7]  }
0xc7: {  	[sflag:s12] =	ssyncset.done $0x0;
	s31 =	rddreg [dreg:$0x4]  }
0xc8: {  	s23 =	rddreg [dreg:$0x8];
	[sflag:s12] =	ssyncadd.s32 $0xFFFFFF80;
	p2 =	sge.u32 s24, s31  }
0xc9: {  	[spmem:s2] =	stream.indirect.scatter.add.f32 [tilespmem:s23], [sflag:$0xF], $0x80, s20, s30, $0xb8;
	[tilespmem:$0x1C400] =	vst v63  }
0xca: {  	s20 =	sadd.s32 @!p2 s21, s16  }
0xcb: {  	s20 =	sadd.s32 @!p2 $0x300, s20  }
0xcc: {  	s23 =	sand.u32 @!p2 $0xFFFFFC00, s20  }
0xcd: {  	s20 =	sand.u32 @!p2 $0x300, s20;
	s23 =	sadd.s32 @!p2 s17, s23  }
0xce: {  	s20 =	sor.u32 @!p2 s20, s23  }
0xcf: {  	s20 =	sshrl.u32 @!p2 s20, $0x3  }
0xd0: {  	s31 =	simm.s32 @!p2 $0x8300;
	s23 =	simm.s32 @!p2 $0x0;
	s20 =	sadd.s32 @!p2 s1, s20  }
0xd1: {  	[tilespmem:s31], [sflag:$0xB] =	stream.linear.gather @!p2 [hbm4b:s20+s23], $0x80, $0x38;
	[tilespmem:$0x1C400] =	vst v63  }
0xd2: {  	s20 =	simm.s32 @!p0 $0xD  }
0xd3: {  	_ =	swait.ge @!p0 [sflag:s20], $0x2000  }
0xd4: {  	[sflag:s20] =	ssyncset.done @!p0 $0x0  }
0xd5: {  	[sflag:s20] =	ssyncadd.s32 @!p0 $0xFFFFE000;
	s20 =	simm.s32 @!p0 $0x9  }
0xd6: {  	_ =	swait.ge @!p0 [sflag:s20], $0x80  }
0xd7: {  	[sflag:s20] =	ssyncset.done @!p0 $0x0  }
0xd8: {  	[sflag:s20] =	ssyncadd.s32 @!p0 $0xFFFFFF80;
	s20 =	simm.s32 @!p0 $0x40  }
0xd9: {  	[tilespmem:s0], [sflag:$0x1] =	stream.indirect.gather @!p0 [hbm4b:s18+s20], $0x80, s15, s20, $0xb8;
	[tilespmem:$0x1C400] =	vst v63  }
0xda: {  	s14 =	sand.u32 @!p0 $0x7FFFFC00, s14;
	s15 =	sxor.u32 @!p0 $0xFFFFFFFF, s21  }
0xdb: {  	s14 =	sadd.s32 @!p0 s17, s14;
	s15 =	sand.u32 @!p0 $0x200, s15  }
0xdc: {  	s14 =	sor.u32 @!p0 s15, s14  }
0xdd: {  	s14 =	sshrl.u32 @!p0 s14, $0x3  }
0xde: {  	s15 =	simm.s32 @!p0 $0x8000;
	s14 =	sadd.s32 @!p0 s19, s14  }
0xdf: {  	[tilespmem:s15], [sflag:$0x5] =	stream.linear.gather @!p0 [hbm4b:s14+s0], $0x80, $0x38;
	[tilespmem:$0x1C400] =	vst v63  }
0xe0: {  	_ =	swait.ge [sflag:s13], $0x2000  }
0xe1: {  	[sflag:s13] =	ssyncset.done $0x0  }
0xe2: {  	[sflag:s13] =	ssyncadd.s32 $0xFFFFE000  }
0xe3: {  	_ =	swait.ge [sflag:s26], $0x80  }
0xe4: {  	s15 =	rddreg [dreg:$0x9]  }
0xe5: {  	[sflag:s26] =	ssyncset.done $0x0;
	s23 =	rddreg [dreg:$0x5]  }
0xe6: {  	s20 =	rddreg [dreg:$0xa];
	[sflag:s26] =	ssyncadd.s32 $0xFFFFFF80;
	p0 =	sge.u32 s24, s23  }
0xe7: {  	[spmem:s2] =	stream.indirect.scatter.add.f32 [tilespmem:s20], [sflag:$0x10], $0x80, s15, s30, $0xb8;
	[tilespmem:$0x1C400] =	vst v63  }
0xe8: {  	s0 =	sadd.s32 @!p0 s21, s16  }
0xe9: {  	s0 =	sadd.s32 @!p0 $0x380, s0  }
0xea: {  	s14 =	sand.u32 @!p0 $0xFFFFFC00, s0  }
0xeb: {  	s0 =	sand.u32 @!p0 $0x380, s0;
	s14 =	sadd.s32 @!p0 s17, s14  }
0xec: {  	s0 =	sor.u32 @!p0 s0, s14  }
0xed: {  	s0 =	sshrl.u32 @!p0 s0, $0x3  }
0xee: {  	s15 =	simm.s32 @!p0 $0x8380;
	s14 =	simm.s32 @!p0 $0x0;
	s0 =	sadd.s32 @!p0 s1, s0  }
0xef: {  	[tilespmem:s15], [sflag:$0xC] =	stream.linear.gather @!p0 [hbm4b:s0+s14], $0x80, $0x38;
	[tilespmem:$0x1C400] =	vst v63  }
0xf0: {  	s0 =	simm.s32 @!p1 $0xE  }
0xf1: {  	_ =	swait.ge @!p1 [sflag:s0], $0x2000  }
0xf2: {  	[sflag:s0] =	ssyncset.done @!p1 $0x0  }
0xf3: {  	[sflag:s0] =	ssyncadd.s32 @!p1 $0xFFFFE000;
	s0 =	simm.s32 @!p1 $0xA  }
0xf4: {  	_ =	swait.ge @!p1 [sflag:s0], $0x80  }
0xf5: {  	[sflag:s0] =	ssyncset.done @!p1 $0x0  }
0xf6: {  	s14 =	simm.s32 @!p1 $0x2000;
	[sflag:s0] =	ssyncadd.s32 @!p1 $0xFFFFFF80;
	s0 =	simm.s32 @!p1 $0x40  }
0xf7: {  	[tilespmem:s14], [sflag:$0x2] =	stream.indirect.gather @!p1 [hbm4b:s18+s0], $0x80, s22, s0, $0xb8;
	[tilespmem:$0x1C400] =	vst v63  }
0xf8: {  	s0 =	sadd.s32 @!p1 $0x280, s21  }
0xf9: {  	s31 =	rddreg [dreg:$0x6];
	s21 =	sadd.s32 $0x200, s21;
	s14 =	sadd.s32 @!p1 s16, s0  }
0xfa: {  	p0 =	sne.s32 s31, s21;
	s14 =	sand.u32 @!p1 $0x7FFFFC00, s14  }
.Ltmp1:
0xfb: {  	s0 =	sand.u32 @!p1 $0x280, s0;
	s14 =	sadd.s32 @!p1 s17, s14;
	(pc) =	sbr.rel @p0 .LBB2_4-.Ltmp1, $4  }
0xfc: {  	s0 =	sor.u32 @!p1 s0, s14  }
0xfd: {  	s24 =	smov.u32 s29;
	s0 =	sshrl.u32 @!p1 s0, $0x3  }
0xfe: {  	s22 =	simm.s32 $0x8000;
	s14 =	simm.s32 @!p1 $0x8080;
	s0 =	sadd.s32 @!p1 s19, s0  }
0xff: {  	[tilespmem:s14], [sflag:$0x6] =	stream.linear.gather @!p1 [hbm4b:s0+s28], $0x80, $0x38;
	[tilespmem:$0x1C400] =	vst v63  }
0x100: {  	s0 =	simm.s32 $0xD  }
0x101: {  	_ =	swait.ge [sflag:s0], $0x2000  }
0x102: {  	[sflag:s0] =	ssyncset.done $0x0  }
0x103: {  	s20 =	simm.s32 $0xE;
	[sflag:s0] =	ssyncadd.s32 $0xFFFFE000  }
0x104: {  	_ =	swait.ge [sflag:s20], $0x2000  }
0x105: {  	[sflag:s20] =	ssyncset.done $0x0  }
0x106: {  	s21 =	simm.s32 $0xF;
	[sflag:s20] =	ssyncadd.s32 $0xFFFFE000  }
0x107: {  	_ =	swait.ge [sflag:s21], $0x2000  }
0x108: {  	[sflag:s21] =	ssyncset.done $0x0  }
0x109: {  	s23 =	simm.s32 $0x10;
	[sflag:s21] =	ssyncadd.s32 $0xFFFFE000  }
0x10a: {  	_ =	swait.ge [sflag:s23], $0x2000  }
0x10b: {  	[sflag:s23] =	ssyncset.done $0x0  }
0x10c: {  	[sflag:s23] =	ssyncadd.s32 $0xFFFFE000  }
0x10d: {  	[bflag:$0x0] =	sbarrier.arrive $0xFFFF  }
0x10e: {  	s20 =	rddreg [dreg:$0x15]  }
0x10f: {  	[tilespmem:s3], [sflag:$0x11] =	stream.linear.gather [spmem:s20], $0x2000, $0x38;
	[tilespmem:$0x1C400] =	vst v63  }
0x110: {  	_ =	swait.ge [sflag:s25], $0x2000  }
0x111: {  	[sflag:s25] =	ssyncset.done $0x0  }
0x112: {  	s24 =	rddreg [dreg:$0xb];
	[sflag:s25] =	ssyncadd.s32 $0xFFFFE000  }
0x113: {  	[hbm4b:s24+s3] =	stream.linear.scatter [tilespmem:s3], [sflag:$0x11], $0x2000, $0x38;
	[tilespmem:$0x1C400] =	vst v63  }
0x114: {  	_ =	swait.ge [sflag:s25], $0x2000  }
0x115: {  	[sflag:s25] =	ssyncset.done $0x0  }
0x116: {  	s28 =	rddreg [dreg:$0x1b];
	[sflag:s25] =	ssyncadd.s32 $0xFFFFE000  }
0x117: {  	[tilespmem:s3], [sflag:$0x11] =	stream.linear.gather [spmem:s28], $0x2000, $0x38;
	[tilespmem:$0x1C400] =	vst v63  }
0x118: {  	_ =	swait.ge [sflag:s25], $0x2000  }
0x119: {  	[sflag:s25] =	ssyncset.done $0x0  }
0x11a: {  	s29 =	rddreg [dreg:$0xc];
	[sflag:s25] =	ssyncadd.s32 $0xFFFFE000  }
0x11b: {  	[hbm4b:s29+s3] =	stream.linear.scatter [tilespmem:s3], [sflag:$0x11], $0x2000, $0x38;
	[tilespmem:$0x1C400] =	vst v63  }
0x11c: {  	_ =	swait.ge [sflag:s25], $0x2000  }
0x11d: {  	[sflag:s25] =	ssyncset.done $0x0  }
0x11e: {  	s31 =	rddreg [dreg:$0x1c];
	[sflag:s25] =	ssyncadd.s32 $0xFFFFE000  }
0x11f: {  	[tilespmem:s3], [sflag:$0x11] =	stream.linear.gather [spmem:s31], $0x2000, $0x38;
	[tilespmem:$0x1C400] =	vst v63  }
0x120: {  	_ =	swait.ge [sflag:s25], $0x2000  }
0x121: {  	[sflag:s25] =	ssyncset.done $0x0  }
0x122: {  	s14 =	rddreg [dreg:$0xd];
	[sflag:s25] =	ssyncadd.s32 $0xFFFFE000  }
0x123: {  	[hbm4b:s14+s3] =	stream.linear.scatter [tilespmem:s3], [sflag:$0x11], $0x2000, $0x38;
	[tilespmem:$0x1C400] =	vst v63  }
0x124: {  	_ =	swait.ge [sflag:s25], $0x2000  }
0x125: {  	[sflag:s25] =	ssyncset.done $0x0  }
0x126: {  	s15 =	rddreg [dreg:$0x1d];
	[sflag:s25] =	ssyncadd.s32 $0xFFFFE000  }
0x127: {  	[tilespmem:s3], [sflag:$0x11] =	stream.linear.gather [spmem:s15], $0x2000, $0x38;
	[tilespmem:$0x1C400] =	vst v63  }
0x128: {  	_ =	swait.ge [sflag:s25], $0x2000  }
0x129: {  	[sflag:s25] =	ssyncset.done $0x0  }
0x12a: {  	s21 =	rddreg [dreg:$0xe];
	[sflag:s25] =	ssyncadd.s32 $0xFFFFE000  }
0x12b: {  	[hbm4b:s21+s3] =	stream.linear.scatter [tilespmem:s3], [sflag:$0x11], $0x2000, $0x38;
	[tilespmem:$0x1C400] =	vst v63  }
0x12c: {  	_ =	swait.ge [sflag:s25], $0x2000  }
0x12d: {  	[sflag:s25] =	ssyncset.done $0x0  }
0x12e: {  	s23 =	rddreg [dreg:$0x1e];
	[sflag:s25] =	ssyncadd.s32 $0xFFFFE000  }
0x12f: {  	[tilespmem:s3], [sflag:$0x11] =	stream.linear.gather [spmem:s23], $0x2000, $0x38;
	[tilespmem:$0x1C400] =	vst v63  }
0x130: {  	_ =	swait.ge [sflag:s25], $0x2000  }
0x131: {  	[sflag:s25] =	ssyncset.done $0x0  }
0x132: {  	s24 =	rddreg [dreg:$0xf];
	[sflag:s25] =	ssyncadd.s32 $0xFFFFE000  }
0x133: {  	[hbm4b:s24+s3] =	stream.linear.scatter [tilespmem:s3], [sflag:$0x11], $0x2000, $0x38;
	[tilespmem:$0x1C400] =	vst v63  }
0x134: {  	_ =	swait.ge [sflag:s25], $0x2000  }
0x135: {  	[sflag:s25] =	ssyncset.done $0x0  }
0x136: {  	s28 =	rddreg [dreg:$0x1f];
	[sflag:s25] =	ssyncadd.s32 $0xFFFFE000  }
0x137: {  	[tilespmem:s3], [sflag:$0x11] =	stream.linear.gather [spmem:s28], $0x2000, $0x38;
	[tilespmem:$0x1C400] =	vst v63  }
0x138: {  	_ =	swait.ge [sflag:s25], $0x2000  }
0x139: {  	[sflag:s25] =	ssyncset.done $0x0  }
0x13a: {  	s29 =	rddreg [dreg:$0x10];
	[sflag:s25] =	ssyncadd.s32 $0xFFFFE000  }
0x13b: {  	[hbm4b:s29+s3] =	stream.linear.scatter [tilespmem:s3], [sflag:$0x11], $0x2000, $0x38;
	[tilespmem:$0x1C400] =	vst v63  }
0x13c: {  	_ =	swait.ge [sflag:s25], $0x2000  }
0x13d: {  	s31 =	sld [smem:$0x7EF]  }
0x13e: {  	[sflag:s25] =	ssyncset.done $0x0  }
0x13f: {  	[sflag:s25] =	ssyncadd.s32 $0xFFFFE000  }
0x140: {  	[tilespmem:s3], [sflag:$0x11] =	stream.linear.gather [spmem:s31], $0x2000, $0x38;
	[tilespmem:$0x1C400] =	vst v63  }
0x141: {  	_ =	swait.ge [sflag:s25], $0x2000  }
0x142: {  	[sflag:s25] =	ssyncset.done $0x0  }
0x143: {  	s14 =	rddreg [dreg:$0x11];
	[sflag:s25] =	ssyncadd.s32 $0xFFFFE000  }
0x144: {  	[hbm4b:s14+s3] =	stream.linear.scatter [tilespmem:s3], [sflag:$0x11], $0x2000, $0x38;
	[tilespmem:$0x1C400] =	vst v63  }
0x145: {  	_ =	swait.ge [sflag:s25], $0x2000  }
0x146: {  	s15 =	sld [smem:$0x7F0]  }
0x147: {  	[sflag:s25] =	ssyncset.done $0x0  }
0x148: {  	[sflag:s25] =	ssyncadd.s32 $0xFFFFE000  }
0x149: {  	[tilespmem:s3], [sflag:$0x11] =	stream.linear.gather [spmem:s15], $0x2000, $0x38;
	[tilespmem:$0x1C400] =	vst v63  }
0x14a: {  	_ =	swait.ge [sflag:s25], $0x2000  }
0x14b: {  	[sflag:s25] =	ssyncset.done $0x0  }
0x14c: {  	s21 =	rddreg [dreg:$0x12];
	[sflag:s25] =	ssyncadd.s32 $0xFFFFE000  }
0x14d: {  	[hbm4b:s21+s3] =	stream.linear.scatter [tilespmem:s3], [sflag:$0x11], $0x2000, $0x38;
	[tilespmem:$0x1C400] =	vst v63  }
0x14e: {  	_ =	swait.ge [sflag:s25], $0x2000  }
0x14f: {  	s23 =	sld [smem:$0x7F1]  }
0x150: {  	[sflag:s25] =	ssyncset.done $0x0  }
0x151: {  	[sflag:s25] =	ssyncadd.s32 $0xFFFFE000  }
0x152: {  	[tilespmem:s3], [sflag:$0x11] =	stream.linear.gather [spmem:s23], $0x2000, $0x38;
	[tilespmem:$0x1C400] =	vst v63  }
0x153: {  	_ =	swait.ge [sflag:s25], $0x2000  }
0x154: {  	[sflag:s25] =	ssyncset.done $0x0  }
0x155: {  	s24 =	rddreg [dreg:$0x13];
	[sflag:s25] =	ssyncadd.s32 $0xFFFFE000  }
0x156: {  	[hbm4b:s24+s3] =	stream.linear.scatter [tilespmem:s3], [sflag:$0x11], $0x2000, $0x38;
	[tilespmem:$0x1C400] =	vst v63  }
0x157: {  	_ =	swait.ge [sflag:s25], $0x2000  }
0x158: {  	s28 =	sld [smem:$0x7F2]  }
0x159: {  	[sflag:s25] =	ssyncset.done $0x0  }
0x15a: {  	[sflag:s25] =	ssyncadd.s32 $0xFFFFE000  }
0x15b: {  	[tilespmem:s3], [sflag:$0x11] =	stream.linear.gather [spmem:s28], $0x2000, $0x38;
	[tilespmem:$0x1C400] =	vst v63  }
0x15c: {  	_ =	swait.ge [sflag:s25], $0x2000  }
0x15d: {  	[sflag:s25] =	ssyncset.done $0x0  }
0x15e: {  	s29 =	rddreg [dreg:$0x14];
	[sflag:s25] =	ssyncadd.s32 $0xFFFFE000  }
0x15f: {  	[hbm4b:s29+s3] =	stream.linear.scatter [tilespmem:s3], [sflag:$0x11], $0x2000, $0x38;
	[tilespmem:$0x1C400] =	vst v63  }
0x160: {  	_ =	swait.ge [sflag:s25], $0x2000  }
0x161: {  	s14 =	sld [smem:$0x7EE];
	_ =	sdelay $0x2  }
0x162: {  	s31 =	rddreg [dreg:$0x1a];
	s14 =	sadd.s32 $0x1, s14  }
0x163: {  	p0 =	sne.s32 s14, s31  }
.Ltmp2:
0x164: {  	_ = 	snop;
	(pc) =	sbr.rel @p0 .LBB2_1-.Ltmp2, $3  }
0x165: {  	_ =	sdelay $0x1  }
0x166: {  	[sflag:s25] =	ssyncset.done $0x0  }
0x167: {  	[sflag:s25] =	ssyncadd.s32 $0xFFFFE000  }
0x168: {  	_ =	sfence.sel $0x180000  }
0x169: {  	[bflag:$0x0] =	sbarrier.arrive $0xFFFF  }
0x16a: {  	_ =	strace $0x9000004D  }
0x16b: {  	s0 =	stileid.u32;
	[bflag:$0x2] =	sbarrier.arrive $0xFFFF  }
0x16c: {  	p0 =	sne.s32 s0, $0x0;
	s0 =	rddreg [dreg:$0x3]  }
0x16d: {  	s0 =	sadd.s32 @!p0 $0x100000, s0  }
0x16e: {  	[sflag:s0] =	ssyncadd.tile.s32 @!p0 $0x1;
	_ =	shalt  }
.Lfunc_end2:
_tile_overlayer_lowered:
.L_overlay_start_2:
0x16f: {  	(tag) =	ssettag $0x2  }
0x170: {  	s0 =	rddreg [dreg:$0x0];
	s2 =	stileid.u32  }
0x171: {  	s1 =	rddreg [dreg:$0x1];
	p0 =	sne.s32 s2, $0x0  }
0x172: {  	s3 =	rddreg [dreg:$0x2];
	[bflag:$0x3] =	sbarrier.arrive $0xFFFF;
	s2 =	simm.s32 @!p0 $0x1C11  }
0x173: {  	[timem:s3], [sflag:s2] =	dma.local @!p0 [hbm:s0], s1  }
0x174: {  	s0 =	simm.s32 @!p0 $0x11  }
0x175: {  	_ =	swait.ge @!p0 [sflag:s0], s1  }
0x176: {  	s1 =	ssub.s32 @!p0 $0x0, s1;
	[sflag:s0] =	ssyncset.done @!p0 $0x0  }
0x177: {  	[sflag:s0] =	ssyncadd.s32 @!p0 s1  }
0x178: {  	[bflag:$0x3] =	sbarrier.arrive $0xFFFF  }
0x179: {  	_ =	shalt  }

// kernel: kernel.8.cloned.1.call-start
scs
__scs_entry_jumppad:
0x0: {  	(pc) =	sbr.rel $0x88, $3  }
0x1: {  	(tag) =	ssettag $0x0;
	lr =	simm.s32 $0x1  }
0x2: {  	[smem:$0x3F9B] =	sst lr;
	_ =	strace $0xD0000000  }
0x3: {  	_ = 	snop  }
0x4: {  	_ = 	snop  }
0x5: {  	_ = 	snop  }
0x6: {  	_ = 	snop  }
0x7: {  	_ = 	snop  }
__scs_overlays_trampoline_lowered:
0x8: {  	[smem:$0x3FAA] =	sst s0  }
0x9: {  	[smem:$0x3FAB] =	sst s1  }
0xa: {  	[smem:$0x3FAC] =	sst s2  }
0xb: {  	[smem:$0x3FAD] =	sst s3  }
0xc: {  	[smem:$0x3FAE] =	sst s4  }
0xd: {  	[smem:$0x3FAF] =	sst s5  }
0xe: {  	[smem:$0x3FB0] =	sst s6  }
0xf: {  	[smem:$0x3FB1] =	sst s7  }
0x10: {  	[smem:$0x3FB2] =	sst s8  }
0x11: {  	[smem:$0x3FB3] =	sst s9;
	s0 =	simm.s32 @!p0 $0x0  }
0x12: {  	s1 =	sld [smem:$0x3F99];
	s0 =	simm.s32 @p0 $0x1  }
0x13: {  	[smem:$0x3FB4] =	sst s0;
	s0 =	simm.s32 @!p1 $0x0  }
0x14: {  	s2 =	sld [smem:$0x3F98];
	s0 =	simm.s32 @p1 $0x1  }
0x15: {  	[smem:$0x3FB5] =	sst s0;
	s0 =	simm.s32 @!p2 $0x0  }
0x16: {  	s3 =	sld [smem:$0x3FDB];
	s0 =	simm.s32 @p2 $0x1  }
0x17: {  	s4 =	simm.s32 $0x1BF5;
	[smem:$0x3FB7] =	sst s0  }
0x18: {  	s0 =	sld [smem:$0x3F9A];
	_ =	swait.ge [sflag:s4], $0x0  }
0x19: {  	s7 =	sld [smem:$0x3F9B]  }
0x1a: {  	s8 =	sadd.s32 $0xFFFFE003, lr  }
0x1b: {  	s9 =	sadd.s32 $0xFFFFFEF7, lr;
	s5 =	simm.s32 $0xFFFFFFFF;
	p2 =	slt.u32 s8, $0xFFFFF086  }
0x1c: {  	p1 =	slt.u32 s9, $0xF7A;
	s5 =	simm.s32 @!p2 $0x0  }
0x1d: {  	s5 =	simm.s32 @p1 $0x1;
	p0 =	seq.s32 s7, s2  }
0x1e: {  	s7 =	smul.u32 @!p0 $0xF7A, s2;
	p2 =	seq.s32 @!p0 s5, $0x0  }
0x1f: {  	s9 =	smul.u32 $0xF7A, s1;
	s8 =	simm.s32 @!p0 $0x1BF5;
	p2 =	por !p2, p0  }
0x20: {  	[sflag:s8] =	ssyncset.s32 @!p0 $0xFFFFF086;
	s6 =	sadd.s32 @!p0 s3, s7;
	s7 =	simm.s32 @!p0 $0x108  }
0x21: {  	s3 =	sadd.s32 s3, s9;
	s6 =	sadd.s32 @!p0 $0x88, s6;
	s7 =	simm.s32 @p2 $0x1082  }
0x22: {  	[simem:s7], [sflag:s8] =	dma.local @!p0 [hbm:s6], $0xF7A  }
0x23: {  	s9 =	sor.u32 $0xD0000000, s2;
	s6 =	simm.s32 $0x108;
	_ =	swait.ge @!p0 [sflag:s8], $0x0  }
0x24: {  	s3 =	sadd.s32 $0x88, s3;
	s6 =	simm.s32 @!p1 $0x1082;
	[sflag:s4] =	ssyncset.s32 $0xFFFFF086  }
0x25: {  	[simem:s6], [sflag:s4] =	dma.local [hbm:s3], $0xF7A  }
0x26: {  	[smem:$0x3F9B] =	sst s1;
	(tag) =	ssettag s2;
	_ =	strace s9  }
0x27: {  	s1 =	sld [smem:$0x3FAB]  }
0x28: {  	s2 =	sld [smem:$0x3FAC]  }
0x29: {  	s4 =	sld [smem:$0x3FAE]  }
0x2a: {  	p0 =	seq.s32 s5, $0x0;
	s5 =	sld [smem:$0x3FAF]  }
0x2b: {  	s6 =	sld [smem:$0x3FB0]  }
0x2c: {  	s7 =	sld [smem:$0x3FB1]  }
0x2d: {  	s3 =	simm.s32 $0x108;
	s8 =	sld [smem:$0x3FB2]  }
0x2e: {  	s3 =	simm.s32 @!p0 $0x1082;
	s9 =	sld [smem:$0x3FB3]  }
0x2f: {  	lr =	sadd.s32 s0, s3;
	s0 =	sld [smem:$0x3FAA]  }
0x30: {  	s3 =	sld [smem:$0x3FAD]  }
0x31: {  	[smem:$0x3FB6] =	sst s10  }
0x32: {  	s10 =	sld [smem:$0x3FB4];
	_ =	sdelay $0x3  }
0x33: {  	p0 =	seq.s32 s10, $0x1;
	s10 =	sld [smem:$0x3FB6];
	_ =	sdelay $0x3  }
0x34: {  	[smem:$0x3FB6] =	sst s10  }
0x35: {  	s10 =	sld [smem:$0x3FB5];
	_ =	sdelay $0x3  }
0x36: {  	p1 =	seq.s32 s10, $0x1;
	s10 =	sld [smem:$0x3FB6];
	_ =	sdelay $0x3  }
0x37: {  	[smem:$0x3FB6] =	sst s10  }
0x38: {  	s10 =	sld [smem:$0x3FB7]  }
0x39: {  	_ = 	snop;
	(pc) =	sbr.ind lr, $3  }
0x3a: {  	_ = 	snop  }
0x3b: {  	_ = 	snop  }
0x3c: {  	p2 =	seq.s32 s10, $0x1;
	s10 =	sld [smem:$0x3FB6]  }
0x3d: {  	_ =	shalt  }
0x3e: {  	_ =	shalt  }
0x3f: {  	_ =	shalt  }
0x40: {  	_ =	shalt  }
0x41: {  	_ =	shalt  }
0x42: {  	_ =	shalt  }
0x43: {  	_ =	shalt  }
0x44: {  	_ =	shalt  }
0x45: {  	_ =	shalt  }
0x46: {  	_ =	shalt  }
0x47: {  	_ =	shalt  }
0x48: {  	_ =	shalt  }
0x49: {  	_ =	shalt  }
0x4a: {  	_ =	shalt  }
0x4b: {  	_ =	shalt  }
0x4c: {  	_ =	shalt  }
0x4d: {  	_ =	shalt  }
0x4e: {  	_ =	shalt  }
0x4f: {  	_ =	shalt  }
0x50: {  	_ =	shalt  }
0x51: {  	_ =	shalt  }
0x52: {  	_ =	shalt  }
0x53: {  	_ =	shalt  }
0x54: {  	_ =	shalt  }
0x55: {  	_ =	shalt  }
0x56: {  	_ =	shalt  }
0x57: {  	_ =	shalt  }
0x58: {  	_ =	shalt  }
0x59: {  	_ =	shalt  }
0x5a: {  	_ =	shalt  }
0x5b: {  	_ =	shalt  }
0x5c: {  	_ =	shalt  }
0x5d: {  	_ =	shalt  }
0x5e: {  	_ =	shalt  }
0x5f: {  	_ =	shalt  }
0x60: {  	_ =	shalt  }
0x61: {  	_ =	shalt  }
0x62: {  	_ =	shalt  }
0x63: {  	_ =	shalt  }
0x64: {  	_ =	shalt  }
0x65: {  	_ =	shalt  }
0x66: {  	_ =	shalt  }
0x67: {  	_ =	shalt  }
0x68: {  	_ =	shalt  }
0x69: {  	_ =	shalt  }
0x6a: {  	_ =	shalt  }
0x6b: {  	_ =	shalt  }
0x6c: {  	_ =	shalt  }
0x6d: {  	_ =	shalt  }
0x6e: {  	_ =	shalt  }
0x6f: {  	_ =	shalt  }
0x70: {  	_ =	shalt  }
0x71: {  	_ =	shalt  }
0x72: {  	_ =	shalt  }
0x73: {  	_ =	shalt  }
0x74: {  	_ =	shalt  }
0x75: {  	_ =	shalt  }
0x76: {  	_ =	shalt  }
0x77: {  	_ =	shalt  }
0x78: {  	_ =	shalt  }
0x79: {  	_ =	shalt  }
0x7a: {  	_ =	shalt  }
0x7b: {  	_ =	shalt  }
0x7c: {  	_ =	shalt  }
0x7d: {  	_ =	shalt  }
0x7e: {  	_ =	shalt  }
0x7f: {  	_ =	shalt  }
0x80: {  	_ =	shalt  }
0x81: {  	_ =	shalt  }
0x82: {  	_ =	shalt  }
0x83: {  	_ =	shalt  }
0x84: {  	_ =	shalt  }
0x85: {  	_ =	shalt  }
0x86: {  	_ =	shalt  }
0x87: {  	_ =	shalt  }
.Lfunc_end0:
.L_simem_size_0:
called_computation_lowered:
.L_overlay_start_0:
0x88: {  	s2 =	sld [smem:$0x3FD9]  }
0x89: {  	s3 =	sld [smem:$0x3FFE];
	_ =	sdelay $0x1  }
0x8a: {  	s1 =	srdreg.scid  }
0x8b: {  	s0 =	sand.u32 $0x1, s1  }
0x8c: {  	s16 =	sshll.u32 s0, $0xA;
	s2 =	sadd.s32 s3, s2  }
0x8d: {  	s2 =	sadd.s32 s2, s16  }
0x8e: {  	[smem:$0x3FC2] =	sst s2  }
0x8f: {  	_ = 	snop  }
0x90: {  	(tm) =	ssettm $0x1  }
0x91: {  	s17 =	sld [smem:$0x3FFB];
	_ =	sdelay $0x3  }
0x92: {  	_ =	strace s17  }
0x93: {  	s2 =	sld [smem:$0x3FFC];
	_ =	sdelay $0x3  }
0x94: {  	_ =	strace s2  }
0x95: {  	s2 =	sld [smem:$0x3FFD];
	_ =	sdelay $0x3  }
0x96: {  	_ =	strace s2  }
0x97: {  	_ =	strace $0x8FFFFFFF  }
0x98: {  	s18 =	sld [smem:$0x3FDB];
	_ =	sdelay $0x1  }
0x99: {  	s19 =	simm.s32 $_scs_section_size  }
0x9a: {  	s4 =	simm.s32 $_size__tile_overlayer_lowered;
	s5 =	simm.s32 $_tile_overlayer_lowered  }
0x9b: {  	s22 =	simm.s32 $0x1BFF;
	s21 =	sshll.u32 s5, $0x1;
	s2 =	sadd.s32 s19, s18  }
0x9c: {  	s6 =	simm.s32 $0x0;
	s20 =	sshll.u32 s4, $0x1;
	s4 =	sadd.s32 s21, s2  }
0x9d: {  	[timem:s6], [sflag:s22] =	dma.local [hbm:s4], s20  }
0x9e: {  	_ =	swait.ge [sflag:s22], s20  }
0x9f: {  	s3 =	ssub.s32 $0x0, s20;
	[sflag:s22] =	ssyncset.done $0x0  }
0xa0: {  	[sflag:s22] =	ssyncadd.s32 s3;
	_ =	sdelay $0x1  }
0xa1: {  	s23 =	simm.s32 $0x1B8B  }
0xa2: {  	_ =	swait.ge [sflag:s23], $0x1  }
0xa3: {  	[sflag:s23] =	ssyncset.done $0x0  }
0xa4: {  	s25 =	simm.s32 $0x1B8E;
	s24 =	sld [smem:$0x3FFE];
	[sflag:s23] =	ssyncadd.s32 $0xFFFFFFFF  }
0xa5: {  	s26 =	simm.s32 $execute0_lowered;
	[smem:$0x3FD2] =	sst s25  }
0xa6: {  	s4 =	sshll.u32 s26, $0x1;
	_ =	strace $0x80000046;
	[dreg:$0x1] =	wrdreg $0xFFFFFFFF  }
0xa7: {  	s28 =	simm.s32 $_size_execute0_lowered;
	s2 =	sadd.s32 s2, s4;
	[dreg:$0x0] =	wrdreg $0x0  }
0xa8: {  	s4 =	sshll.u32 s28, $0x1;
	[dreg:$0x2] =	wrdreg s2  }
0xa9: {  	[dreg:$0x3] =	wrdreg s4  }
0xaa: {  	[dreg:$0x4] =	wrdreg $0xC0  }
0xab: {  	_ =	task [dreg:s6], $0x5FFFF  }
0xac: {  	[dreg:$0x1] =	wrdreg $0xFFFFFFFF  }
0xad: {  	[dreg:$0x0] =	wrdreg $0x60  }
0xae: {  	[dreg:$0x2] =	wrdreg s24  }
0xaf: {  	[dreg:$0x3] =	wrdreg $0xA8000  }
0xb0: {  	[dreg:$0x4] =	wrdreg $0x9  }
0xb1: {  	_ =	task.clear_ibuf [dreg:s6], $0x5FFFF;
	_ =	strace $0x90000046  }
0xb2: {  	s29 =	simm.s32 $0x9;
	_ =	strace $0x80000048  }
0xb3: {  	_ =	swait.ge [sflag:s29], $0x1  }
0xb4: {  	[sflag:s29] =	ssyncadd.s32 $0xFFFFFFFF  }
0xb5: {  	_ =	strace $0x90000048  }
0xb6: {  	_ =	sfence  }
0xb7: {  	s30 =	sld [smem:$0x0];
	_ =	sdelay $0x2  }
0xb8: {  	s31 =	sshll.u32 s1, $0xD;
	s1 =	sshrl.u32 s1, $0x2  }
0xb9: {  	s3 =	sand.u32 $0x4000, s31;
	s1 =	sadd.s32 s1, s30  }
0xba: {  	s0 =	sor.u32 s3, s0;
	s1 =	sshll.u32 s1, $0x11  }
0xbb: {  	s0 =	sor.u32 s1, s0  }
0xbc: {  	s0 =	sadd.s32 $0x8F2B, s0  }
0xbd: {  	[sflag:s0] =	ssyncadd.remote.s32 $0x1  }
0xbe: {  	_ =	sfence.sel $0xFFFF  }
0xbf: {  	[dreg:$0x0] =	wrdreg $0xFFFFFFFF;
	(pc) =	sbr.abs _section_cstart, $3  }
0xc0: {  	[dreg:$0x1] =	wrdreg $0xFFFFFFFF  }
0xc1: {  	_ =	task.clear_ibuf [dreg:s6], $0x2FFFF;
	_ =	strace $0x9FFFFFFF  }
0xc2: {  	(tm) =	ssettm $0x7FFFFFFF  }
0xc3: {  	_ =	shalt  }
tec
execute0_lowered:
.L_overlay_start_1:
0x0: {  	(tag) =	ssettag $0x1  }
0x1: {  	s0 =	srdreg.scid;
	s1 =	rddreg [dreg:$0x0]  }
0x2: {  	s2 =	rddreg [dreg:$0x1];
	s8 =	stileid.u32;
	s3 =	simm.s32 $0x0  }
0x3: {  	s20 =	simm.s32 $0x5;
	s21 =	simm.s32 $0x6800;
	s22 =	simm.s32 $0x80  }
0x4: {  	s23 =	simm.s32 $0x2800;
	s28 =	simm.s32 $0x2;
	s29 =	simm.s32 $0x3  }
0x5: {  	s30 =	simm.s32 $0x4;
	s31 =	simm.s32 $0x0;
	s6 =	smul.u32 $0x50000, s8  }
0x6: {  	s0 =	sand.u32 $0x1, s0;
	[smem:$0x7FF] =	sst s3;
	s16 =	smul.u32 $0x14000, s8  }
0x7: {  	s4 =	sshll.u32 s0, $0x4;
	_ =	strace $0x80000047;
	s5 =	ssub.s32 $0x2, s0  }
0x8: {  	s0 =	smul.u32 $0x140000, s0;
	s4 =	sor.u32 s8, s4;
	s7 =	sshrl.u32 s5, $0x1  }
0x9: {  	s25 =	sshrl.u32 s6, $0x2;
	s12 =	sadd.s32 $0x4000, s16;
	s14 =	sadd.s32 $0x8000, s16  }
0xa: {  	s17 =	sadd.s32 $0xC000, s16;
	s19 =	sadd.s32 $0x10000, s16;
	s4 =	smul.u32 $0x500, s4  }
0xb: {  	s7 =	ssub.s32 s5, s7;
	s5 =	sadd.s32 s25, s2;
	s11 =	sadd.s32 s0, s16  }
0xc: {  	s13 =	sadd.s32 s0, s12;
	s12 =	sadd.s32 s12, s2;
	s15 =	sadd.s32 s0, s14  }
0xd: {  	s14 =	sadd.s32 s14, s2;
	s18 =	sadd.s32 s0, s17;
	s16 =	sadd.s32 s17, s2  }
0xe: {  	s0 =	sadd.s32 s0, s19;
	s6 =	smax.u32 s7, $0x1;
	s7 =	sadd.s32 $0x4000, s5  }
0xf: {  	s8 =	sadd.s32 $0x8000, s5;
	s9 =	sadd.s32 $0xC000, s5;
	s10 =	sadd.s32 $0x10000, s5  }
0x10: {  	s11 =	sshrl.u32 s11, $0x3;
	s13 =	sshrl.u32 s13, $0x3;
	s15 =	sshrl.u32 s15, $0x3  }
0x11: {  	s26 =	sshrl.u32 s18, $0x3;
	s18 =	sadd.s32 s19, s2;
	s4 =	sadd.s32 s4, s1  }
0x12: {  	s0 =	sshrl.u32 s0, $0x3;
	s1 =	sadd.s32 $0xC400, s1;
	s4 =	sadd.s32 $0x2400, s4  }
0x13: {  	s11 =	sadd.s32 s1, s11;
	s13 =	sadd.s32 s1, s13;
	s15 =	sadd.s32 s1, s15  }
0x14: {  	v0 =	vimm.f32 $1.000000000e+00;
	v1 =	vimm.f32 $0.0e+00;
	s17 =	sadd.s32 s1, s26;
	s19 =	sadd.s32 s1, s0;
	s26 =	simm.s32 $0x1  }
.LBB2_1:
0x15: {  	[tilespmem:s3], [sflag:$0x5] =	stream.linear.gather [hbm4b:s4+s3], $0x2800, $0x38;
	[tilespmem:$0x1E800] =	vst v63  }
0x16: {  	_ =	swait.ge [sflag:s20], $0x2800  }
0x17: {  	[sflag:s20] =	ssyncset.done $0x0  }
0x18: {  	s0 =	simm.s32 $0x0;
	s1 =	simm.s32 $0x0;
	[sflag:s20] =	ssyncadd.s32 $0xFFFFD800  }
.LBB2_2:
0x19: {  	p0 =	sne.s32 s1, $0xFFC0  }
.Ltmp0:
0x1a: {  	_ = 	snop;
	(pc) =	sbr.rel @p0 .LBB2_2-.Ltmp0, $4  }
0x1b: {  	s24 =	sand.u32 $0xFE00, s1  }
0x1c: {  	s25 =	sand.u32 $0x70, s0;
	s24 =	sshrl.u32 s24, $0x2  }
0x1d: {  	s24 =	sor.u32 s25, s24  }
0x1e: {  	s0 =	sadd.s32 $0x10, s0;
	s1 =	sadd.s32 $0x40, s1;
	[tilespmem:s24+$0x2800] =	vst v0  }
0x1f: {  	s0 =	simm.s32 $0x0  }
0x20: {  	s1 =	sand.u32 $0xFE00, s0  }
0x21: {  	s24 =	sand.u32 $0x70, s0;
	s25 =	sshrl.u32 s1, $0x2  }
0x22: {  	s1 =	simm.s32 $0x40;
	s24 =	sor.u32 s24, s25  }
.LBB2_4:
0x23: {  	p0 =	sne.s32 s1, $0xFFC0  }
0x24: {  	[tilespmem:s24+$0x6800] =	vst v1;
	s0 =	sadd.s32 $0x10, s0;
	s24 =	smov.u32 s1;
	s1 =	sadd.s32 $0x40, s1  }
.Ltmp1:
0x25: {  	(pc) =	sbr.rel @p0 .LBB2_4-.Ltmp1, $4  }
0x26: {  	_ = 	snop  }
0x27: {  	s24 =	sand.u32 $0xFE00, s24  }
0x28: {  	s25 =	sand.u32 $0x70, s0;
	s24 =	sshrl.u32 s24, $0x2  }
0x29: {  	s24 =	sor.u32 s25, s24  }
0x2a: {  	[tilespmem:s24+$0x6800] =	vst v1  }
0x2b: {  	[spmem:s5] =	stream.linear.scatter [tilespmem:s21], [sflag:$0x5], $0x4000, $0x38;
	[tilespmem:$0x1E800] =	vst v63  }
0x2c: {  	_ =	swait.ge [sflag:s20], $0x4000  }
0x2d: {  	[sflag:s20] =	ssyncset.done $0x0  }
0x2e: {  	[sflag:s20] =	ssyncadd.s32 $0xFFFFC000  }
0x2f: {  	[spmem:s7] =	stream.linear.scatter [tilespmem:s21], [sflag:$0x5], $0x4000, $0x38;
	[tilespmem:$0x1E800] =	vst v63  }
0x30: {  	_ =	swait.ge [sflag:s20], $0x4000  }
0x31: {  	[sflag:s20] =	ssyncset.done $0x0  }
0x32: {  	[sflag:s20] =	ssyncadd.s32 $0xFFFFC000  }
0x33: {  	[spmem:s8] =	stream.linear.scatter [tilespmem:s21], [sflag:$0x5], $0x4000, $0x38;
	[tilespmem:$0x1E800] =	vst v63  }
0x34: {  	_ =	swait.ge [sflag:s20], $0x4000  }
0x35: {  	[sflag:s20] =	ssyncset.done $0x0  }
0x36: {  	[sflag:s20] =	ssyncadd.s32 $0xFFFFC000  }
0x37: {  	[spmem:s9] =	stream.linear.scatter [tilespmem:s21], [sflag:$0x5], $0x4000, $0x38;
	[tilespmem:$0x1E800] =	vst v63  }
0x38: {  	_ =	swait.ge [sflag:s20], $0x4000  }
0x39: {  	[sflag:s20] =	ssyncset.done $0x0  }
0x3a: {  	[sflag:s20] =	ssyncadd.s32 $0xFFFFC000  }
0x3b: {  	[spmem:s10] =	stream.linear.scatter [tilespmem:s21], [sflag:$0x5], $0x4000, $0x38;
	[tilespmem:$0x1E800] =	vst v63  }
0x3c: {  	_ =	swait.ge [sflag:s20], $0x4000  }
0x3d: {  	[sflag:s20] =	ssyncset.done $0x0  }
0x3e: {  	[sflag:s20] =	ssyncadd.s32 $0xFFFFC000  }
0x3f: {  	[bflag:$0x0] =	sbarrier.arrive $0xFFFF  }
0x40: {  	[spmem:s2] =	stream.indirect.scatter.add.f32 [tilespmem:s23], [sflag:$0x1], $0x80, s3, s22, $0xb8;
	[tilespmem:$0x1E800] =	vst v63  }
0x41: {  	_ = 	snop  }
0x42: {  	[spmem:s2] =	stream.indirect.scatter.add.f32 [tilespmem:s23], [sflag:$0x2], $0x80, s22, s22, $0xb8;
	[tilespmem:$0x1E800] =	vst v63  }
0x43: {  	s0 =	simm.s32 $0x100  }
0x44: {  	[spmem:s2] =	stream.indirect.scatter.add.f32 [tilespmem:s23], [sflag:$0x3], $0x80, s0, s22, $0xb8;
	[tilespmem:$0x1E800] =	vst v63  }
0x45: {  	s25 =	simm.s32 $0x180  }
0x46: {  	[spmem:s2] =	stream.indirect.scatter.add.f32 [tilespmem:s23], [sflag:$0x4], $0x80, s25, s22, $0xb8;
	[tilespmem:$0x1E800] =	vst v63  }
0x47: {  	_ =	swait.ge [sflag:s26], $0x4000  }
0x48: {  	[sflag:s26] =	ssyncset.done $0x0  }
0x49: {  	s1 =	simm.s32 $0x200;
	[sflag:s26] =	ssyncadd.s32 $0xFFFFC000  }
0x4a: {  	[spmem:s2] =	stream.indirect.scatter.add.f32 [tilespmem:s23], [sflag:$0x1], $0x80, s1, s22, $0xb8;
	[tilespmem:$0x1E800] =	vst v63  }
0x4b: {  	_ =	swait.ge [sflag:s28], $0x4000  }
0x4c: {  	[sflag:s28] =	ssyncset.done $0x0  }
0x4d: {  	s24 =	simm.s32 $0x280;
	[sflag:s28] =	ssyncadd.s32 $0xFFFFC000  }
0x4e: {  	[spmem:s2] =	stream.indirect.scatter.add.f32 [tilespmem:s23], [sflag:$0x2], $0x80, s24, s22, $0xb8;
	[tilespmem:$0x1E800] =	vst v63  }
0x4f: {  	_ =	swait.ge [sflag:s29], $0x4000  }
0x50: {  	[sflag:s29] =	ssyncset.done $0x0  }
0x51: {  	s25 =	simm.s32 $0x300;
	[sflag:s29] =	ssyncadd.s32 $0xFFFFC000  }
0x52: {  	[spmem:s2] =	stream.indirect.scatter.add.f32 [tilespmem:s23], [sflag:$0x3], $0x80, s25, s22, $0xb8;
	[tilespmem:$0x1E800] =	vst v63  }
0x53: {  	_ =	swait.ge [sflag:s30], $0x4000  }
0x54: {  	[sflag:s30] =	ssyncset.done $0x0  }
0x55: {  	s0 =	simm.s32 $0xFFFF7000;
	s1 =	simm.s32 $0x380;
	[sflag:s30] =	ssyncadd.s32 $0xFFFFC000  }
.LBB2_6:
0x56: {  	[spmem:s2] =	stream.indirect.scatter.add.f32 [tilespmem:s23], [sflag:$0x4], $0x80, s1, s22, $0xb8;
	[tilespmem:$0x1E800] =	vst v63  }
0x57: {  	s1 =	smov.u32 s0  }
0x58: {  	p0 =	sne.s32 s0, $0xFFFFF800;
	s0 =	sadd.s32 $0x800, s0;
	_ =	swait.ge [sflag:s26], $0x4000  }
0x59: {  	s1 =	sshra.s32 s1, $0x2;
	[sflag:s26] =	ssyncset.done $0x0  }
0x5a: {  	s24 =	sadd.s32 $0x2800, s1;
	[sflag:s26] =	ssyncadd.s32 $0xFFFFC000  }
0x5b: {  	[spmem:s2] =	stream.indirect.scatter.add.f32 [tilespmem:s23], [sflag:$0x1], $0x80, s24, s22, $0xb8;
	[tilespmem:$0x1E800] =	vst v63  }
0x5c: {  	_ =	swait.ge [sflag:s28], $0x4000  }
0x5d: {  	[sflag:s28] =	ssyncset.done $0x0  }
0x5e: {  	s24 =	sadd.s32 $0x2880, s1;
	[sflag:s28] =	ssyncadd.s32 $0xFFFFC000  }
0x5f: {  	[spmem:s2] =	stream.indirect.scatter.add.f32 [tilespmem:s23], [sflag:$0x2], $0x80, s24, s22, $0xb8;
	[tilespmem:$0x1E800] =	vst v63  }
0x60: {  	_ =	swait.ge [sflag:s29], $0x4000  }
0x61: {  	[sflag:s29] =	ssyncset.done $0x0  }
.Ltmp2:
0x62: {  	s24 =	sadd.s32 $0x2900, s1;
	[sflag:s29] =	ssyncadd.s32 $0xFFFFC000;
	(pc) =	sbr.rel @p0 .LBB2_6-.Ltmp2, $4  }
0x63: {  	[spmem:s2] =	stream.indirect.scatter.add.f32 [tilespmem:s23], [sflag:$0x3], $0x80, s24, s22, $0xb8;
	[tilespmem:$0x1E800] =	vst v63  }
0x64: {  	_ =	swait.ge [sflag:s30], $0x4000  }
0x65: {  	[sflag:s30] =	ssyncset.done $0x0  }
0x66: {  	s1 =	sadd.s32 $0x2980, s1;
	[sflag:s30] =	ssyncadd.s32 $0xFFFFC000  }
0x67: {  	[spmem:s2] =	stream.indirect.scatter.add.f32 [tilespmem:s23], [sflag:$0x4], $0x80, s1, s22, $0xb8;
	[tilespmem:$0x1E800] =	vst v63  }
0x68: {  	_ =	swait.ge [sflag:s26], $0x4000  }
0x69: {  	[sflag:s26] =	ssyncset.done $0x0  }
0x6a: {  	[sflag:s26] =	ssyncadd.s32 $0xFFFFC000  }
0x6b: {  	_ =	swait.ge [sflag:s28], $0x4000  }
0x6c: {  	[sflag:s28] =	ssyncset.done $0x0  }
0x6d: {  	[sflag:s28] =	ssyncadd.s32 $0xFFFFC000  }
0x6e: {  	_ =	swait.ge [sflag:s29], $0x4000  }
0x6f: {  	[sflag:s29] =	ssyncset.done $0x0  }
0x70: {  	[sflag:s29] =	ssyncadd.s32 $0xFFFFC000  }
0x71: {  	_ =	swait.ge [sflag:s30], $0x4000  }
0x72: {  	[sflag:s30] =	ssyncset.done $0x0  }
0x73: {  	[sflag:s30] =	ssyncadd.s32 $0xFFFFC000  }
0x74: {  	[bflag:$0x0] =	sbarrier.arrive $0xFFFF  }
0x75: {  	[tilespmem:s21], [sflag:$0x5] =	stream.linear.gather [spmem:s5], $0x4000, $0x38;
	[tilespmem:$0x1E800] =	vst v63  }
0x76: {  	_ =	swait.ge [sflag:s20], $0x4000  }
0x77: {  	[sflag:s20] =	ssyncset.done $0x0  }
0x78: {  	[sflag:s20] =	ssyncadd.s32 $0xFFFFC000  }
0x79: {  	[hbm4b:s11+s3] =	stream.linear.scatter [tilespmem:s21], [sflag:$0x5], $0x4000, $0x38;
	[tilespmem:$0x1E800] =	vst v63  }
0x7a: {  	_ =	swait.ge [sflag:s20], $0x4000  }
0x7b: {  	[sflag:s20] =	ssyncset.done $0x0  }
0x7c: {  	[sflag:s20] =	ssyncadd.s32 $0xFFFFC000  }
0x7d: {  	[tilespmem:s21], [sflag:$0x5] =	stream.linear.gather [spmem:s12], $0x4000, $0x38;
	[tilespmem:$0x1E800] =	vst v63  }
0x7e: {  	_ =	swait.ge [sflag:s20], $0x4000  }
0x7f: {  	[sflag:s20] =	ssyncset.done $0x0  }
0x80: {  	[sflag:s20] =	ssyncadd.s32 $0xFFFFC000  }
0x81: {  	[hbm4b:s13+s3] =	stream.linear.scatter [tilespmem:s21], [sflag:$0x5], $0x4000, $0x38;
	[tilespmem:$0x1E800] =	vst v63  }
0x82: {  	_ =	swait.ge [sflag:s20], $0x4000  }
0x83: {  	[sflag:s20] =	ssyncset.done $0x0  }
0x84: {  	[sflag:s20] =	ssyncadd.s32 $0xFFFFC000  }
0x85: {  	[tilespmem:s21], [sflag:$0x5] =	stream.linear.gather [spmem:s14], $0x4000, $0x38;
	[tilespmem:$0x1E800] =	vst v63  }
0x86: {  	_ =	swait.ge [sflag:s20], $0x4000  }
0x87: {  	[sflag:s20] =	ssyncset.done $0x0  }
0x88: {  	[sflag:s20] =	ssyncadd.s32 $0xFFFFC000  }
0x89: {  	[hbm4b:s15+s3] =	stream.linear.scatter [tilespmem:s21], [sflag:$0x5], $0x4000, $0x38;
	[tilespmem:$0x1E800] =	vst v63  }
0x8a: {  	_ =	swait.ge [sflag:s20], $0x4000  }
0x8b: {  	[sflag:s20] =	ssyncset.done $0x0  }
0x8c: {  	[sflag:s20] =	ssyncadd.s32 $0xFFFFC000  }
0x8d: {  	[tilespmem:s21], [sflag:$0x5] =	stream.linear.gather [spmem:s16], $0x4000, $0x38;
	[tilespmem:$0x1E800] =	vst v63  }
0x8e: {  	_ =	swait.ge [sflag:s20], $0x4000  }
0x8f: {  	[sflag:s20] =	ssyncset.done $0x0  }
0x90: {  	[sflag:s20] =	ssyncadd.s32 $0xFFFFC000  }
0x91: {  	[hbm4b:s17+s3] =	stream.linear.scatter [tilespmem:s21], [sflag:$0x5], $0x4000, $0x38;
	[tilespmem:$0x1E800] =	vst v63  }
0x92: {  	_ =	swait.ge [sflag:s20], $0x4000  }
0x93: {  	[sflag:s20] =	ssyncset.done $0x0  }
0x94: {  	[sflag:s20] =	ssyncadd.s32 $0xFFFFC000  }
0x95: {  	[tilespmem:s21], [sflag:$0x5] =	stream.linear.gather [spmem:s18], $0x4000, $0x38;
	[tilespmem:$0x1E800] =	vst v63  }
0x96: {  	s31 =	sadd.s32 $0x1, s31;
	_ =	swait.ge [sflag:s20], $0x4000  }
0x97: {  	p0 =	sne.s32 s31, s6;
	[sflag:s20] =	ssyncset.done $0x0  }
.Ltmp3:
0x98: {  	[sflag:s20] =	ssyncadd.s32 $0xFFFFC000;
	(pc) =	sbr.rel @p0 .LBB2_1-.Ltmp3, $4  }
0x99: {  	[hbm4b:s19+s3] =	stream.linear.scatter [tilespmem:s21], [sflag:$0x5], $0x4000, $0x38;
	[tilespmem:$0x1E800] =	vst v63  }
0x9a: {  	_ =	swait.ge [sflag:s20], $0x4000  }
0x9b: {  	[sflag:s20] =	ssyncset.done $0x0  }
0x9c: {  	[sflag:s20] =	ssyncadd.s32 $0xFFFFC000  }
0x9d: {  	_ =	sfence.sel $0x180000  }
0x9e: {  	[bflag:$0x0] =	sbarrier.arrive $0xFFFF  }
0x9f: {  	_ =	strace $0x90000047  }
0xa0: {  	s0 =	stileid.u32;
	[bflag:$0x2] =	sbarrier.arrive $0xFFFF  }
0xa1: {  	p0 =	sne.s32 s0, $0x0;
	s0 =	rddreg [dreg:$0x2]  }
0xa2: {  	s0 =	sadd.s32 @!p0 $0x100000, s0  }
0xa3: {  	[sflag:s0] =	ssyncadd.tile.s32 @!p0 $0x1;
	_ =	shalt  }
.Lfunc_end2:
_tile_overlayer_lowered:
.L_overlay_start_2:
0xa4: {  	(tag) =	ssettag $0x2  }
0xa5: {  	s0 =	rddreg [dreg:$0x0];
	s2 =	stileid.u32  }
0xa6: {  	s1 =	rddreg [dreg:$0x1];
	p0 =	sne.s32 s2, $0x0  }
0xa7: {  	s3 =	rddreg [dreg:$0x2];
	[bflag:$0x3] =	sbarrier.arrive $0xFFFF;
	s2 =	simm.s32 @!p0 $0x1C05  }
0xa8: {  	[timem:s3], [sflag:s2] =	dma.local @!p0 [hbm:s0], s1  }
0xa9: {  	s0 =	simm.s32 @!p0 $0x5  }
0xaa: {  	_ =	swait.ge @!p0 [sflag:s0], s1  }
0xab: {  	s1 =	ssub.s32 @!p0 $0x0, s1;
	[sflag:s0] =	ssyncset.done @!p0 $0x0  }
0xac: {  	[sflag:s0] =	ssyncadd.s32 @!p0 s1  }
0xad: {  	[bflag:$0x3] =	sbarrier.arrive $0xFFFF  }
0xae: {  	_ =	shalt  }

</sc_bundles>
